<compile_context>
chip_gen: v7x
topology: tpu7x:2x2x1
jax: 0.10.2.dev20260603
libtpu: 0.0.44.dev20260713+nightly
codegen_flags: <defaults>
</compile_context>

<pallas_src>
import functools

import jax
import jax.numpy as jnp
from jax import lax
from jax.experimental import pallas as pl
from jax.experimental.pallas import tpu as pltpu
from jax.experimental.pallas import tpu_sc as plsc

_B = 4096
_N_SO3 = 4608
_N_PSI = 24
_N_CONES = 192

_ROW_BLK = 1024
_CHUNK1 = 2048

_NC = 1
_NS = 16
_NW = _NC * _NS
_LANES = 16


def _tc_cone_body(grid_ref, pred_ref, out_ref):
    sim_t = lax.dot_general(
        grid_ref[...],
        pred_ref[...],
        dimension_numbers=(((1,), (1,)), ((), ())),
        preferred_element_type=jnp.float32,
    )
    cmax = jnp.max(sim_t.reshape(_N_CONES, _N_PSI, _ROW_BLK), axis=1)
    m = jnp.max(cmax, axis=0, keepdims=True)
    row = lax.broadcasted_iota(jnp.int32, (_N_CONES, _ROW_BLK), 0)
    out_ref[...] = jnp.min(jnp.where(cmax == m, row, _N_CONES), axis=0)


def _tc_cone_indices(pred9, grid9):
    n = pred9.shape[0]
    return pl.pallas_call(
        _tc_cone_body,
        grid=(n // _ROW_BLK,),
        in_specs=[
            pl.BlockSpec((_N_SO3, 9), lambda i: (0, 0)),
            pl.BlockSpec((_ROW_BLK, 9), lambda i: (i, 0)),
        ],
        out_specs=pl.BlockSpec((_ROW_BLK,), lambda i: (i,)),
        out_shape=jax.ShapeDtypeStruct((n,), jnp.int32),
    )(grid9, pred9)


_N_TABV = _N_CONES // _LANES


def _vgather(vec, lane):
    return vec.at[lane].get(mode="promise_in_bounds")


def _make_sc_body(per_w):
    def body(cone_hbm, scores_hbm, med_hbm, mad_hbm, out_hbm,
             idx_v, s_v, medt_v, madt_v, o_v, sem1, sem2, sem3, sem4):
        wid = lax.axis_index("s") * _NC + lax.axis_index("c")
        base = wid * per_w
        c_idx = pltpu.async_copy(cone_hbm.at[pl.ds(base, per_w)], idx_v, sem1)
        c_s = pltpu.async_copy(scores_hbm.at[pl.ds(base, per_w)], s_v, sem2)
        c_med = pltpu.async_copy(med_hbm, medt_v, sem3)
        c_mad = pltpu.async_copy(mad_hbm, madt_v, sem4)
        c_idx.wait()
        c_s.wait()
        c_med.wait()
        c_mad.wait()
        medt = [medt_v[pl.ds(t * _LANES, _LANES)] for t in range(_N_TABV)]
        madt = [madt_v[pl.ds(t * _LANES, _LANES)] for t in range(_N_TABV)]
        for i in range(per_w // _LANES):
            sl = pl.ds(i * _LANES, _LANES)
            idx = idx_v[sl]
            grp = lax.shift_right_logical(idx, 4)
            lane = lax.bitwise_and(idx, 15)
            med = _vgather(medt[0], lane)
            mad = _vgather(madt[0], lane)
            for t in range(1, _N_TABV):
                sel = grp == t
                med = jnp.where(sel, _vgather(medt[t], lane), med)
                mad = jnp.where(sel, _vgather(madt[t], lane), mad)
            o_v[sl] = (s_v[sl] - med) / mad
        pltpu.sync_copy(o_v, out_hbm.at[pl.ds(base, per_w)])
    return body


@functools.cache
def _sc_normalize(n):
    per_w = n // _NW
    mesh = plsc.VectorSubcoreMesh(
        core_axis_name="c", subcore_axis_name="s", num_cores=_NC)
    return pl.kernel(
        _make_sc_body(per_w),
        mesh=mesh,
        out_type=jax.ShapeDtypeStruct((n,), jnp.float32),
        scratch_types=[
            pltpu.VMEM((per_w,), jnp.int32),
            pltpu.VMEM((per_w,), jnp.float32),
            pltpu.VMEM((_N_CONES,), jnp.float32),
            pltpu.VMEM((_N_CONES,), jnp.float32),
            pltpu.VMEM((per_w,), jnp.float32),
            pltpu.SemaphoreType.DMA,
            pltpu.SemaphoreType.DMA,
            pltpu.SemaphoreType.DMA,
            pltpu.SemaphoreType.DMA,
        ],
    )


def kernel(pred_rotmats, scores, grid_rotmats, medians, mads):
    grid9 = grid_rotmats.reshape(_N_SO3, 9)
    pred9 = pred_rotmats.reshape(_B, 9)
    cone = _tc_cone_indices(pred9, grid9)
    return _sc_normalize(_B)(cone, scores, medians, mads)

# --- scband reference (transcript-rebuilt; emitter-appended) ---
"""Pipeline reference for scband-directional-percentile-normalizer-17712445129085 (READ-ONLY COPY).

The authoritative reference and input builder live on the scoring server;
editing this copy changes nothing except your own understanding.
"""

import jax, jax.numpy as jnp
import numpy as np

HP_ORDER = 2
NSIDE = 2 ** HP_ORDER
N_CONES = 12 * NSIDE * NSIDE  # 192, healpy nside2npix
N_PSI = 6 * NSIDE             # 24 in-plane rotations per cone
N_SO3 = N_CONES * N_PSI       # 4608 SO(3) grid points
B = 4096


def setup_inputs(seed: int = 0) -> dict:
    key = jax.random.key(seed)
    k1, k2, k3, k4, k5 = jax.random.split(key, 5)
    pred_rotmats = jax.random.normal(k1, (B, 3, 3), dtype=jnp.float32)
    scores = jax.random.normal(k2, (B,), dtype=jnp.float32)
    # learned/fitted buffers: SO(3) output grid rotmats + per-cone robust stats
    grid_rotmats = jax.random.normal(k3, (N_SO3, 3, 3), dtype=jnp.float32)
    medians = jax.random.normal(k4, (N_CONES,), dtype=jnp.float32)
    mads = jax.random.uniform(k5, (N_CONES,), dtype=jnp.float32, minval=0.5, maxval=1.5)
    return {
        "pred_rotmats": pred_rotmats,
        "scores": scores,
        "grid_rotmats": grid_rotmats,
        "medians": medians,
        "mads": mads,
    }


def reference(pred_rotmats, scores, grid_rotmats, medians, mads):
    # nearest_rotmat_idx: maximize trace(R_grid^T R_pred) over the SO(3) grid
    sim = jnp.einsum('bij,nij->bn', pred_rotmats, grid_rotmats)
    so3_indices = jnp.argmax(sim, axis=-1)
    # so3_to_cone_ids: consecutive in-plane rotations per cone
    cone_indices = so3_indices // N_PSI
    med = jnp.take(medians, cone_indices, axis=0)
    mad = jnp.take(mads, cone_indices, axis=0)
    # directional z-score normalization
    return (scores - med) / mad

if __name__ == "__main__":
    import jax
    _d = setup_inputs()
    print(jax.jit(kernel)(*tuple(_d.values())))

</pallas_src>

<mosaic_0001>
#map = affine_map<(d0, d1) -> (0)>
module attributes {stable_mosaic.version = 14 : i64} {
  func.func @body(%arg0: i32, %arg1: i32, %arg2: memref<4096xi32, #tpu.memory_space<hbm>>, %arg3: memref<4096xf32, #tpu.memory_space<hbm>>, %arg4: memref<192xf32, #tpu.memory_space<hbm>>, %arg5: memref<192xf32, #tpu.memory_space<hbm>>, %arg6: memref<4096xf32, #tpu.memory_space<hbm>>, %arg7: memref<256xi32, #tpu.memory_space<vmem>>, %arg8: memref<256xf32, #tpu.memory_space<vmem>>, %arg9: memref<192xf32, #tpu.memory_space<vmem>>, %arg10: memref<192xf32, #tpu.memory_space<vmem>>, %arg11: memref<256xf32, #tpu.memory_space<vmem>>, %arg12: memref<!tpu.dma_semaphore, #tpu.memory_space<semaphore_mem>>, %arg13: memref<!tpu.dma_semaphore, #tpu.memory_space<semaphore_mem>>, %arg14: memref<!tpu.dma_semaphore, #tpu.memory_space<semaphore_mem>>, %arg15: memref<!tpu.dma_semaphore, #tpu.memory_space<semaphore_mem>>) attributes {dimension_semantics = [#tpu.dimension_semantics<core_parallel>, #tpu.dimension_semantics<subcore_parallel>], iteration_bounds = array<i64: 1, 16>, scalar_prefetch = 0 : i64, scratch_operands = 9 : i64, tpu.core_type = #tpu.core_type<sc_vector_subcore>, window_params = [{transform_indices = #map}, {transform_indices = #map}, {transform_indices = #map}, {transform_indices = #map}, {transform_indices = #map}]} {
    %mul3A = arith.constant 1 : i32
    %mul3A_0 = arith.muli %arg1, %mul3A : i32
    %add3A = arith.addi %mul3A_0, %arg0 : i32
    %mul3A_1 = arith.constant 256 : i32
    %mul3A_2 = arith.muli %add3A, %mul3A_1 : i32
    %dma_start3A = tpu.memref_slice %arg2[%mul3A_2] : memref<4096xi32, #tpu.memory_space<hbm>> -> memref<256xi32, #tpu.memory_space<hbm>>
    %dma_start3A_3 = tpu.memref_slice %arg2[%mul3A_2] : memref<4096xi32, #tpu.memory_space<hbm>> -> memref<256xi32, #tpu.memory_space<hbm>>
    tpu.enqueue_dma source(%dma_start3A_3 : memref<256xi32, #tpu.memory_space<hbm>>) target(%arg7 : memref<256xi32, #tpu.memory_space<vmem>>) target_semaphore(%arg12 : memref<!tpu.dma_semaphore, #tpu.memory_space<semaphore_mem>>)
    %dma_start3A_4 = tpu.memref_slice %arg3[%mul3A_2] : memref<4096xf32, #tpu.memory_space<hbm>> -> memref<256xf32, #tpu.memory_space<hbm>>
    %dma_start3A_5 = tpu.memref_slice %arg3[%mul3A_2] : memref<4096xf32, #tpu.memory_space<hbm>> -> memref<256xf32, #tpu.memory_space<hbm>>
    tpu.enqueue_dma source(%dma_start3A_5 : memref<256xf32, #tpu.memory_space<hbm>>) target(%arg8 : memref<256xf32, #tpu.memory_space<vmem>>) target_semaphore(%arg13 : memref<!tpu.dma_semaphore, #tpu.memory_space<semaphore_mem>>)
    tpu.enqueue_dma source(%arg4 : memref<192xf32, #tpu.memory_space<hbm>>) target(%arg9 : memref<192xf32, #tpu.memory_space<vmem>>) target_semaphore(%arg14 : memref<!tpu.dma_semaphore, #tpu.memory_space<semaphore_mem>>)
    tpu.enqueue_dma source(%arg5 : memref<192xf32, #tpu.memory_space<hbm>>) target(%arg10 : memref<192xf32, #tpu.memory_space<vmem>>) target_semaphore(%arg15 : memref<!tpu.dma_semaphore, #tpu.memory_space<semaphore_mem>>)
    %dma_wait3A = tpu.memref_slice %arg2[%mul3A_2] : memref<4096xi32, #tpu.memory_space<hbm>> -> memref<256xi32, #tpu.memory_space<hbm>>
    %dma_wait3A_6 = tpu.memref_slice %arg2[%mul3A_2] : memref<4096xi32, #tpu.memory_space<hbm>> -> memref<256xi32, #tpu.memory_space<hbm>>
    tpu.wait_dma2 semaphore(%arg12 : memref<!tpu.dma_semaphore, #tpu.memory_space<semaphore_mem>>) src(%dma_wait3A_6 : memref<256xi32, #tpu.memory_space<hbm>>) dst(%arg7 : memref<256xi32, #tpu.memory_space<vmem>>)
    %dma_wait3A_7 = tpu.memref_slice %arg3[%mul3A_2] : memref<4096xf32, #tpu.memory_space<hbm>> -> memref<256xf32, #tpu.memory_space<hbm>>
    %dma_wait3A_8 = tpu.memref_slice %arg3[%mul3A_2] : memref<4096xf32, #tpu.memory_space<hbm>> -> memref<256xf32, #tpu.memory_space<hbm>>
    tpu.wait_dma2 semaphore(%arg13 : memref<!tpu.dma_semaphore, #tpu.memory_space<semaphore_mem>>) src(%dma_wait3A_8 : memref<256xf32, #tpu.memory_space<hbm>>) dst(%arg8 : memref<256xf32, #tpu.memory_space<vmem>>)
    tpu.wait_dma2 semaphore(%arg14 : memref<!tpu.dma_semaphore, #tpu.memory_space<semaphore_mem>>) src(%arg4 : memref<192xf32, #tpu.memory_space<hbm>>) dst(%arg9 : memref<192xf32, #tpu.memory_space<vmem>>)
    tpu.wait_dma2 semaphore(%arg15 : memref<!tpu.dma_semaphore, #tpu.memory_space<semaphore_mem>>) src(%arg5 : memref<192xf32, #tpu.memory_space<hbm>>) dst(%arg10 : memref<192xf32, #tpu.memory_space<vmem>>)
    %get3A = arith.constant 0 : index
    %get3A_9 = tpu.vector_load %arg9[%get3A] {strides = array<i32>} : memref<192xf32, #tpu.memory_space<vmem>>, vector<16xf32>,
    %get3A_10 = vector.shape_cast %get3A_9 : vector<16xf32> to vector<16xf32>
    %get3A_11 = arith.constant 16 : index
    %get3A_12 = tpu.vector_load %arg9[%get3A_11] {strides = array<i32>} : memref<192xf32, #tpu.memory_space<vmem>>, vector<16xf32>,
    %get3A_13 = vector.shape_cast %get3A_12 : vector<16xf32> to vector<16xf32>
    %get3A_14 = arith.constant 32 : index
    %get3A_15 = tpu.vector_load %arg9[%get3A_14] {strides = array<i32>} : memref<192xf32, #tpu.memory_space<vmem>>, vector<16xf32>,
    %get3A_16 = vector.shape_cast %get3A_15 : vector<16xf32> to vector<16xf32>
    %get3A_17 = arith.constant 48 : index
    %get3A_18 = tpu.vector_load %arg9[%get3A_17] {strides = array<i32>} : memref<192xf32, #tpu.memory_space<vmem>>, vector<16xf32>,
    %get3A_19 = vector.shape_cast %get3A_18 : vector<16xf32> to vector<16xf32>
    %get3A_20 = arith.constant 64 : index
    %get3A_21 = tpu.vector_load %arg9[%get3A_20] {strides = array<i32>} : memref<192xf32, #tpu.memory_space<vmem>>, vector<16xf32>,
    %get3A_22 = vector.shape_cast %get3A_21 : vector<16xf32> to vector<16xf32>
    %get3A_23 = arith.constant 80 : index
    %get3A_24 = tpu.vector_load %arg9[%get3A_23] {strides = array<i32>} : memref<192xf32, #tpu.memory_space<vmem>>, vector<16xf32>,
    %get3A_25 = vector.shape_cast %get3A_24 : vector<16xf32> to vector<16xf32>
    %get3A_26 = arith.constant 96 : index
    %get3A_27 = tpu.vector_load %arg9[%get3A_26] {strides = array<i32>} : memref<192xf32, #tpu.memory_space<vmem>>, vector<16xf32>,
    %get3A_28 = vector.shape_cast %get3A_27 : vector<16xf32> to vector<16xf32>
    %get3A_29 = arith.constant 112 : index
    %get3A_30 = tpu.vector_load %arg9[%get3A_29] {strides = array<i32>} : memref<192xf32, #tpu.memory_space<vmem>>, vector<16xf32>,
    %get3A_31 = vector.shape_cast %get3A_30 : vector<16xf32> to vector<16xf32>
    %get3A_32 = arith.constant 128 : index
    %get3A_33 = tpu.vector_load %arg9[%get3A_32] {strides = array<i32>} : memref<192xf32, #tpu.memory_space<vmem>>, vector<16xf32>,
    %get3A_34 = vector.shape_cast %get3A_33 : vector<16xf32> to vector<16xf32>
    %get3A_35 = arith.constant 144 : index
    %get3A_36 = tpu.vector_load %arg9[%get3A_35] {strides = array<i32>} : memref<192xf32, #tpu.memory_space<vmem>>, vector<16xf32>,
    %get3A_37 = vector.shape_cast %get3A_36 : vector<16xf32> to vector<16xf32>
    %get3A_38 = arith.constant 160 : index
    %get3A_39 = tpu.vector_load %arg9[%get3A_38] {strides = array<i32>} : memref<192xf32, #tpu.memory_space<vmem>>, vector<16xf32>,
    %get3A_40 = vector.shape_cast %get3A_39 : vector<16xf32> to vector<16xf32>
    %get3A_41 = arith.constant 176 : index
    %get3A_42 = tpu.vector_load %arg9[%get3A_41] {strides = array<i32>} : memref<192xf32, #tpu.memory_space<vmem>>, vector<16xf32>,
    %get3A_43 = vector.shape_cast %get3A_42 : vector<16xf32> to vector<16xf32>
    %get3A_44 = arith.constant 0 : index
    %get3A_45 = tpu.vector_load %arg10[%get3A_44] {strides = array<i32>} : memref<192xf32, #tpu.memory_space<vmem>>, vector<16xf32>,
    %get3A_46 = vector.shape_cast %get3A_45 : vector<16xf32> to vector<16xf32>
    %get3A_47 = arith.constant 16 : index
    %get3A_48 = tpu.vector_load %arg10[%get3A_47] {strides = array<i32>} : memref<192xf32, #tpu.memory_space<vmem>>, vector<16xf32>,
    %get3A_49 = vector.shape_cast %get3A_48 : vector<16xf32> to vector<16xf32>
    %get3A_50 = arith.constant 32 : index
    %get3A_51 = tpu.vector_load %arg10[%get3A_50] {strides = array<i32>} : memref<192xf32, #tpu.memory_space<vmem>>, vector<16xf32>,
    %get3A_52 = vector.shape_cast %get3A_51 : vector<16xf32> to vector<16xf32>
    %get3A_53 = arith.constant 48 : index
    %get3A_54 = tpu.vector_load %arg10[%get3A_53] {strides = array<i32>} : memref<192xf32, #tpu.memory_space<vmem>>, vector<16xf32>,
    %get3A_55 = vector.shape_cast %get3A_54 : vector<16xf32> to vector<16xf32>
    %get3A_56 = arith.constant 64 : index
    %get3A_57 = tpu.vector_load %arg10[%get3A_56] {strides = array<i32>} : memref<192xf32, #tpu.memory_space<vmem>>, vector<16xf32>,
    %get3A_58 = vector.shape_cast %get3A_57 : vector<16xf32> to vector<16xf32>
    %get3A_59 = arith.constant 80 : index
    %get3A_60 = tpu.vector_load %arg10[%get3A_59] {strides = array<i32>} : memref<192xf32, #tpu.memory_space<vmem>>, vector<16xf32>,
    %get3A_61 = vector.shape_cast %get3A_60 : vector<16xf32> to vector<16xf32>
    %get3A_62 = arith.constant 96 : index
    %get3A_63 = tpu.vector_load %arg10[%get3A_62] {strides = array<i32>} : memref<192xf32, #tpu.memory_space<vmem>>, vector<16xf32>,
    %get3A_64 = vector.shape_cast %get3A_63 : vector<16xf32> to vector<16xf32>
    %get3A_65 = arith.constant 112 : index
    %get3A_66 = tpu.vector_load %arg10[%get3A_65] {strides = array<i32>} : memref<192xf32, #tpu.memory_space<vmem>>, vector<16xf32>,
    %get3A_67 = vector.shape_cast %get3A_66 : vector<16xf32> to vector<16xf32>
    %get3A_68 = arith.constant 128 : index
    %get3A_69 = tpu.vector_load %arg10[%get3A_68] {strides = array<i32>} : memref<192xf32, #tpu.memory_space<vmem>>, vector<16xf32>,
    %get3A_70 = vector.shape_cast %get3A_69 : vector<16xf32> to vector<16xf32>
    %get3A_71 = arith.constant 144 : index
    %get3A_72 = tpu.vector_load %arg10[%get3A_71] {strides = array<i32>} : memref<192xf32, #tpu.memory_space<vmem>>, vector<16xf32>,
    %get3A_73 = vector.shape_cast %get3A_72 : vector<16xf32> to vector<16xf32>
    %get3A_74 = arith.constant 160 : index
    %get3A_75 = tpu.vector_load %arg10[%get3A_74] {strides = array<i32>} : memref<192xf32, #tpu.memory_space<vmem>>, vector<16xf32>,
    %get3A_76 = vector.shape_cast %get3A_75 : vector<16xf32> to vector<16xf32>
    %get3A_77 = arith.constant 176 : index
    %get3A_78 = tpu.vector_load %arg10[%get3A_77] {strides = array<i32>} : memref<192xf32, #tpu.memory_space<vmem>>, vector<16xf32>,
    %get3A_79 = vector.shape_cast %get3A_78 : vector<16xf32> to vector<16xf32>
    %get3A_80 = arith.constant 0 : index
    %get3A_81 = tpu.vector_load %arg7[%get3A_80] {strides = array<i32>} : memref<256xi32, #tpu.memory_space<vmem>>, vector<16xi32>,
    %get3A_82 = vector.shape_cast %get3A_81 : vector<16xi32> to vector<16xi32>
    %shift_right_logical3A = arith.constant 4 : i32
    %shift_right_logical3A_83 = vector.broadcast %shift_right_logical3A : i32 to vector<16xi32>
    %shift_right_logical3A_84 = arith.shrui %get3A_82, %shift_right_logical3A_83 : vector<16xi32>
    %and3A = arith.constant 15 : i32
    %and3A_85 = vector.broadcast %and3A : i32 to vector<16xi32>
    %and3A_86 = arith.andi %get3A_82, %and3A_85 : vector<16xi32>
    %lt3A = arith.constant 0 : i32
    %lt3A_87 = vector.broadcast %lt3A : i32 to vector<16xi32>
    %lt3A_88 = arith.cmpi slt, %and3A_86, %lt3A_87 : vector<16xi32>
    %add3A_89 = arith.constant 16 : i32
    %add3A_90 = vector.broadcast %add3A_89 : i32 to vector<16xi32>
    %add3A_91 = arith.addi %and3A_86, %add3A_90 : vector<16xi32>
    %select_n3A = arith.select %lt3A_88, %add3A_91, %and3A_86 : vector<16xi1>, vector<16xi32>
    %broadcast_in_dim3A = vector.shape_cast %select_n3A : vector<16xi32> to vector<16x1xi32>
    %gather3A = vector.shape_cast %broadcast_in_dim3A : vector<16x1xi32> to vector<16xi32>
    %gather3A_92 = tpu.dynamic_gather %get3A_10[%gather3A] in [0] : vector<16xf32>, vector<16xi32> -> vector<16xf32>
    %lt3A_93 = arith.constant 0 : i32
    %lt3A_94 = vector.broadcast %lt3A_93 : i32 to vector<16xi32>
    %lt3A_95 = arith.cmpi slt, %and3A_86, %lt3A_94 : vector<16xi32>
    %add3A_96 = arith.constant 16 : i32
    %add3A_97 = vector.broadcast %add3A_96 : i32 to vector<16xi32>
    %add3A_98 = arith.addi %and3A_86, %add3A_97 : vector<16xi32>
    %select_n3A_99 = arith.select %lt3A_95, %add3A_98, %and3A_86 : vector<16xi1>, vector<16xi32>
    %broadcast_in_dim3A_100 = vector.shape_cast %select_n3A_99 : vector<16xi32> to vector<16x1xi32>
    %gather3A_101 = vector.shape_cast %broadcast_in_dim3A_100 : vector<16x1xi32> to vector<16xi32>
    %gather3A_102 = tpu.dynamic_gather %get3A_46[%gather3A_101] in [0] : vector<16xf32>, vector<16xi32> -> vector<16xf32>
    %eq3A = arith.constant 1 : i32
    %eq3A_103 = vector.broadcast %eq3A : i32 to vector<16xi32>
    %eq3A_104 = arith.cmpi eq, %shift_right_logical3A_84, %eq3A_103 : vector<16xi32>
    %lt3A_105 = arith.constant 0 : i32
    %lt3A_106 = vector.broadcast %lt3A_105 : i32 to vector<16xi32>
    %lt3A_107 = arith.cmpi slt, %and3A_86, %lt3A_106 : vector<16xi32>
    %add3A_108 = arith.constant 16 : i32
    %add3A_109 = vector.broadcast %add3A_108 : i32 to vector<16xi32>
    %add3A_110 = arith.addi %and3A_86, %add3A_109 : vector<16xi32>
    %select_n3A_111 = arith.select %lt3A_107, %add3A_110, %and3A_86 : vector<16xi1>, vector<16xi32>
    %broadcast_in_dim3A_112 = vector.shape_cast %select_n3A_111 : vector<16xi32> to vector<16x1xi32>
    %gather3A_113 = vector.shape_cast %broadcast_in_dim3A_112 : vector<16x1xi32> to vector<16xi32>
    %gather3A_114 = tpu.dynamic_gather %get3A_13[%gather3A_113] in [0] : vector<16xf32>, vector<16xi32> -> vector<16xf32>
    %select_n3A_115 = arith.select %eq3A_104, %gather3A_114, %gather3A_92 : vector<16xi1>, vector<16xf32>
    %lt3A_116 = arith.constant 0 : i32
    %lt3A_117 = vector.broadcast %lt3A_116 : i32 to vector<16xi32>
    %lt3A_118 = arith.cmpi slt, %and3A_86, %lt3A_117 : vector<16xi32>
    %add3A_119 = arith.constant 16 : i32
    %add3A_120 = vector.broadcast %add3A_119 : i32 to vector<16xi32>
    %add3A_121 = arith.addi %and3A_86, %add3A_120 : vector<16xi32>
    %select_n3A_122 = arith.select %lt3A_118, %add3A_121, %and3A_86 : vector<16xi1>, vector<16xi32>
    %broadcast_in_dim3A_123 = vector.shape_cast %select_n3A_122 : vector<16xi32> to vector<16x1xi32>
    %gather3A_124 = vector.shape_cast %broadcast_in_dim3A_123 : vector<16x1xi32> to vector<16xi32>
    %gather3A_125 = tpu.dynamic_gather %get3A_49[%gather3A_124] in [0] : vector<16xf32>, vector<16xi32> -> vector<16xf32>
    %select_n3A_126 = arith.select %eq3A_104, %gather3A_125, %gather3A_102 : vector<16xi1>, vector<16xf32>
    %eq3A_127 = arith.constant 2 : i32
    %eq3A_128 = vector.broadcast %eq3A_127 : i32 to vector<16xi32>
    %eq3A_129 = arith.cmpi eq, %shift_right_logical3A_84, %eq3A_128 : vector<16xi32>
    %lt3A_130 = arith.constant 0 : i32
    %lt3A_131 = vector.broadcast %lt3A_130 : i32 to vector<16xi32>
    %lt3A_132 = arith.cmpi slt, %and3A_86, %lt3A_131 : vector<16xi32>
    %add3A_133 = arith.constant 16 : i32
    %add3A_134 = vector.broadcast %add3A_133 : i32 to vector<16xi32>
    %add3A_135 = arith.addi %and3A_86, %add3A_134 : vector<16xi32>
    %select_n3A_136 = arith.select %lt3A_132, %add3A_135, %and3A_86 : vector<16xi1>, vector<16xi32>
    %broadcast_in_dim3A_137 = vector.shape_cast %select_n3A_136 : vector<16xi32> to vector<16x1xi32>
    %gather3A_138 = vector.shape_cast %broadcast_in_dim3A_137 : vector<16x1xi32> to vector<16xi32>
    %gather3A_139 = tpu.dynamic_gather %get3A_16[%gather3A_138] in [0] : vector<16xf32>, vector<16xi32> -> vector<16xf32>
    %select_n3A_140 = arith.select %eq3A_129, %gather3A_139, %select_n3A_115 : vector<16xi1>, vector<16xf32>
    %lt3A_141 = arith.constant 0 : i32
    %lt3A_142 = vector.broadcast %lt3A_141 : i32 to vector<16xi32>
    %lt3A_143 = arith.cmpi slt, %and3A_86, %lt3A_142 : vector<16xi32>
    %add3A_144 = arith.constant 16 : i32
    %add3A_145 = vector.broadcast %add3A_144 : i32 to vector<16xi32>
    %add3A_146 = arith.addi %and3A_86, %add3A_145 : vector<16xi32>
    %select_n3A_147 = arith.select %lt3A_143, %add3A_146, %and3A_86 : vector<16xi1>, vector<16xi32>
    %broadcast_in_dim3A_148 = vector.shape_cast %select_n3A_147 : vector<16xi32> to vector<16x1xi32>
    %gather3A_149 = vector.shape_cast %broadcast_in_dim3A_148 : vector<16x1xi32> to vector<16xi32>
    %gather3A_150 = tpu.dynamic_gather %get3A_52[%gather3A_149] in [0] : vector<16xf32>, vector<16xi32> -> vector<16xf32>
    %select_n3A_151 = arith.select %eq3A_129, %gather3A_150, %select_n3A_126 : vector<16xi1>, vector<16xf32>
    %eq3A_152 = arith.constant 3 : i32
    %eq3A_153 = vector.broadcast %eq3A_152 : i32 to vector<16xi32>
    %eq3A_154 = arith.cmpi eq, %shift_right_logical3A_84, %eq3A_153 : vector<16xi32>
    %lt3A_155 = arith.constant 0 : i32
    %lt3A_156 = vector.broadcast %lt3A_155 : i32 to vector<16xi32>
    %lt3A_157 = arith.cmpi slt, %and3A_86, %lt3A_156 : vector<16xi32>
    %add3A_158 = arith.constant 16 : i32
    %add3A_159 = vector.broadcast %add3A_158 : i32 to vector<16xi32>
    %add3A_160 = arith.addi %and3A_86, %add3A_159 : vector<16xi32>
    %select_n3A_161 = arith.select %lt3A_157, %add3A_160, %and3A_86 : vector<16xi1>, vector<16xi32>
    %broadcast_in_dim3A_162 = vector.shape_cast %select_n3A_161 : vector<16xi32> to vector<16x1xi32>
    %gather3A_163 = vector.shape_cast %broadcast_in_dim3A_162 : vector<16x1xi32> to vector<16xi32>
    %gather3A_164 = tpu.dynamic_gather %get3A_19[%gather3A_163] in [0] : vector<16xf32>, vector<16xi32> -> vector<16xf32>
    %select_n3A_165 = arith.select %eq3A_154, %gather3A_164, %select_n3A_140 : vector<16xi1>, vector<16xf32>
    %lt3A_166 = arith.constant 0 : i32
    %lt3A_167 = vector.broadcast %lt3A_166 : i32 to vector<16xi32>
    %lt3A_168 = arith.cmpi slt, %and3A_86, %lt3A_167 : vector<16xi32>
    %add3A_169 = arith.constant 16 : i32
    %add3A_170 = vector.broadcast %add3A_169 : i32 to vector<16xi32>
    %add3A_171 = arith.addi %and3A_86, %add3A_170 : vector<16xi32>
    %select_n3A_172 = arith.select %lt3A_168, %add3A_171, %and3A_86 : vector<16xi1>, vector<16xi32>
    %broadcast_in_dim3A_173 = vector.shape_cast %select_n3A_172 : vector<16xi32> to vector<16x1xi32>
    %gather3A_174 = vector.shape_cast %broadcast_in_dim3A_173 : vector<16x1xi32> to vector<16xi32>
    %gather3A_175 = tpu.dynamic_gather %get3A_55[%gather3A_174] in [0] : vector<16xf32>, vector<16xi32> -> vector<16xf32>
    %select_n3A_176 = arith.select %eq3A_154, %gather3A_175, %select_n3A_151 : vector<16xi1>, vector<16xf32>
    %eq3A_177 = arith.constant 4 : i32
    %eq3A_178 = vector.broadcast %eq3A_177 : i32 to vector<16xi32>
    %eq3A_179 = arith.cmpi eq, %shift_right_logical3A_84, %eq3A_178 : vector<16xi32>
    %lt3A_180 = arith.constant 0 : i32
    %lt3A_181 = vector.broadcast %lt3A_180 : i32 to vector<16xi32>
    %lt3A_182 = arith.cmpi slt, %and3A_86, %lt3A_181 : vector<16xi32>
    %add3A_183 = arith.constant 16 : i32
    %add3A_184 = vector.broadcast %add3A_183 : i32 to vector<16xi32>
    %add3A_185 = arith.addi %and3A_86, %add3A_184 : vector<16xi32>
    %select_n3A_186 = arith.select %lt3A_182, %add3A_185, %and3A_86 : vector<16xi1>, vector<16xi32>
    %broadcast_in_dim3A_187 = vector.shape_cast %select_n3A_186 : vector<16xi32> to vector<16x1xi32>
    %gather3A_188 = vector.shape_cast %broadcast_in_dim3A_187 : vector<16x1xi32> to vector<16xi32>
    %gather3A_189 = tpu.dynamic_gather %get3A_22[%gather3A_188] in [0] : vector<16xf32>, vector<16xi32> -> vector<16xf32>
    %select_n3A_190 = arith.select %eq3A_179, %gather3A_189, %select_n3A_165 : vector<16xi1>, vector<16xf32>
    %lt3A_191 = arith.constant 0 : i32
    %lt3A_192 = vector.broadcast %lt3A_191 : i32 to vector<16xi32>
    %lt3A_193 = arith.cmpi slt, %and3A_86, %lt3A_192 : vector<16xi32>
    %add3A_194 = arith.constant 16 : i32
    %add3A_195 = vector.broadcast %add3A_194 : i32 to vector<16xi32>
    %add3A_196 = arith.addi %and3A_86, %add3A_195 : vector<16xi32>
    %select_n3A_197 = arith.select %lt3A_193, %add3A_196, %and3A_86 : vector<16xi1>, vector<16xi32>
    %broadcast_in_dim3A_198 = vector.shape_cast %select_n3A_197 : vector<16xi32> to vector<16x1xi32>
    %gather3A_199 = vector.shape_cast %broadcast_in_dim3A_198 : vector<16x1xi32> to vector<16xi32>
    %gather3A_200 = tpu.dynamic_gather %get3A_58[%gather3A_199] in [0] : vector<16xf32>, vector<16xi32> -> vector<16xf32>
    %select_n3A_201 = arith.select %eq3A_179, %gather3A_200, %select_n3A_176 : vector<16xi1>, vector<16xf32>
    %eq3A_202 = arith.constant 5 : i32
    %eq3A_203 = vector.broadcast %eq3A_202 : i32 to vector<16xi32>
    %eq3A_204 = arith.cmpi eq, %shift_right_logical3A_84, %eq3A_203 : vector<16xi32>
    %lt3A_205 = arith.constant 0 : i32
    %lt3A_206 = vector.broadcast %lt3A_205 : i32 to vector<16xi32>
    %lt3A_207 = arith.cmpi slt, %and3A_86, %lt3A_206 : vector<16xi32>
    %add3A_208 = arith.constant 16 : i32
    %add3A_209 = vector.broadcast %add3A_208 : i32 to vector<16xi32>
    %add3A_210 = arith.addi %and3A_86, %add3A_209 : vector<16xi32>
    %select_n3A_211 = arith.select %lt3A_207, %add3A_210, %and3A_86 : vector<16xi1>, vector<16xi32>
    %broadcast_in_dim3A_212 = vector.shape_cast %select_n3A_211 : vector<16xi32> to vector<16x1xi32>
    %gather3A_213 = vector.shape_cast %broadcast_in_dim3A_212 : vector<16x1xi32> to vector<16xi32>
    %gather3A_214 = tpu.dynamic_gather %get3A_25[%gather3A_213] in [0] : vector<16xf32>, vector<16xi32> -> vector<16xf32>
    %select_n3A_215 = arith.select %eq3A_204, %gather3A_214, %select_n3A_190 : vector<16xi1>, vector<16xf32>
    %lt3A_216 = arith.constant 0 : i32
    %lt3A_217 = vector.broadcast %lt3A_216 : i32 to vector<16xi32>
    %lt3A_218 = arith.cmpi slt, %and3A_86, %lt3A_217 : vector<16xi32>
    %add3A_219 = arith.constant 16 : i32
    %add3A_220 = vector.broadcast %add3A_219 : i32 to vector<16xi32>
    %add3A_221 = arith.addi %and3A_86, %add3A_220 : vector<16xi32>
    %select_n3A_222 = arith.select %lt3A_218, %add3A_221, %and3A_86 : vector<16xi1>, vector<16xi32>
    %broadcast_in_dim3A_223 = vector.shape_cast %select_n3A_222 : vector<16xi32> to vector<16x1xi32>
    %gather3A_224 = vector.shape_cast %broadcast_in_dim3A_223 : vector<16x1xi32> to vector<16xi32>
    %gather3A_225 = tpu.dynamic_gather %get3A_61[%gather3A_224] in [0] : vector<16xf32>, vector<16xi32> -> vector<16xf32>
    %select_n3A_226 = arith.select %eq3A_204, %gather3A_225, %select_n3A_201 : vector<16xi1>, vector<16xf32>
    %eq3A_227 = arith.constant 6 : i32
    %eq3A_228 = vector.broadcast %eq3A_227 : i32 to vector<16xi32>
    %eq3A_229 = arith.cmpi eq, %shift_right_logical3A_84, %eq3A_228 : vector<16xi32>
    %lt3A_230 = arith.constant 0 : i32
    %lt3A_231 = vector.broadcast %lt3A_230 : i32 to vector<16xi32>
    %lt3A_232 = arith.cmpi slt, %and3A_86, %lt3A_231 : vector<16xi32>
    %add3A_233 = arith.constant 16 : i32
    %add3A_234 = vector.broadcast %add3A_233 : i32 to vector<16xi32>
    %add3A_235 = arith.addi %and3A_86, %add3A_234 : vector<16xi32>
    %select_n3A_236 = arith.select %lt3A_232, %add3A_235, %and3A_86 : vector<16xi1>, vector<16xi32>
    %broadcast_in_dim3A_237 = vector.shape_cast %select_n3A_236 : vector<16xi32> to vector<16x1xi32>
    %gather3A_238 = vector.shape_cast %broadcast_in_dim3A_237 : vector<16x1xi32> to vector<16xi32>
    %gather3A_239 = tpu.dynamic_gather %get3A_28[%gather3A_238] in [0] : vector<16xf32>, vector<16xi32> -> vector<16xf32>
    %select_n3A_240 = arith.select %eq3A_229, %gather3A_239, %select_n3A_215 : vector<16xi1>, vector<16xf32>
    %lt3A_241 = arith.constant 0 : i32
    %lt3A_242 = vector.broadcast %lt3A_241 : i32 to vector<16xi32>
    %lt3A_243 = arith.cmpi slt, %and3A_86, %lt3A_242 : vector<16xi32>
    %add3A_244 = arith.constant 16 : i32
    %add3A_245 = vector.broadcast %add3A_244 : i32 to vector<16xi32>
    %add3A_246 = arith.addi %and3A_86, %add3A_245 : vector<16xi32>
    %select_n3A_247 = arith.select %lt3A_243, %add3A_246, %and3A_86 : vector<16xi1>, vector<16xi32>
    %broadcast_in_dim3A_248 = vector.shape_cast %select_n3A_247 : vector<16xi32> to vector<16x1xi32>
    %gather3A_249 = vector.shape_cast %broadcast_in_dim3A_248 : vector<16x1xi32> to vector<16xi32>
    %gather3A_250 = tpu.dynamic_gather %get3A_64[%gather3A_249] in [0] : vector<16xf32>, vector<16xi32> -> vector<16xf32>
    %select_n3A_251 = arith.select %eq3A_229, %gather3A_250, %select_n3A_226 : vector<16xi1>, vector<16xf32>
    %eq3A_252 = arith.constant 7 : i32
    %eq3A_253 = vector.broadcast %eq3A_252 : i32 to vector<16xi32>
    %eq3A_254 = arith.cmpi eq, %shift_right_logical3A_84, %eq3A_253 : vector<16xi32>
    %lt3A_255 = arith.constant 0 : i32
    %lt3A_256 = vector.broadcast %lt3A_255 : i32 to vector<16xi32>
    %lt3A_257 = arith.cmpi slt, %and3A_86, %lt3A_256 : vector<16xi32>
    %add3A_258 = arith.constant 16 : i32
    %add3A_259 = vector.broadcast %add3A_258 : i32 to vector<16xi32>
    %add3A_260 = arith.addi %and3A_86, %add3A_259 : vector<16xi32>
    %select_n3A_261 = arith.select %lt3A_257, %add3A_260, %and3A_86 : vector<16xi1>, vector<16xi32>
    %broadcast_in_dim3A_262 = vector.shape_cast %select_n3A_261 : vector<16xi32> to vector<16x1xi32>
    %gather3A_263 = vector.shape_cast %broadcast_in_dim3A_262 : vector<16x1xi32> to vector<16xi32>
    %gather3A_264 = tpu.dynamic_gather %get3A_31[%gather3A_263] in [0] : vector<16xf32>, vector<16xi32> -> vector<16xf32>
    %select_n3A_265 = arith.select %eq3A_254, %gather3A_264, %select_n3A_240 : vector<16xi1>, vector<16xf32>
    %lt3A_266 = arith.constant 0 : i32
    %lt3A_267 = vector.broadcast %lt3A_266 : i32 to vector<16xi32>
    %lt3A_268 = arith.cmpi slt, %and3A_86, %lt3A_267 : vector<16xi32>
    %add3A_269 = arith.constant 16 : i32
    %add3A_270 = vector.broadcast %add3A_269 : i32 to vector<16xi32>
    %add3A_271 = arith.addi %and3A_86, %add3A_270 : vector<16xi32>
    %select_n3A_272 = arith.select %lt3A_268, %add3A_271, %and3A_86 : vector<16xi1>, vector<16xi32>
    %broadcast_in_dim3A_273 = vector.shape_cast %select_n3A_272 : vector<16xi32> to vector<16x1xi32>
    %gather3A_274 = vector.shape_cast %broadcast_in_dim3A_273 : vector<16x1xi32> to vector<16xi32>
    %gather3A_275 = tpu.dynamic_gather %get3A_67[%gather3A_274] in [0] : vector<16xf32>, vector<16xi32> -> vector<16xf32>
    %select_n3A_276 = arith.select %eq3A_254, %gather3A_275, %select_n3A_251 : vector<16xi1>, vector<16xf32>
    %eq3A_277 = arith.constant 8 : i32
    %eq3A_278 = vector.broadcast %eq3A_277 : i32 to vector<16xi32>
    %eq3A_279 = arith.cmpi eq, %shift_right_logical3A_84, %eq3A_278 : vector<16xi32>
    %lt3A_280 = arith.constant 0 : i32
    %lt3A_281 = vector.broadcast %lt3A_280 : i32 to vector<16xi32>
    %lt3A_282 = arith.cmpi slt, %and3A_86, %lt3A_281 : vector<16xi32>
    %add3A_283 = arith.constant 16 : i32
    %add3A_284 = vector.broadcast %add3A_283 : i32 to vector<16xi32>
    %add3A_285 = arith.addi %and3A_86, %add3A_284 : vector<16xi32>
    %select_n3A_286 = arith.select %lt3A_282, %add3A_285, %and3A_86 : vector<16xi1>, vector<16xi32>
    %broadcast_in_dim3A_287 = vector.shape_cast %select_n3A_286 : vector<16xi32> to vector<16x1xi32>
    %gather3A_288 = vector.shape_cast %broadcast_in_dim3A_287 : vector<16x1xi32> to vector<16xi32>
    %gather3A_289 = tpu.dynamic_gather %get3A_34[%gather3A_288] in [0] : vector<16xf32>, vector<16xi32> -> vector<16xf32>
    %select_n3A_290 = arith.select %eq3A_279, %gather3A_289, %select_n3A_265 : vector<16xi1>, vector<16xf32>
    %lt3A_291 = arith.constant 0 : i32
    %lt3A_292 = vector.broadcast %lt3A_291 : i32 to vector<16xi32>
    %lt3A_293 = arith.cmpi slt, %and3A_86, %lt3A_292 : vector<16xi32>
    %add3A_294 = arith.constant 16 : i32
    %add3A_295 = vector.broadcast %add3A_294 : i32 to vector<16xi32>
    %add3A_296 = arith.addi %and3A_86, %add3A_295 : vector<16xi32>
    %select_n3A_297 = arith.select %lt3A_293, %add3A_296, %and3A_86 : vector<16xi1>, vector<16xi32>
    %broadcast_in_dim3A_298 = vector.shape_cast %select_n3A_297 : vector<16xi32> to vector<16x1xi32>
    %gather3A_299 = vector.shape_cast %broadcast_in_dim3A_298 : vector<16x1xi32> to vector<16xi32>
    %gather3A_300 = tpu.dynamic_gather %get3A_70[%gather3A_299] in [0] : vector<16xf32>, vector<16xi32> -> vector<16xf32>
    %select_n3A_301 = arith.select %eq3A_279, %gather3A_300, %select_n3A_276 : vector<16xi1>, vector<16xf32>
    %eq3A_302 = arith.constant 9 : i32
    %eq3A_303 = vector.broadcast %eq3A_302 : i32 to vector<16xi32>
    %eq3A_304 = arith.cmpi eq, %shift_right_logical3A_84, %eq3A_303 : vector<16xi32>
    %lt3A_305 = arith.constant 0 : i32
    %lt3A_306 = vector.broadcast %lt3A_305 : i32 to vector<16xi32>
    %lt3A_307 = arith.cmpi slt, %and3A_86, %lt3A_306 : vector<16xi32>
    %add3A_308 = arith.constant 16 : i32
    %add3A_309 = vector.broadcast %add3A_308 : i32 to vector<16xi32>
    %add3A_310 = arith.addi %and3A_86, %add3A_309 : vector<16xi32>
    %select_n3A_311 = arith.select %lt3A_307, %add3A_310, %and3A_86 : vector<16xi1>, vector<16xi32>
    %broadcast_in_dim3A_312 = vector.shape_cast %select_n3A_311 : vector<16xi32> to vector<16x1xi32>
    %gather3A_313 = vector.shape_cast %broadcast_in_dim3A_312 : vector<16x1xi32> to vector<16xi32>
    %gather3A_314 = tpu.dynamic_gather %get3A_37[%gather3A_313] in [0] : vector<16xf32>, vector<16xi32> -> vector<16xf32>
    %select_n3A_315 = arith.select %eq3A_304, %gather3A_314, %select_n3A_290 : vector<16xi1>, vector<16xf32>
    %lt3A_316 = arith.constant 0 : i32
    %lt3A_317 = vector.broadcast %lt3A_316 : i32 to vector<16xi32>
    %lt3A_318 = arith.cmpi slt, %and3A_86, %lt3A_317 : vector<16xi32>
    %add3A_319 = arith.constant 16 : i32
    %add3A_320 = vector.broadcast %add3A_319 : i32 to vector<16xi32>
    %add3A_321 = arith.addi %and3A_86, %add3A_320 : vector<16xi32>
    %select_n3A_322 = arith.select %lt3A_318, %add3A_321, %and3A_86 : vector<16xi1>, vector<16xi32>
    %broadcast_in_dim3A_323 = vector.shape_cast %select_n3A_322 : vector<16xi32> to vector<16x1xi32>
    %gather3A_324 = vector.shape_cast %broadcast_in_dim3A_323 : vector<16x1xi32> to vector<16xi32>
    %gather3A_325 = tpu.dynamic_gather %get3A_73[%gather3A_324] in [0] : vector<16xf32>, vector<16xi32> -> vector<16xf32>
    %select_n3A_326 = arith.select %eq3A_304, %gather3A_325, %select_n3A_301 : vector<16xi1>, vector<16xf32>
    %eq3A_327 = arith.constant 10 : i32
    %eq3A_328 = vector.broadcast %eq3A_327 : i32 to vector<16xi32>
    %eq3A_329 = arith.cmpi eq, %shift_right_logical3A_84, %eq3A_328 : vector<16xi32>
    %lt3A_330 = arith.constant 0 : i32
    %lt3A_331 = vector.broadcast %lt3A_330 : i32 to vector<16xi32>
    %lt3A_332 = arith.cmpi slt, %and3A_86, %lt3A_331 : vector<16xi32>
    %add3A_333 = arith.constant 16 : i32
    %add3A_334 = vector.broadcast %add3A_333 : i32 to vector<16xi32>
    %add3A_335 = arith.addi %and3A_86, %add3A_334 : vector<16xi32>
    %select_n3A_336 = arith.select %lt3A_332, %add3A_335, %and3A_86 : vector<16xi1>, vector<16xi32>
    %broadcast_in_dim3A_337 = vector.shape_cast %select_n3A_336 : vector<16xi32> to vector<16x1xi32>
    %gather3A_338 = vector.shape_cast %broadcast_in_dim3A_337 : vector<16x1xi32> to vector<16xi32>
    %gather3A_339 = tpu.dynamic_gather %get3A_40[%gather3A_338] in [0] : vector<16xf32>, vector<16xi32> -> vector<16xf32>
    %select_n3A_340 = arith.select %eq3A_329, %gather3A_339, %select_n3A_315 : vector<16xi1>, vector<16xf32>
    %lt3A_341 = arith.constant 0 : i32
    %lt3A_342 = vector.broadcast %lt3A_341 : i32 to vector<16xi32>
    %lt3A_343 = arith.cmpi slt, %and3A_86, %lt3A_342 : vector<16xi32>
    %add3A_344 = arith.constant 16 : i32
    %add3A_345 = vector.broadcast %add3A_344 : i32 to vector<16xi32>
    %add3A_346 = arith.addi %and3A_86, %add3A_345 : vector<16xi32>
    %select_n3A_347 = arith.select %lt3A_343, %add3A_346, %and3A_86 : vector<16xi1>, vector<16xi32>
    %broadcast_in_dim3A_348 = vector.shape_cast %select_n3A_347 : vector<16xi32> to vector<16x1xi32>
    %gather3A_349 = vector.shape_cast %broadcast_in_dim3A_348 : vector<16x1xi32> to vector<16xi32>
    %gather3A_350 = tpu.dynamic_gather %get3A_76[%gather3A_349] in [0] : vector<16xf32>, vector<16xi32> -> vector<16xf32>
    %select_n3A_351 = arith.select %eq3A_329, %gather3A_350, %select_n3A_326 : vector<16xi1>, vector<16xf32>
    %eq3A_352 = arith.constant 11 : i32
    %eq3A_353 = vector.broadcast %eq3A_352 : i32 to vector<16xi32>
    %eq3A_354 = arith.cmpi eq, %shift_right_logical3A_84, %eq3A_353 : vector<16xi32>
    %lt3A_355 = arith.constant 0 : i32
    %lt3A_356 = vector.broadcast %lt3A_355 : i32 to vector<16xi32>
    %lt3A_357 = arith.cmpi slt, %and3A_86, %lt3A_356 : vector<16xi32>
    %add3A_358 = arith.constant 16 : i32
    %add3A_359 = vector.broadcast %add3A_358 : i32 to vector<16xi32>
    %add3A_360 = arith.addi %and3A_86, %add3A_359 : vector<16xi32>
    %select_n3A_361 = arith.select %lt3A_357, %add3A_360, %and3A_86 : vector<16xi1>, vector<16xi32>
    %broadcast_in_dim3A_362 = vector.shape_cast %select_n3A_361 : vector<16xi32> to vector<16x1xi32>
    %gather3A_363 = vector.shape_cast %broadcast_in_dim3A_362 : vector<16x1xi32> to vector<16xi32>
    %gather3A_364 = tpu.dynamic_gather %get3A_43[%gather3A_363] in [0] : vector<16xf32>, vector<16xi32> -> vector<16xf32>
    %select_n3A_365 = arith.select %eq3A_354, %gather3A_364, %select_n3A_340 : vector<16xi1>, vector<16xf32>
    %lt3A_366 = arith.constant 0 : i32
    %lt3A_367 = vector.broadcast %lt3A_366 : i32 to vector<16xi32>
    %lt3A_368 = arith.cmpi slt, %and3A_86, %lt3A_367 : vector<16xi32>
    %add3A_369 = arith.constant 16 : i32
    %add3A_370 = vector.broadcast %add3A_369 : i32 to vector<16xi32>
    %add3A_371 = arith.addi %and3A_86, %add3A_370 : vector<16xi32>
    %select_n3A_372 = arith.select %lt3A_368, %add3A_371, %and3A_86 : vector<16xi1>, vector<16xi32>
    %broadcast_in_dim3A_373 = vector.shape_cast %select_n3A_372 : vector<16xi32> to vector<16x1xi32>
    %gather3A_374 = vector.shape_cast %broadcast_in_dim3A_373 : vector<16x1xi32> to vector<16xi32>
    %gather3A_375 = tpu.dynamic_gather %get3A_79[%gather3A_374] in [0] : vector<16xf32>, vector<16xi32> -> vector<16xf32>
    %select_n3A_376 = arith.select %eq3A_354, %gather3A_375, %select_n3A_351 : vector<16xi1>, vector<16xf32>
    %get3A_377 = arith.constant 0 : index
    %get3A_378 = tpu.vector_load %arg8[%get3A_377] {strides = array<i32>} : memref<256xf32, #tpu.memory_space<vmem>>, vector<16xf32>,
    %get3A_379 = vector.shape_cast %get3A_378 : vector<16xf32> to vector<16xf32>
    %sub3A = arith.subf %get3A_379, %select_n3A_365 : vector<16xf32>
    %div3A = arith.divf %sub3A, %select_n3A_376 : vector<16xf32>
    %swap3A = arith.constant 0 : index
    %swap3A_380 = tpu.vector_load %arg11[%swap3A] {strides = array<i32>} : memref<256xf32, #tpu.memory_space<vmem>>, vector<16xf32>,
    %swap3A_381 = vector.shape_cast %swap3A_380 : vector<16xf32> to vector<16xf32>
    %swap3A_382 = vector.shape_cast %div3A : vector<16xf32> to vector<16xf32>
    tpu.vector_store %arg11[%swap3A], %swap3A_382 {strides = array<i32>} : memref<256xf32, #tpu.memory_space<vmem>>, vector<16xf32>,
    %get3A_383 = arith.constant 16 : index
    %get3A_384 = tpu.vector_load %arg7[%get3A_383] {strides = array<i32>} : memref<256xi32, #tpu.memory_space<vmem>>, vector<16xi32>,
    %get3A_385 = vector.shape_cast %get3A_384 : vector<16xi32> to vector<16xi32>
    %shift_right_logical3A_386 = arith.constant 4 : i32
    %shift_right_logical3A_387 = vector.broadcast %shift_right_logical3A_386 : i32 to vector<16xi32>
    %shift_right_logical3A_388 = arith.shrui %get3A_385, %shift_right_logical3A_387 : vector<16xi32>
    %and3A_389 = arith.constant 15 : i32
    %and3A_390 = vector.broadcast %and3A_389 : i32 to vector<16xi32>
    %and3A_391 = arith.andi %get3A_385, %and3A_390 : vector<16xi32>
    %lt3A_392 = arith.constant 0 : i32
    %lt3A_393 = vector.broadcast %lt3A_392 : i32 to vector<16xi32>
    %lt3A_394 = arith.cmpi slt, %and3A_391, %lt3A_393 : vector<16xi32>
    %add3A_395 = arith.constant 16 : i32
    %add3A_396 = vector.broadcast %add3A_395 : i32 to vector<16xi32>
    %add3A_397 = arith.addi %and3A_391, %add3A_396 : vector<16xi32>
    %select_n3A_398 = arith.select %lt3A_394, %add3A_397, %and3A_391 : vector<16xi1>, vector<16xi32>
    %broadcast_in_dim3A_399 = vector.shape_cast %select_n3A_398 : vector<16xi32> to vector<16x1xi32>
    %gather3A_400 = vector.shape_cast %broadcast_in_dim3A_399 : vector<16x1xi32> to vector<16xi32>
    %gather3A_401 = tpu.dynamic_gather %get3A_10[%gather3A_400] in [0] : vector<16xf32>, vector<16xi32> -> vector<16xf32>
    %lt3A_402 = arith.constant 0 : i32
    %lt3A_403 = vector.broadcast %lt3A_402 : i32 to vector<16xi32>
    %lt3A_404 = arith.cmpi slt, %and3A_391, %lt3A_403 : vector<16xi32>
    %add3A_405 = arith.constant 16 : i32
    %add3A_406 = vector.broadcast %add3A_405 : i32 to vector<16xi32>
    %add3A_407 = arith.addi %and3A_391, %add3A_406 : vector<16xi32>
    %select_n3A_408 = arith.select %lt3A_404, %add3A_407, %and3A_391 : vector<16xi1>, vector<16xi32>
    %broadcast_in_dim3A_409 = vector.shape_cast %select_n3A_408 : vector<16xi32> to vector<16x1xi32>
    %gather3A_410 = vector.shape_cast %broadcast_in_dim3A_409 : vector<16x1xi32> to vector<16xi32>
    %gather3A_411 = tpu.dynamic_gather %get3A_46[%gather3A_410] in [0] : vector<16xf32>, vector<16xi32> -> vector<16xf32>
    %eq3A_412 = arith.constant 1 : i32
    %eq3A_413 = vector.broadcast %eq3A_412 : i32 to vector<16xi32>
    %eq3A_414 = arith.cmpi eq, %shift_right_logical3A_388, %eq3A_413 : vector<16xi32>
    %lt3A_415 = arith.constant 0 : i32
    %lt3A_416 = vector.broadcast %lt3A_415 : i32 to vector<16xi32>
    %lt3A_417 = arith.cmpi slt, %and3A_391, %lt3A_416 : vector<16xi32>
    %add3A_418 = arith.constant 16 : i32
    %add3A_419 = vector.broadcast %add3A_418 : i32 to vector<16xi32>
    %add3A_420 = arith.addi %and3A_391, %add3A_419 : vector<16xi32>
    %select_n3A_421 = arith.select %lt3A_417, %add3A_420, %and3A_391 : vector<16xi1>, vector<16xi32>
    %broadcast_in_dim3A_422 = vector.shape_cast %select_n3A_421 : vector<16xi32> to vector<16x1xi32>
    %gather3A_423 = vector.shape_cast %broadcast_in_dim3A_422 : vector<16x1xi32> to vector<16xi32>
    %gather3A_424 = tpu.dynamic_gather %get3A_13[%gather3A_423] in [0] : vector<16xf32>, vector<16xi32> -> vector<16xf32>
    %select_n3A_425 = arith.select %eq3A_414, %gather3A_424, %gather3A_401 : vector<16xi1>, vector<16xf32>
    %lt3A_426 = arith.constant 0 : i32
    %lt3A_427 = vector.broadcast %lt3A_426 : i32 to vector<16xi32>
    %lt3A_428 = arith.cmpi slt, %and3A_391, %lt3A_427 : vector<16xi32>
    %add3A_429 = arith.constant 16 : i32
    %add3A_430 = vector.broadcast %add3A_429 : i32 to vector<16xi32>
    %add3A_431 = arith.addi %and3A_391, %add3A_430 : vector<16xi32>
    %select_n3A_432 = arith.select %lt3A_428, %add3A_431, %and3A_391 : vector<16xi1>, vector<16xi32>
    %broadcast_in_dim3A_433 = vector.shape_cast %select_n3A_432 : vector<16xi32> to vector<16x1xi32>
    %gather3A_434 = vector.shape_cast %broadcast_in_dim3A_433 : vector<16x1xi32> to vector<16xi32>
    %gather3A_435 = tpu.dynamic_gather %get3A_49[%gather3A_434] in [0] : vector<16xf32>, vector<16xi32> -> vector<16xf32>
    %select_n3A_436 = arith.select %eq3A_414, %gather3A_435, %gather3A_411 : vector<16xi1>, vector<16xf32>
    %eq3A_437 = arith.constant 2 : i32
    %eq3A_438 = vector.broadcast %eq3A_437 : i32 to vector<16xi32>
    %eq3A_439 = arith.cmpi eq, %shift_right_logical3A_388, %eq3A_438 : vector<16xi32>
    %lt3A_440 = arith.constant 0 : i32
    %lt3A_441 = vector.broadcast %lt3A_440 : i32 to vector<16xi32>
    %lt3A_442 = arith.cmpi slt, %and3A_391, %lt3A_441 : vector<16xi32>
    %add3A_443 = arith.constant 16 : i32
    %add3A_444 = vector.broadcast %add3A_443 : i32 to vector<16xi32>
    %add3A_445 = arith.addi %and3A_391, %add3A_444 : vector<16xi32>
    %select_n3A_446 = arith.select %lt3A_442, %add3A_445, %and3A_391 : vector<16xi1>, vector<16xi32>
    %broadcast_in_dim3A_447 = vector.shape_cast %select_n3A_446 : vector<16xi32> to vector<16x1xi32>
    %gather3A_448 = vector.shape_cast %broadcast_in_dim3A_447 : vector<16x1xi32> to vector<16xi32>
    %gather3A_449 = tpu.dynamic_gather %get3A_16[%gather3A_448] in [0] : vector<16xf32>, vector<16xi32> -> vector<16xf32>
    %select_n3A_450 = arith.select %eq3A_439, %gather3A_449, %select_n3A_425 : vector<16xi1>, vector<16xf32>
    %lt3A_451 = arith.constant 0 : i32
    %lt3A_452 = vector.broadcast %lt3A_451 : i32 to vector<16xi32>
    %lt3A_453 = arith.cmpi slt, %and3A_391, %lt3A_452 : vector<16xi32>
    %add3A_454 = arith.constant 16 : i32
    %add3A_455 = vector.broadcast %add3A_454 : i32 to vector<16xi32>
    %add3A_456 = arith.addi %and3A_391, %add3A_455 : vector<16xi32>
    %select_n3A_457 = arith.select %lt3A_453, %add3A_456, %and3A_391 : vector<16xi1>, vector<16xi32>
    %broadcast_in_dim3A_458 = vector.shape_cast %select_n3A_457 : vector<16xi32> to vector<16x1xi32>
    %gather3A_459 = vector.shape_cast %broadcast_in_dim3A_458 : vector<16x1xi32> to vector<16xi32>
    %gather3A_460 = tpu.dynamic_gather %get3A_52[%gather3A_459] in [0] : vector<16xf32>, vector<16xi32> -> vector<16xf32>
    %select_n3A_461 = arith.select %eq3A_439, %gather3A_460, %select_n3A_436 : vector<16xi1>, vector<16xf32>
    %eq3A_462 = arith.constant 3 : i32
    %eq3A_463 = vector.broadcast %eq3A_462 : i32 to vector<16xi32>
    %eq3A_464 = arith.cmpi eq, %shift_right_logical3A_388, %eq3A_463 : vector<16xi32>
    %lt3A_465 = arith.constant 0 : i32
    %lt3A_466 = vector.broadcast %lt3A_465 : i32 to vector<16xi32>
    %lt3A_467 = arith.cmpi slt, %and3A_391, %lt3A_466 : vector<16xi32>
    %add3A_468 = arith.constant 16 : i32
    %add3A_469 = vector.broadcast %add3A_468 : i32 to vector<16xi32>
    %add3A_470 = arith.addi %and3A_391, %add3A_469 : vector<16xi32>
    %select_n3A_471 = arith.select %lt3A_467, %add3A_470, %and3A_391 : vector<16xi1>, vector<16xi32>
    %broadcast_in_dim3A_472 = vector.shape_cast %select_n3A_471 : vector<16xi32> to vector<16x1xi32>
    %gather3A_473 = vector.shape_cast %broadcast_in_dim3A_472 : vector<16x1xi32> to vector<16xi32>
    %gather3A_474 = tpu.dynamic_gather %get3A_19[%gather3A_473] in [0] : vector<16xf32>, vector<16xi32> -> vector<16xf32>
    %select_n3A_475 = arith.select %eq3A_464, %gather3A_474, %select_n3A_450 : vector<16xi1>, vector<16xf32>
    %lt3A_476 = arith.constant 0 : i32
    %lt3A_477 = vector.broadcast %lt3A_476 : i32 to vector<16xi32>
    %lt3A_478 = arith.cmpi slt, %and3A_391, %lt3A_477 : vector<16xi32>
    %add3A_479 = arith.constant 16 : i32
    %add3A_480 = vector.broadcast %add3A_479 : i32 to vector<16xi32>
    %add3A_481 = arith.addi %and3A_391, %add3A_480 : vector<16xi32>
    %select_n3A_482 = arith.select %lt3A_478, %add3A_481, %and3A_391 : vector<16xi1>, vector<16xi32>
    %broadcast_in_dim3A_483 = vector.shape_cast %select_n3A_482 : vector<16xi32> to vector<16x1xi32>
    %gather3A_484 = vector.shape_cast %broadcast_in_dim3A_483 : vector<16x1xi32> to vector<16xi32>
    %gather3A_485 = tpu.dynamic_gather %get3A_55[%gather3A_484] in [0] : vector<16xf32>, vector<16xi32> -> vector<16xf32>
    %select_n3A_486 = arith.select %eq3A_464, %gather3A_485, %select_n3A_461 : vector<16xi1>, vector<16xf32>
    %eq3A_487 = arith.constant 4 : i32
    %eq3A_488 = vector.broadcast %eq3A_487 : i32 to vector<16xi32>
    %eq3A_489 = arith.cmpi eq, %shift_right_logical3A_388, %eq3A_488 : vector<16xi32>
    %lt3A_490 = arith.constant 0 : i32
    %lt3A_491 = vector.broadcast %lt3A_490 : i32 to vector<16xi32>
    %lt3A_492 = arith.cmpi slt, %and3A_391, %lt3A_491 : vector<16xi32>
    %add3A_493 = arith.constant 16 : i32
    %add3A_494 = vector.broadcast %add3A_493 : i32 to vector<16xi32>
    %add3A_495 = arith.addi %and3A_391, %add3A_494 : vector<16xi32>
    %select_n3A_496 = arith.select %lt3A_492, %add3A_495, %and3A_391 : vector<16xi1>, vector<16xi32>
    %broadcast_in_dim3A_497 = vector.shape_cast %select_n3A_496 : vector<16xi32> to vector<16x1xi32>
    %gather3A_498 = vector.shape_cast %broadcast_in_dim3A_497 : vector<16x1xi32> to vector<16xi32>
    %gather3A_499 = tpu.dynamic_gather %get3A_22[%gather3A_498] in [0] : vector<16xf32>, vector<16xi32> -> vector<16xf32>
    %select_n3A_500 = arith.select %eq3A_489, %gather3A_499, %select_n3A_475 : vector<16xi1>, vector<16xf32>
    %lt3A_501 = arith.constant 0 : i32
    %lt3A_502 = vector.broadcast %lt3A_501 : i32 to vector<16xi32>
    %lt3A_503 = arith.cmpi slt, %and3A_391, %lt3A_502 : vector<16xi32>
    %add3A_504 = arith.constant 16 : i32
    %add3A_505 = vector.broadcast %add3A_504 : i32 to vector<16xi32>
    %add3A_506 = arith.addi %and3A_391, %add3A_505 : vector<16xi32>
    %select_n3A_507 = arith.select %lt3A_503, %add3A_506, %and3A_391 : vector<16xi1>, vector<16xi32>
    %broadcast_in_dim3A_508 = vector.shape_cast %select_n3A_507 : vector<16xi32> to vector<16x1xi32>
    %gather3A_509 = vector.shape_cast %broadcast_in_dim3A_508 : vector<16x1xi32> to vector<16xi32>
    %gather3A_510 = tpu.dynamic_gather %get3A_58[%gather3A_509] in [0] : vector<16xf32>, vector<16xi32> -> vector<16xf32>
    %select_n3A_511 = arith.select %eq3A_489, %gather3A_510, %select_n3A_486 : vector<16xi1>, vector<16xf32>
    %eq3A_512 = arith.constant 5 : i32
    %eq3A_513 = vector.broadcast %eq3A_512 : i32 to vector<16xi32>
    %eq3A_514 = arith.cmpi eq, %shift_right_logical3A_388, %eq3A_513 : vector<16xi32>
    %lt3A_515 = arith.constant 0 : i32
    %lt3A_516 = vector.broadcast %lt3A_515 : i32 to vector<16xi32>
    %lt3A_517 = arith.cmpi slt, %and3A_391, %lt3A_516 : vector<16xi32>
    %add3A_518 = arith.constant 16 : i32
    %add3A_519 = vector.broadcast %add3A_518 : i32 to vector<16xi32>
    %add3A_520 = arith.addi %and3A_391, %add3A_519 : vector<16xi32>
    %select_n3A_521 = arith.select %lt3A_517, %add3A_520, %and3A_391 : vector<16xi1>, vector<16xi32>
    %broadcast_in_dim3A_522 = vector.shape_cast %select_n3A_521 : vector<16xi32> to vector<16x1xi32>
    %gather3A_523 = vector.shape_cast %broadcast_in_dim3A_522 : vector<16x1xi32> to vector<16xi32>
    %gather3A_524 = tpu.dynamic_gather %get3A_25[%gather3A_523] in [0] : vector<16xf32>, vector<16xi32> -> vector<16xf32>
    %select_n3A_525 = arith.select %eq3A_514, %gather3A_524, %select_n3A_500 : vector<16xi1>, vector<16xf32>
    %lt3A_526 = arith.constant 0 : i32
    %lt3A_527 = vector.broadcast %lt3A_526 : i32 to vector<16xi32>
    %lt3A_528 = arith.cmpi slt, %and3A_391, %lt3A_527 : vector<16xi32>
    %add3A_529 = arith.constant 16 : i32
    %add3A_530 = vector.broadcast %add3A_529 : i32 to vector<16xi32>
    %add3A_531 = arith.addi %and3A_391, %add3A_530 : vector<16xi32>
    %select_n3A_532 = arith.select %lt3A_528, %add3A_531, %and3A_391 : vector<16xi1>, vector<16xi32>
    %broadcast_in_dim3A_533 = vector.shape_cast %select_n3A_532 : vector<16xi32> to vector<16x1xi32>
    %gather3A_534 = vector.shape_cast %broadcast_in_dim3A_533 : vector<16x1xi32> to vector<16xi32>
    %gather3A_535 = tpu.dynamic_gather %get3A_61[%gather3A_534] in [0] : vector<16xf32>, vector<16xi32> -> vector<16xf32>
    %select_n3A_536 = arith.select %eq3A_514, %gather3A_535, %select_n3A_511 : vector<16xi1>, vector<16xf32>
    %eq3A_537 = arith.constant 6 : i32
    %eq3A_538 = vector.broadcast %eq3A_537 : i32 to vector<16xi32>
    %eq3A_539 = arith.cmpi eq, %shift_right_logical3A_388, %eq3A_538 : vector<16xi32>
    %lt3A_540 = arith.constant 0 : i32
    %lt3A_541 = vector.broadcast %lt3A_540 : i32 to vector<16xi32>
    %lt3A_542 = arith.cmpi slt, %and3A_391, %lt3A_541 : vector<16xi32>
    %add3A_543 = arith.constant 16 : i32
    %add3A_544 = vector.broadcast %add3A_543 : i32 to vector<16xi32>
    %add3A_545 = arith.addi %and3A_391, %add3A_544 : vector<16xi32>
    %select_n3A_546 = arith.select %lt3A_542, %add3A_545, %and3A_391 : vector<16xi1>, vector<16xi32>
    %broadcast_in_dim3A_547 = vector.shape_cast %select_n3A_546 : vector<16xi32> to vector<16x1xi32>
    %gather3A_548 = vector.shape_cast %broadcast_in_dim3A_547 : vector<16x1xi32> to vector<16xi32>
    %gather3A_549 = tpu.dynamic_gather %get3A_28[%gather3A_548] in [0] : vector<16xf32>, vector<16xi32> -> vector<16xf32>
    %select_n3A_550 = arith.select %eq3A_539, %gather3A_549, %select_n3A_525 : vector<16xi1>, vector<16xf32>
    %lt3A_551 = arith.constant 0 : i32
    %lt3A_552 = vector.broadcast %lt3A_551 : i32 to vector<16xi32>
    %lt3A_553 = arith.cmpi slt, %and3A_391, %lt3A_552 : vector<16xi32>
    %add3A_554 = arith.constant 16 : i32
    %add3A_555 = vector.broadcast %add3A_554 : i32 to vector<16xi32>
    %add3A_556 = arith.addi %and3A_391, %add3A_555 : vector<16xi32>
    %select_n3A_557 = arith.select %lt3A_553, %add3A_556, %and3A_391 : vector<16xi1>, vector<16xi32>
    %broadcast_in_dim3A_558 = vector.shape_cast %select_n3A_557 : vector<16xi32> to vector<16x1xi32>
    %gather3A_559 = vector.shape_cast %broadcast_in_dim3A_558 : vector<16x1xi32> to vector<16xi32>
    %gather3A_560 = tpu.dynamic_gather %get3A_64[%gather3A_559] in [0] : vector<16xf32>, vector<16xi32> -> vector<16xf32>
    %select_n3A_561 = arith.select %eq3A_539, %gather3A_560, %select_n3A_536 : vector<16xi1>, vector<16xf32>
    %eq3A_562 = arith.constant 7 : i32
    %eq3A_563 = vector.broadcast %eq3A_562 : i32 to vector<16xi32>
    %eq3A_564 = arith.cmpi eq, %shift_right_logical3A_388, %eq3A_563 : vector<16xi32>
    %lt3A_565 = arith.constant 0 : i32
    %lt3A_566 = vector.broadcast %lt3A_565 : i32 to vector<16xi32>
    %lt3A_567 = arith.cmpi slt, %and3A_391, %lt3A_566 : vector<16xi32>
    %add3A_568 = arith.constant 16 : i32
    %add3A_569 = vector.broadcast %add3A_568 : i32 to vector<16xi32>
    %add3A_570 = arith.addi %and3A_391, %add3A_569 : vector<16xi32>
    %select_n3A_571 = arith.select %lt3A_567, %add3A_570, %and3A_391 : vector<16xi1>, vector<16xi32>
    %broadcast_in_dim3A_572 = vector.shape_cast %select_n3A_571 : vector<16xi32> to vector<16x1xi32>
    %gather3A_573 = vector.shape_cast %broadcast_in_dim3A_572 : vector<16x1xi32> to vector<16xi32>
    %gather3A_574 = tpu.dynamic_gather %get3A_31[%gather3A_573] in [0] : vector<16xf32>, vector<16xi32> -> vector<16xf32>
    %select_n3A_575 = arith.select %eq3A_564, %gather3A_574, %select_n3A_550 : vector<16xi1>, vector<16xf32>
    %lt3A_576 = arith.constant 0 : i32
    %lt3A_577 = vector.broadcast %lt3A_576 : i32 to vector<16xi32>
    %lt3A_578 = arith.cmpi slt, %and3A_391, %lt3A_577 : vector<16xi32>
    %add3A_579 = arith.constant 16 : i32
    %add3A_580 = vector.broadcast %add3A_579 : i32 to vector<16xi32>
    %add3A_581 = arith.addi %and3A_391, %add3A_580 : vector<16xi32>
    %select_n3A_582 = arith.select %lt3A_578, %add3A_581, %and3A_391 : vector<16xi1>, vector<16xi32>
    %broadcast_in_dim3A_583 = vector.shape_cast %select_n3A_582 : vector<16xi32> to vector<16x1xi32>
    %gather3A_584 = vector.shape_cast %broadcast_in_dim3A_583 : vector<16x1xi32> to vector<16xi32>
    %gather3A_585 = tpu.dynamic_gather %get3A_67[%gather3A_584] in [0] : vector<16xf32>, vector<16xi32> -> vector<16xf32>
    %select_n3A_586 = arith.select %eq3A_564, %gather3A_585, %select_n3A_561 : vector<16xi1>, vector<16xf32>
    %eq3A_587 = arith.constant 8 : i32
    %eq3A_588 = vector.broadcast %eq3A_587 : i32 to vector<16xi32>
    %eq3A_589 = arith.cmpi eq, %shift_right_logical3A_388, %eq3A_588 : vector<16xi32>
    %lt3A_590 = arith.constant 0 : i32
    %lt3A_591 = vector.broadcast %lt3A_590 : i32 to vector<16xi32>
    %lt3A_592 = arith.cmpi slt, %and3A_391, %lt3A_591 : vector<16xi32>
    %add3A_593 = arith.constant 16 : i32
    %add3A_594 = vector.broadcast %add3A_593 : i32 to vector<16xi32>
    %add3A_595 = arith.addi %and3A_391, %add3A_594 : vector<16xi32>
    %select_n3A_596 = arith.select %lt3A_592, %add3A_595, %and3A_391 : vector<16xi1>, vector<16xi32>
    %broadcast_in_dim3A_597 = vector.shape_cast %select_n3A_596 : vector<16xi32> to vector<16x1xi32>
    %gather3A_598 = vector.shape_cast %broadcast_in_dim3A_597 : vector<16x1xi32> to vector<16xi32>
    %gather3A_599 = tpu.dynamic_gather %get3A_34[%gather3A_598] in [0] : vector<16xf32>, vector<16xi32> -> vector<16xf32>
    %select_n3A_600 = arith.select %eq3A_589, %gather3A_599, %select_n3A_575 : vector<16xi1>, vector<16xf32>
    %lt3A_601 = arith.constant 0 : i32
    %lt3A_602 = vector.broadcast %lt3A_601 : i32 to vector<16xi32>
    %lt3A_603 = arith.cmpi slt, %and3A_391, %lt3A_602 : vector<16xi32>
    %add3A_604 = arith.constant 16 : i32
    %add3A_605 = vector.broadcast %add3A_604 : i32 to vector<16xi32>
    %add3A_606 = arith.addi %and3A_391, %add3A_605 : vector<16xi32>
    %select_n3A_607 = arith.select %lt3A_603, %add3A_606, %and3A_391 : vector<16xi1>, vector<16xi32>
    %broadcast_in_dim3A_608 = vector.shape_cast %select_n3A_607 : vector<16xi32> to vector<16x1xi32>
    %gather3A_609 = vector.shape_cast %broadcast_in_dim3A_608 : vector<16x1xi32> to vector<16xi32>
    %gather3A_610 = tpu.dynamic_gather %get3A_70[%gather3A_609] in [0] : vector<16xf32>, vector<16xi32> -> vector<16xf32>
    %select_n3A_611 = arith.select %eq3A_589, %gather3A_610, %select_n3A_586 : vector<16xi1>, vector<16xf32>
    %eq3A_612 = arith.constant 9 : i32
    %eq3A_613 = vector.broadcast %eq3A_612 : i32 to vector<16xi32>
    %eq3A_614 = arith.cmpi eq, %shift_right_logical3A_388, %eq3A_613 : vector<16xi32>
    %lt3A_615 = arith.constant 0 : i32
    %lt3A_616 = vector.broadcast %lt3A_615 : i32 to vector<16xi32>
    %lt3A_617 = arith.cmpi slt, %and3A_391, %lt3A_616 : vector<16xi32>
    %add3A_618 = arith.constant 16 : i32
    %add3A_619 = vector.broadcast %add3A_618 : i32 to vector<16xi32>
    %add3A_620 = arith.addi %and3A_391, %add3A_619 : vector<16xi32>
    %select_n3A_621 = arith.select %lt3A_617, %add3A_620, %and3A_391 : vector<16xi1>, vector<16xi32>
    %broadcast_in_dim3A_622 = vector.shape_cast %select_n3A_621 : vector<16xi32> to vector<16x1xi32>
    %gather3A_623 = vector.shape_cast %broadcast_in_dim3A_622 : vector<16x1xi32> to vector<16xi32>
    %gather3A_624 = tpu.dynamic_gather %get3A_37[%gather3A_623] in [0] : vector<16xf32>, vector<16xi32> -> vector<16xf32>
    %select_n3A_625 = arith.select %eq3A_614, %gather3A_624, %select_n3A_600 : vector<16xi1>, vector<16xf32>
    %lt3A_626 = arith.constant 0 : i32
    %lt3A_627 = vector.broadcast %lt3A_626 : i32 to vector<16xi32>
    %lt3A_628 = arith.cmpi slt, %and3A_391, %lt3A_627 : vector<16xi32>
    %add3A_629 = arith.constant 16 : i32
    %add3A_630 = vector.broadcast %add3A_629 : i32 to vector<16xi32>
    %add3A_631 = arith.addi %and3A_391, %add3A_630 : vector<16xi32>
    %select_n3A_632 = arith.select %lt3A_628, %add3A_631, %and3A_391 : vector<16xi1>, vector<16xi32>
    %broadcast_in_dim3A_633 = vector.shape_cast %select_n3A_632 : vector<16xi32> to vector<16x1xi32>
    %gather3A_634 = vector.shape_cast %broadcast_in_dim3A_633 : vector<16x1xi32> to vector<16xi32>
    %gather3A_635 = tpu.dynamic_gather %get3A_73[%gather3A_634] in [0] : vector<16xf32>, vector<16xi32> -> vector<16xf32>
    %select_n3A_636 = arith.select %eq3A_614, %gather3A_635, %select_n3A_611 : vector<16xi1>, vector<16xf32>
    %eq3A_637 = arith.constant 10 : i32
    %eq3A_638 = vector.broadcast %eq3A_637 : i32 to vector<16xi32>
    %eq3A_639 = arith.cmpi eq, %shift_right_logical3A_388, %eq3A_638 : vector<16xi32>
    %lt3A_640 = arith.constant 0 : i32
    %lt3A_641 = vector.broadcast %lt3A_640 : i32 to vector<16xi32>
    %lt3A_642 = arith.cmpi slt, %and3A_391, %lt3A_641 : vector<16xi32>
    %add3A_643 = arith.constant 16 : i32
    %add3A_644 = vector.broadcast %add3A_643 : i32 to vector<16xi32>
    %add3A_645 = arith.addi %and3A_391, %add3A_644 : vector<16xi32>
    %select_n3A_646 = arith.select %lt3A_642, %add3A_645, %and3A_391 : vector<16xi1>, vector<16xi32>
    %broadcast_in_dim3A_647 = vector.shape_cast %select_n3A_646 : vector<16xi32> to vector<16x1xi32>
    %gather3A_648 = vector.shape_cast %broadcast_in_dim3A_647 : vector<16x1xi32> to vector<16xi32>
    %gather3A_649 = tpu.dynamic_gather %get3A_40[%gather3A_648] in [0] : vector<16xf32>, vector<16xi32> -> vector<16xf32>
    %select_n3A_650 = arith.select %eq3A_639, %gather3A_649, %select_n3A_625 : vector<16xi1>, vector<16xf32>
    %lt3A_651 = arith.constant 0 : i32
    %lt3A_652 = vector.broadcast %lt3A_651 : i32 to vector<16xi32>
    %lt3A_653 = arith.cmpi slt, %and3A_391, %lt3A_652 : vector<16xi32>
    %add3A_654 = arith.constant 16 : i32
    %add3A_655 = vector.broadcast %add3A_654 : i32 to vector<16xi32>
    %add3A_656 = arith.addi %and3A_391, %add3A_655 : vector<16xi32>
    %select_n3A_657 = arith.select %lt3A_653, %add3A_656, %and3A_391 : vector<16xi1>, vector<16xi32>
    %broadcast_in_dim3A_658 = vector.shape_cast %select_n3A_657 : vector<16xi32> to vector<16x1xi32>
    %gather3A_659 = vector.shape_cast %broadcast_in_dim3A_658 : vector<16x1xi32> to vector<16xi32>
    %gather3A_660 = tpu.dynamic_gather %get3A_76[%gather3A_659] in [0] : vector<16xf32>, vector<16xi32> -> vector<16xf32>
    %select_n3A_661 = arith.select %eq3A_639, %gather3A_660, %select_n3A_636 : vector<16xi1>, vector<16xf32>
    %eq3A_662 = arith.constant 11 : i32
    %eq3A_663 = vector.broadcast %eq3A_662 : i32 to vector<16xi32>
    %eq3A_664 = arith.cmpi eq, %shift_right_logical3A_388, %eq3A_663 : vector<16xi32>
    %lt3A_665 = arith.constant 0 : i32
    %lt3A_666 = vector.broadcast %lt3A_665 : i32 to vector<16xi32>
    %lt3A_667 = arith.cmpi slt, %and3A_391, %lt3A_666 : vector<16xi32>
    %add3A_668 = arith.constant 16 : i32
    %add3A_669 = vector.broadcast %add3A_668 : i32 to vector<16xi32>
    %add3A_670 = arith.addi %and3A_391, %add3A_669 : vector<16xi32>
    %select_n3A_671 = arith.select %lt3A_667, %add3A_670, %and3A_391 : vector<16xi1>, vector<16xi32>
    %broadcast_in_dim3A_672 = vector.shape_cast %select_n3A_671 : vector<16xi32> to vector<16x1xi32>
    %gather3A_673 = vector.shape_cast %broadcast_in_dim3A_672 : vector<16x1xi32> to vector<16xi32>
    %gather3A_674 = tpu.dynamic_gather %get3A_43[%gather3A_673] in [0] : vector<16xf32>, vector<16xi32> -> vector<16xf32>
    %select_n3A_675 = arith.select %eq3A_664, %gather3A_674, %select_n3A_650 : vector<16xi1>, vector<16xf32>
    %lt3A_676 = arith.constant 0 : i32
    %lt3A_677 = vector.broadcast %lt3A_676 : i32 to vector<16xi32>
    %lt3A_678 = arith.cmpi slt, %and3A_391, %lt3A_677 : vector<16xi32>
    %add3A_679 = arith.constant 16 : i32
    %add3A_680 = vector.broadcast %add3A_679 : i32 to vector<16xi32>
    %add3A_681 = arith.addi %and3A_391, %add3A_680 : vector<16xi32>
    %select_n3A_682 = arith.select %lt3A_678, %add3A_681, %and3A_391 : vector<16xi1>, vector<16xi32>
    %broadcast_in_dim3A_683 = vector.shape_cast %select_n3A_682 : vector<16xi32> to vector<16x1xi32>
    %gather3A_684 = vector.shape_cast %broadcast_in_dim3A_683 : vector<16x1xi32> to vector<16xi32>
    %gather3A_685 = tpu.dynamic_gather %get3A_79[%gather3A_684] in [0] : vector<16xf32>, vector<16xi32> -> vector<16xf32>
    %select_n3A_686 = arith.select %eq3A_664, %gather3A_685, %select_n3A_661 : vector<16xi1>, vector<16xf32>
    %get3A_687 = arith.constant 16 : index
    %get3A_688 = tpu.vector_load %arg8[%get3A_687] {strides = array<i32>} : memref<256xf32, #tpu.memory_space<vmem>>, vector<16xf32>,
    %get3A_689 = vector.shape_cast %get3A_688 : vector<16xf32> to vector<16xf32>
    %sub3A_690 = arith.subf %get3A_689, %select_n3A_675 : vector<16xf32>
    %div3A_691 = arith.divf %sub3A_690, %select_n3A_686 : vector<16xf32>
    %swap3A_692 = arith.constant 16 : index
    %swap3A_693 = tpu.vector_load %arg11[%swap3A_692] {strides = array<i32>} : memref<256xf32, #tpu.memory_space<vmem>>, vector<16xf32>,
    %swap3A_694 = vector.shape_cast %swap3A_693 : vector<16xf32> to vector<16xf32>
    %swap3A_695 = vector.shape_cast %div3A_691 : vector<16xf32> to vector<16xf32>
    tpu.vector_store %arg11[%swap3A_692], %swap3A_695 {strides = array<i32>} : memref<256xf32, #tpu.memory_space<vmem>>, vector<16xf32>,
    %get3A_696 = arith.constant 32 : index
    %get3A_697 = tpu.vector_load %arg7[%get3A_696] {strides = array<i32>} : memref<256xi32, #tpu.memory_space<vmem>>, vector<16xi32>,
    %get3A_698 = vector.shape_cast %get3A_697 : vector<16xi32> to vector<16xi32>
    %shift_right_logical3A_699 = arith.constant 4 : i32
    %shift_right_logical3A_700 = vector.broadcast %shift_right_logical3A_699 : i32 to vector<16xi32>
    %shift_right_logical3A_701 = arith.shrui %get3A_698, %shift_right_logical3A_700 : vector<16xi32>
    %and3A_702 = arith.constant 15 : i32
    %and3A_703 = vector.broadcast %and3A_702 : i32 to vector<16xi32>
    %and3A_704 = arith.andi %get3A_698, %and3A_703 : vector<16xi32>
    %lt3A_705 = arith.constant 0 : i32
    %lt3A_706 = vector.broadcast %lt3A_705 : i32 to vector<16xi32>
    %lt3A_707 = arith.cmpi slt, %and3A_704, %lt3A_706 : vector<16xi32>
    %add3A_708 = arith.constant 16 : i32
    %add3A_709 = vector.broadcast %add3A_708 : i32 to vector<16xi32>
    %add3A_710 = arith.addi %and3A_704, %add3A_709 : vector<16xi32>
    %select_n3A_711 = arith.select %lt3A_707, %add3A_710, %and3A_704 : vector<16xi1>, vector<16xi32>
    %broadcast_in_dim3A_712 = vector.shape_cast %select_n3A_711 : vector<16xi32> to vector<16x1xi32>
    %gather3A_713 = vector.shape_cast %broadcast_in_dim3A_712 : vector<16x1xi32> to vector<16xi32>
    %gather3A_714 = tpu.dynamic_gather %get3A_10[%gather3A_713] in [0] : vector<16xf32>, vector<16xi32> -> vector<16xf32>
    %lt3A_715 = arith.constant 0 : i32
    %lt3A_716 = vector.broadcast %lt3A_715 : i32 to vector<16xi32>
    %lt3A_717 = arith.cmpi slt, %and3A_704, %lt3A_716 : vector<16xi32>
    %add3A_718 = arith.constant 16 : i32
    %add3A_719 = vector.broadcast %add3A_718 : i32 to vector<16xi32>
    %add3A_720 = arith.addi %and3A_704, %add3A_719 : vector<16xi32>
    %select_n3A_721 = arith.select %lt3A_717, %add3A_720, %and3A_704 : vector<16xi1>, vector<16xi32>
    %broadcast_in_dim3A_722 = vector.shape_cast %select_n3A_721 : vector<16xi32> to vector<16x1xi32>
    %gather3A_723 = vector.shape_cast %broadcast_in_dim3A_722 : vector<16x1xi32> to vector<16xi32>
    %gather3A_724 = tpu.dynamic_gather %get3A_46[%gather3A_723] in [0] : vector<16xf32>, vector<16xi32> -> vector<16xf32>
    %eq3A_725 = arith.constant 1 : i32
    %eq3A_726 = vector.broadcast %eq3A_725 : i32 to vector<16xi32>
    %eq3A_727 = arith.cmpi eq, %shift_right_logical3A_701, %eq3A_726 : vector<16xi32>
    %lt3A_728 = arith.constant 0 : i32
    %lt3A_729 = vector.broadcast %lt3A_728 : i32 to vector<16xi32>
    %lt3A_730 = arith.cmpi slt, %and3A_704, %lt3A_729 : vector<16xi32>
    %add3A_731 = arith.constant 16 : i32
    %add3A_732 = vector.broadcast %add3A_731 : i32 to vector<16xi32>
    %add3A_733 = arith.addi %and3A_704, %add3A_732 : vector<16xi32>
    %select_n3A_734 = arith.select %lt3A_730, %add3A_733, %and3A_704 : vector<16xi1>, vector<16xi32>
    %broadcast_in_dim3A_735 = vector.shape_cast %select_n3A_734 : vector<16xi32> to vector<16x1xi32>
    %gather3A_736 = vector.shape_cast %broadcast_in_dim3A_735 : vector<16x1xi32> to vector<16xi32>
    %gather3A_737 = tpu.dynamic_gather %get3A_13[%gather3A_736] in [0] : vector<16xf32>, vector<16xi32> -> vector<16xf32>
    %select_n3A_738 = arith.select %eq3A_727, %gather3A_737, %gather3A_714 : vector<16xi1>, vector<16xf32>
    %lt3A_739 = arith.constant 0 : i32
    %lt3A_740 = vector.broadcast %lt3A_739 : i32 to vector<16xi32>
    %lt3A_741 = arith.cmpi slt, %and3A_704, %lt3A_740 : vector<16xi32>
    %add3A_742 = arith.constant 16 : i32
    %add3A_743 = vector.broadcast %add3A_742 : i32 to vector<16xi32>
    %add3A_744 = arith.addi %and3A_704, %add3A_743 : vector<16xi32>
    %select_n3A_745 = arith.select %lt3A_741, %add3A_744, %and3A_704 : vector<16xi1>, vector<16xi32>
    %broadcast_in_dim3A_746 = vector.shape_cast %select_n3A_745 : vector<16xi32> to vector<16x1xi32>
    %gather3A_747 = vector.shape_cast %broadcast_in_dim3A_746 : vector<16x1xi32> to vector<16xi32>
    %gather3A_748 = tpu.dynamic_gather %get3A_49[%gather3A_747] in [0] : vector<16xf32>, vector<16xi32> -> vector<16xf32>
    %select_n3A_749 = arith.select %eq3A_727, %gather3A_748, %gather3A_724 : vector<16xi1>, vector<16xf32>
    %eq3A_750 = arith.constant 2 : i32
    %eq3A_751 = vector.broadcast %eq3A_750 : i32 to vector<16xi32>
    %eq3A_752 = arith.cmpi eq, %shift_right_logical3A_701, %eq3A_751 : vector<16xi32>
    %lt3A_753 = arith.constant 0 : i32
    %lt3A_754 = vector.broadcast %lt3A_753 : i32 to vector<16xi32>
    %lt3A_755 = arith.cmpi slt, %and3A_704, %lt3A_754 : vector<16xi32>
    %add3A_756 = arith.constant 16 : i32
    %add3A_757 = vector.broadcast %add3A_756 : i32 to vector<16xi32>
    %add3A_758 = arith.addi %and3A_704, %add3A_757 : vector<16xi32>
    %select_n3A_759 = arith.select %lt3A_755, %add3A_758, %and3A_704 : vector<16xi1>, vector<16xi32>
    %broadcast_in_dim3A_760 = vector.shape_cast %select_n3A_759 : vector<16xi32> to vector<16x1xi32>
    %gather3A_761 = vector.shape_cast %broadcast_in_dim3A_760 : vector<16x1xi32> to vector<16xi32>
    %gather3A_762 = tpu.dynamic_gather %get3A_16[%gather3A_761] in [0] : vector<16xf32>, vector<16xi32> -> vector<16xf32>
    %select_n3A_763 = arith.select %eq3A_752, %gather3A_762, %select_n3A_738 : vector<16xi1>, vector<16xf32>
    %lt3A_764 = arith.constant 0 : i32
    %lt3A_765 = vector.broadcast %lt3A_764 : i32 to vector<16xi32>
    %lt3A_766 = arith.cmpi slt, %and3A_704, %lt3A_765 : vector<16xi32>
    %add3A_767 = arith.constant 16 : i32
    %add3A_768 = vector.broadcast %add3A_767 : i32 to vector<16xi32>
    %add3A_769 = arith.addi %and3A_704, %add3A_768 : vector<16xi32>
    %select_n3A_770 = arith.select %lt3A_766, %add3A_769, %and3A_704 : vector<16xi1>, vector<16xi32>
    %broadcast_in_dim3A_771 = vector.shape_cast %select_n3A_770 : vector<16xi32> to vector<16x1xi32>
    %gather3A_772 = vector.shape_cast %broadcast_in_dim3A_771 : vector<16x1xi32> to vector<16xi32>
    %gather3A_773 = tpu.dynamic_gather %get3A_52[%gather3A_772] in [0] : vector<16xf32>, vector<16xi32> -> vector<16xf32>
    %select_n3A_774 = arith.select %eq3A_752, %gather3A_773, %select_n3A_749 : vector<16xi1>, vector<16xf32>
    %eq3A_775 = arith.constant 3 : i32
    %eq3A_776 = vector.broadcast %eq3A_775 : i32 to vector<16xi32>
    %eq3A_777 = arith.cmpi eq, %shift_right_logical3A_701, %eq3A_776 : vector<16xi32>
    %lt3A_778 = arith.constant 0 : i32
    %lt3A_779 = vector.broadcast %lt3A_778 : i32 to vector<16xi32>
    %lt3A_780 = arith.cmpi slt, %and3A_704, %lt3A_779 : vector<16xi32>
    %add3A_781 = arith.constant 16 : i32
    %add3A_782 = vector.broadcast %add3A_781 : i32 to vector<16xi32>
    %add3A_783 = arith.addi %and3A_704, %add3A_782 : vector<16xi32>
    %select_n3A_784 = arith.select %lt3A_780, %add3A_783, %and3A_704 : vector<16xi1>, vector<16xi32>
    %broadcast_in_dim3A_785 = vector.shape_cast %select_n3A_784 : vector<16xi32> to vector<16x1xi32>
    %gather3A_786 = vector.shape_cast %broadcast_in_dim3A_785 : vector<16x1xi32> to vector<16xi32>
    %gather3A_787 = tpu.dynamic_gather %get3A_19[%gather3A_786] in [0] : vector<16xf32>, vector<16xi32> -> vector<16xf32>
    %select_n3A_788 = arith.select %eq3A_777, %gather3A_787, %select_n3A_763 : vector<16xi1>, vector<16xf32>
    %lt3A_789 = arith.constant 0 : i32
    %lt3A_790 = vector.broadcast %lt3A_789 : i32 to vector<16xi32>
    %lt3A_791 = arith.cmpi slt, %and3A_704, %lt3A_790 : vector<16xi32>
    %add3A_792 = arith.constant 16 : i32
    %add3A_793 = vector.broadcast %add3A_792 : i32 to vector<16xi32>
    %add3A_794 = arith.addi %and3A_704, %add3A_793 : vector<16xi32>
    %select_n3A_795 = arith.select %lt3A_791, %add3A_794, %and3A_704 : vector<16xi1>, vector<16xi32>
    %broadcast_in_dim3A_796 = vector.shape_cast %select_n3A_795 : vector<16xi32> to vector<16x1xi32>
    %gather3A_797 = vector.shape_cast %broadcast_in_dim3A_796 : vector<16x1xi32> to vector<16xi32>
    %gather3A_798 = tpu.dynamic_gather %get3A_55[%gather3A_797] in [0] : vector<16xf32>, vector<16xi32> -> vector<16xf32>
    %select_n3A_799 = arith.select %eq3A_777, %gather3A_798, %select_n3A_774 : vector<16xi1>, vector<16xf32>
    %eq3A_800 = arith.constant 4 : i32
    %eq3A_801 = vector.broadcast %eq3A_800 : i32 to vector<16xi32>
    %eq3A_802 = arith.cmpi eq, %shift_right_logical3A_701, %eq3A_801 : vector<16xi32>
    %lt3A_803 = arith.constant 0 : i32
    %lt3A_804 = vector.broadcast %lt3A_803 : i32 to vector<16xi32>
    %lt3A_805 = arith.cmpi slt, %and3A_704, %lt3A_804 : vector<16xi32>
    %add3A_806 = arith.constant 16 : i32
    %add3A_807 = vector.broadcast %add3A_806 : i32 to vector<16xi32>
    %add3A_808 = arith.addi %and3A_704, %add3A_807 : vector<16xi32>
    %select_n3A_809 = arith.select %lt3A_805, %add3A_808, %and3A_704 : vector<16xi1>, vector<16xi32>
    %broadcast_in_dim3A_810 = vector.shape_cast %select_n3A_809 : vector<16xi32> to vector<16x1xi32>
    %gather3A_811 = vector.shape_cast %broadcast_in_dim3A_810 : vector<16x1xi32> to vector<16xi32>
    %gather3A_812 = tpu.dynamic_gather %get3A_22[%gather3A_811] in [0] : vector<16xf32>, vector<16xi32> -> vector<16xf32>
    %select_n3A_813 = arith.select %eq3A_802, %gather3A_812, %select_n3A_788 : vector<16xi1>, vector<16xf32>
    %lt3A_814 = arith.constant 0 : i32
    %lt3A_815 = vector.broadcast %lt3A_814 : i32 to vector<16xi32>
    %lt3A_816 = arith.cmpi slt, %and3A_704, %lt3A_815 : vector<16xi32>
    %add3A_817 = arith.constant 16 : i32
    %add3A_818 = vector.broadcast %add3A_817 : i32 to vector<16xi32>
    %add3A_819 = arith.addi %and3A_704, %add3A_818 : vector<16xi32>
    %select_n3A_820 = arith.select %lt3A_816, %add3A_819, %and3A_704 : vector<16xi1>, vector<16xi32>
    %broadcast_in_dim3A_821 = vector.shape_cast %select_n3A_820 : vector<16xi32> to vector<16x1xi32>
    %gather3A_822 = vector.shape_cast %broadcast_in_dim3A_821 : vector<16x1xi32> to vector<16xi32>
    %gather3A_823 = tpu.dynamic_gather %get3A_58[%gather3A_822] in [0] : vector<16xf32>, vector<16xi32> -> vector<16xf32>
    %select_n3A_824 = arith.select %eq3A_802, %gather3A_823, %select_n3A_799 : vector<16xi1>, vector<16xf32>
    %eq3A_825 = arith.constant 5 : i32
    %eq3A_826 = vector.broadcast %eq3A_825 : i32 to vector<16xi32>
    %eq3A_827 = arith.cmpi eq, %shift_right_logical3A_701, %eq3A_826 : vector<16xi32>
    %lt3A_828 = arith.constant 0 : i32
    %lt3A_829 = vector.broadcast %lt3A_828 : i32 to vector<16xi32>
    %lt3A_830 = arith.cmpi slt, %and3A_704, %lt3A_829 : vector<16xi32>
    %add3A_831 = arith.constant 16 : i32
    %add3A_832 = vector.broadcast %add3A_831 : i32 to vector<16xi32>
    %add3A_833 = arith.addi %and3A_704, %add3A_832 : vector<16xi32>
    %select_n3A_834 = arith.select %lt3A_830, %add3A_833, %and3A_704 : vector<16xi1>, vector<16xi32>
    %broadcast_in_dim3A_835 = vector.shape_cast %select_n3A_834 : vector<16xi32> to vector<16x1xi32>
    %gather3A_836 = vector.shape_cast %broadcast_in_dim3A_835 : vector<16x1xi32> to vector<16xi32>
    %gather3A_837 = tpu.dynamic_gather %get3A_25[%gather3A_836] in [0] : vector<16xf32>, vector<16xi32> -> vector<16xf32>
    %select_n3A_838 = arith.select %eq3A_827, %gather3A_837, %select_n3A_813 : vector<16xi1>, vector<16xf32>
    %lt3A_839 = arith.constant 0 : i32
    %lt3A_840 = vector.broadcast %lt3A_839 : i32 to vector<16xi32>
    %lt3A_841 = arith.cmpi slt, %and3A_704, %lt3A_840 : vector<16xi32>
    %add3A_842 = arith.constant 16 : i32
    %add3A_843 = vector.broadcast %add3A_842 : i32 to vector<16xi32>
    %add3A_844 = arith.addi %and3A_704, %add3A_843 : vector<16xi32>
    %select_n3A_845 = arith.select %lt3A_841, %add3A_844, %and3A_704 : vector<16xi1>, vector<16xi32>
    %broadcast_in_dim3A_846 = vector.shape_cast %select_n3A_845 : vector<16xi32> to vector<16x1xi32>
    %gather3A_847 = vector.shape_cast %broadcast_in_dim3A_846 : vector<16x1xi32> to vector<16xi32>
    %gather3A_848 = tpu.dynamic_gather %get3A_61[%gather3A_847] in [0] : vector<16xf32>, vector<16xi32> -> vector<16xf32>
    %select_n3A_849 = arith.select %eq3A_827, %gather3A_848, %select_n3A_824 : vector<16xi1>, vector<16xf32>
    %eq3A_850 = arith.constant 6 : i32
    %eq3A_851 = vector.broadcast %eq3A_850 : i32 to vector<16xi32>
    %eq3A_852 = arith.cmpi eq, %shift_right_logical3A_701, %eq3A_851 : vector<16xi32>
    %lt3A_853 = arith.constant 0 : i32
    %lt3A_854 = vector.broadcast %lt3A_853 : i32 to vector<16xi32>
    %lt3A_855 = arith.cmpi slt, %and3A_704, %lt3A_854 : vector<16xi32>
    %add3A_856 = arith.constant 16 : i32
    %add3A_857 = vector.broadcast %add3A_856 : i32 to vector<16xi32>
    %add3A_858 = arith.addi %and3A_704, %add3A_857 : vector<16xi32>
    %select_n3A_859 = arith.select %lt3A_855, %add3A_858, %and3A_704 : vector<16xi1>, vector<16xi32>
    %broadcast_in_dim3A_860 = vector.shape_cast %select_n3A_859 : vector<16xi32> to vector<16x1xi32>
    %gather3A_861 = vector.shape_cast %broadcast_in_dim3A_860 : vector<16x1xi32> to vector<16xi32>
    %gather3A_862 = tpu.dynamic_gather %get3A_28[%gather3A_861] in [0] : vector<16xf32>, vector<16xi32> -> vector<16xf32>
    %select_n3A_863 = arith.select %eq3A_852, %gather3A_862, %select_n3A_838 : vector<16xi1>, vector<16xf32>
    %lt3A_864 = arith.constant 0 : i32
    %lt3A_865 = vector.broadcast %lt3A_864 : i32 to vector<16xi32>
    %lt3A_866 = arith.cmpi slt, %and3A_704, %lt3A_865 : vector<16xi32>
    %add3A_867 = arith.constant 16 : i32
    %add3A_868 = vector.broadcast %add3A_867 : i32 to vector<16xi32>
    %add3A_869 = arith.addi %and3A_704, %add3A_868 : vector<16xi32>
    %select_n3A_870 = arith.select %lt3A_866, %add3A_869, %and3A_704 : vector<16xi1>, vector<16xi32>
    %broadcast_in_dim3A_871 = vector.shape_cast %select_n3A_870 : vector<16xi32> to vector<16x1xi32>
    %gather3A_872 = vector.shape_cast %broadcast_in_dim3A_871 : vector<16x1xi32> to vector<16xi32>
    %gather3A_873 = tpu.dynamic_gather %get3A_64[%gather3A_872] in [0] : vector<16xf32>, vector<16xi32> -> vector<16xf32>
    %select_n3A_874 = arith.select %eq3A_852, %gather3A_873, %select_n3A_849 : vector<16xi1>, vector<16xf32>
    %eq3A_875 = arith.constant 7 : i32
    %eq3A_876 = vector.broadcast %eq3A_875 : i32 to vector<16xi32>
    %eq3A_877 = arith.cmpi eq, %shift_right_logical3A_701, %eq3A_876 : vector<16xi32>
    %lt3A_878 = arith.constant 0 : i32
    %lt3A_879 = vector.broadcast %lt3A_878 : i32 to vector<16xi32>
    %lt3A_880 = arith.cmpi slt, %and3A_704, %lt3A_879 : vector<16xi32>
    %add3A_881 = arith.constant 16 : i32
    %add3A_882 = vector.broadcast %add3A_881 : i32 to vector<16xi32>
    %add3A_883 = arith.addi %and3A_704, %add3A_882 : vector<16xi32>
    %select_n3A_884 = arith.select %lt3A_880, %add3A_883, %and3A_704 : vector<16xi1>, vector<16xi32>
    %broadcast_in_dim3A_885 = vector.shape_cast %select_n3A_884 : vector<16xi32> to vector<16x1xi32>
    %gather3A_886 = vector.shape_cast %broadcast_in_dim3A_885 : vector<16x1xi32> to vector<16xi32>
    %gather3A_887 = tpu.dynamic_gather %get3A_31[%gather3A_886] in [0] : vector<16xf32>, vector<16xi32> -> vector<16xf32>
    %select_n3A_888 = arith.select %eq3A_877, %gather3A_887, %select_n3A_863 : vector<16xi1>, vector<16xf32>
    %lt3A_889 = arith.constant 0 : i32
    %lt3A_890 = vector.broadcast %lt3A_889 : i32 to vector<16xi32>
    %lt3A_891 = arith.cmpi slt, %and3A_704, %lt3A_890 : vector<16xi32>
    %add3A_892 = arith.constant 16 : i32
    %add3A_893 = vector.broadcast %add3A_892 : i32 to vector<16xi32>
    %add3A_894 = arith.addi %and3A_704, %add3A_893 : vector<16xi32>
    %select_n3A_895 = arith.select %lt3A_891, %add3A_894, %and3A_704 : vector<16xi1>, vector<16xi32>
    %broadcast_in_dim3A_896 = vector.shape_cast %select_n3A_895 : vector<16xi32> to vector<16x1xi32>
    %gather3A_897 = vector.shape_cast %broadcast_in_dim3A_896 : vector<16x1xi32> to vector<16xi32>
    %gather3A_898 = tpu.dynamic_gather %get3A_67[%gather3A_897] in [0] : vector<16xf32>, vector<16xi32> -> vector<16xf32>
    %select_n3A_899 = arith.select %eq3A_877, %gather3A_898, %select_n3A_874 : vector<16xi1>, vector<16xf32>
    %eq3A_900 = arith.constant 8 : i32
    %eq3A_901 = vector.broadcast %eq3A_900 : i32 to vector<16xi32>
    %eq3A_902 = arith.cmpi eq, %shift_right_logical3A_701, %eq3A_901 : vector<16xi32>
    %lt3A_903 = arith.constant 0 : i32
    %lt3A_904 = vector.broadcast %lt3A_903 : i32 to vector<16xi32>
    %lt3A_905 = arith.cmpi slt, %and3A_704, %lt3A_904 : vector<16xi32>
    %add3A_906 = arith.constant 16 : i32
    %add3A_907 = vector.broadcast %add3A_906 : i32 to vector<16xi32>
    %add3A_908 = arith.addi %and3A_704, %add3A_907 : vector<16xi32>
    %select_n3A_909 = arith.select %lt3A_905, %add3A_908, %and3A_704 : vector<16xi1>, vector<16xi32>
    %broadcast_in_dim3A_910 = vector.shape_cast %select_n3A_909 : vector<16xi32> to vector<16x1xi32>
    %gather3A_911 = vector.shape_cast %broadcast_in_dim3A_910 : vector<16x1xi32> to vector<16xi32>
    %gather3A_912 = tpu.dynamic_gather %get3A_34[%gather3A_911] in [0] : vector<16xf32>, vector<16xi32> -> vector<16xf32>
    %select_n3A_913 = arith.select %eq3A_902, %gather3A_912, %select_n3A_888 : vector<16xi1>, vector<16xf32>
    %lt3A_914 = arith.constant 0 : i32
    %lt3A_915 = vector.broadcast %lt3A_914 : i32 to vector<16xi32>
    %lt3A_916 = arith.cmpi slt, %and3A_704, %lt3A_915 : vector<16xi32>
    %add3A_917 = arith.constant 16 : i32
    %add3A_918 = vector.broadcast %add3A_917 : i32 to vector<16xi32>
    %add3A_919 = arith.addi %and3A_704, %add3A_918 : vector<16xi32>
    %select_n3A_920 = arith.select %lt3A_916, %add3A_919, %and3A_704 : vector<16xi1>, vector<16xi32>
    %broadcast_in_dim3A_921 = vector.shape_cast %select_n3A_920 : vector<16xi32> to vector<16x1xi32>
    %gather3A_922 = vector.shape_cast %broadcast_in_dim3A_921 : vector<16x1xi32> to vector<16xi32>
    %gather3A_923 = tpu.dynamic_gather %get3A_70[%gather3A_922] in [0] : vector<16xf32>, vector<16xi32> -> vector<16xf32>
    %select_n3A_924 = arith.select %eq3A_902, %gather3A_923, %select_n3A_899 : vector<16xi1>, vector<16xf32>
    %eq3A_925 = arith.constant 9 : i32
    %eq3A_926 = vector.broadcast %eq3A_925 : i32 to vector<16xi32>
    %eq3A_927 = arith.cmpi eq, %shift_right_logical3A_701, %eq3A_926 : vector<16xi32>
    %lt3A_928 = arith.constant 0 : i32
    %lt3A_929 = vector.broadcast %lt3A_928 : i32 to vector<16xi32>
    %lt3A_930 = arith.cmpi slt, %and3A_704, %lt3A_929 : vector<16xi32>
    %add3A_931 = arith.constant 16 : i32
    %add3A_932 = vector.broadcast %add3A_931 : i32 to vector<16xi32>
    %add3A_933 = arith.addi %and3A_704, %add3A_932 : vector<16xi32>
    %select_n3A_934 = arith.select %lt3A_930, %add3A_933, %and3A_704 : vector<16xi1>, vector<16xi32>
    %broadcast_in_dim3A_935 = vector.shape_cast %select_n3A_934 : vector<16xi32> to vector<16x1xi32>
    %gather3A_936 = vector.shape_cast %broadcast_in_dim3A_935 : vector<16x1xi32> to vector<16xi32>
    %gather3A_937 = tpu.dynamic_gather %get3A_37[%gather3A_936] in [0] : vector<16xf32>, vector<16xi32> -> vector<16xf32>
    %select_n3A_938 = arith.select %eq3A_927, %gather3A_937, %select_n3A_913 : vector<16xi1>, vector<16xf32>
    %lt3A_939 = arith.constant 0 : i32
    %lt3A_940 = vector.broadcast %lt3A_939 : i32 to vector<16xi32>
    %lt3A_941 = arith.cmpi slt, %and3A_704, %lt3A_940 : vector<16xi32>
    %add3A_942 = arith.constant 16 : i32
    %add3A_943 = vector.broadcast %add3A_942 : i32 to vector<16xi32>
    %add3A_944 = arith.addi %and3A_704, %add3A_943 : vector<16xi32>
    %select_n3A_945 = arith.select %lt3A_941, %add3A_944, %and3A_704 : vector<16xi1>, vector<16xi32>
    %broadcast_in_dim3A_946 = vector.shape_cast %select_n3A_945 : vector<16xi32> to vector<16x1xi32>
    %gather3A_947 = vector.shape_cast %broadcast_in_dim3A_946 : vector<16x1xi32> to vector<16xi32>
    %gather3A_948 = tpu.dynamic_gather %get3A_73[%gather3A_947] in [0] : vector<16xf32>, vector<16xi32> -> vector<16xf32>
    %select_n3A_949 = arith.select %eq3A_927, %gather3A_948, %select_n3A_924 : vector<16xi1>, vector<16xf32>
    %eq3A_950 = arith.constant 10 : i32
    %eq3A_951 = vector.broadcast %eq3A_950 : i32 to vector<16xi32>
    %eq3A_952 = arith.cmpi eq, %shift_right_logical3A_701, %eq3A_951 : vector<16xi32>
    %lt3A_953 = arith.constant 0 : i32
    %lt3A_954 = vector.broadcast %lt3A_953 : i32 to vector<16xi32>
    %lt3A_955 = arith.cmpi slt, %and3A_704, %lt3A_954 : vector<16xi32>
    %add3A_956 = arith.constant 16 : i32
    %add3A_957 = vector.broadcast %add3A_956 : i32 to vector<16xi32>
    %add3A_958 = arith.addi %and3A_704, %add3A_957 : vector<16xi32>
    %select_n3A_959 = arith.select %lt3A_955, %add3A_958, %and3A_704 : vector<16xi1>, vector<16xi32>
    %broadcast_in_dim3A_960 = vector.shape_cast %select_n3A_959 : vector<16xi32> to vector<16x1xi32>
    %gather3A_961 = vector.shape_cast %broadcast_in_dim3A_960 : vector<16x1xi32> to vector<16xi32>
    %gather3A_962 = tpu.dynamic_gather %get3A_40[%gather3A_961] in [0] : vector<16xf32>, vector<16xi32> -> vector<16xf32>
    %select_n3A_963 = arith.select %eq3A_952, %gather3A_962, %select_n3A_938 : vector<16xi1>, vector<16xf32>
    %lt3A_964 = arith.constant 0 : i32
    %lt3A_965 = vector.broadcast %lt3A_964 : i32 to vector<16xi32>
    %lt3A_966 = arith.cmpi slt, %and3A_704, %lt3A_965 : vector<16xi32>
    %add3A_967 = arith.constant 16 : i32
    %add3A_968 = vector.broadcast %add3A_967 : i32 to vector<16xi32>
    %add3A_969 = arith.addi %and3A_704, %add3A_968 : vector<16xi32>
    %select_n3A_970 = arith.select %lt3A_966, %add3A_969, %and3A_704 : vector<16xi1>, vector<16xi32>
    %broadcast_in_dim3A_971 = vector.shape_cast %select_n3A_970 : vector<16xi32> to vector<16x1xi32>
    %gather3A_972 = vector.shape_cast %broadcast_in_dim3A_971 : vector<16x1xi32> to vector<16xi32>
    %gather3A_973 = tpu.dynamic_gather %get3A_76[%gather3A_972] in [0] : vector<16xf32>, vector<16xi32> -> vector<16xf32>
    %select_n3A_974 = arith.select %eq3A_952, %gather3A_973, %select_n3A_949 : vector<16xi1>, vector<16xf32>
    %eq3A_975 = arith.constant 11 : i32
    %eq3A_976 = vector.broadcast %eq3A_975 : i32 to vector<16xi32>
    %eq3A_977 = arith.cmpi eq, %shift_right_logical3A_701, %eq3A_976 : vector<16xi32>
    %lt3A_978 = arith.constant 0 : i32
    %lt3A_979 = vector.broadcast %lt3A_978 : i32 to vector<16xi32>
    %lt3A_980 = arith.cmpi slt, %and3A_704, %lt3A_979 : vector<16xi32>
    %add3A_981 = arith.constant 16 : i32
    %add3A_982 = vector.broadcast %add3A_981 : i32 to vector<16xi32>
    %add3A_983 = arith.addi %and3A_704, %add3A_982 : vector<16xi32>
    %select_n3A_984 = arith.select %lt3A_980, %add3A_983, %and3A_704 : vector<16xi1>, vector<16xi32>
    %broadcast_in_dim3A_985 = vector.shape_cast %select_n3A_984 : vector<16xi32> to vector<16x1xi32>
    %gather3A_986 = vector.shape_cast %broadcast_in_dim3A_985 : vector<16x1xi32> to vector<16xi32>
    %gather3A_987 = tpu.dynamic_gather %get3A_43[%gather3A_986] in [0] : vector<16xf32>, vector<16xi32> -> vector<16xf32>
    %select_n3A_988 = arith.select %eq3A_977, %gather3A_987, %select_n3A_963 : vector<16xi1>, vector<16xf32>
    %lt3A_989 = arith.constant 0 : i32
    %lt3A_990 = vector.broadcast %lt3A_989 : i32 to vector<16xi32>
    %lt3A_991 = arith.cmpi slt, %and3A_704, %lt3A_990 : vector<16xi32>
    %add3A_992 = arith.constant 16 : i32
    %add3A_993 = vector.broadcast %add3A_992 : i32 to vector<16xi32>
    %add3A_994 = arith.addi %and3A_704, %add3A_993 : vector<16xi32>
    %select_n3A_995 = arith.select %lt3A_991, %add3A_994, %and3A_704 : vector<16xi1>, vector<16xi32>
    %broadcast_in_dim3A_996 = vector.shape_cast %select_n3A_995 : vector<16xi32> to vector<16x1xi32>
    %gather3A_997 = vector.shape_cast %broadcast_in_dim3A_996 : vector<16x1xi32> to vector<16xi32>
    %gather3A_998 = tpu.dynamic_gather %get3A_79[%gather3A_997] in [0] : vector<16xf32>, vector<16xi32> -> vector<16xf32>
    %select_n3A_999 = arith.select %eq3A_977, %gather3A_998, %select_n3A_974 : vector<16xi1>, vector<16xf32>
    %get3A_1000 = arith.constant 32 : index
    %get3A_1001 = tpu.vector_load %arg8[%get3A_1000] {strides = array<i32>} : memref<256xf32, #tpu.memory_space<vmem>>, vector<16xf32>,
    %get3A_1002 = vector.shape_cast %get3A_1001 : vector<16xf32> to vector<16xf32>
    %sub3A_1003 = arith.subf %get3A_1002, %select_n3A_988 : vector<16xf32>
    %div3A_1004 = arith.divf %sub3A_1003, %select_n3A_999 : vector<16xf32>
    %swap3A_1005 = arith.constant 32 : index
    %swap3A_1006 = tpu.vector_load %arg11[%swap3A_1005] {strides = array<i32>} : memref<256xf32, #tpu.memory_space<vmem>>, vector<16xf32>,
    %swap3A_1007 = vector.shape_cast %swap3A_1006 : vector<16xf32> to vector<16xf32>
    %swap3A_1008 = vector.shape_cast %div3A_1004 : vector<16xf32> to vector<16xf32>
    tpu.vector_store %arg11[%swap3A_1005], %swap3A_1008 {strides = array<i32>} : memref<256xf32, #tpu.memory_space<vmem>>, vector<16xf32>,
    %get3A_1009 = arith.constant 48 : index
    %get3A_1010 = tpu.vector_load %arg7[%get3A_1009] {strides = array<i32>} : memref<256xi32, #tpu.memory_space<vmem>>, vector<16xi32>,
    %get3A_1011 = vector.shape_cast %get3A_1010 : vector<16xi32> to vector<16xi32>
    %shift_right_logical3A_1012 = arith.constant 4 : i32
    %shift_right_logical3A_1013 = vector.broadcast %shift_right_logical3A_1012 : i32 to vector<16xi32>
    %shift_right_logical3A_1014 = arith.shrui %get3A_1011, %shift_right_logical3A_1013 : vector<16xi32>
    %and3A_1015 = arith.constant 15 : i32
    %and3A_1016 = vector.broadcast %and3A_1015 : i32 to vector<16xi32>
    %and3A_1017 = arith.andi %get3A_1011, %and3A_1016 : vector<16xi32>
    %lt3A_1018 = arith.constant 0 : i32
    %lt3A_1019 = vector.broadcast %lt3A_1018 : i32 to vector<16xi32>
    %lt3A_1020 = arith.cmpi slt, %and3A_1017, %lt3A_1019 : vector<16xi32>
    %add3A_1021 = arith.constant 16 : i32
    %add3A_1022 = vector.broadcast %add3A_1021 : i32 to vector<16xi32>
    %add3A_1023 = arith.addi %and3A_1017, %add3A_1022 : vector<16xi32>
    %select_n3A_1024 = arith.select %lt3A_1020, %add3A_1023, %and3A_1017 : vector<16xi1>, vector<16xi32>
    %broadcast_in_dim3A_1025 = vector.shape_cast %select_n3A_1024 : vector<16xi32> to vector<16x1xi32>
    %gather3A_1026 = vector.shape_cast %broadcast_in_dim3A_1025 : vector<16x1xi32> to vector<16xi32>
    %gather3A_1027 = tpu.dynamic_gather %get3A_10[%gather3A_1026] in [0] : vector<16xf32>, vector<16xi32> -> vector<16xf32>
    %lt3A_1028 = arith.constant 0 : i32
    %lt3A_1029 = vector.broadcast %lt3A_1028 : i32 to vector<16xi32>
    %lt3A_1030 = arith.cmpi slt, %and3A_1017, %lt3A_1029 : vector<16xi32>
    %add3A_1031 = arith.constant 16 : i32
    %add3A_1032 = vector.broadcast %add3A_1031 : i32 to vector<16xi32>
    %add3A_1033 = arith.addi %and3A_1017, %add3A_1032 : vector<16xi32>
    %select_n3A_1034 = arith.select %lt3A_1030, %add3A_1033, %and3A_1017 : vector<16xi1>, vector<16xi32>
    %broadcast_in_dim3A_1035 = vector.shape_cast %select_n3A_1034 : vector<16xi32> to vector<16x1xi32>
    %gather3A_1036 = vector.shape_cast %broadcast_in_dim3A_1035 : vector<16x1xi32> to vector<16xi32>
    %gather3A_1037 = tpu.dynamic_gather %get3A_46[%gather3A_1036] in [0] : vector<16xf32>, vector<16xi32> -> vector<16xf32>
    %eq3A_1038 = arith.constant 1 : i32
    %eq3A_1039 = vector.broadcast %eq3A_1038 : i32 to vector<16xi32>
    %eq3A_1040 = arith.cmpi eq, %shift_right_logical3A_1014, %eq3A_1039 : vector<16xi32>
    %lt3A_1041 = arith.constant 0 : i32
    %lt3A_1042 = vector.broadcast %lt3A_1041 : i32 to vector<16xi32>
    %lt3A_1043 = arith.cmpi slt, %and3A_1017, %lt3A_1042 : vector<16xi32>
    %add3A_1044 = arith.constant 16 : i32
    %add3A_1045 = vector.broadcast %add3A_1044 : i32 to vector<16xi32>
    %add3A_1046 = arith.addi %and3A_1017, %add3A_1045 : vector<16xi32>
    %select_n3A_1047 = arith.select %lt3A_1043, %add3A_1046, %and3A_1017 : vector<16xi1>, vector<16xi32>
    %broadcast_in_dim3A_1048 = vector.shape_cast %select_n3A_1047 : vector<16xi32> to vector<16x1xi32>
    %gather3A_1049 = vector.shape_cast %broadcast_in_dim3A_1048 : vector<16x1xi32> to vector<16xi32>
    %gather3A_1050 = tpu.dynamic_gather %get3A_13[%gather3A_1049] in [0] : vector<16xf32>, vector<16xi32> -> vector<16xf32>
    %select_n3A_1051 = arith.select %eq3A_1040, %gather3A_1050, %gather3A_1027 : vector<16xi1>, vector<16xf32>
    %lt3A_1052 = arith.constant 0 : i32
    %lt3A_1053 = vector.broadcast %lt3A_1052 : i32 to vector<16xi32>
    %lt3A_1054 = arith.cmpi slt, %and3A_1017, %lt3A_1053 : vector<16xi32>
    %add3A_1055 = arith.constant 16 : i32
    %add3A_1056 = vector.broadcast %add3A_1055 : i32 to vector<16xi32>
    %add3A_1057 = arith.addi %and3A_1017, %add3A_1056 : vector<16xi32>
    %select_n3A_1058 = arith.select %lt3A_1054, %add3A_1057, %and3A_1017 : vector<16xi1>, vector<16xi32>
    %broadcast_in_dim3A_1059 = vector.shape_cast %select_n3A_1058 : vector<16xi32> to vector<16x1xi32>
    %gather3A_1060 = vector.shape_cast %broadcast_in_dim3A_1059 : vector<16x1xi32> to vector<16xi32>
    %gather3A_1061 = tpu.dynamic_gather %get3A_49[%gather3A_1060] in [0] : vector<16xf32>, vector<16xi32> -> vector<16xf32>
    %select_n3A_1062 = arith.select %eq3A_1040, %gather3A_1061, %gather3A_1037 : vector<16xi1>, vector<16xf32>
    %eq3A_1063 = arith.constant 2 : i32
    %eq3A_1064 = vector.broadcast %eq3A_1063 : i32 to vector<16xi32>
    %eq3A_1065 = arith.cmpi eq, %shift_right_logical3A_1014, %eq3A_1064 : vector<16xi32>
    %lt3A_1066 = arith.constant 0 : i32
    %lt3A_1067 = vector.broadcast %lt3A_1066 : i32 to vector<16xi32>
    %lt3A_1068 = arith.cmpi slt, %and3A_1017, %lt3A_1067 : vector<16xi32>
    %add3A_1069 = arith.constant 16 : i32
    %add3A_1070 = vector.broadcast %add3A_1069 : i32 to vector<16xi32>
    %add3A_1071 = arith.addi %and3A_1017, %add3A_1070 : vector<16xi32>
    %select_n3A_1072 = arith.select %lt3A_1068, %add3A_1071, %and3A_1017 : vector<16xi1>, vector<16xi32>
    %broadcast_in_dim3A_1073 = vector.shape_cast %select_n3A_1072 : vector<16xi32> to vector<16x1xi32>
    %gather3A_1074 = vector.shape_cast %broadcast_in_dim3A_1073 : vector<16x1xi32> to vector<16xi32>
    %gather3A_1075 = tpu.dynamic_gather %get3A_16[%gather3A_1074] in [0] : vector<16xf32>, vector<16xi32> -> vector<16xf32>
    %select_n3A_1076 = arith.select %eq3A_1065, %gather3A_1075, %select_n3A_1051 : vector<16xi1>, vector<16xf32>
    %lt3A_1077 = arith.constant 0 : i32
    %lt3A_1078 = vector.broadcast %lt3A_1077 : i32 to vector<16xi32>
    %lt3A_1079 = arith.cmpi slt, %and3A_1017, %lt3A_1078 : vector<16xi32>
    %add3A_1080 = arith.constant 16 : i32
    %add3A_1081 = vector.broadcast %add3A_1080 : i32 to vector<16xi32>
    %add3A_1082 = arith.addi %and3A_1017, %add3A_1081 : vector<16xi32>
    %select_n3A_1083 = arith.select %lt3A_1079, %add3A_1082, %and3A_1017 : vector<16xi1>, vector<16xi32>
    %broadcast_in_dim3A_1084 = vector.shape_cast %select_n3A_1083 : vector<16xi32> to vector<16x1xi32>
    %gather3A_1085 = vector.shape_cast %broadcast_in_dim3A_1084 : vector<16x1xi32> to vector<16xi32>
    %gather3A_1086 = tpu.dynamic_gather %get3A_52[%gather3A_1085] in [0] : vector<16xf32>, vector<16xi32> -> vector<16xf32>
    %select_n3A_1087 = arith.select %eq3A_1065, %gather3A_1086, %select_n3A_1062 : vector<16xi1>, vector<16xf32>
    %eq3A_1088 = arith.constant 3 : i32
    %eq3A_1089 = vector.broadcast %eq3A_1088 : i32 to vector<16xi32>
    %eq3A_1090 = arith.cmpi eq, %shift_right_logical3A_1014, %eq3A_1089 : vector<16xi32>
    %lt3A_1091 = arith.constant 0 : i32
    %lt3A_1092 = vector.broadcast %lt3A_1091 : i32 to vector<16xi32>
    %lt3A_1093 = arith.cmpi slt, %and3A_1017, %lt3A_1092 : vector<16xi32>
    %add3A_1094 = arith.constant 16 : i32
    %add3A_1095 = vector.broadcast %add3A_1094 : i32 to vector<16xi32>
    %add3A_1096 = arith.addi %and3A_1017, %add3A_1095 : vector<16xi32>
    %select_n3A_1097 = arith.select %lt3A_1093, %add3A_1096, %and3A_1017 : vector<16xi1>, vector<16xi32>
    %broadcast_in_dim3A_1098 = vector.shape_cast %select_n3A_1097 : vector<16xi32> to vector<16x1xi32>
    %gather3A_1099 = vector.shape_cast %broadcast_in_dim3A_1098 : vector<16x1xi32> to vector<16xi32>
    %gather3A_1100 = tpu.dynamic_gather %get3A_19[%gather3A_1099] in [0] : vector<16xf32>, vector<16xi32> -> vector<16xf32>
    %select_n3A_1101 = arith.select %eq3A_1090, %gather3A_1100, %select_n3A_1076 : vector<16xi1>, vector<16xf32>
    %lt3A_1102 = arith.constant 0 : i32
    %lt3A_1103 = vector.broadcast %lt3A_1102 : i32 to vector<16xi32>
    %lt3A_1104 = arith.cmpi slt, %and3A_1017, %lt3A_1103 : vector<16xi32>
    %add3A_1105 = arith.constant 16 : i32
    %add3A_1106 = vector.broadcast %add3A_1105 : i32 to vector<16xi32>
    %add3A_1107 = arith.addi %and3A_1017, %add3A_1106 : vector<16xi32>
    %select_n3A_1108 = arith.select %lt3A_1104, %add3A_1107, %and3A_1017 : vector<16xi1>, vector<16xi32>
    %broadcast_in_dim3A_1109 = vector.shape_cast %select_n3A_1108 : vector<16xi32> to vector<16x1xi32>
    %gather3A_1110 = vector.shape_cast %broadcast_in_dim3A_1109 : vector<16x1xi32> to vector<16xi32>
    %gather3A_1111 = tpu.dynamic_gather %get3A_55[%gather3A_1110] in [0] : vector<16xf32>, vector<16xi32> -> vector<16xf32>
    %select_n3A_1112 = arith.select %eq3A_1090, %gather3A_1111, %select_n3A_1087 : vector<16xi1>, vector<16xf32>
    %eq3A_1113 = arith.constant 4 : i32
    %eq3A_1114 = vector.broadcast %eq3A_1113 : i32 to vector<16xi32>
    %eq3A_1115 = arith.cmpi eq, %shift_right_logical3A_1014, %eq3A_1114 : vector<16xi32>
    %lt3A_1116 = arith.constant 0 : i32
    %lt3A_1117 = vector.broadcast %lt3A_1116 : i32 to vector<16xi32>
    %lt3A_1118 = arith.cmpi slt, %and3A_1017, %lt3A_1117 : vector<16xi32>
    %add3A_1119 = arith.constant 16 : i32
    %add3A_1120 = vector.broadcast %add3A_1119 : i32 to vector<16xi32>
    %add3A_1121 = arith.addi %and3A_1017, %add3A_1120 : vector<16xi32>
    %select_n3A_1122 = arith.select %lt3A_1118, %add3A_1121, %and3A_1017 : vector<16xi1>, vector<16xi32>
    %broadcast_in_dim3A_1123 = vector.shape_cast %select_n3A_1122 : vector<16xi32> to vector<16x1xi32>
    %gather3A_1124 = vector.shape_cast %broadcast_in_dim3A_1123 : vector<16x1xi32> to vector<16xi32>
    %gather3A_1125 = tpu.dynamic_gather %get3A_22[%gather3A_1124] in [0] : vector<16xf32>, vector<16xi32> -> vector<16xf32>
    %select_n3A_1126 = arith.select %eq3A_1115, %gather3A_1125, %select_n3A_1101 : vector<16xi1>, vector<16xf32>
    %lt3A_1127 = arith.constant 0 : i32
    %lt3A_1128 = vector.broadcast %lt3A_1127 : i32 to vector<16xi32>
    %lt3A_1129 = arith.cmpi slt, %and3A_1017, %lt3A_1128 : vector<16xi32>
    %add3A_1130 = arith.constant 16 : i32
    %add3A_1131 = vector.broadcast %add3A_1130 : i32 to vector<16xi32>
    %add3A_1132 = arith.addi %and3A_1017, %add3A_1131 : vector<16xi32>
    %select_n3A_1133 = arith.select %lt3A_1129, %add3A_1132, %and3A_1017 : vector<16xi1>, vector<16xi32>
    %broadcast_in_dim3A_1134 = vector.shape_cast %select_n3A_1133 : vector<16xi32> to vector<16x1xi32>
    %gather3A_1135 = vector.shape_cast %broadcast_in_dim3A_1134 : vector<16x1xi32> to vector<16xi32>
    %gather3A_1136 = tpu.dynamic_gather %get3A_58[%gather3A_1135] in [0] : vector<16xf32>, vector<16xi32> -> vector<16xf32>
    %select_n3A_1137 = arith.select %eq3A_1115, %gather3A_1136, %select_n3A_1112 : vector<16xi1>, vector<16xf32>
    %eq3A_1138 = arith.constant 5 : i32
    %eq3A_1139 = vector.broadcast %eq3A_1138 : i32 to vector<16xi32>
    %eq3A_1140 = arith.cmpi eq, %shift_right_logical3A_1014, %eq3A_1139 : vector<16xi32>
    %lt3A_1141 = arith.constant 0 : i32
    %lt3A_1142 = vector.broadcast %lt3A_1141 : i32 to vector<16xi32>
    %lt3A_1143 = arith.cmpi slt, %and3A_1017, %lt3A_1142 : vector<16xi32>
    %add3A_1144 = arith.constant 16 : i32
    %add3A_1145 = vector.broadcast %add3A_1144 : i32 to vector<16xi32>
    %add3A_1146 = arith.addi %and3A_1017, %add3A_1145 : vector<16xi32>
    %select_n3A_1147 = arith.select %lt3A_1143, %add3A_1146, %and3A_1017 : vector<16xi1>, vector<16xi32>
    %broadcast_in_dim3A_1148 = vector.shape_cast %select_n3A_1147 : vector<16xi32> to vector<16x1xi32>
    %gather3A_1149 = vector.shape_cast %broadcast_in_dim3A_1148 : vector<16x1xi32> to vector<16xi32>
    %gather3A_1150 = tpu.dynamic_gather %get3A_25[%gather3A_1149] in [0] : vector<16xf32>, vector<16xi32> -> vector<16xf32>
    %select_n3A_1151 = arith.select %eq3A_1140, %gather3A_1150, %select_n3A_1126 : vector<16xi1>, vector<16xf32>
    %lt3A_1152 = arith.constant 0 : i32
    %lt3A_1153 = vector.broadcast %lt3A_1152 : i32 to vector<16xi32>
    %lt3A_1154 = arith.cmpi slt, %and3A_1017, %lt3A_1153 : vector<16xi32>
    %add3A_1155 = arith.constant 16 : i32
    %add3A_1156 = vector.broadcast %add3A_1155 : i32 to vector<16xi32>
    %add3A_1157 = arith.addi %and3A_1017, %add3A_1156 : vector<16xi32>
    %select_n3A_1158 = arith.select %lt3A_1154, %add3A_1157, %and3A_1017 : vector<16xi1>, vector<16xi32>
    %broadcast_in_dim3A_1159 = vector.shape_cast %select_n3A_1158 : vector<16xi32> to vector<16x1xi32>
    %gather3A_1160 = vector.shape_cast %broadcast_in_dim3A_1159 : vector<16x1xi32> to vector<16xi32>
    %gather3A_1161 = tpu.dynamic_gather %get3A_61[%gather3A_1160] in [0] : vector<16xf32>, vector<16xi32> -> vector<16xf32>
    %select_n3A_1162 = arith.select %eq3A_1140, %gather3A_1161, %select_n3A_1137 : vector<16xi1>, vector<16xf32>
    %eq3A_1163 = arith.constant 6 : i32
    %eq3A_1164 = vector.broadcast %eq3A_1163 : i32 to vector<16xi32>
    %eq3A_1165 = arith.cmpi eq, %shift_right_logical3A_1014, %eq3A_1164 : vector<16xi32>
    %lt3A_1166 = arith.constant 0 : i32
    %lt3A_1167 = vector.broadcast %lt3A_1166 : i32 to vector<16xi32>
    %lt3A_1168 = arith.cmpi slt, %and3A_1017, %lt3A_1167 : vector<16xi32>
    %add3A_1169 = arith.constant 16 : i32
    %add3A_1170 = vector.broadcast %add3A_1169 : i32 to vector<16xi32>
    %add3A_1171 = arith.addi %and3A_1017, %add3A_1170 : vector<16xi32>
    %select_n3A_1172 = arith.select %lt3A_1168, %add3A_1171, %and3A_1017 : vector<16xi1>, vector<16xi32>
    %broadcast_in_dim3A_1173 = vector.shape_cast %select_n3A_1172 : vector<16xi32> to vector<16x1xi32>
    %gather3A_1174 = vector.shape_cast %broadcast_in_dim3A_1173 : vector<16x1xi32> to vector<16xi32>
    %gather3A_1175 = tpu.dynamic_gather %get3A_28[%gather3A_1174] in [0] : vector<16xf32>, vector<16xi32> -> vector<16xf32>
    %select_n3A_1176 = arith.select %eq3A_1165, %gather3A_1175, %select_n3A_1151 : vector<16xi1>, vector<16xf32>
    %lt3A_1177 = arith.constant 0 : i32
    %lt3A_1178 = vector.broadcast %lt3A_1177 : i32 to vector<16xi32>
    %lt3A_1179 = arith.cmpi slt, %and3A_1017, %lt3A_1178 : vector<16xi32>
    %add3A_1180 = arith.constant 16 : i32
    %add3A_1181 = vector.broadcast %add3A_1180 : i32 to vector<16xi32>
    %add3A_1182 = arith.addi %and3A_1017, %add3A_1181 : vector<16xi32>
    %select_n3A_1183 = arith.select %lt3A_1179, %add3A_1182, %and3A_1017 : vector<16xi1>, vector<16xi32>
    %broadcast_in_dim3A_1184 = vector.shape_cast %select_n3A_1183 : vector<16xi32> to vector<16x1xi32>
    %gather3A_1185 = vector.shape_cast %broadcast_in_dim3A_1184 : vector<16x1xi32> to vector<16xi32>
    %gather3A_1186 = tpu.dynamic_gather %get3A_64[%gather3A_1185] in [0] : vector<16xf32>, vector<16xi32> -> vector<16xf32>
    %select_n3A_1187 = arith.select %eq3A_1165, %gather3A_1186, %select_n3A_1162 : vector<16xi1>, vector<16xf32>
    %eq3A_1188 = arith.constant 7 : i32
    %eq3A_1189 = vector.broadcast %eq3A_1188 : i32 to vector<16xi32>
    %eq3A_1190 = arith.cmpi eq, %shift_right_logical3A_1014, %eq3A_1189 : vector<16xi32>
    %lt3A_1191 = arith.constant 0 : i32
    %lt3A_1192 = vector.broadcast %lt3A_1191 : i32 to vector<16xi32>
    %lt3A_1193 = arith.cmpi slt, %and3A_1017, %lt3A_1192 : vector<16xi32>
    %add3A_1194 = arith.constant 16 : i32
    %add3A_1195 = vector.broadcast %add3A_1194 : i32 to vector<16xi32>
    %add3A_1196 = arith.addi %and3A_1017, %add3A_1195 : vector<16xi32>
    %select_n3A_1197 = arith.select %lt3A_1193, %add3A_1196, %and3A_1017 : vector<16xi1>, vector<16xi32>
    %broadcast_in_dim3A_1198 = vector.shape_cast %select_n3A_1197 : vector<16xi32> to vector<16x1xi32>
    %gather3A_1199 = vector.shape_cast %broadcast_in_dim3A_1198 : vector<16x1xi32> to vector<16xi32>
    %gather3A_1200 = tpu.dynamic_gather %get3A_31[%gather3A_1199] in [0] : vector<16xf32>, vector<16xi32> -> vector<16xf32>
    %select_n3A_1201 = arith.select %eq3A_1190, %gather3A_1200, %select_n3A_1176 : vector<16xi1>, vector<16xf32>
    %lt3A_1202 = arith.constant 0 : i32
    %lt3A_1203 = vector.broadcast %lt3A_1202 : i32 to vector<16xi32>
    %lt3A_1204 = arith.cmpi slt, %and3A_1017, %lt3A_1203 : vector<16xi32>
    %add3A_1205 = arith.constant 16 : i32
    %add3A_1206 = vector.broadcast %add3A_1205 : i32 to vector<16xi32>
    %add3A_1207 = arith.addi %and3A_1017, %add3A_1206 : vector<16xi32>
    %select_n3A_1208 = arith.select %lt3A_1204, %add3A_1207, %and3A_1017 : vector<16xi1>, vector<16xi32>
    %broadcast_in_dim3A_1209 = vector.shape_cast %select_n3A_1208 : vector<16xi32> to vector<16x1xi32>
    %gather3A_1210 = vector.shape_cast %broadcast_in_dim3A_1209 : vector<16x1xi32> to vector<16xi32>
    %gather3A_1211 = tpu.dynamic_gather %get3A_67[%gather3A_1210] in [0] : vector<16xf32>, vector<16xi32> -> vector<16xf32>
    %select_n3A_1212 = arith.select %eq3A_1190, %gather3A_1211, %select_n3A_1187 : vector<16xi1>, vector<16xf32>
    %eq3A_1213 = arith.constant 8 : i32
    %eq3A_1214 = vector.broadcast %eq3A_1213 : i32 to vector<16xi32>
    %eq3A_1215 = arith.cmpi eq, %shift_right_logical3A_1014, %eq3A_1214 : vector<16xi32>
    %lt3A_1216 = arith.constant 0 : i32
    %lt3A_1217 = vector.broadcast %lt3A_1216 : i32 to vector<16xi32>
    %lt3A_1218 = arith.cmpi slt, %and3A_1017, %lt3A_1217 : vector<16xi32>
    %add3A_1219 = arith.constant 16 : i32
    %add3A_1220 = vector.broadcast %add3A_1219 : i32 to vector<16xi32>
    %add3A_1221 = arith.addi %and3A_1017, %add3A_1220 : vector<16xi32>
    %select_n3A_1222 = arith.select %lt3A_1218, %add3A_1221, %and3A_1017 : vector<16xi1>, vector<16xi32>
    %broadcast_in_dim3A_1223 = vector.shape_cast %select_n3A_1222 : vector<16xi32> to vector<16x1xi32>
    %gather3A_1224 = vector.shape_cast %broadcast_in_dim3A_1223 : vector<16x1xi32> to vector<16xi32>
    %gather3A_1225 = tpu.dynamic_gather %get3A_34[%gather3A_1224] in [0] : vector<16xf32>, vector<16xi32> -> vector<16xf32>
    %select_n3A_1226 = arith.select %eq3A_1215, %gather3A_1225, %select_n3A_1201 : vector<16xi1>, vector<16xf32>
    %lt3A_1227 = arith.constant 0 : i32
    %lt3A_1228 = vector.broadcast %lt3A_1227 : i32 to vector<16xi32>
    %lt3A_1229 = arith.cmpi slt, %and3A_1017, %lt3A_1228 : vector<16xi32>
    %add3A_1230 = arith.constant 16 : i32
    %add3A_1231 = vector.broadcast %add3A_1230 : i32 to vector<16xi32>
    %add3A_1232 = arith.addi %and3A_1017, %add3A_1231 : vector<16xi32>
    %select_n3A_1233 = arith.select %lt3A_1229, %add3A_1232, %and3A_1017 : vector<16xi1>, vector<16xi32>
    %broadcast_in_dim3A_1234 = vector.shape_cast %select_n3A_1233 : vector<16xi32> to vector<16x1xi32>
    %gather3A_1235 = vector.shape_cast %broadcast_in_dim3A_1234 : vector<16x1xi32> to vector<16xi32>
    %gather3A_1236 = tpu.dynamic_gather %get3A_70[%gather3A_1235] in [0] : vector<16xf32>, vector<16xi32> -> vector<16xf32>
    %select_n3A_1237 = arith.select %eq3A_1215, %gather3A_1236, %select_n3A_1212 : vector<16xi1>, vector<16xf32>
    %eq3A_1238 = arith.constant 9 : i32
    %eq3A_1239 = vector.broadcast %eq3A_1238 : i32 to vector<16xi32>
    %eq3A_1240 = arith.cmpi eq, %shift_right_logical3A_1014, %eq3A_1239 : vector<16xi32>
    %lt3A_1241 = arith.constant 0 : i32
    %lt3A_1242 = vector.broadcast %lt3A_1241 : i32 to vector<16xi32>
    %lt3A_1243 = arith.cmpi slt, %and3A_1017, %lt3A_1242 : vector<16xi32>
    %add3A_1244 = arith.constant 16 : i32
    %add3A_1245 = vector.broadcast %add3A_1244 : i32 to vector<16xi32>
    %add3A_1246 = arith.addi %and3A_1017, %add3A_1245 : vector<16xi32>
    %select_n3A_1247 = arith.select %lt3A_1243, %add3A_1246, %and3A_1017 : vector<16xi1>, vector<16xi32>
    %broadcast_in_dim3A_1248 = vector.shape_cast %select_n3A_1247 : vector<16xi32> to vector<16x1xi32>
    %gather3A_1249 = vector.shape_cast %broadcast_in_dim3A_1248 : vector<16x1xi32> to vector<16xi32>
    %gather3A_1250 = tpu.dynamic_gather %get3A_37[%gather3A_1249] in [0] : vector<16xf32>, vector<16xi32> -> vector<16xf32>
    %select_n3A_1251 = arith.select %eq3A_1240, %gather3A_1250, %select_n3A_1226 : vector<16xi1>, vector<16xf32>
    %lt3A_1252 = arith.constant 0 : i32
    %lt3A_1253 = vector.broadcast %lt3A_1252 : i32 to vector<16xi32>
    %lt3A_1254 = arith.cmpi slt, %and3A_1017, %lt3A_1253 : vector<16xi32>
    %add3A_1255 = arith.constant 16 : i32
    %add3A_1256 = vector.broadcast %add3A_1255 : i32 to vector<16xi32>
    %add3A_1257 = arith.addi %and3A_1017, %add3A_1256 : vector<16xi32>
    %select_n3A_1258 = arith.select %lt3A_1254, %add3A_1257, %and3A_1017 : vector<16xi1>, vector<16xi32>
    %broadcast_in_dim3A_1259 = vector.shape_cast %select_n3A_1258 : vector<16xi32> to vector<16x1xi32>
    %gather3A_1260 = vector.shape_cast %broadcast_in_dim3A_1259 : vector<16x1xi32> to vector<16xi32>
    %gather3A_1261 = tpu.dynamic_gather %get3A_73[%gather3A_1260] in [0] : vector<16xf32>, vector<16xi32> -> vector<16xf32>
    %select_n3A_1262 = arith.select %eq3A_1240, %gather3A_1261, %select_n3A_1237 : vector<16xi1>, vector<16xf32>
    %eq3A_1263 = arith.constant 10 : i32
    %eq3A_1264 = vector.broadcast %eq3A_1263 : i32 to vector<16xi32>
    %eq3A_1265 = arith.cmpi eq, %shift_right_logical3A_1014, %eq3A_1264 : vector<16xi32>
    %lt3A_1266 = arith.constant 0 : i32
    %lt3A_1267 = vector.broadcast %lt3A_1266 : i32 to vector<16xi32>
    %lt3A_1268 = arith.cmpi slt, %and3A_1017, %lt3A_1267 : vector<16xi32>
    %add3A_1269 = arith.constant 16 : i32
    %add3A_1270 = vector.broadcast %add3A_1269 : i32 to vector<16xi32>
    %add3A_1271 = arith.addi %and3A_1017, %add3A_1270 : vector<16xi32>
    %select_n3A_1272 = arith.select %lt3A_1268, %add3A_1271, %and3A_1017 : vector<16xi1>, vector<16xi32>
    %broadcast_in_dim3A_1273 = vector.shape_cast %select_n3A_1272 : vector<16xi32> to vector<16x1xi32>
    %gather3A_1274 = vector.shape_cast %broadcast_in_dim3A_1273 : vector<16x1xi32> to vector<16xi32>
    %gather3A_1275 = tpu.dynamic_gather %get3A_40[%gather3A_1274] in [0] : vector<16xf32>, vector<16xi32> -> vector<16xf32>
    %select_n3A_1276 = arith.select %eq3A_1265, %gather3A_1275, %select_n3A_1251 : vector<16xi1>, vector<16xf32>
    %lt3A_1277 = arith.constant 0 : i32
    %lt3A_1278 = vector.broadcast %lt3A_1277 : i32 to vector<16xi32>
    %lt3A_1279 = arith.cmpi slt, %and3A_1017, %lt3A_1278 : vector<16xi32>
    %add3A_1280 = arith.constant 16 : i32
    %add3A_1281 = vector.broadcast %add3A_1280 : i32 to vector<16xi32>
    %add3A_1282 = arith.addi %and3A_1017, %add3A_1281 : vector<16xi32>
    %select_n3A_1283 = arith.select %lt3A_1279, %add3A_1282, %and3A_1017 : vector<16xi1>, vector<16xi32>
    %broadcast_in_dim3A_1284 = vector.shape_cast %select_n3A_1283 : vector<16xi32> to vector<16x1xi32>
    %gather3A_1285 = vector.shape_cast %broadcast_in_dim3A_1284 : vector<16x1xi32> to vector<16xi32>
    %gather3A_1286 = tpu.dynamic_gather %get3A_76[%gather3A_1285] in [0] : vector<16xf32>, vector<16xi32> -> vector<16xf32>
    %select_n3A_1287 = arith.select %eq3A_1265, %gather3A_1286, %select_n3A_1262 : vector<16xi1>, vector<16xf32>
    %eq3A_1288 = arith.constant 11 : i32
    %eq3A_1289 = vector.broadcast %eq3A_1288 : i32 to vector<16xi32>
    %eq3A_1290 = arith.cmpi eq, %shift_right_logical3A_1014, %eq3A_1289 : vector<16xi32>
    %lt3A_1291 = arith.constant 0 : i32
    %lt3A_1292 = vector.broadcast %lt3A_1291 : i32 to vector<16xi32>
    %lt3A_1293 = arith.cmpi slt, %and3A_1017, %lt3A_1292 : vector<16xi32>
    %add3A_1294 = arith.constant 16 : i32
    %add3A_1295 = vector.broadcast %add3A_1294 : i32 to vector<16xi32>
    %add3A_1296 = arith.addi %and3A_1017, %add3A_1295 : vector<16xi32>
    %select_n3A_1297 = arith.select %lt3A_1293, %add3A_1296, %and3A_1017 : vector<16xi1>, vector<16xi32>
    %broadcast_in_dim3A_1298 = vector.shape_cast %select_n3A_1297 : vector<16xi32> to vector<16x1xi32>
    %gather3A_1299 = vector.shape_cast %broadcast_in_dim3A_1298 : vector<16x1xi32> to vector<16xi32>
    %gather3A_1300 = tpu.dynamic_gather %get3A_43[%gather3A_1299] in [0] : vector<16xf32>, vector<16xi32> -> vector<16xf32>
    %select_n3A_1301 = arith.select %eq3A_1290, %gather3A_1300, %select_n3A_1276 : vector<16xi1>, vector<16xf32>
    %lt3A_1302 = arith.constant 0 : i32
    %lt3A_1303 = vector.broadcast %lt3A_1302 : i32 to vector<16xi32>
    %lt3A_1304 = arith.cmpi slt, %and3A_1017, %lt3A_1303 : vector<16xi32>
    %add3A_1305 = arith.constant 16 : i32
    %add3A_1306 = vector.broadcast %add3A_1305 : i32 to vector<16xi32>
    %add3A_1307 = arith.addi %and3A_1017, %add3A_1306 : vector<16xi32>
    %select_n3A_1308 = arith.select %lt3A_1304, %add3A_1307, %and3A_1017 : vector<16xi1>, vector<16xi32>
    %broadcast_in_dim3A_1309 = vector.shape_cast %select_n3A_1308 : vector<16xi32> to vector<16x1xi32>
    %gather3A_1310 = vector.shape_cast %broadcast_in_dim3A_1309 : vector<16x1xi32> to vector<16xi32>
    %gather3A_1311 = tpu.dynamic_gather %get3A_79[%gather3A_1310] in [0] : vector<16xf32>, vector<16xi32> -> vector<16xf32>
    %select_n3A_1312 = arith.select %eq3A_1290, %gather3A_1311, %select_n3A_1287 : vector<16xi1>, vector<16xf32>
    %get3A_1313 = arith.constant 48 : index
    %get3A_1314 = tpu.vector_load %arg8[%get3A_1313] {strides = array<i32>} : memref<256xf32, #tpu.memory_space<vmem>>, vector<16xf32>,
    %get3A_1315 = vector.shape_cast %get3A_1314 : vector<16xf32> to vector<16xf32>
    %sub3A_1316 = arith.subf %get3A_1315, %select_n3A_1301 : vector<16xf32>
    %div3A_1317 = arith.divf %sub3A_1316, %select_n3A_1312 : vector<16xf32>
    %swap3A_1318 = arith.constant 48 : index
    %swap3A_1319 = tpu.vector_load %arg11[%swap3A_1318] {strides = array<i32>} : memref<256xf32, #tpu.memory_space<vmem>>, vector<16xf32>,
    %swap3A_1320 = vector.shape_cast %swap3A_1319 : vector<16xf32> to vector<16xf32>
    %swap3A_1321 = vector.shape_cast %div3A_1317 : vector<16xf32> to vector<16xf32>
    tpu.vector_store %arg11[%swap3A_1318], %swap3A_1321 {strides = array<i32>} : memref<256xf32, #tpu.memory_space<vmem>>, vector<16xf32>,
    %get3A_1322 = arith.constant 64 : index
    %get3A_1323 = tpu.vector_load %arg7[%get3A_1322] {strides = array<i32>} : memref<256xi32, #tpu.memory_space<vmem>>, vector<16xi32>,
    %get3A_1324 = vector.shape_cast %get3A_1323 : vector<16xi32> to vector<16xi32>
    %shift_right_logical3A_1325 = arith.constant 4 : i32
    %shift_right_logical3A_1326 = vector.broadcast %shift_right_logical3A_1325 : i32 to vector<16xi32>
    %shift_right_logical3A_1327 = arith.shrui %get3A_1324, %shift_right_logical3A_1326 : vector<16xi32>
    %and3A_1328 = arith.constant 15 : i32
    %and3A_1329 = vector.broadcast %and3A_1328 : i32 to vector<16xi32>
    %and3A_1330 = arith.andi %get3A_1324, %and3A_1329 : vector<16xi32>
    %lt3A_1331 = arith.constant 0 : i32
    %lt3A_1332 = vector.broadcast %lt3A_1331 : i32 to vector<16xi32>
    %lt3A_1333 = arith.cmpi slt, %and3A_1330, %lt3A_1332 : vector<16xi32>
    %add3A_1334 = arith.constant 16 : i32
    %add3A_1335 = vector.broadcast %add3A_1334 : i32 to vector<16xi32>
    %add3A_1336 = arith.addi %and3A_1330, %add3A_1335 : vector<16xi32>
    %select_n3A_1337 = arith.select %lt3A_1333, %add3A_1336, %and3A_1330 : vector<16xi1>, vector<16xi32>
    %broadcast_in_dim3A_1338 = vector.shape_cast %select_n3A_1337 : vector<16xi32> to vector<16x1xi32>
    %gather3A_1339 = vector.shape_cast %broadcast_in_dim3A_1338 : vector<16x1xi32> to vector<16xi32>
    %gather3A_1340 = tpu.dynamic_gather %get3A_10[%gather3A_1339] in [0] : vector<16xf32>, vector<16xi32> -> vector<16xf32>
    %lt3A_1341 = arith.constant 0 : i32
    %lt3A_1342 = vector.broadcast %lt3A_1341 : i32 to vector<16xi32>
    %lt3A_1343 = arith.cmpi slt, %and3A_1330, %lt3A_1342 : vector<16xi32>
    %add3A_1344 = arith.constant 16 : i32
    %add3A_1345 = vector.broadcast %add3A_1344 : i32 to vector<16xi32>
    %add3A_1346 = arith.addi %and3A_1330, %add3A_1345 : vector<16xi32>
    %select_n3A_1347 = arith.select %lt3A_1343, %add3A_1346, %and3A_1330 : vector<16xi1>, vector<16xi32>
    %broadcast_in_dim3A_1348 = vector.shape_cast %select_n3A_1347 : vector<16xi32> to vector<16x1xi32>
    %gather3A_1349 = vector.shape_cast %broadcast_in_dim3A_1348 : vector<16x1xi32> to vector<16xi32>
    %gather3A_1350 = tpu.dynamic_gather %get3A_46[%gather3A_1349] in [0] : vector<16xf32>, vector<16xi32> -> vector<16xf32>
    %eq3A_1351 = arith.constant 1 : i32
    %eq3A_1352 = vector.broadcast %eq3A_1351 : i32 to vector<16xi32>
    %eq3A_1353 = arith.cmpi eq, %shift_right_logical3A_1327, %eq3A_1352 : vector<16xi32>
    %lt3A_1354 = arith.constant 0 : i32
    %lt3A_1355 = vector.broadcast %lt3A_1354 : i32 to vector<16xi32>
    %lt3A_1356 = arith.cmpi slt, %and3A_1330, %lt3A_1355 : vector<16xi32>
    %add3A_1357 = arith.constant 16 : i32
    %add3A_1358 = vector.broadcast %add3A_1357 : i32 to vector<16xi32>
    %add3A_1359 = arith.addi %and3A_1330, %add3A_1358 : vector<16xi32>
    %select_n3A_1360 = arith.select %lt3A_1356, %add3A_1359, %and3A_1330 : vector<16xi1>, vector<16xi32>
    %broadcast_in_dim3A_1361 = vector.shape_cast %select_n3A_1360 : vector<16xi32> to vector<16x1xi32>
    %gather3A_1362 = vector.shape_cast %broadcast_in_dim3A_1361 : vector<16x1xi32> to vector<16xi32>
    %gather3A_1363 = tpu.dynamic_gather %get3A_13[%gather3A_1362] in [0] : vector<16xf32>, vector<16xi32> -> vector<16xf32>
    %select_n3A_1364 = arith.select %eq3A_1353, %gather3A_1363, %gather3A_1340 : vector<16xi1>, vector<16xf32>
    %lt3A_1365 = arith.constant 0 : i32
    %lt3A_1366 = vector.broadcast %lt3A_1365 : i32 to vector<16xi32>
    %lt3A_1367 = arith.cmpi slt, %and3A_1330, %lt3A_1366 : vector<16xi32>
    %add3A_1368 = arith.constant 16 : i32
    %add3A_1369 = vector.broadcast %add3A_1368 : i32 to vector<16xi32>
    %add3A_1370 = arith.addi %and3A_1330, %add3A_1369 : vector<16xi32>
    %select_n3A_1371 = arith.select %lt3A_1367, %add3A_1370, %and3A_1330 : vector<16xi1>, vector<16xi32>
    %broadcast_in_dim3A_1372 = vector.shape_cast %select_n3A_1371 : vector<16xi32> to vector<16x1xi32>
    %gather3A_1373 = vector.shape_cast %broadcast_in_dim3A_1372 : vector<16x1xi32> to vector<16xi32>
    %gather3A_1374 = tpu.dynamic_gather %get3A_49[%gather3A_1373] in [0] : vector<16xf32>, vector<16xi32> -> vector<16xf32>
    %select_n3A_1375 = arith.select %eq3A_1353, %gather3A_1374, %gather3A_1350 : vector<16xi1>, vector<16xf32>
    %eq3A_1376 = arith.constant 2 : i32
    %eq3A_1377 = vector.broadcast %eq3A_1376 : i32 to vector<16xi32>
    %eq3A_1378 = arith.cmpi eq, %shift_right_logical3A_1327, %eq3A_1377 : vector<16xi32>
    %lt3A_1379 = arith.constant 0 : i32
    %lt3A_1380 = vector.broadcast %lt3A_1379 : i32 to vector<16xi32>
    %lt3A_1381 = arith.cmpi slt, %and3A_1330, %lt3A_1380 : vector<16xi32>
    %add3A_1382 = arith.constant 16 : i32
    %add3A_1383 = vector.broadcast %add3A_1382 : i32 to vector<16xi32>
    %add3A_1384 = arith.addi %and3A_1330, %add3A_1383 : vector<16xi32>
    %select_n3A_1385 = arith.select %lt3A_1381, %add3A_1384, %and3A_1330 : vector<16xi1>, vector<16xi32>
    %broadcast_in_dim3A_1386 = vector.shape_cast %select_n3A_1385 : vector<16xi32> to vector<16x1xi32>
    %gather3A_1387 = vector.shape_cast %broadcast_in_dim3A_1386 : vector<16x1xi32> to vector<16xi32>
    %gather3A_1388 = tpu.dynamic_gather %get3A_16[%gather3A_1387] in [0] : vector<16xf32>, vector<16xi32> -> vector<16xf32>
    %select_n3A_1389 = arith.select %eq3A_1378, %gather3A_1388, %select_n3A_1364 : vector<16xi1>, vector<16xf32>
    %lt3A_1390 = arith.constant 0 : i32
    %lt3A_1391 = vector.broadcast %lt3A_1390 : i32 to vector<16xi32>
    %lt3A_1392 = arith.cmpi slt, %and3A_1330, %lt3A_1391 : vector<16xi32>
    %add3A_1393 = arith.constant 16 : i32
    %add3A_1394 = vector.broadcast %add3A_1393 : i32 to vector<16xi32>
    %add3A_1395 = arith.addi %and3A_1330, %add3A_1394 : vector<16xi32>
    %select_n3A_1396 = arith.select %lt3A_1392, %add3A_1395, %and3A_1330 : vector<16xi1>, vector<16xi32>
    %broadcast_in_dim3A_1397 = vector.shape_cast %select_n3A_1396 : vector<16xi32> to vector<16x1xi32>
    %gather3A_1398 = vector.shape_cast %broadcast_in_dim3A_1397 : vector<16x1xi32> to vector<16xi32>
    %gather3A_1399 = tpu.dynamic_gather %get3A_52[%gather3A_1398] in [0] : vector<16xf32>, vector<16xi32> -> vector<16xf32>
    %select_n3A_1400 = arith.select %eq3A_1378, %gather3A_1399, %select_n3A_1375 : vector<16xi1>, vector<16xf32>
    %eq3A_1401 = arith.constant 3 : i32
    %eq3A_1402 = vector.broadcast %eq3A_1401 : i32 to vector<16xi32>
    %eq3A_1403 = arith.cmpi eq, %shift_right_logical3A_1327, %eq3A_1402 : vector<16xi32>
    %lt3A_1404 = arith.constant 0 : i32
    %lt3A_1405 = vector.broadcast %lt3A_1404 : i32 to vector<16xi32>
    %lt3A_1406 = arith.cmpi slt, %and3A_1330, %lt3A_1405 : vector<16xi32>
    %add3A_1407 = arith.constant 16 : i32
    %add3A_1408 = vector.broadcast %add3A_1407 : i32 to vector<16xi32>
    %add3A_1409 = arith.addi %and3A_1330, %add3A_1408 : vector<16xi32>
    %select_n3A_1410 = arith.select %lt3A_1406, %add3A_1409, %and3A_1330 : vector<16xi1>, vector<16xi32>
    %broadcast_in_dim3A_1411 = vector.shape_cast %select_n3A_1410 : vector<16xi32> to vector<16x1xi32>
    %gather3A_1412 = vector.shape_cast %broadcast_in_dim3A_1411 : vector<16x1xi32> to vector<16xi32>
    %gather3A_1413 = tpu.dynamic_gather %get3A_19[%gather3A_1412] in [0] : vector<16xf32>, vector<16xi32> -> vector<16xf32>
    %select_n3A_1414 = arith.select %eq3A_1403, %gather3A_1413, %select_n3A_1389 : vector<16xi1>, vector<16xf32>
    %lt3A_1415 = arith.constant 0 : i32
    %lt3A_1416 = vector.broadcast %lt3A_1415 : i32 to vector<16xi32>
    %lt3A_1417 = arith.cmpi slt, %and3A_1330, %lt3A_1416 : vector<16xi32>
    %add3A_1418 = arith.constant 16 : i32
    %add3A_1419 = vector.broadcast %add3A_1418 : i32 to vector<16xi32>
    %add3A_1420 = arith.addi %and3A_1330, %add3A_1419 : vector<16xi32>
    %select_n3A_1421 = arith.select %lt3A_1417, %add3A_1420, %and3A_1330 : vector<16xi1>, vector<16xi32>
    %broadcast_in_dim3A_1422 = vector.shape_cast %select_n3A_1421 : vector<16xi32> to vector<16x1xi32>
    %gather3A_1423 = vector.shape_cast %broadcast_in_dim3A_1422 : vector<16x1xi32> to vector<16xi32>
    %gather3A_1424 = tpu.dynamic_gather %get3A_55[%gather3A_1423] in [0] : vector<16xf32>, vector<16xi32> -> vector<16xf32>
    %select_n3A_1425 = arith.select %eq3A_1403, %gather3A_1424, %select_n3A_1400 : vector<16xi1>, vector<16xf32>
    %eq3A_1426 = arith.constant 4 : i32
    %eq3A_1427 = vector.broadcast %eq3A_1426 : i32 to vector<16xi32>
    %eq3A_1428 = arith.cmpi eq, %shift_right_logical3A_1327, %eq3A_1427 : vector<16xi32>
    %lt3A_1429 = arith.constant 0 : i32
    %lt3A_1430 = vector.broadcast %lt3A_1429 : i32 to vector<16xi32>
    %lt3A_1431 = arith.cmpi slt, %and3A_1330, %lt3A_1430 : vector<16xi32>
    %add3A_1432 = arith.constant 16 : i32
    %add3A_1433 = vector.broadcast %add3A_1432 : i32 to vector<16xi32>
    %add3A_1434 = arith.addi %and3A_1330, %add3A_1433 : vector<16xi32>
    %select_n3A_1435 = arith.select %lt3A_1431, %add3A_1434, %and3A_1330 : vector<16xi1>, vector<16xi32>
    %broadcast_in_dim3A_1436 = vector.shape_cast %select_n3A_1435 : vector<16xi32> to vector<16x1xi32>
    %gather3A_1437 = vector.shape_cast %broadcast_in_dim3A_1436 : vector<16x1xi32> to vector<16xi32>
    %gather3A_1438 = tpu.dynamic_gather %get3A_22[%gather3A_1437] in [0] : vector<16xf32>, vector<16xi32> -> vector<16xf32>
    %select_n3A_1439 = arith.select %eq3A_1428, %gather3A_1438, %select_n3A_1414 : vector<16xi1>, vector<16xf32>
    %lt3A_1440 = arith.constant 0 : i32
    %lt3A_1441 = vector.broadcast %lt3A_1440 : i32 to vector<16xi32>
    %lt3A_1442 = arith.cmpi slt, %and3A_1330, %lt3A_1441 : vector<16xi32>
    %add3A_1443 = arith.constant 16 : i32
    %add3A_1444 = vector.broadcast %add3A_1443 : i32 to vector<16xi32>
    %add3A_1445 = arith.addi %and3A_1330, %add3A_1444 : vector<16xi32>
    %select_n3A_1446 = arith.select %lt3A_1442, %add3A_1445, %and3A_1330 : vector<16xi1>, vector<16xi32>
    %broadcast_in_dim3A_1447 = vector.shape_cast %select_n3A_1446 : vector<16xi32> to vector<16x1xi32>
    %gather3A_1448 = vector.shape_cast %broadcast_in_dim3A_1447 : vector<16x1xi32> to vector<16xi32>
    %gather3A_1449 = tpu.dynamic_gather %get3A_58[%gather3A_1448] in [0] : vector<16xf32>, vector<16xi32> -> vector<16xf32>
    %select_n3A_1450 = arith.select %eq3A_1428, %gather3A_1449, %select_n3A_1425 : vector<16xi1>, vector<16xf32>
    %eq3A_1451 = arith.constant 5 : i32
    %eq3A_1452 = vector.broadcast %eq3A_1451 : i32 to vector<16xi32>
    %eq3A_1453 = arith.cmpi eq, %shift_right_logical3A_1327, %eq3A_1452 : vector<16xi32>
    %lt3A_1454 = arith.constant 0 : i32
    %lt3A_1455 = vector.broadcast %lt3A_1454 : i32 to vector<16xi32>
    %lt3A_1456 = arith.cmpi slt, %and3A_1330, %lt3A_1455 : vector<16xi32>
    %add3A_1457 = arith.constant 16 : i32
    %add3A_1458 = vector.broadcast %add3A_1457 : i32 to vector<16xi32>
    %add3A_1459 = arith.addi %and3A_1330, %add3A_1458 : vector<16xi32>
    %select_n3A_1460 = arith.select %lt3A_1456, %add3A_1459, %and3A_1330 : vector<16xi1>, vector<16xi32>
    %broadcast_in_dim3A_1461 = vector.shape_cast %select_n3A_1460 : vector<16xi32> to vector<16x1xi32>
    %gather3A_1462 = vector.shape_cast %broadcast_in_dim3A_1461 : vector<16x1xi32> to vector<16xi32>
    %gather3A_1463 = tpu.dynamic_gather %get3A_25[%gather3A_1462] in [0] : vector<16xf32>, vector<16xi32> -> vector<16xf32>
    %select_n3A_1464 = arith.select %eq3A_1453, %gather3A_1463, %select_n3A_1439 : vector<16xi1>, vector<16xf32>
    %lt3A_1465 = arith.constant 0 : i32
    %lt3A_1466 = vector.broadcast %lt3A_1465 : i32 to vector<16xi32>
    %lt3A_1467 = arith.cmpi slt, %and3A_1330, %lt3A_1466 : vector<16xi32>
    %add3A_1468 = arith.constant 16 : i32
    %add3A_1469 = vector.broadcast %add3A_1468 : i32 to vector<16xi32>
    %add3A_1470 = arith.addi %and3A_1330, %add3A_1469 : vector<16xi32>
    %select_n3A_1471 = arith.select %lt3A_1467, %add3A_1470, %and3A_1330 : vector<16xi1>, vector<16xi32>
    %broadcast_in_dim3A_1472 = vector.shape_cast %select_n3A_1471 : vector<16xi32> to vector<16x1xi32>
    %gather3A_1473 = vector.shape_cast %broadcast_in_dim3A_1472 : vector<16x1xi32> to vector<16xi32>
    %gather3A_1474 = tpu.dynamic_gather %get3A_61[%gather3A_1473] in [0] : vector<16xf32>, vector<16xi32> -> vector<16xf32>
    %select_n3A_1475 = arith.select %eq3A_1453, %gather3A_1474, %select_n3A_1450 : vector<16xi1>, vector<16xf32>
    %eq3A_1476 = arith.constant 6 : i32
    %eq3A_1477 = vector.broadcast %eq3A_1476 : i32 to vector<16xi32>
    %eq3A_1478 = arith.cmpi eq, %shift_right_logical3A_1327, %eq3A_1477 : vector<16xi32>
    %lt3A_1479 = arith.constant 0 : i32
    %lt3A_1480 = vector.broadcast %lt3A_1479 : i32 to vector<16xi32>
    %lt3A_1481 = arith.cmpi slt, %and3A_1330, %lt3A_1480 : vector<16xi32>
    %add3A_1482 = arith.constant 16 : i32
    %add3A_1483 = vector.broadcast %add3A_1482 : i32 to vector<16xi32>
    %add3A_1484 = arith.addi %and3A_1330, %add3A_1483 : vector<16xi32>
    %select_n3A_1485 = arith.select %lt3A_1481, %add3A_1484, %and3A_1330 : vector<16xi1>, vector<16xi32>
    %broadcast_in_dim3A_1486 = vector.shape_cast %select_n3A_1485 : vector<16xi32> to vector<16x1xi32>
    %gather3A_1487 = vector.shape_cast %broadcast_in_dim3A_1486 : vector<16x1xi32> to vector<16xi32>
    %gather3A_1488 = tpu.dynamic_gather %get3A_28[%gather3A_1487] in [0] : vector<16xf32>, vector<16xi32> -> vector<16xf32>
    %select_n3A_1489 = arith.select %eq3A_1478, %gather3A_1488, %select_n3A_1464 : vector<16xi1>, vector<16xf32>
    %lt3A_1490 = arith.constant 0 : i32
    %lt3A_1491 = vector.broadcast %lt3A_1490 : i32 to vector<16xi32>
    %lt3A_1492 = arith.cmpi slt, %and3A_1330, %lt3A_1491 : vector<16xi32>
    %add3A_1493 = arith.constant 16 : i32
    %add3A_1494 = vector.broadcast %add3A_1493 : i32 to vector<16xi32>
    %add3A_1495 = arith.addi %and3A_1330, %add3A_1494 : vector<16xi32>
    %select_n3A_1496 = arith.select %lt3A_1492, %add3A_1495, %and3A_1330 : vector<16xi1>, vector<16xi32>
    %broadcast_in_dim3A_1497 = vector.shape_cast %select_n3A_1496 : vector<16xi32> to vector<16x1xi32>
    %gather3A_1498 = vector.shape_cast %broadcast_in_dim3A_1497 : vector<16x1xi32> to vector<16xi32>
    %gather3A_1499 = tpu.dynamic_gather %get3A_64[%gather3A_1498] in [0] : vector<16xf32>, vector<16xi32> -> vector<16xf32>
    %select_n3A_1500 = arith.select %eq3A_1478, %gather3A_1499, %select_n3A_1475 : vector<16xi1>, vector<16xf32>
    %eq3A_1501 = arith.constant 7 : i32
    %eq3A_1502 = vector.broadcast %eq3A_1501 : i32 to vector<16xi32>
    %eq3A_1503 = arith.cmpi eq, %shift_right_logical3A_1327, %eq3A_1502 : vector<16xi32>
    %lt3A_1504 = arith.constant 0 : i32
    %lt3A_1505 = vector.broadcast %lt3A_1504 : i32 to vector<16xi32>
    %lt3A_1506 = arith.cmpi slt, %and3A_1330, %lt3A_1505 : vector<16xi32>
    %add3A_1507 = arith.constant 16 : i32
    %add3A_1508 = vector.broadcast %add3A_1507 : i32 to vector<16xi32>
    %add3A_1509 = arith.addi %and3A_1330, %add3A_1508 : vector<16xi32>
    %select_n3A_1510 = arith.select %lt3A_1506, %add3A_1509, %and3A_1330 : vector<16xi1>, vector<16xi32>
    %broadcast_in_dim3A_1511 = vector.shape_cast %select_n3A_1510 : vector<16xi32> to vector<16x1xi32>
    %gather3A_1512 = vector.shape_cast %broadcast_in_dim3A_1511 : vector<16x1xi32> to vector<16xi32>
    %gather3A_1513 = tpu.dynamic_gather %get3A_31[%gather3A_1512] in [0] : vector<16xf32>, vector<16xi32> -> vector<16xf32>
    %select_n3A_1514 = arith.select %eq3A_1503, %gather3A_1513, %select_n3A_1489 : vector<16xi1>, vector<16xf32>
    %lt3A_1515 = arith.constant 0 : i32
    %lt3A_1516 = vector.broadcast %lt3A_1515 : i32 to vector<16xi32>
    %lt3A_1517 = arith.cmpi slt, %and3A_1330, %lt3A_1516 : vector<16xi32>
    %add3A_1518 = arith.constant 16 : i32
    %add3A_1519 = vector.broadcast %add3A_1518 : i32 to vector<16xi32>
    %add3A_1520 = arith.addi %and3A_1330, %add3A_1519 : vector<16xi32>
    %select_n3A_1521 = arith.select %lt3A_1517, %add3A_1520, %and3A_1330 : vector<16xi1>, vector<16xi32>
    %broadcast_in_dim3A_1522 = vector.shape_cast %select_n3A_1521 : vector<16xi32> to vector<16x1xi32>
    %gather3A_1523 = vector.shape_cast %broadcast_in_dim3A_1522 : vector<16x1xi32> to vector<16xi32>
    %gather3A_1524 = tpu.dynamic_gather %get3A_67[%gather3A_1523] in [0] : vector<16xf32>, vector<16xi32> -> vector<16xf32>
    %select_n3A_1525 = arith.select %eq3A_1503, %gather3A_1524, %select_n3A_1500 : vector<16xi1>, vector<16xf32>
    %eq3A_1526 = arith.constant 8 : i32
    %eq3A_1527 = vector.broadcast %eq3A_1526 : i32 to vector<16xi32>
    %eq3A_1528 = arith.cmpi eq, %shift_right_logical3A_1327, %eq3A_1527 : vector<16xi32>
    %lt3A_1529 = arith.constant 0 : i32
    %lt3A_1530 = vector.broadcast %lt3A_1529 : i32 to vector<16xi32>
    %lt3A_1531 = arith.cmpi slt, %and3A_1330, %lt3A_1530 : vector<16xi32>
    %add3A_1532 = arith.constant 16 : i32
    %add3A_1533 = vector.broadcast %add3A_1532 : i32 to vector<16xi32>
    %add3A_1534 = arith.addi %and3A_1330, %add3A_1533 : vector<16xi32>
    %select_n3A_1535 = arith.select %lt3A_1531, %add3A_1534, %and3A_1330 : vector<16xi1>, vector<16xi32>
    %broadcast_in_dim3A_1536 = vector.shape_cast %select_n3A_1535 : vector<16xi32> to vector<16x1xi32>
    %gather3A_1537 = vector.shape_cast %broadcast_in_dim3A_1536 : vector<16x1xi32> to vector<16xi32>
    %gather3A_1538 = tpu.dynamic_gather %get3A_34[%gather3A_1537] in [0] : vector<16xf32>, vector<16xi32> -> vector<16xf32>
    %select_n3A_1539 = arith.select %eq3A_1528, %gather3A_1538, %select_n3A_1514 : vector<16xi1>, vector<16xf32>
    %lt3A_1540 = arith.constant 0 : i32
    %lt3A_1541 = vector.broadcast %lt3A_1540 : i32 to vector<16xi32>
    %lt3A_1542 = arith.cmpi slt, %and3A_1330, %lt3A_1541 : vector<16xi32>
    %add3A_1543 = arith.constant 16 : i32
    %add3A_1544 = vector.broadcast %add3A_1543 : i32 to vector<16xi32>
    %add3A_1545 = arith.addi %and3A_1330, %add3A_1544 : vector<16xi32>
    %select_n3A_1546 = arith.select %lt3A_1542, %add3A_1545, %and3A_1330 : vector<16xi1>, vector<16xi32>
    %broadcast_in_dim3A_1547 = vector.shape_cast %select_n3A_1546 : vector<16xi32> to vector<16x1xi32>
    %gather3A_1548 = vector.shape_cast %broadcast_in_dim3A_1547 : vector<16x1xi32> to vector<16xi32>
    %gather3A_1549 = tpu.dynamic_gather %get3A_70[%gather3A_1548] in [0] : vector<16xf32>, vector<16xi32> -> vector<16xf32>
    %select_n3A_1550 = arith.select %eq3A_1528, %gather3A_1549, %select_n3A_1525 : vector<16xi1>, vector<16xf32>
    %eq3A_1551 = arith.constant 9 : i32
    %eq3A_1552 = vector.broadcast %eq3A_1551 : i32 to vector<16xi32>
    %eq3A_1553 = arith.cmpi eq, %shift_right_logical3A_1327, %eq3A_1552 : vector<16xi32>
    %lt3A_1554 = arith.constant 0 : i32
    %lt3A_1555 = vector.broadcast %lt3A_1554 : i32 to vector<16xi32>
    %lt3A_1556 = arith.cmpi slt, %and3A_1330, %lt3A_1555 : vector<16xi32>
    %add3A_1557 = arith.constant 16 : i32
    %add3A_1558 = vector.broadcast %add3A_1557 : i32 to vector<16xi32>
    %add3A_1559 = arith.addi %and3A_1330, %add3A_1558 : vector<16xi32>
    %select_n3A_1560 = arith.select %lt3A_1556, %add3A_1559, %and3A_1330 : vector<16xi1>, vector<16xi32>
    %broadcast_in_dim3A_1561 = vector.shape_cast %select_n3A_1560 : vector<16xi32> to vector<16x1xi32>
    %gather3A_1562 = vector.shape_cast %broadcast_in_dim3A_1561 : vector<16x1xi32> to vector<16xi32>
    %gather3A_1563 = tpu.dynamic_gather %get3A_37[%gather3A_1562] in [0] : vector<16xf32>, vector<16xi32> -> vector<16xf32>
    %select_n3A_1564 = arith.select %eq3A_1553, %gather3A_1563, %select_n3A_1539 : vector<16xi1>, vector<16xf32>
    %lt3A_1565 = arith.constant 0 : i32
    %lt3A_1566 = vector.broadcast %lt3A_1565 : i32 to vector<16xi32>
    %lt3A_1567 = arith.cmpi slt, %and3A_1330, %lt3A_1566 : vector<16xi32>
    %add3A_1568 = arith.constant 16 : i32
    %add3A_1569 = vector.broadcast %add3A_1568 : i32 to vector<16xi32>
    %add3A_1570 = arith.addi %and3A_1330, %add3A_1569 : vector<16xi32>
    %select_n3A_1571 = arith.select %lt3A_1567, %add3A_1570, %and3A_1330 : vector<16xi1>, vector<16xi32>
    %broadcast_in_dim3A_1572 = vector.shape_cast %select_n3A_1571 : vector<16xi32> to vector<16x1xi32>
    %gather3A_1573 = vector.shape_cast %broadcast_in_dim3A_1572 : vector<16x1xi32> to vector<16xi32>
    %gather3A_1574 = tpu.dynamic_gather %get3A_73[%gather3A_1573] in [0] : vector<16xf32>, vector<16xi32> -> vector<16xf32>
    %select_n3A_1575 = arith.select %eq3A_1553, %gather3A_1574, %select_n3A_1550 : vector<16xi1>, vector<16xf32>
    %eq3A_1576 = arith.constant 10 : i32
    %eq3A_1577 = vector.broadcast %eq3A_1576 : i32 to vector<16xi32>
    %eq3A_1578 = arith.cmpi eq, %shift_right_logical3A_1327, %eq3A_1577 : vector<16xi32>
    %lt3A_1579 = arith.constant 0 : i32
    %lt3A_1580 = vector.broadcast %lt3A_1579 : i32 to vector<16xi32>
    %lt3A_1581 = arith.cmpi slt, %and3A_1330, %lt3A_1580 : vector<16xi32>
    %add3A_1582 = arith.constant 16 : i32
    %add3A_1583 = vector.broadcast %add3A_1582 : i32 to vector<16xi32>
    %add3A_1584 = arith.addi %and3A_1330, %add3A_1583 : vector<16xi32>
    %select_n3A_1585 = arith.select %lt3A_1581, %add3A_1584, %and3A_1330 : vector<16xi1>, vector<16xi32>
    %broadcast_in_dim3A_1586 = vector.shape_cast %select_n3A_1585 : vector<16xi32> to vector<16x1xi32>
    %gather3A_1587 = vector.shape_cast %broadcast_in_dim3A_1586 : vector<16x1xi32> to vector<16xi32>
    %gather3A_1588 = tpu.dynamic_gather %get3A_40[%gather3A_1587] in [0] : vector<16xf32>, vector<16xi32> -> vector<16xf32>
    %select_n3A_1589 = arith.select %eq3A_1578, %gather3A_1588, %select_n3A_1564 : vector<16xi1>, vector<16xf32>
    %lt3A_1590 = arith.constant 0 : i32
    %lt3A_1591 = vector.broadcast %lt3A_1590 : i32 to vector<16xi32>
    %lt3A_1592 = arith.cmpi slt, %and3A_1330, %lt3A_1591 : vector<16xi32>
    %add3A_1593 = arith.constant 16 : i32
    %add3A_1594 = vector.broadcast %add3A_1593 : i32 to vector<16xi32>
    %add3A_1595 = arith.addi %and3A_1330, %add3A_1594 : vector<16xi32>
    %select_n3A_1596 = arith.select %lt3A_1592, %add3A_1595, %and3A_1330 : vector<16xi1>, vector<16xi32>
    %broadcast_in_dim3A_1597 = vector.shape_cast %select_n3A_1596 : vector<16xi32> to vector<16x1xi32>
    %gather3A_1598 = vector.shape_cast %broadcast_in_dim3A_1597 : vector<16x1xi32> to vector<16xi32>
    %gather3A_1599 = tpu.dynamic_gather %get3A_76[%gather3A_1598] in [0] : vector<16xf32>, vector<16xi32> -> vector<16xf32>
    %select_n3A_1600 = arith.select %eq3A_1578, %gather3A_1599, %select_n3A_1575 : vector<16xi1>, vector<16xf32>
    %eq3A_1601 = arith.constant 11 : i32
    %eq3A_1602 = vector.broadcast %eq3A_1601 : i32 to vector<16xi32>
    %eq3A_1603 = arith.cmpi eq, %shift_right_logical3A_1327, %eq3A_1602 : vector<16xi32>
    %lt3A_1604 = arith.constant 0 : i32
    %lt3A_1605 = vector.broadcast %lt3A_1604 : i32 to vector<16xi32>
    %lt3A_1606 = arith.cmpi slt, %and3A_1330, %lt3A_1605 : vector<16xi32>
    %add3A_1607 = arith.constant 16 : i32
    %add3A_1608 = vector.broadcast %add3A_1607 : i32 to vector<16xi32>
    %add3A_1609 = arith.addi %and3A_1330, %add3A_1608 : vector<16xi32>
    %select_n3A_1610 = arith.select %lt3A_1606, %add3A_1609, %and3A_1330 : vector<16xi1>, vector<16xi32>
    %broadcast_in_dim3A_1611 = vector.shape_cast %select_n3A_1610 : vector<16xi32> to vector<16x1xi32>
    %gather3A_1612 = vector.shape_cast %broadcast_in_dim3A_1611 : vector<16x1xi32> to vector<16xi32>
    %gather3A_1613 = tpu.dynamic_gather %get3A_43[%gather3A_1612] in [0] : vector<16xf32>, vector<16xi32> -> vector<16xf32>
    %select_n3A_1614 = arith.select %eq3A_1603, %gather3A_1613, %select_n3A_1589 : vector<16xi1>, vector<16xf32>
    %lt3A_1615 = arith.constant 0 : i32
    %lt3A_1616 = vector.broadcast %lt3A_1615 : i32 to vector<16xi32>
    %lt3A_1617 = arith.cmpi slt, %and3A_1330, %lt3A_1616 : vector<16xi32>
    %add3A_1618 = arith.constant 16 : i32
    %add3A_1619 = vector.broadcast %add3A_1618 : i32 to vector<16xi32>
    %add3A_1620 = arith.addi %and3A_1330, %add3A_1619 : vector<16xi32>
    %select_n3A_1621 = arith.select %lt3A_1617, %add3A_1620, %and3A_1330 : vector<16xi1>, vector<16xi32>
    %broadcast_in_dim3A_1622 = vector.shape_cast %select_n3A_1621 : vector<16xi32> to vector<16x1xi32>
    %gather3A_1623 = vector.shape_cast %broadcast_in_dim3A_1622 : vector<16x1xi32> to vector<16xi32>
    %gather3A_1624 = tpu.dynamic_gather %get3A_79[%gather3A_1623] in [0] : vector<16xf32>, vector<16xi32> -> vector<16xf32>
    %select_n3A_1625 = arith.select %eq3A_1603, %gather3A_1624, %select_n3A_1600 : vector<16xi1>, vector<16xf32>
    %get3A_1626 = arith.constant 64 : index
    %get3A_1627 = tpu.vector_load %arg8[%get3A_1626] {strides = array<i32>} : memref<256xf32, #tpu.memory_space<vmem>>, vector<16xf32>,
    %get3A_1628 = vector.shape_cast %get3A_1627 : vector<16xf32> to vector<16xf32>
    %sub3A_1629 = arith.subf %get3A_1628, %select_n3A_1614 : vector<16xf32>
    %div3A_1630 = arith.divf %sub3A_1629, %select_n3A_1625 : vector<16xf32>
    %swap3A_1631 = arith.constant 64 : index
    %swap3A_1632 = tpu.vector_load %arg11[%swap3A_1631] {strides = array<i32>} : memref<256xf32, #tpu.memory_space<vmem>>, vector<16xf32>,
    %swap3A_1633 = vector.shape_cast %swap3A_1632 : vector<16xf32> to vector<16xf32>
    %swap3A_1634 = vector.shape_cast %div3A_1630 : vector<16xf32> to vector<16xf32>
    tpu.vector_store %arg11[%swap3A_1631], %swap3A_1634 {strides = array<i32>} : memref<256xf32, #tpu.memory_space<vmem>>, vector<16xf32>,
    %get3A_1635 = arith.constant 80 : index
    %get3A_1636 = tpu.vector_load %arg7[%get3A_1635] {strides = array<i32>} : memref<256xi32, #tpu.memory_space<vmem>>, vector<16xi32>,
    %get3A_1637 = vector.shape_cast %get3A_1636 : vector<16xi32> to vector<16xi32>
    %shift_right_logical3A_1638 = arith.constant 4 : i32
    %shift_right_logical3A_1639 = vector.broadcast %shift_right_logical3A_1638 : i32 to vector<16xi32>
    %shift_right_logical3A_1640 = arith.shrui %get3A_1637, %shift_right_logical3A_1639 : vector<16xi32>
    %and3A_1641 = arith.constant 15 : i32
    %and3A_1642 = vector.broadcast %and3A_1641 : i32 to vector<16xi32>
    %and3A_1643 = arith.andi %get3A_1637, %and3A_1642 : vector<16xi32>
    %lt3A_1644 = arith.constant 0 : i32
    %lt3A_1645 = vector.broadcast %lt3A_1644 : i32 to vector<16xi32>
    %lt3A_1646 = arith.cmpi slt, %and3A_1643, %lt3A_1645 : vector<16xi32>
    %add3A_1647 = arith.constant 16 : i32
    %add3A_1648 = vector.broadcast %add3A_1647 : i32 to vector<16xi32>
    %add3A_1649 = arith.addi %and3A_1643, %add3A_1648 : vector<16xi32>
    %select_n3A_1650 = arith.select %lt3A_1646, %add3A_1649, %and3A_1643 : vector<16xi1>, vector<16xi32>
    %broadcast_in_dim3A_1651 = vector.shape_cast %select_n3A_1650 : vector<16xi32> to vector<16x1xi32>
    %gather3A_1652 = vector.shape_cast %broadcast_in_dim3A_1651 : vector<16x1xi32> to vector<16xi32>
    %gather3A_1653 = tpu.dynamic_gather %get3A_10[%gather3A_1652] in [0] : vector<16xf32>, vector<16xi32> -> vector<16xf32>
    %lt3A_1654 = arith.constant 0 : i32
    %lt3A_1655 = vector.broadcast %lt3A_1654 : i32 to vector<16xi32>
    %lt3A_1656 = arith.cmpi slt, %and3A_1643, %lt3A_1655 : vector<16xi32>
    %add3A_1657 = arith.constant 16 : i32
    %add3A_1658 = vector.broadcast %add3A_1657 : i32 to vector<16xi32>
    %add3A_1659 = arith.addi %and3A_1643, %add3A_1658 : vector<16xi32>
    %select_n3A_1660 = arith.select %lt3A_1656, %add3A_1659, %and3A_1643 : vector<16xi1>, vector<16xi32>
    %broadcast_in_dim3A_1661 = vector.shape_cast %select_n3A_1660 : vector<16xi32> to vector<16x1xi32>
    %gather3A_1662 = vector.shape_cast %broadcast_in_dim3A_1661 : vector<16x1xi32> to vector<16xi32>
    %gather3A_1663 = tpu.dynamic_gather %get3A_46[%gather3A_1662] in [0] : vector<16xf32>, vector<16xi32> -> vector<16xf32>
    %eq3A_1664 = arith.constant 1 : i32
    %eq3A_1665 = vector.broadcast %eq3A_1664 : i32 to vector<16xi32>
    %eq3A_1666 = arith.cmpi eq, %shift_right_logical3A_1640, %eq3A_1665 : vector<16xi32>
    %lt3A_1667 = arith.constant 0 : i32
    %lt3A_1668 = vector.broadcast %lt3A_1667 : i32 to vector<16xi32>
    %lt3A_1669 = arith.cmpi slt, %and3A_1643, %lt3A_1668 : vector<16xi32>
    %add3A_1670 = arith.constant 16 : i32
    %add3A_1671 = vector.broadcast %add3A_1670 : i32 to vector<16xi32>
    %add3A_1672 = arith.addi %and3A_1643, %add3A_1671 : vector<16xi32>
    %select_n3A_1673 = arith.select %lt3A_1669, %add3A_1672, %and3A_1643 : vector<16xi1>, vector<16xi32>
    %broadcast_in_dim3A_1674 = vector.shape_cast %select_n3A_1673 : vector<16xi32> to vector<16x1xi32>
    %gather3A_1675 = vector.shape_cast %broadcast_in_dim3A_1674 : vector<16x1xi32> to vector<16xi32>
    %gather3A_1676 = tpu.dynamic_gather %get3A_13[%gather3A_1675] in [0] : vector<16xf32>, vector<16xi32> -> vector<16xf32>
    %select_n3A_1677 = arith.select %eq3A_1666, %gather3A_1676, %gather3A_1653 : vector<16xi1>, vector<16xf32>
    %lt3A_1678 = arith.constant 0 : i32
    %lt3A_1679 = vector.broadcast %lt3A_1678 : i32 to vector<16xi32>
    %lt3A_1680 = arith.cmpi slt, %and3A_1643, %lt3A_1679 : vector<16xi32>
    %add3A_1681 = arith.constant 16 : i32
    %add3A_1682 = vector.broadcast %add3A_1681 : i32 to vector<16xi32>
    %add3A_1683 = arith.addi %and3A_1643, %add3A_1682 : vector<16xi32>
    %select_n3A_1684 = arith.select %lt3A_1680, %add3A_1683, %and3A_1643 : vector<16xi1>, vector<16xi32>
    %broadcast_in_dim3A_1685 = vector.shape_cast %select_n3A_1684 : vector<16xi32> to vector<16x1xi32>
    %gather3A_1686 = vector.shape_cast %broadcast_in_dim3A_1685 : vector<16x1xi32> to vector<16xi32>
    %gather3A_1687 = tpu.dynamic_gather %get3A_49[%gather3A_1686] in [0] : vector<16xf32>, vector<16xi32> -> vector<16xf32>
    %select_n3A_1688 = arith.select %eq3A_1666, %gather3A_1687, %gather3A_1663 : vector<16xi1>, vector<16xf32>
    %eq3A_1689 = arith.constant 2 : i32
    %eq3A_1690 = vector.broadcast %eq3A_1689 : i32 to vector<16xi32>
    %eq3A_1691 = arith.cmpi eq, %shift_right_logical3A_1640, %eq3A_1690 : vector<16xi32>
    %lt3A_1692 = arith.constant 0 : i32
    %lt3A_1693 = vector.broadcast %lt3A_1692 : i32 to vector<16xi32>
    %lt3A_1694 = arith.cmpi slt, %and3A_1643, %lt3A_1693 : vector<16xi32>
    %add3A_1695 = arith.constant 16 : i32
    %add3A_1696 = vector.broadcast %add3A_1695 : i32 to vector<16xi32>
    %add3A_1697 = arith.addi %and3A_1643, %add3A_1696 : vector<16xi32>
    %select_n3A_1698 = arith.select %lt3A_1694, %add3A_1697, %and3A_1643 : vector<16xi1>, vector<16xi32>
    %broadcast_in_dim3A_1699 = vector.shape_cast %select_n3A_1698 : vector<16xi32> to vector<16x1xi32>
    %gather3A_1700 = vector.shape_cast %broadcast_in_dim3A_1699 : vector<16x1xi32> to vector<16xi32>
    %gather3A_1701 = tpu.dynamic_gather %get3A_16[%gather3A_1700] in [0] : vector<16xf32>, vector<16xi32> -> vector<16xf32>
    %select_n3A_1702 = arith.select %eq3A_1691, %gather3A_1701, %select_n3A_1677 : vector<16xi1>, vector<16xf32>
    %lt3A_1703 = arith.constant 0 : i32
    %lt3A_1704 = vector.broadcast %lt3A_1703 : i32 to vector<16xi32>
    %lt3A_1705 = arith.cmpi slt, %and3A_1643, %lt3A_1704 : vector<16xi32>
    %add3A_1706 = arith.constant 16 : i32
    %add3A_1707 = vector.broadcast %add3A_1706 : i32 to vector<16xi32>
    %add3A_1708 = arith.addi %and3A_1643, %add3A_1707 : vector<16xi32>
    %select_n3A_1709 = arith.select %lt3A_1705, %add3A_1708, %and3A_1643 : vector<16xi1>, vector<16xi32>
    %broadcast_in_dim3A_1710 = vector.shape_cast %select_n3A_1709 : vector<16xi32> to vector<16x1xi32>
    %gather3A_1711 = vector.shape_cast %broadcast_in_dim3A_1710 : vector<16x1xi32> to vector<16xi32>
    %gather3A_1712 = tpu.dynamic_gather %get3A_52[%gather3A_1711] in [0] : vector<16xf32>, vector<16xi32> -> vector<16xf32>
    %select_n3A_1713 = arith.select %eq3A_1691, %gather3A_1712, %select_n3A_1688 : vector<16xi1>, vector<16xf32>
    %eq3A_1714 = arith.constant 3 : i32
    %eq3A_1715 = vector.broadcast %eq3A_1714 : i32 to vector<16xi32>
    %eq3A_1716 = arith.cmpi eq, %shift_right_logical3A_1640, %eq3A_1715 : vector<16xi32>
    %lt3A_1717 = arith.constant 0 : i32
    %lt3A_1718 = vector.broadcast %lt3A_1717 : i32 to vector<16xi32>
    %lt3A_1719 = arith.cmpi slt, %and3A_1643, %lt3A_1718 : vector<16xi32>
    %add3A_1720 = arith.constant 16 : i32
    %add3A_1721 = vector.broadcast %add3A_1720 : i32 to vector<16xi32>
    %add3A_1722 = arith.addi %and3A_1643, %add3A_1721 : vector<16xi32>
    %select_n3A_1723 = arith.select %lt3A_1719, %add3A_1722, %and3A_1643 : vector<16xi1>, vector<16xi32>
    %broadcast_in_dim3A_1724 = vector.shape_cast %select_n3A_1723 : vector<16xi32> to vector<16x1xi32>
    %gather3A_1725 = vector.shape_cast %broadcast_in_dim3A_1724 : vector<16x1xi32> to vector<16xi32>
    %gather3A_1726 = tpu.dynamic_gather %get3A_19[%gather3A_1725] in [0] : vector<16xf32>, vector<16xi32> -> vector<16xf32>
    %select_n3A_1727 = arith.select %eq3A_1716, %gather3A_1726, %select_n3A_1702 : vector<16xi1>, vector<16xf32>
    %lt3A_1728 = arith.constant 0 : i32
    %lt3A_1729 = vector.broadcast %lt3A_1728 : i32 to vector<16xi32>
    %lt3A_1730 = arith.cmpi slt, %and3A_1643, %lt3A_1729 : vector<16xi32>
    %add3A_1731 = arith.constant 16 : i32
    %add3A_1732 = vector.broadcast %add3A_1731 : i32 to vector<16xi32>
    %add3A_1733 = arith.addi %and3A_1643, %add3A_1732 : vector<16xi32>
    %select_n3A_1734 = arith.select %lt3A_1730, %add3A_1733, %and3A_1643 : vector<16xi1>, vector<16xi32>
    %broadcast_in_dim3A_1735 = vector.shape_cast %select_n3A_1734 : vector<16xi32> to vector<16x1xi32>
    %gather3A_1736 = vector.shape_cast %broadcast_in_dim3A_1735 : vector<16x1xi32> to vector<16xi32>
    %gather3A_1737 = tpu.dynamic_gather %get3A_55[%gather3A_1736] in [0] : vector<16xf32>, vector<16xi32> -> vector<16xf32>
    %select_n3A_1738 = arith.select %eq3A_1716, %gather3A_1737, %select_n3A_1713 : vector<16xi1>, vector<16xf32>
    %eq3A_1739 = arith.constant 4 : i32
    %eq3A_1740 = vector.broadcast %eq3A_1739 : i32 to vector<16xi32>
    %eq3A_1741 = arith.cmpi eq, %shift_right_logical3A_1640, %eq3A_1740 : vector<16xi32>
    %lt3A_1742 = arith.constant 0 : i32
    %lt3A_1743 = vector.broadcast %lt3A_1742 : i32 to vector<16xi32>
    %lt3A_1744 = arith.cmpi slt, %and3A_1643, %lt3A_1743 : vector<16xi32>
    %add3A_1745 = arith.constant 16 : i32
    %add3A_1746 = vector.broadcast %add3A_1745 : i32 to vector<16xi32>
    %add3A_1747 = arith.addi %and3A_1643, %add3A_1746 : vector<16xi32>
    %select_n3A_1748 = arith.select %lt3A_1744, %add3A_1747, %and3A_1643 : vector<16xi1>, vector<16xi32>
    %broadcast_in_dim3A_1749 = vector.shape_cast %select_n3A_1748 : vector<16xi32> to vector<16x1xi32>
    %gather3A_1750 = vector.shape_cast %broadcast_in_dim3A_1749 : vector<16x1xi32> to vector<16xi32>
    %gather3A_1751 = tpu.dynamic_gather %get3A_22[%gather3A_1750] in [0] : vector<16xf32>, vector<16xi32> -> vector<16xf32>
    %select_n3A_1752 = arith.select %eq3A_1741, %gather3A_1751, %select_n3A_1727 : vector<16xi1>, vector<16xf32>
    %lt3A_1753 = arith.constant 0 : i32
    %lt3A_1754 = vector.broadcast %lt3A_1753 : i32 to vector<16xi32>
    %lt3A_1755 = arith.cmpi slt, %and3A_1643, %lt3A_1754 : vector<16xi32>
    %add3A_1756 = arith.constant 16 : i32
    %add3A_1757 = vector.broadcast %add3A_1756 : i32 to vector<16xi32>
    %add3A_1758 = arith.addi %and3A_1643, %add3A_1757 : vector<16xi32>
    %select_n3A_1759 = arith.select %lt3A_1755, %add3A_1758, %and3A_1643 : vector<16xi1>, vector<16xi32>
    %broadcast_in_dim3A_1760 = vector.shape_cast %select_n3A_1759 : vector<16xi32> to vector<16x1xi32>
    %gather3A_1761 = vector.shape_cast %broadcast_in_dim3A_1760 : vector<16x1xi32> to vector<16xi32>
    %gather3A_1762 = tpu.dynamic_gather %get3A_58[%gather3A_1761] in [0] : vector<16xf32>, vector<16xi32> -> vector<16xf32>
    %select_n3A_1763 = arith.select %eq3A_1741, %gather3A_1762, %select_n3A_1738 : vector<16xi1>, vector<16xf32>
    %eq3A_1764 = arith.constant 5 : i32
    %eq3A_1765 = vector.broadcast %eq3A_1764 : i32 to vector<16xi32>
    %eq3A_1766 = arith.cmpi eq, %shift_right_logical3A_1640, %eq3A_1765 : vector<16xi32>
    %lt3A_1767 = arith.constant 0 : i32
    %lt3A_1768 = vector.broadcast %lt3A_1767 : i32 to vector<16xi32>
    %lt3A_1769 = arith.cmpi slt, %and3A_1643, %lt3A_1768 : vector<16xi32>
    %add3A_1770 = arith.constant 16 : i32
    %add3A_1771 = vector.broadcast %add3A_1770 : i32 to vector<16xi32>
    %add3A_1772 = arith.addi %and3A_1643, %add3A_1771 : vector<16xi32>
    %select_n3A_1773 = arith.select %lt3A_1769, %add3A_1772, %and3A_1643 : vector<16xi1>, vector<16xi32>
    %broadcast_in_dim3A_1774 = vector.shape_cast %select_n3A_1773 : vector<16xi32> to vector<16x1xi32>
    %gather3A_1775 = vector.shape_cast %broadcast_in_dim3A_1774 : vector<16x1xi32> to vector<16xi32>
    %gather3A_1776 = tpu.dynamic_gather %get3A_25[%gather3A_1775] in [0] : vector<16xf32>, vector<16xi32> -> vector<16xf32>
    %select_n3A_1777 = arith.select %eq3A_1766, %gather3A_1776, %select_n3A_1752 : vector<16xi1>, vector<16xf32>
    %lt3A_1778 = arith.constant 0 : i32
    %lt3A_1779 = vector.broadcast %lt3A_1778 : i32 to vector<16xi32>
    %lt3A_1780 = arith.cmpi slt, %and3A_1643, %lt3A_1779 : vector<16xi32>
    %add3A_1781 = arith.constant 16 : i32
    %add3A_1782 = vector.broadcast %add3A_1781 : i32 to vector<16xi32>
    %add3A_1783 = arith.addi %and3A_1643, %add3A_1782 : vector<16xi32>
    %select_n3A_1784 = arith.select %lt3A_1780, %add3A_1783, %and3A_1643 : vector<16xi1>, vector<16xi32>
    %broadcast_in_dim3A_1785 = vector.shape_cast %select_n3A_1784 : vector<16xi32> to vector<16x1xi32>
    %gather3A_1786 = vector.shape_cast %broadcast_in_dim3A_1785 : vector<16x1xi32> to vector<16xi32>
    %gather3A_1787 = tpu.dynamic_gather %get3A_61[%gather3A_1786] in [0] : vector<16xf32>, vector<16xi32> -> vector<16xf32>
    %select_n3A_1788 = arith.select %eq3A_1766, %gather3A_1787, %select_n3A_1763 : vector<16xi1>, vector<16xf32>
    %eq3A_1789 = arith.constant 6 : i32
    %eq3A_1790 = vector.broadcast %eq3A_1789 : i32 to vector<16xi32>
    %eq3A_1791 = arith.cmpi eq, %shift_right_logical3A_1640, %eq3A_1790 : vector<16xi32>
    %lt3A_1792 = arith.constant 0 : i32
    %lt3A_1793 = vector.broadcast %lt3A_1792 : i32 to vector<16xi32>
    %lt3A_1794 = arith.cmpi slt, %and3A_1643, %lt3A_1793 : vector<16xi32>
    %add3A_1795 = arith.constant 16 : i32
    %add3A_1796 = vector.broadcast %add3A_1795 : i32 to vector<16xi32>
    %add3A_1797 = arith.addi %and3A_1643, %add3A_1796 : vector<16xi32>
    %select_n3A_1798 = arith.select %lt3A_1794, %add3A_1797, %and3A_1643 : vector<16xi1>, vector<16xi32>
    %broadcast_in_dim3A_1799 = vector.shape_cast %select_n3A_1798 : vector<16xi32> to vector<16x1xi32>
    %gather3A_1800 = vector.shape_cast %broadcast_in_dim3A_1799 : vector<16x1xi32> to vector<16xi32>
    %gather3A_1801 = tpu.dynamic_gather %get3A_28[%gather3A_1800] in [0] : vector<16xf32>, vector<16xi32> -> vector<16xf32>
    %select_n3A_1802 = arith.select %eq3A_1791, %gather3A_1801, %select_n3A_1777 : vector<16xi1>, vector<16xf32>
    %lt3A_1803 = arith.constant 0 : i32
    %lt3A_1804 = vector.broadcast %lt3A_1803 : i32 to vector<16xi32>
    %lt3A_1805 = arith.cmpi slt, %and3A_1643, %lt3A_1804 : vector<16xi32>
    %add3A_1806 = arith.constant 16 : i32
    %add3A_1807 = vector.broadcast %add3A_1806 : i32 to vector<16xi32>
    %add3A_1808 = arith.addi %and3A_1643, %add3A_1807 : vector<16xi32>
    %select_n3A_1809 = arith.select %lt3A_1805, %add3A_1808, %and3A_1643 : vector<16xi1>, vector<16xi32>
    %broadcast_in_dim3A_1810 = vector.shape_cast %select_n3A_1809 : vector<16xi32> to vector<16x1xi32>
    %gather3A_1811 = vector.shape_cast %broadcast_in_dim3A_1810 : vector<16x1xi32> to vector<16xi32>
    %gather3A_1812 = tpu.dynamic_gather %get3A_64[%gather3A_1811] in [0] : vector<16xf32>, vector<16xi32> -> vector<16xf32>
    %select_n3A_1813 = arith.select %eq3A_1791, %gather3A_1812, %select_n3A_1788 : vector<16xi1>, vector<16xf32>
    %eq3A_1814 = arith.constant 7 : i32
    %eq3A_1815 = vector.broadcast %eq3A_1814 : i32 to vector<16xi32>
    %eq3A_1816 = arith.cmpi eq, %shift_right_logical3A_1640, %eq3A_1815 : vector<16xi32>
    %lt3A_1817 = arith.constant 0 : i32
    %lt3A_1818 = vector.broadcast %lt3A_1817 : i32 to vector<16xi32>
    %lt3A_1819 = arith.cmpi slt, %and3A_1643, %lt3A_1818 : vector<16xi32>
    %add3A_1820 = arith.constant 16 : i32
    %add3A_1821 = vector.broadcast %add3A_1820 : i32 to vector<16xi32>
    %add3A_1822 = arith.addi %and3A_1643, %add3A_1821 : vector<16xi32>
    %select_n3A_1823 = arith.select %lt3A_1819, %add3A_1822, %and3A_1643 : vector<16xi1>, vector<16xi32>
    %broadcast_in_dim3A_1824 = vector.shape_cast %select_n3A_1823 : vector<16xi32> to vector<16x1xi32>
    %gather3A_1825 = vector.shape_cast %broadcast_in_dim3A_1824 : vector<16x1xi32> to vector<16xi32>
    %gather3A_1826 = tpu.dynamic_gather %get3A_31[%gather3A_1825] in [0] : vector<16xf32>, vector<16xi32> -> vector<16xf32>
    %select_n3A_1827 = arith.select %eq3A_1816, %gather3A_1826, %select_n3A_1802 : vector<16xi1>, vector<16xf32>
    %lt3A_1828 = arith.constant 0 : i32
    %lt3A_1829 = vector.broadcast %lt3A_1828 : i32 to vector<16xi32>
    %lt3A_1830 = arith.cmpi slt, %and3A_1643, %lt3A_1829 : vector<16xi32>
    %add3A_1831 = arith.constant 16 : i32
    %add3A_1832 = vector.broadcast %add3A_1831 : i32 to vector<16xi32>
    %add3A_1833 = arith.addi %and3A_1643, %add3A_1832 : vector<16xi32>
    %select_n3A_1834 = arith.select %lt3A_1830, %add3A_1833, %and3A_1643 : vector<16xi1>, vector<16xi32>
    %broadcast_in_dim3A_1835 = vector.shape_cast %select_n3A_1834 : vector<16xi32> to vector<16x1xi32>
    %gather3A_1836 = vector.shape_cast %broadcast_in_dim3A_1835 : vector<16x1xi32> to vector<16xi32>
    %gather3A_1837 = tpu.dynamic_gather %get3A_67[%gather3A_1836] in [0] : vector<16xf32>, vector<16xi32> -> vector<16xf32>
    %select_n3A_1838 = arith.select %eq3A_1816, %gather3A_1837, %select_n3A_1813 : vector<16xi1>, vector<16xf32>
    %eq3A_1839 = arith.constant 8 : i32
    %eq3A_1840 = vector.broadcast %eq3A_1839 : i32 to vector<16xi32>
    %eq3A_1841 = arith.cmpi eq, %shift_right_logical3A_1640, %eq3A_1840 : vector<16xi32>
    %lt3A_1842 = arith.constant 0 : i32
    %lt3A_1843 = vector.broadcast %lt3A_1842 : i32 to vector<16xi32>
    %lt3A_1844 = arith.cmpi slt, %and3A_1643, %lt3A_1843 : vector<16xi32>
    %add3A_1845 = arith.constant 16 : i32
    %add3A_1846 = vector.broadcast %add3A_1845 : i32 to vector<16xi32>
    %add3A_1847 = arith.addi %and3A_1643, %add3A_1846 : vector<16xi32>
    %select_n3A_1848 = arith.select %lt3A_1844, %add3A_1847, %and3A_1643 : vector<16xi1>, vector<16xi32>
    %broadcast_in_dim3A_1849 = vector.shape_cast %select_n3A_1848 : vector<16xi32> to vector<16x1xi32>
    %gather3A_1850 = vector.shape_cast %broadcast_in_dim3A_1849 : vector<16x1xi32> to vector<16xi32>
    %gather3A_1851 = tpu.dynamic_gather %get3A_34[%gather3A_1850] in [0] : vector<16xf32>, vector<16xi32> -> vector<16xf32>
    %select_n3A_1852 = arith.select %eq3A_1841, %gather3A_1851, %select_n3A_1827 : vector<16xi1>, vector<16xf32>
    %lt3A_1853 = arith.constant 0 : i32
    %lt3A_1854 = vector.broadcast %lt3A_1853 : i32 to vector<16xi32>
    %lt3A_1855 = arith.cmpi slt, %and3A_1643, %lt3A_1854 : vector<16xi32>
    %add3A_1856 = arith.constant 16 : i32
    %add3A_1857 = vector.broadcast %add3A_1856 : i32 to vector<16xi32>
    %add3A_1858 = arith.addi %and3A_1643, %add3A_1857 : vector<16xi32>
    %select_n3A_1859 = arith.select %lt3A_1855, %add3A_1858, %and3A_1643 : vector<16xi1>, vector<16xi32>
    %broadcast_in_dim3A_1860 = vector.shape_cast %select_n3A_1859 : vector<16xi32> to vector<16x1xi32>
    %gather3A_1861 = vector.shape_cast %broadcast_in_dim3A_1860 : vector<16x1xi32> to vector<16xi32>
    %gather3A_1862 = tpu.dynamic_gather %get3A_70[%gather3A_1861] in [0] : vector<16xf32>, vector<16xi32> -> vector<16xf32>
    %select_n3A_1863 = arith.select %eq3A_1841, %gather3A_1862, %select_n3A_1838 : vector<16xi1>, vector<16xf32>
    %eq3A_1864 = arith.constant 9 : i32
    %eq3A_1865 = vector.broadcast %eq3A_1864 : i32 to vector<16xi32>
    %eq3A_1866 = arith.cmpi eq, %shift_right_logical3A_1640, %eq3A_1865 : vector<16xi32>
    %lt3A_1867 = arith.constant 0 : i32
    %lt3A_1868 = vector.broadcast %lt3A_1867 : i32 to vector<16xi32>
    %lt3A_1869 = arith.cmpi slt, %and3A_1643, %lt3A_1868 : vector<16xi32>
    %add3A_1870 = arith.constant 16 : i32
    %add3A_1871 = vector.broadcast %add3A_1870 : i32 to vector<16xi32>
    %add3A_1872 = arith.addi %and3A_1643, %add3A_1871 : vector<16xi32>
    %select_n3A_1873 = arith.select %lt3A_1869, %add3A_1872, %and3A_1643 : vector<16xi1>, vector<16xi32>
    %broadcast_in_dim3A_1874 = vector.shape_cast %select_n3A_1873 : vector<16xi32> to vector<16x1xi32>
    %gather3A_1875 = vector.shape_cast %broadcast_in_dim3A_1874 : vector<16x1xi32> to vector<16xi32>
    %gather3A_1876 = tpu.dynamic_gather %get3A_37[%gather3A_1875] in [0] : vector<16xf32>, vector<16xi32> -> vector<16xf32>
    %select_n3A_1877 = arith.select %eq3A_1866, %gather3A_1876, %select_n3A_1852 : vector<16xi1>, vector<16xf32>
    %lt3A_1878 = arith.constant 0 : i32
    %lt3A_1879 = vector.broadcast %lt3A_1878 : i32 to vector<16xi32>
    %lt3A_1880 = arith.cmpi slt, %and3A_1643, %lt3A_1879 : vector<16xi32>
    %add3A_1881 = arith.constant 16 : i32
    %add3A_1882 = vector.broadcast %add3A_1881 : i32 to vector<16xi32>
    %add3A_1883 = arith.addi %and3A_1643, %add3A_1882 : vector<16xi32>
    %select_n3A_1884 = arith.select %lt3A_1880, %add3A_1883, %and3A_1643 : vector<16xi1>, vector<16xi32>
    %broadcast_in_dim3A_1885 = vector.shape_cast %select_n3A_1884 : vector<16xi32> to vector<16x1xi32>
    %gather3A_1886 = vector.shape_cast %broadcast_in_dim3A_1885 : vector<16x1xi32> to vector<16xi32>
    %gather3A_1887 = tpu.dynamic_gather %get3A_73[%gather3A_1886] in [0] : vector<16xf32>, vector<16xi32> -> vector<16xf32>
    %select_n3A_1888 = arith.select %eq3A_1866, %gather3A_1887, %select_n3A_1863 : vector<16xi1>, vector<16xf32>
    %eq3A_1889 = arith.constant 10 : i32
    %eq3A_1890 = vector.broadcast %eq3A_1889 : i32 to vector<16xi32>
    %eq3A_1891 = arith.cmpi eq, %shift_right_logical3A_1640, %eq3A_1890 : vector<16xi32>
    %lt3A_1892 = arith.constant 0 : i32
    %lt3A_1893 = vector.broadcast %lt3A_1892 : i32 to vector<16xi32>
    %lt3A_1894 = arith.cmpi slt, %and3A_1643, %lt3A_1893 : vector<16xi32>
    %add3A_1895 = arith.constant 16 : i32
    %add3A_1896 = vector.broadcast %add3A_1895 : i32 to vector<16xi32>
    %add3A_1897 = arith.addi %and3A_1643, %add3A_1896 : vector<16xi32>
    %select_n3A_1898 = arith.select %lt3A_1894, %add3A_1897, %and3A_1643 : vector<16xi1>, vector<16xi32>
    %broadcast_in_dim3A_1899 = vector.shape_cast %select_n3A_1898 : vector<16xi32> to vector<16x1xi32>
    %gather3A_1900 = vector.shape_cast %broadcast_in_dim3A_1899 : vector<16x1xi32> to vector<16xi32>
    %gather3A_1901 = tpu.dynamic_gather %get3A_40[%gather3A_1900] in [0] : vector<16xf32>, vector<16xi32> -> vector<16xf32>
    %select_n3A_1902 = arith.select %eq3A_1891, %gather3A_1901, %select_n3A_1877 : vector<16xi1>, vector<16xf32>
    %lt3A_1903 = arith.constant 0 : i32
    %lt3A_1904 = vector.broadcast %lt3A_1903 : i32 to vector<16xi32>
    %lt3A_1905 = arith.cmpi slt, %and3A_1643, %lt3A_1904 : vector<16xi32>
    %add3A_1906 = arith.constant 16 : i32
    %add3A_1907 = vector.broadcast %add3A_1906 : i32 to vector<16xi32>
    %add3A_1908 = arith.addi %and3A_1643, %add3A_1907 : vector<16xi32>
    %select_n3A_1909 = arith.select %lt3A_1905, %add3A_1908, %and3A_1643 : vector<16xi1>, vector<16xi32>
    %broadcast_in_dim3A_1910 = vector.shape_cast %select_n3A_1909 : vector<16xi32> to vector<16x1xi32>
    %gather3A_1911 = vector.shape_cast %broadcast_in_dim3A_1910 : vector<16x1xi32> to vector<16xi32>
    %gather3A_1912 = tpu.dynamic_gather %get3A_76[%gather3A_1911] in [0] : vector<16xf32>, vector<16xi32> -> vector<16xf32>
    %select_n3A_1913 = arith.select %eq3A_1891, %gather3A_1912, %select_n3A_1888 : vector<16xi1>, vector<16xf32>
    %eq3A_1914 = arith.constant 11 : i32
    %eq3A_1915 = vector.broadcast %eq3A_1914 : i32 to vector<16xi32>
    %eq3A_1916 = arith.cmpi eq, %shift_right_logical3A_1640, %eq3A_1915 : vector<16xi32>
    %lt3A_1917 = arith.constant 0 : i32
    %lt3A_1918 = vector.broadcast %lt3A_1917 : i32 to vector<16xi32>
    %lt3A_1919 = arith.cmpi slt, %and3A_1643, %lt3A_1918 : vector<16xi32>
    %add3A_1920 = arith.constant 16 : i32
    %add3A_1921 = vector.broadcast %add3A_1920 : i32 to vector<16xi32>
    %add3A_1922 = arith.addi %and3A_1643, %add3A_1921 : vector<16xi32>
    %select_n3A_1923 = arith.select %lt3A_1919, %add3A_1922, %and3A_1643 : vector<16xi1>, vector<16xi32>
    %broadcast_in_dim3A_1924 = vector.shape_cast %select_n3A_1923 : vector<16xi32> to vector<16x1xi32>
    %gather3A_1925 = vector.shape_cast %broadcast_in_dim3A_1924 : vector<16x1xi32> to vector<16xi32>
    %gather3A_1926 = tpu.dynamic_gather %get3A_43[%gather3A_1925] in [0] : vector<16xf32>, vector<16xi32> -> vector<16xf32>
    %select_n3A_1927 = arith.select %eq3A_1916, %gather3A_1926, %select_n3A_1902 : vector<16xi1>, vector<16xf32>
    %lt3A_1928 = arith.constant 0 : i32
    %lt3A_1929 = vector.broadcast %lt3A_1928 : i32 to vector<16xi32>
    %lt3A_1930 = arith.cmpi slt, %and3A_1643, %lt3A_1929 : vector<16xi32>
    %add3A_1931 = arith.constant 16 : i32
    %add3A_1932 = vector.broadcast %add3A_1931 : i32 to vector<16xi32>
    %add3A_1933 = arith.addi %and3A_1643, %add3A_1932 : vector<16xi32>
    %select_n3A_1934 = arith.select %lt3A_1930, %add3A_1933, %and3A_1643 : vector<16xi1>, vector<16xi32>
    %broadcast_in_dim3A_1935 = vector.shape_cast %select_n3A_1934 : vector<16xi32> to vector<16x1xi32>
    %gather3A_1936 = vector.shape_cast %broadcast_in_dim3A_1935 : vector<16x1xi32> to vector<16xi32>
    %gather3A_1937 = tpu.dynamic_gather %get3A_79[%gather3A_1936] in [0] : vector<16xf32>, vector<16xi32> -> vector<16xf32>
    %select_n3A_1938 = arith.select %eq3A_1916, %gather3A_1937, %select_n3A_1913 : vector<16xi1>, vector<16xf32>
    %get3A_1939 = arith.constant 80 : index
    %get3A_1940 = tpu.vector_load %arg8[%get3A_1939] {strides = array<i32>} : memref<256xf32, #tpu.memory_space<vmem>>, vector<16xf32>,
    %get3A_1941 = vector.shape_cast %get3A_1940 : vector<16xf32> to vector<16xf32>
    %sub3A_1942 = arith.subf %get3A_1941, %select_n3A_1927 : vector<16xf32>
    %div3A_1943 = arith.divf %sub3A_1942, %select_n3A_1938 : vector<16xf32>
    %swap3A_1944 = arith.constant 80 : index
    %swap3A_1945 = tpu.vector_load %arg11[%swap3A_1944] {strides = array<i32>} : memref<256xf32, #tpu.memory_space<vmem>>, vector<16xf32>,
    %swap3A_1946 = vector.shape_cast %swap3A_1945 : vector<16xf32> to vector<16xf32>
    %swap3A_1947 = vector.shape_cast %div3A_1943 : vector<16xf32> to vector<16xf32>
    tpu.vector_store %arg11[%swap3A_1944], %swap3A_1947 {strides = array<i32>} : memref<256xf32, #tpu.memory_space<vmem>>, vector<16xf32>,
    %get3A_1948 = arith.constant 96 : index
    %get3A_1949 = tpu.vector_load %arg7[%get3A_1948] {strides = array<i32>} : memref<256xi32, #tpu.memory_space<vmem>>, vector<16xi32>,
    %get3A_1950 = vector.shape_cast %get3A_1949 : vector<16xi32> to vector<16xi32>
    %shift_right_logical3A_1951 = arith.constant 4 : i32
    %shift_right_logical3A_1952 = vector.broadcast %shift_right_logical3A_1951 : i32 to vector<16xi32>
    %shift_right_logical3A_1953 = arith.shrui %get3A_1950, %shift_right_logical3A_1952 : vector<16xi32>
    %and3A_1954 = arith.constant 15 : i32
    %and3A_1955 = vector.broadcast %and3A_1954 : i32 to vector<16xi32>
    %and3A_1956 = arith.andi %get3A_1950, %and3A_1955 : vector<16xi32>
    %lt3A_1957 = arith.constant 0 : i32
    %lt3A_1958 = vector.broadcast %lt3A_1957 : i32 to vector<16xi32>
    %lt3A_1959 = arith.cmpi slt, %and3A_1956, %lt3A_1958 : vector<16xi32>
    %add3A_1960 = arith.constant 16 : i32
    %add3A_1961 = vector.broadcast %add3A_1960 : i32 to vector<16xi32>
    %add3A_1962 = arith.addi %and3A_1956, %add3A_1961 : vector<16xi32>
    %select_n3A_1963 = arith.select %lt3A_1959, %add3A_1962, %and3A_1956 : vector<16xi1>, vector<16xi32>
    %broadcast_in_dim3A_1964 = vector.shape_cast %select_n3A_1963 : vector<16xi32> to vector<16x1xi32>
    %gather3A_1965 = vector.shape_cast %broadcast_in_dim3A_1964 : vector<16x1xi32> to vector<16xi32>
    %gather3A_1966 = tpu.dynamic_gather %get3A_10[%gather3A_1965] in [0] : vector<16xf32>, vector<16xi32> -> vector<16xf32>
    %lt3A_1967 = arith.constant 0 : i32
    %lt3A_1968 = vector.broadcast %lt3A_1967 : i32 to vector<16xi32>
    %lt3A_1969 = arith.cmpi slt, %and3A_1956, %lt3A_1968 : vector<16xi32>
    %add3A_1970 = arith.constant 16 : i32
    %add3A_1971 = vector.broadcast %add3A_1970 : i32 to vector<16xi32>
    %add3A_1972 = arith.addi %and3A_1956, %add3A_1971 : vector<16xi32>
    %select_n3A_1973 = arith.select %lt3A_1969, %add3A_1972, %and3A_1956 : vector<16xi1>, vector<16xi32>
    %broadcast_in_dim3A_1974 = vector.shape_cast %select_n3A_1973 : vector<16xi32> to vector<16x1xi32>
    %gather3A_1975 = vector.shape_cast %broadcast_in_dim3A_1974 : vector<16x1xi32> to vector<16xi32>
    %gather3A_1976 = tpu.dynamic_gather %get3A_46[%gather3A_1975] in [0] : vector<16xf32>, vector<16xi32> -> vector<16xf32>
    %eq3A_1977 = arith.constant 1 : i32
    %eq3A_1978 = vector.broadcast %eq3A_1977 : i32 to vector<16xi32>
    %eq3A_1979 = arith.cmpi eq, %shift_right_logical3A_1953, %eq3A_1978 : vector<16xi32>
    %lt3A_1980 = arith.constant 0 : i32
    %lt3A_1981 = vector.broadcast %lt3A_1980 : i32 to vector<16xi32>
    %lt3A_1982 = arith.cmpi slt, %and3A_1956, %lt3A_1981 : vector<16xi32>
    %add3A_1983 = arith.constant 16 : i32
    %add3A_1984 = vector.broadcast %add3A_1983 : i32 to vector<16xi32>
    %add3A_1985 = arith.addi %and3A_1956, %add3A_1984 : vector<16xi32>
    %select_n3A_1986 = arith.select %lt3A_1982, %add3A_1985, %and3A_1956 : vector<16xi1>, vector<16xi32>
    %broadcast_in_dim3A_1987 = vector.shape_cast %select_n3A_1986 : vector<16xi32> to vector<16x1xi32>
    %gather3A_1988 = vector.shape_cast %broadcast_in_dim3A_1987 : vector<16x1xi32> to vector<16xi32>
    %gather3A_1989 = tpu.dynamic_gather %get3A_13[%gather3A_1988] in [0] : vector<16xf32>, vector<16xi32> -> vector<16xf32>
    %select_n3A_1990 = arith.select %eq3A_1979, %gather3A_1989, %gather3A_1966 : vector<16xi1>, vector<16xf32>
    %lt3A_1991 = arith.constant 0 : i32
    %lt3A_1992 = vector.broadcast %lt3A_1991 : i32 to vector<16xi32>
    %lt3A_1993 = arith.cmpi slt, %and3A_1956, %lt3A_1992 : vector<16xi32>
    %add3A_1994 = arith.constant 16 : i32
    %add3A_1995 = vector.broadcast %add3A_1994 : i32 to vector<16xi32>
    %add3A_1996 = arith.addi %and3A_1956, %add3A_1995 : vector<16xi32>
    %select_n3A_1997 = arith.select %lt3A_1993, %add3A_1996, %and3A_1956 : vector<16xi1>, vector<16xi32>
    %broadcast_in_dim3A_1998 = vector.shape_cast %select_n3A_1997 : vector<16xi32> to vector<16x1xi32>
    %gather3A_1999 = vector.shape_cast %broadcast_in_dim3A_1998 : vector<16x1xi32> to vector<16xi32>
    %gather3A_2000 = tpu.dynamic_gather %get3A_49[%gather3A_1999] in [0] : vector<16xf32>, vector<16xi32> -> vector<16xf32>
    %select_n3A_2001 = arith.select %eq3A_1979, %gather3A_2000, %gather3A_1976 : vector<16xi1>, vector<16xf32>
    %eq3A_2002 = arith.constant 2 : i32
    %eq3A_2003 = vector.broadcast %eq3A_2002 : i32 to vector<16xi32>
    %eq3A_2004 = arith.cmpi eq, %shift_right_logical3A_1953, %eq3A_2003 : vector<16xi32>
    %lt3A_2005 = arith.constant 0 : i32
    %lt3A_2006 = vector.broadcast %lt3A_2005 : i32 to vector<16xi32>
    %lt3A_2007 = arith.cmpi slt, %and3A_1956, %lt3A_2006 : vector<16xi32>
    %add3A_2008 = arith.constant 16 : i32
    %add3A_2009 = vector.broadcast %add3A_2008 : i32 to vector<16xi32>
    %add3A_2010 = arith.addi %and3A_1956, %add3A_2009 : vector<16xi32>
    %select_n3A_2011 = arith.select %lt3A_2007, %add3A_2010, %and3A_1956 : vector<16xi1>, vector<16xi32>
    %broadcast_in_dim3A_2012 = vector.shape_cast %select_n3A_2011 : vector<16xi32> to vector<16x1xi32>
    %gather3A_2013 = vector.shape_cast %broadcast_in_dim3A_2012 : vector<16x1xi32> to vector<16xi32>
    %gather3A_2014 = tpu.dynamic_gather %get3A_16[%gather3A_2013] in [0] : vector<16xf32>, vector<16xi32> -> vector<16xf32>
    %select_n3A_2015 = arith.select %eq3A_2004, %gather3A_2014, %select_n3A_1990 : vector<16xi1>, vector<16xf32>
    %lt3A_2016 = arith.constant 0 : i32
    %lt3A_2017 = vector.broadcast %lt3A_2016 : i32 to vector<16xi32>
    %lt3A_2018 = arith.cmpi slt, %and3A_1956, %lt3A_2017 : vector<16xi32>
    %add3A_2019 = arith.constant 16 : i32
    %add3A_2020 = vector.broadcast %add3A_2019 : i32 to vector<16xi32>
    %add3A_2021 = arith.addi %and3A_1956, %add3A_2020 : vector<16xi32>
    %select_n3A_2022 = arith.select %lt3A_2018, %add3A_2021, %and3A_1956 : vector<16xi1>, vector<16xi32>
    %broadcast_in_dim3A_2023 = vector.shape_cast %select_n3A_2022 : vector<16xi32> to vector<16x1xi32>
    %gather3A_2024 = vector.shape_cast %broadcast_in_dim3A_2023 : vector<16x1xi32> to vector<16xi32>
    %gather3A_2025 = tpu.dynamic_gather %get3A_52[%gather3A_2024] in [0] : vector<16xf32>, vector<16xi32> -> vector<16xf32>
    %select_n3A_2026 = arith.select %eq3A_2004, %gather3A_2025, %select_n3A_2001 : vector<16xi1>, vector<16xf32>
    %eq3A_2027 = arith.constant 3 : i32
    %eq3A_2028 = vector.broadcast %eq3A_2027 : i32 to vector<16xi32>
    %eq3A_2029 = arith.cmpi eq, %shift_right_logical3A_1953, %eq3A_2028 : vector<16xi32>
    %lt3A_2030 = arith.constant 0 : i32
    %lt3A_2031 = vector.broadcast %lt3A_2030 : i32 to vector<16xi32>
    %lt3A_2032 = arith.cmpi slt, %and3A_1956, %lt3A_2031 : vector<16xi32>
    %add3A_2033 = arith.constant 16 : i32
    %add3A_2034 = vector.broadcast %add3A_2033 : i32 to vector<16xi32>
    %add3A_2035 = arith.addi %and3A_1956, %add3A_2034 : vector<16xi32>
    %select_n3A_2036 = arith.select %lt3A_2032, %add3A_2035, %and3A_1956 : vector<16xi1>, vector<16xi32>
    %broadcast_in_dim3A_2037 = vector.shape_cast %select_n3A_2036 : vector<16xi32> to vector<16x1xi32>
    %gather3A_2038 = vector.shape_cast %broadcast_in_dim3A_2037 : vector<16x1xi32> to vector<16xi32>
    %gather3A_2039 = tpu.dynamic_gather %get3A_19[%gather3A_2038] in [0] : vector<16xf32>, vector<16xi32> -> vector<16xf32>
    %select_n3A_2040 = arith.select %eq3A_2029, %gather3A_2039, %select_n3A_2015 : vector<16xi1>, vector<16xf32>
    %lt3A_2041 = arith.constant 0 : i32
    %lt3A_2042 = vector.broadcast %lt3A_2041 : i32 to vector<16xi32>
    %lt3A_2043 = arith.cmpi slt, %and3A_1956, %lt3A_2042 : vector<16xi32>
    %add3A_2044 = arith.constant 16 : i32
    %add3A_2045 = vector.broadcast %add3A_2044 : i32 to vector<16xi32>
    %add3A_2046 = arith.addi %and3A_1956, %add3A_2045 : vector<16xi32>
    %select_n3A_2047 = arith.select %lt3A_2043, %add3A_2046, %and3A_1956 : vector<16xi1>, vector<16xi32>
    %broadcast_in_dim3A_2048 = vector.shape_cast %select_n3A_2047 : vector<16xi32> to vector<16x1xi32>
    %gather3A_2049 = vector.shape_cast %broadcast_in_dim3A_2048 : vector<16x1xi32> to vector<16xi32>
    %gather3A_2050 = tpu.dynamic_gather %get3A_55[%gather3A_2049] in [0] : vector<16xf32>, vector<16xi32> -> vector<16xf32>
    %select_n3A_2051 = arith.select %eq3A_2029, %gather3A_2050, %select_n3A_2026 : vector<16xi1>, vector<16xf32>
    %eq3A_2052 = arith.constant 4 : i32
    %eq3A_2053 = vector.broadcast %eq3A_2052 : i32 to vector<16xi32>
    %eq3A_2054 = arith.cmpi eq, %shift_right_logical3A_1953, %eq3A_2053 : vector<16xi32>
    %lt3A_2055 = arith.constant 0 : i32
    %lt3A_2056 = vector.broadcast %lt3A_2055 : i32 to vector<16xi32>
    %lt3A_2057 = arith.cmpi slt, %and3A_1956, %lt3A_2056 : vector<16xi32>
    %add3A_2058 = arith.constant 16 : i32
    %add3A_2059 = vector.broadcast %add3A_2058 : i32 to vector<16xi32>
    %add3A_2060 = arith.addi %and3A_1956, %add3A_2059 : vector<16xi32>
    %select_n3A_2061 = arith.select %lt3A_2057, %add3A_2060, %and3A_1956 : vector<16xi1>, vector<16xi32>
    %broadcast_in_dim3A_2062 = vector.shape_cast %select_n3A_2061 : vector<16xi32> to vector<16x1xi32>
    %gather3A_2063 = vector.shape_cast %broadcast_in_dim3A_2062 : vector<16x1xi32> to vector<16xi32>
    %gather3A_2064 = tpu.dynamic_gather %get3A_22[%gather3A_2063] in [0] : vector<16xf32>, vector<16xi32> -> vector<16xf32>
    %select_n3A_2065 = arith.select %eq3A_2054, %gather3A_2064, %select_n3A_2040 : vector<16xi1>, vector<16xf32>
    %lt3A_2066 = arith.constant 0 : i32
    %lt3A_2067 = vector.broadcast %lt3A_2066 : i32 to vector<16xi32>
    %lt3A_2068 = arith.cmpi slt, %and3A_1956, %lt3A_2067 : vector<16xi32>
    %add3A_2069 = arith.constant 16 : i32
    %add3A_2070 = vector.broadcast %add3A_2069 : i32 to vector<16xi32>
    %add3A_2071 = arith.addi %and3A_1956, %add3A_2070 : vector<16xi32>
    %select_n3A_2072 = arith.select %lt3A_2068, %add3A_2071, %and3A_1956 : vector<16xi1>, vector<16xi32>
    %broadcast_in_dim3A_2073 = vector.shape_cast %select_n3A_2072 : vector<16xi32> to vector<16x1xi32>
    %gather3A_2074 = vector.shape_cast %broadcast_in_dim3A_2073 : vector<16x1xi32> to vector<16xi32>
    %gather3A_2075 = tpu.dynamic_gather %get3A_58[%gather3A_2074] in [0] : vector<16xf32>, vector<16xi32> -> vector<16xf32>
    %select_n3A_2076 = arith.select %eq3A_2054, %gather3A_2075, %select_n3A_2051 : vector<16xi1>, vector<16xf32>
    %eq3A_2077 = arith.constant 5 : i32
    %eq3A_2078 = vector.broadcast %eq3A_2077 : i32 to vector<16xi32>
    %eq3A_2079 = arith.cmpi eq, %shift_right_logical3A_1953, %eq3A_2078 : vector<16xi32>
    %lt3A_2080 = arith.constant 0 : i32
    %lt3A_2081 = vector.broadcast %lt3A_2080 : i32 to vector<16xi32>
    %lt3A_2082 = arith.cmpi slt, %and3A_1956, %lt3A_2081 : vector<16xi32>
    %add3A_2083 = arith.constant 16 : i32
    %add3A_2084 = vector.broadcast %add3A_2083 : i32 to vector<16xi32>
    %add3A_2085 = arith.addi %and3A_1956, %add3A_2084 : vector<16xi32>
    %select_n3A_2086 = arith.select %lt3A_2082, %add3A_2085, %and3A_1956 : vector<16xi1>, vector<16xi32>
    %broadcast_in_dim3A_2087 = vector.shape_cast %select_n3A_2086 : vector<16xi32> to vector<16x1xi32>
    %gather3A_2088 = vector.shape_cast %broadcast_in_dim3A_2087 : vector<16x1xi32> to vector<16xi32>
    %gather3A_2089 = tpu.dynamic_gather %get3A_25[%gather3A_2088] in [0] : vector<16xf32>, vector<16xi32> -> vector<16xf32>
    %select_n3A_2090 = arith.select %eq3A_2079, %gather3A_2089, %select_n3A_2065 : vector<16xi1>, vector<16xf32>
    %lt3A_2091 = arith.constant 0 : i32
    %lt3A_2092 = vector.broadcast %lt3A_2091 : i32 to vector<16xi32>
    %lt3A_2093 = arith.cmpi slt, %and3A_1956, %lt3A_2092 : vector<16xi32>
    %add3A_2094 = arith.constant 16 : i32
    %add3A_2095 = vector.broadcast %add3A_2094 : i32 to vector<16xi32>
    %add3A_2096 = arith.addi %and3A_1956, %add3A_2095 : vector<16xi32>
    %select_n3A_2097 = arith.select %lt3A_2093, %add3A_2096, %and3A_1956 : vector<16xi1>, vector<16xi32>
    %broadcast_in_dim3A_2098 = vector.shape_cast %select_n3A_2097 : vector<16xi32> to vector<16x1xi32>
    %gather3A_2099 = vector.shape_cast %broadcast_in_dim3A_2098 : vector<16x1xi32> to vector<16xi32>
    %gather3A_2100 = tpu.dynamic_gather %get3A_61[%gather3A_2099] in [0] : vector<16xf32>, vector<16xi32> -> vector<16xf32>
    %select_n3A_2101 = arith.select %eq3A_2079, %gather3A_2100, %select_n3A_2076 : vector<16xi1>, vector<16xf32>
    %eq3A_2102 = arith.constant 6 : i32
    %eq3A_2103 = vector.broadcast %eq3A_2102 : i32 to vector<16xi32>
    %eq3A_2104 = arith.cmpi eq, %shift_right_logical3A_1953, %eq3A_2103 : vector<16xi32>
    %lt3A_2105 = arith.constant 0 : i32
    %lt3A_2106 = vector.broadcast %lt3A_2105 : i32 to vector<16xi32>
    %lt3A_2107 = arith.cmpi slt, %and3A_1956, %lt3A_2106 : vector<16xi32>
    %add3A_2108 = arith.constant 16 : i32
    %add3A_2109 = vector.broadcast %add3A_2108 : i32 to vector<16xi32>
    %add3A_2110 = arith.addi %and3A_1956, %add3A_2109 : vector<16xi32>
    %select_n3A_2111 = arith.select %lt3A_2107, %add3A_2110, %and3A_1956 : vector<16xi1>, vector<16xi32>
    %broadcast_in_dim3A_2112 = vector.shape_cast %select_n3A_2111 : vector<16xi32> to vector<16x1xi32>
    %gather3A_2113 = vector.shape_cast %broadcast_in_dim3A_2112 : vector<16x1xi32> to vector<16xi32>
    %gather3A_2114 = tpu.dynamic_gather %get3A_28[%gather3A_2113] in [0] : vector<16xf32>, vector<16xi32> -> vector<16xf32>
    %select_n3A_2115 = arith.select %eq3A_2104, %gather3A_2114, %select_n3A_2090 : vector<16xi1>, vector<16xf32>
    %lt3A_2116 = arith.constant 0 : i32
    %lt3A_2117 = vector.broadcast %lt3A_2116 : i32 to vector<16xi32>
    %lt3A_2118 = arith.cmpi slt, %and3A_1956, %lt3A_2117 : vector<16xi32>
    %add3A_2119 = arith.constant 16 : i32
    %add3A_2120 = vector.broadcast %add3A_2119 : i32 to vector<16xi32>
    %add3A_2121 = arith.addi %and3A_1956, %add3A_2120 : vector<16xi32>
    %select_n3A_2122 = arith.select %lt3A_2118, %add3A_2121, %and3A_1956 : vector<16xi1>, vector<16xi32>
    %broadcast_in_dim3A_2123 = vector.shape_cast %select_n3A_2122 : vector<16xi32> to vector<16x1xi32>
    %gather3A_2124 = vector.shape_cast %broadcast_in_dim3A_2123 : vector<16x1xi32> to vector<16xi32>
    %gather3A_2125 = tpu.dynamic_gather %get3A_64[%gather3A_2124] in [0] : vector<16xf32>, vector<16xi32> -> vector<16xf32>
    %select_n3A_2126 = arith.select %eq3A_2104, %gather3A_2125, %select_n3A_2101 : vector<16xi1>, vector<16xf32>
    %eq3A_2127 = arith.constant 7 : i32
    %eq3A_2128 = vector.broadcast %eq3A_2127 : i32 to vector<16xi32>
    %eq3A_2129 = arith.cmpi eq, %shift_right_logical3A_1953, %eq3A_2128 : vector<16xi32>
    %lt3A_2130 = arith.constant 0 : i32
    %lt3A_2131 = vector.broadcast %lt3A_2130 : i32 to vector<16xi32>
    %lt3A_2132 = arith.cmpi slt, %and3A_1956, %lt3A_2131 : vector<16xi32>
    %add3A_2133 = arith.constant 16 : i32
    %add3A_2134 = vector.broadcast %add3A_2133 : i32 to vector<16xi32>
    %add3A_2135 = arith.addi %and3A_1956, %add3A_2134 : vector<16xi32>
    %select_n3A_2136 = arith.select %lt3A_2132, %add3A_2135, %and3A_1956 : vector<16xi1>, vector<16xi32>
    %broadcast_in_dim3A_2137 = vector.shape_cast %select_n3A_2136 : vector<16xi32> to vector<16x1xi32>
    %gather3A_2138 = vector.shape_cast %broadcast_in_dim3A_2137 : vector<16x1xi32> to vector<16xi32>
    %gather3A_2139 = tpu.dynamic_gather %get3A_31[%gather3A_2138] in [0] : vector<16xf32>, vector<16xi32> -> vector<16xf32>
    %select_n3A_2140 = arith.select %eq3A_2129, %gather3A_2139, %select_n3A_2115 : vector<16xi1>, vector<16xf32>
    %lt3A_2141 = arith.constant 0 : i32
    %lt3A_2142 = vector.broadcast %lt3A_2141 : i32 to vector<16xi32>
    %lt3A_2143 = arith.cmpi slt, %and3A_1956, %lt3A_2142 : vector<16xi32>
    %add3A_2144 = arith.constant 16 : i32
    %add3A_2145 = vector.broadcast %add3A_2144 : i32 to vector<16xi32>
    %add3A_2146 = arith.addi %and3A_1956, %add3A_2145 : vector<16xi32>
    %select_n3A_2147 = arith.select %lt3A_2143, %add3A_2146, %and3A_1956 : vector<16xi1>, vector<16xi32>
    %broadcast_in_dim3A_2148 = vector.shape_cast %select_n3A_2147 : vector<16xi32> to vector<16x1xi32>
    %gather3A_2149 = vector.shape_cast %broadcast_in_dim3A_2148 : vector<16x1xi32> to vector<16xi32>
    %gather3A_2150 = tpu.dynamic_gather %get3A_67[%gather3A_2149] in [0] : vector<16xf32>, vector<16xi32> -> vector<16xf32>
    %select_n3A_2151 = arith.select %eq3A_2129, %gather3A_2150, %select_n3A_2126 : vector<16xi1>, vector<16xf32>
    %eq3A_2152 = arith.constant 8 : i32
    %eq3A_2153 = vector.broadcast %eq3A_2152 : i32 to vector<16xi32>
    %eq3A_2154 = arith.cmpi eq, %shift_right_logical3A_1953, %eq3A_2153 : vector<16xi32>
    %lt3A_2155 = arith.constant 0 : i32
    %lt3A_2156 = vector.broadcast %lt3A_2155 : i32 to vector<16xi32>
    %lt3A_2157 = arith.cmpi slt, %and3A_1956, %lt3A_2156 : vector<16xi32>
    %add3A_2158 = arith.constant 16 : i32
    %add3A_2159 = vector.broadcast %add3A_2158 : i32 to vector<16xi32>
    %add3A_2160 = arith.addi %and3A_1956, %add3A_2159 : vector<16xi32>
    %select_n3A_2161 = arith.select %lt3A_2157, %add3A_2160, %and3A_1956 : vector<16xi1>, vector<16xi32>
    %broadcast_in_dim3A_2162 = vector.shape_cast %select_n3A_2161 : vector<16xi32> to vector<16x1xi32>
    %gather3A_2163 = vector.shape_cast %broadcast_in_dim3A_2162 : vector<16x1xi32> to vector<16xi32>
    %gather3A_2164 = tpu.dynamic_gather %get3A_34[%gather3A_2163] in [0] : vector<16xf32>, vector<16xi32> -> vector<16xf32>
    %select_n3A_2165 = arith.select %eq3A_2154, %gather3A_2164, %select_n3A_2140 : vector<16xi1>, vector<16xf32>
    %lt3A_2166 = arith.constant 0 : i32
    %lt3A_2167 = vector.broadcast %lt3A_2166 : i32 to vector<16xi32>
    %lt3A_2168 = arith.cmpi slt, %and3A_1956, %lt3A_2167 : vector<16xi32>
    %add3A_2169 = arith.constant 16 : i32
    %add3A_2170 = vector.broadcast %add3A_2169 : i32 to vector<16xi32>
    %add3A_2171 = arith.addi %and3A_1956, %add3A_2170 : vector<16xi32>
    %select_n3A_2172 = arith.select %lt3A_2168, %add3A_2171, %and3A_1956 : vector<16xi1>, vector<16xi32>
    %broadcast_in_dim3A_2173 = vector.shape_cast %select_n3A_2172 : vector<16xi32> to vector<16x1xi32>
    %gather3A_2174 = vector.shape_cast %broadcast_in_dim3A_2173 : vector<16x1xi32> to vector<16xi32>
    %gather3A_2175 = tpu.dynamic_gather %get3A_70[%gather3A_2174] in [0] : vector<16xf32>, vector<16xi32> -> vector<16xf32>
    %select_n3A_2176 = arith.select %eq3A_2154, %gather3A_2175, %select_n3A_2151 : vector<16xi1>, vector<16xf32>
    %eq3A_2177 = arith.constant 9 : i32
    %eq3A_2178 = vector.broadcast %eq3A_2177 : i32 to vector<16xi32>
    %eq3A_2179 = arith.cmpi eq, %shift_right_logical3A_1953, %eq3A_2178 : vector<16xi32>
    %lt3A_2180 = arith.constant 0 : i32
    %lt3A_2181 = vector.broadcast %lt3A_2180 : i32 to vector<16xi32>
    %lt3A_2182 = arith.cmpi slt, %and3A_1956, %lt3A_2181 : vector<16xi32>
    %add3A_2183 = arith.constant 16 : i32
    %add3A_2184 = vector.broadcast %add3A_2183 : i32 to vector<16xi32>
    %add3A_2185 = arith.addi %and3A_1956, %add3A_2184 : vector<16xi32>
    %select_n3A_2186 = arith.select %lt3A_2182, %add3A_2185, %and3A_1956 : vector<16xi1>, vector<16xi32>
    %broadcast_in_dim3A_2187 = vector.shape_cast %select_n3A_2186 : vector<16xi32> to vector<16x1xi32>
    %gather3A_2188 = vector.shape_cast %broadcast_in_dim3A_2187 : vector<16x1xi32> to vector<16xi32>
    %gather3A_2189 = tpu.dynamic_gather %get3A_37[%gather3A_2188] in [0] : vector<16xf32>, vector<16xi32> -> vector<16xf32>
    %select_n3A_2190 = arith.select %eq3A_2179, %gather3A_2189, %select_n3A_2165 : vector<16xi1>, vector<16xf32>
    %lt3A_2191 = arith.constant 0 : i32
    %lt3A_2192 = vector.broadcast %lt3A_2191 : i32 to vector<16xi32>
    %lt3A_2193 = arith.cmpi slt, %and3A_1956, %lt3A_2192 : vector<16xi32>
    %add3A_2194 = arith.constant 16 : i32
    %add3A_2195 = vector.broadcast %add3A_2194 : i32 to vector<16xi32>
    %add3A_2196 = arith.addi %and3A_1956, %add3A_2195 : vector<16xi32>
    %select_n3A_2197 = arith.select %lt3A_2193, %add3A_2196, %and3A_1956 : vector<16xi1>, vector<16xi32>
    %broadcast_in_dim3A_2198 = vector.shape_cast %select_n3A_2197 : vector<16xi32> to vector<16x1xi32>
    %gather3A_2199 = vector.shape_cast %broadcast_in_dim3A_2198 : vector<16x1xi32> to vector<16xi32>
    %gather3A_2200 = tpu.dynamic_gather %get3A_73[%gather3A_2199] in [0] : vector<16xf32>, vector<16xi32> -> vector<16xf32>
    %select_n3A_2201 = arith.select %eq3A_2179, %gather3A_2200, %select_n3A_2176 : vector<16xi1>, vector<16xf32>
    %eq3A_2202 = arith.constant 10 : i32
    %eq3A_2203 = vector.broadcast %eq3A_2202 : i32 to vector<16xi32>
    %eq3A_2204 = arith.cmpi eq, %shift_right_logical3A_1953, %eq3A_2203 : vector<16xi32>
    %lt3A_2205 = arith.constant 0 : i32
    %lt3A_2206 = vector.broadcast %lt3A_2205 : i32 to vector<16xi32>
    %lt3A_2207 = arith.cmpi slt, %and3A_1956, %lt3A_2206 : vector<16xi32>
    %add3A_2208 = arith.constant 16 : i32
    %add3A_2209 = vector.broadcast %add3A_2208 : i32 to vector<16xi32>
    %add3A_2210 = arith.addi %and3A_1956, %add3A_2209 : vector<16xi32>
    %select_n3A_2211 = arith.select %lt3A_2207, %add3A_2210, %and3A_1956 : vector<16xi1>, vector<16xi32>
    %broadcast_in_dim3A_2212 = vector.shape_cast %select_n3A_2211 : vector<16xi32> to vector<16x1xi32>
    %gather3A_2213 = vector.shape_cast %broadcast_in_dim3A_2212 : vector<16x1xi32> to vector<16xi32>
    %gather3A_2214 = tpu.dynamic_gather %get3A_40[%gather3A_2213] in [0] : vector<16xf32>, vector<16xi32> -> vector<16xf32>
    %select_n3A_2215 = arith.select %eq3A_2204, %gather3A_2214, %select_n3A_2190 : vector<16xi1>, vector<16xf32>
    %lt3A_2216 = arith.constant 0 : i32
    %lt3A_2217 = vector.broadcast %lt3A_2216 : i32 to vector<16xi32>
    %lt3A_2218 = arith.cmpi slt, %and3A_1956, %lt3A_2217 : vector<16xi32>
    %add3A_2219 = arith.constant 16 : i32
    %add3A_2220 = vector.broadcast %add3A_2219 : i32 to vector<16xi32>
    %add3A_2221 = arith.addi %and3A_1956, %add3A_2220 : vector<16xi32>
    %select_n3A_2222 = arith.select %lt3A_2218, %add3A_2221, %and3A_1956 : vector<16xi1>, vector<16xi32>
    %broadcast_in_dim3A_2223 = vector.shape_cast %select_n3A_2222 : vector<16xi32> to vector<16x1xi32>
    %gather3A_2224 = vector.shape_cast %broadcast_in_dim3A_2223 : vector<16x1xi32> to vector<16xi32>
    %gather3A_2225 = tpu.dynamic_gather %get3A_76[%gather3A_2224] in [0] : vector<16xf32>, vector<16xi32> -> vector<16xf32>
    %select_n3A_2226 = arith.select %eq3A_2204, %gather3A_2225, %select_n3A_2201 : vector<16xi1>, vector<16xf32>
    %eq3A_2227 = arith.constant 11 : i32
    %eq3A_2228 = vector.broadcast %eq3A_2227 : i32 to vector<16xi32>
    %eq3A_2229 = arith.cmpi eq, %shift_right_logical3A_1953, %eq3A_2228 : vector<16xi32>
    %lt3A_2230 = arith.constant 0 : i32
    %lt3A_2231 = vector.broadcast %lt3A_2230 : i32 to vector<16xi32>
    %lt3A_2232 = arith.cmpi slt, %and3A_1956, %lt3A_2231 : vector<16xi32>
    %add3A_2233 = arith.constant 16 : i32
    %add3A_2234 = vector.broadcast %add3A_2233 : i32 to vector<16xi32>
    %add3A_2235 = arith.addi %and3A_1956, %add3A_2234 : vector<16xi32>
    %select_n3A_2236 = arith.select %lt3A_2232, %add3A_2235, %and3A_1956 : vector<16xi1>, vector<16xi32>
    %broadcast_in_dim3A_2237 = vector.shape_cast %select_n3A_2236 : vector<16xi32> to vector<16x1xi32>
    %gather3A_2238 = vector.shape_cast %broadcast_in_dim3A_2237 : vector<16x1xi32> to vector<16xi32>
    %gather3A_2239 = tpu.dynamic_gather %get3A_43[%gather3A_2238] in [0] : vector<16xf32>, vector<16xi32> -> vector<16xf32>
    %select_n3A_2240 = arith.select %eq3A_2229, %gather3A_2239, %select_n3A_2215 : vector<16xi1>, vector<16xf32>
    %lt3A_2241 = arith.constant 0 : i32
    %lt3A_2242 = vector.broadcast %lt3A_2241 : i32 to vector<16xi32>
    %lt3A_2243 = arith.cmpi slt, %and3A_1956, %lt3A_2242 : vector<16xi32>
    %add3A_2244 = arith.constant 16 : i32
    %add3A_2245 = vector.broadcast %add3A_2244 : i32 to vector<16xi32>
    %add3A_2246 = arith.addi %and3A_1956, %add3A_2245 : vector<16xi32>
    %select_n3A_2247 = arith.select %lt3A_2243, %add3A_2246, %and3A_1956 : vector<16xi1>, vector<16xi32>
    %broadcast_in_dim3A_2248 = vector.shape_cast %select_n3A_2247 : vector<16xi32> to vector<16x1xi32>
    %gather3A_2249 = vector.shape_cast %broadcast_in_dim3A_2248 : vector<16x1xi32> to vector<16xi32>
    %gather3A_2250 = tpu.dynamic_gather %get3A_79[%gather3A_2249] in [0] : vector<16xf32>, vector<16xi32> -> vector<16xf32>
    %select_n3A_2251 = arith.select %eq3A_2229, %gather3A_2250, %select_n3A_2226 : vector<16xi1>, vector<16xf32>
    %get3A_2252 = arith.constant 96 : index
    %get3A_2253 = tpu.vector_load %arg8[%get3A_2252] {strides = array<i32>} : memref<256xf32, #tpu.memory_space<vmem>>, vector<16xf32>,
    %get3A_2254 = vector.shape_cast %get3A_2253 : vector<16xf32> to vector<16xf32>
    %sub3A_2255 = arith.subf %get3A_2254, %select_n3A_2240 : vector<16xf32>
    %div3A_2256 = arith.divf %sub3A_2255, %select_n3A_2251 : vector<16xf32>
    %swap3A_2257 = arith.constant 96 : index
    %swap3A_2258 = tpu.vector_load %arg11[%swap3A_2257] {strides = array<i32>} : memref<256xf32, #tpu.memory_space<vmem>>, vector<16xf32>,
    %swap3A_2259 = vector.shape_cast %swap3A_2258 : vector<16xf32> to vector<16xf32>
    %swap3A_2260 = vector.shape_cast %div3A_2256 : vector<16xf32> to vector<16xf32>
    tpu.vector_store %arg11[%swap3A_2257], %swap3A_2260 {strides = array<i32>} : memref<256xf32, #tpu.memory_space<vmem>>, vector<16xf32>,
    %get3A_2261 = arith.constant 112 : index
    %get3A_2262 = tpu.vector_load %arg7[%get3A_2261] {strides = array<i32>} : memref<256xi32, #tpu.memory_space<vmem>>, vector<16xi32>,
    %get3A_2263 = vector.shape_cast %get3A_2262 : vector<16xi32> to vector<16xi32>
    %shift_right_logical3A_2264 = arith.constant 4 : i32
    %shift_right_logical3A_2265 = vector.broadcast %shift_right_logical3A_2264 : i32 to vector<16xi32>
    %shift_right_logical3A_2266 = arith.shrui %get3A_2263, %shift_right_logical3A_2265 : vector<16xi32>
    %and3A_2267 = arith.constant 15 : i32
    %and3A_2268 = vector.broadcast %and3A_2267 : i32 to vector<16xi32>
    %and3A_2269 = arith.andi %get3A_2263, %and3A_2268 : vector<16xi32>
    %lt3A_2270 = arith.constant 0 : i32
    %lt3A_2271 = vector.broadcast %lt3A_2270 : i32 to vector<16xi32>
    %lt3A_2272 = arith.cmpi slt, %and3A_2269, %lt3A_2271 : vector<16xi32>
    %add3A_2273 = arith.constant 16 : i32
    %add3A_2274 = vector.broadcast %add3A_2273 : i32 to vector<16xi32>
    %add3A_2275 = arith.addi %and3A_2269, %add3A_2274 : vector<16xi32>
    %select_n3A_2276 = arith.select %lt3A_2272, %add3A_2275, %and3A_2269 : vector<16xi1>, vector<16xi32>
    %broadcast_in_dim3A_2277 = vector.shape_cast %select_n3A_2276 : vector<16xi32> to vector<16x1xi32>
    %gather3A_2278 = vector.shape_cast %broadcast_in_dim3A_2277 : vector<16x1xi32> to vector<16xi32>
    %gather3A_2279 = tpu.dynamic_gather %get3A_10[%gather3A_2278] in [0] : vector<16xf32>, vector<16xi32> -> vector<16xf32>
    %lt3A_2280 = arith.constant 0 : i32
    %lt3A_2281 = vector.broadcast %lt3A_2280 : i32 to vector<16xi32>
    %lt3A_2282 = arith.cmpi slt, %and3A_2269, %lt3A_2281 : vector<16xi32>
    %add3A_2283 = arith.constant 16 : i32
    %add3A_2284 = vector.broadcast %add3A_2283 : i32 to vector<16xi32>
    %add3A_2285 = arith.addi %and3A_2269, %add3A_2284 : vector<16xi32>
    %select_n3A_2286 = arith.select %lt3A_2282, %add3A_2285, %and3A_2269 : vector<16xi1>, vector<16xi32>
    %broadcast_in_dim3A_2287 = vector.shape_cast %select_n3A_2286 : vector<16xi32> to vector<16x1xi32>
    %gather3A_2288 = vector.shape_cast %broadcast_in_dim3A_2287 : vector<16x1xi32> to vector<16xi32>
    %gather3A_2289 = tpu.dynamic_gather %get3A_46[%gather3A_2288] in [0] : vector<16xf32>, vector<16xi32> -> vector<16xf32>
    %eq3A_2290 = arith.constant 1 : i32
    %eq3A_2291 = vector.broadcast %eq3A_2290 : i32 to vector<16xi32>
    %eq3A_2292 = arith.cmpi eq, %shift_right_logical3A_2266, %eq3A_2291 : vector<16xi32>
    %lt3A_2293 = arith.constant 0 : i32
    %lt3A_2294 = vector.broadcast %lt3A_2293 : i32 to vector<16xi32>
    %lt3A_2295 = arith.cmpi slt, %and3A_2269, %lt3A_2294 : vector<16xi32>
    %add3A_2296 = arith.constant 16 : i32
    %add3A_2297 = vector.broadcast %add3A_2296 : i32 to vector<16xi32>
    %add3A_2298 = arith.addi %and3A_2269, %add3A_2297 : vector<16xi32>
    %select_n3A_2299 = arith.select %lt3A_2295, %add3A_2298, %and3A_2269 : vector<16xi1>, vector<16xi32>
    %broadcast_in_dim3A_2300 = vector.shape_cast %select_n3A_2299 : vector<16xi32> to vector<16x1xi32>
    %gather3A_2301 = vector.shape_cast %broadcast_in_dim3A_2300 : vector<16x1xi32> to vector<16xi32>
    %gather3A_2302 = tpu.dynamic_gather %get3A_13[%gather3A_2301] in [0] : vector<16xf32>, vector<16xi32> -> vector<16xf32>
    %select_n3A_2303 = arith.select %eq3A_2292, %gather3A_2302, %gather3A_2279 : vector<16xi1>, vector<16xf32>
    %lt3A_2304 = arith.constant 0 : i32
    %lt3A_2305 = vector.broadcast %lt3A_2304 : i32 to vector<16xi32>
    %lt3A_2306 = arith.cmpi slt, %and3A_2269, %lt3A_2305 : vector<16xi32>
    %add3A_2307 = arith.constant 16 : i32
    %add3A_2308 = vector.broadcast %add3A_2307 : i32 to vector<16xi32>
    %add3A_2309 = arith.addi %and3A_2269, %add3A_2308 : vector<16xi32>
    %select_n3A_2310 = arith.select %lt3A_2306, %add3A_2309, %and3A_2269 : vector<16xi1>, vector<16xi32>
    %broadcast_in_dim3A_2311 = vector.shape_cast %select_n3A_2310 : vector<16xi32> to vector<16x1xi32>
    %gather3A_2312 = vector.shape_cast %broadcast_in_dim3A_2311 : vector<16x1xi32> to vector<16xi32>
    %gather3A_2313 = tpu.dynamic_gather %get3A_49[%gather3A_2312] in [0] : vector<16xf32>, vector<16xi32> -> vector<16xf32>
    %select_n3A_2314 = arith.select %eq3A_2292, %gather3A_2313, %gather3A_2289 : vector<16xi1>, vector<16xf32>
    %eq3A_2315 = arith.constant 2 : i32
    %eq3A_2316 = vector.broadcast %eq3A_2315 : i32 to vector<16xi32>
    %eq3A_2317 = arith.cmpi eq, %shift_right_logical3A_2266, %eq3A_2316 : vector<16xi32>
    %lt3A_2318 = arith.constant 0 : i32
    %lt3A_2319 = vector.broadcast %lt3A_2318 : i32 to vector<16xi32>
    %lt3A_2320 = arith.cmpi slt, %and3A_2269, %lt3A_2319 : vector<16xi32>
    %add3A_2321 = arith.constant 16 : i32
    %add3A_2322 = vector.broadcast %add3A_2321 : i32 to vector<16xi32>
    %add3A_2323 = arith.addi %and3A_2269, %add3A_2322 : vector<16xi32>
    %select_n3A_2324 = arith.select %lt3A_2320, %add3A_2323, %and3A_2269 : vector<16xi1>, vector<16xi32>
    %broadcast_in_dim3A_2325 = vector.shape_cast %select_n3A_2324 : vector<16xi32> to vector<16x1xi32>
    %gather3A_2326 = vector.shape_cast %broadcast_in_dim3A_2325 : vector<16x1xi32> to vector<16xi32>
    %gather3A_2327 = tpu.dynamic_gather %get3A_16[%gather3A_2326] in [0] : vector<16xf32>, vector<16xi32> -> vector<16xf32>
    %select_n3A_2328 = arith.select %eq3A_2317, %gather3A_2327, %select_n3A_2303 : vector<16xi1>, vector<16xf32>
    %lt3A_2329 = arith.constant 0 : i32
    %lt3A_2330 = vector.broadcast %lt3A_2329 : i32 to vector<16xi32>
    %lt3A_2331 = arith.cmpi slt, %and3A_2269, %lt3A_2330 : vector<16xi32>
    %add3A_2332 = arith.constant 16 : i32
    %add3A_2333 = vector.broadcast %add3A_2332 : i32 to vector<16xi32>
    %add3A_2334 = arith.addi %and3A_2269, %add3A_2333 : vector<16xi32>
    %select_n3A_2335 = arith.select %lt3A_2331, %add3A_2334, %and3A_2269 : vector<16xi1>, vector<16xi32>
    %broadcast_in_dim3A_2336 = vector.shape_cast %select_n3A_2335 : vector<16xi32> to vector<16x1xi32>
    %gather3A_2337 = vector.shape_cast %broadcast_in_dim3A_2336 : vector<16x1xi32> to vector<16xi32>
    %gather3A_2338 = tpu.dynamic_gather %get3A_52[%gather3A_2337] in [0] : vector<16xf32>, vector<16xi32> -> vector<16xf32>
    %select_n3A_2339 = arith.select %eq3A_2317, %gather3A_2338, %select_n3A_2314 : vector<16xi1>, vector<16xf32>
    %eq3A_2340 = arith.constant 3 : i32
    %eq3A_2341 = vector.broadcast %eq3A_2340 : i32 to vector<16xi32>
    %eq3A_2342 = arith.cmpi eq, %shift_right_logical3A_2266, %eq3A_2341 : vector<16xi32>
    %lt3A_2343 = arith.constant 0 : i32
    %lt3A_2344 = vector.broadcast %lt3A_2343 : i32 to vector<16xi32>
    %lt3A_2345 = arith.cmpi slt, %and3A_2269, %lt3A_2344 : vector<16xi32>
    %add3A_2346 = arith.constant 16 : i32
    %add3A_2347 = vector.broadcast %add3A_2346 : i32 to vector<16xi32>
    %add3A_2348 = arith.addi %and3A_2269, %add3A_2347 : vector<16xi32>
    %select_n3A_2349 = arith.select %lt3A_2345, %add3A_2348, %and3A_2269 : vector<16xi1>, vector<16xi32>
    %broadcast_in_dim3A_2350 = vector.shape_cast %select_n3A_2349 : vector<16xi32> to vector<16x1xi32>
    %gather3A_2351 = vector.shape_cast %broadcast_in_dim3A_2350 : vector<16x1xi32> to vector<16xi32>
    %gather3A_2352 = tpu.dynamic_gather %get3A_19[%gather3A_2351] in [0] : vector<16xf32>, vector<16xi32> -> vector<16xf32>
    %select_n3A_2353 = arith.select %eq3A_2342, %gather3A_2352, %select_n3A_2328 : vector<16xi1>, vector<16xf32>
    %lt3A_2354 = arith.constant 0 : i32
    %lt3A_2355 = vector.broadcast %lt3A_2354 : i32 to vector<16xi32>
    %lt3A_2356 = arith.cmpi slt, %and3A_2269, %lt3A_2355 : vector<16xi32>
    %add3A_2357 = arith.constant 16 : i32
    %add3A_2358 = vector.broadcast %add3A_2357 : i32 to vector<16xi32>
    %add3A_2359 = arith.addi %and3A_2269, %add3A_2358 : vector<16xi32>
    %select_n3A_2360 = arith.select %lt3A_2356, %add3A_2359, %and3A_2269 : vector<16xi1>, vector<16xi32>
    %broadcast_in_dim3A_2361 = vector.shape_cast %select_n3A_2360 : vector<16xi32> to vector<16x1xi32>
    %gather3A_2362 = vector.shape_cast %broadcast_in_dim3A_2361 : vector<16x1xi32> to vector<16xi32>
    %gather3A_2363 = tpu.dynamic_gather %get3A_55[%gather3A_2362] in [0] : vector<16xf32>, vector<16xi32> -> vector<16xf32>
    %select_n3A_2364 = arith.select %eq3A_2342, %gather3A_2363, %select_n3A_2339 : vector<16xi1>, vector<16xf32>
    %eq3A_2365 = arith.constant 4 : i32
    %eq3A_2366 = vector.broadcast %eq3A_2365 : i32 to vector<16xi32>
    %eq3A_2367 = arith.cmpi eq, %shift_right_logical3A_2266, %eq3A_2366 : vector<16xi32>
    %lt3A_2368 = arith.constant 0 : i32
    %lt3A_2369 = vector.broadcast %lt3A_2368 : i32 to vector<16xi32>
    %lt3A_2370 = arith.cmpi slt, %and3A_2269, %lt3A_2369 : vector<16xi32>
    %add3A_2371 = arith.constant 16 : i32
    %add3A_2372 = vector.broadcast %add3A_2371 : i32 to vector<16xi32>
    %add3A_2373 = arith.addi %and3A_2269, %add3A_2372 : vector<16xi32>
    %select_n3A_2374 = arith.select %lt3A_2370, %add3A_2373, %and3A_2269 : vector<16xi1>, vector<16xi32>
    %broadcast_in_dim3A_2375 = vector.shape_cast %select_n3A_2374 : vector<16xi32> to vector<16x1xi32>
    %gather3A_2376 = vector.shape_cast %broadcast_in_dim3A_2375 : vector<16x1xi32> to vector<16xi32>
    %gather3A_2377 = tpu.dynamic_gather %get3A_22[%gather3A_2376] in [0] : vector<16xf32>, vector<16xi32> -> vector<16xf32>
    %select_n3A_2378 = arith.select %eq3A_2367, %gather3A_2377, %select_n3A_2353 : vector<16xi1>, vector<16xf32>
    %lt3A_2379 = arith.constant 0 : i32
    %lt3A_2380 = vector.broadcast %lt3A_2379 : i32 to vector<16xi32>
    %lt3A_2381 = arith.cmpi slt, %and3A_2269, %lt3A_2380 : vector<16xi32>
    %add3A_2382 = arith.constant 16 : i32
    %add3A_2383 = vector.broadcast %add3A_2382 : i32 to vector<16xi32>
    %add3A_2384 = arith.addi %and3A_2269, %add3A_2383 : vector<16xi32>
    %select_n3A_2385 = arith.select %lt3A_2381, %add3A_2384, %and3A_2269 : vector<16xi1>, vector<16xi32>
    %broadcast_in_dim3A_2386 = vector.shape_cast %select_n3A_2385 : vector<16xi32> to vector<16x1xi32>
    %gather3A_2387 = vector.shape_cast %broadcast_in_dim3A_2386 : vector<16x1xi32> to vector<16xi32>
    %gather3A_2388 = tpu.dynamic_gather %get3A_58[%gather3A_2387] in [0] : vector<16xf32>, vector<16xi32> -> vector<16xf32>
    %select_n3A_2389 = arith.select %eq3A_2367, %gather3A_2388, %select_n3A_2364 : vector<16xi1>, vector<16xf32>
    %eq3A_2390 = arith.constant 5 : i32
    %eq3A_2391 = vector.broadcast %eq3A_2390 : i32 to vector<16xi32>
    %eq3A_2392 = arith.cmpi eq, %shift_right_logical3A_2266, %eq3A_2391 : vector<16xi32>
    %lt3A_2393 = arith.constant 0 : i32
    %lt3A_2394 = vector.broadcast %lt3A_2393 : i32 to vector<16xi32>
    %lt3A_2395 = arith.cmpi slt, %and3A_2269, %lt3A_2394 : vector<16xi32>
    %add3A_2396 = arith.constant 16 : i32
    %add3A_2397 = vector.broadcast %add3A_2396 : i32 to vector<16xi32>
    %add3A_2398 = arith.addi %and3A_2269, %add3A_2397 : vector<16xi32>
    %select_n3A_2399 = arith.select %lt3A_2395, %add3A_2398, %and3A_2269 : vector<16xi1>, vector<16xi32>
    %broadcast_in_dim3A_2400 = vector.shape_cast %select_n3A_2399 : vector<16xi32> to vector<16x1xi32>
    %gather3A_2401 = vector.shape_cast %broadcast_in_dim3A_2400 : vector<16x1xi32> to vector<16xi32>
    %gather3A_2402 = tpu.dynamic_gather %get3A_25[%gather3A_2401] in [0] : vector<16xf32>, vector<16xi32> -> vector<16xf32>
    %select_n3A_2403 = arith.select %eq3A_2392, %gather3A_2402, %select_n3A_2378 : vector<16xi1>, vector<16xf32>
    %lt3A_2404 = arith.constant 0 : i32
    %lt3A_2405 = vector.broadcast %lt3A_2404 : i32 to vector<16xi32>
    %lt3A_2406 = arith.cmpi slt, %and3A_2269, %lt3A_2405 : vector<16xi32>
    %add3A_2407 = arith.constant 16 : i32
    %add3A_2408 = vector.broadcast %add3A_2407 : i32 to vector<16xi32>
    %add3A_2409 = arith.addi %and3A_2269, %add3A_2408 : vector<16xi32>
    %select_n3A_2410 = arith.select %lt3A_2406, %add3A_2409, %and3A_2269 : vector<16xi1>, vector<16xi32>
    %broadcast_in_dim3A_2411 = vector.shape_cast %select_n3A_2410 : vector<16xi32> to vector<16x1xi32>
    %gather3A_2412 = vector.shape_cast %broadcast_in_dim3A_2411 : vector<16x1xi32> to vector<16xi32>
    %gather3A_2413 = tpu.dynamic_gather %get3A_61[%gather3A_2412] in [0] : vector<16xf32>, vector<16xi32> -> vector<16xf32>
    %select_n3A_2414 = arith.select %eq3A_2392, %gather3A_2413, %select_n3A_2389 : vector<16xi1>, vector<16xf32>
    %eq3A_2415 = arith.constant 6 : i32
    %eq3A_2416 = vector.broadcast %eq3A_2415 : i32 to vector<16xi32>
    %eq3A_2417 = arith.cmpi eq, %shift_right_logical3A_2266, %eq3A_2416 : vector<16xi32>
    %lt3A_2418 = arith.constant 0 : i32
    %lt3A_2419 = vector.broadcast %lt3A_2418 : i32 to vector<16xi32>
    %lt3A_2420 = arith.cmpi slt, %and3A_2269, %lt3A_2419 : vector<16xi32>
    %add3A_2421 = arith.constant 16 : i32
    %add3A_2422 = vector.broadcast %add3A_2421 : i32 to vector<16xi32>
    %add3A_2423 = arith.addi %and3A_2269, %add3A_2422 : vector<16xi32>
    %select_n3A_2424 = arith.select %lt3A_2420, %add3A_2423, %and3A_2269 : vector<16xi1>, vector<16xi32>
    %broadcast_in_dim3A_2425 = vector.shape_cast %select_n3A_2424 : vector<16xi32> to vector<16x1xi32>
    %gather3A_2426 = vector.shape_cast %broadcast_in_dim3A_2425 : vector<16x1xi32> to vector<16xi32>
    %gather3A_2427 = tpu.dynamic_gather %get3A_28[%gather3A_2426] in [0] : vector<16xf32>, vector<16xi32> -> vector<16xf32>
    %select_n3A_2428 = arith.select %eq3A_2417, %gather3A_2427, %select_n3A_2403 : vector<16xi1>, vector<16xf32>
    %lt3A_2429 = arith.constant 0 : i32
    %lt3A_2430 = vector.broadcast %lt3A_2429 : i32 to vector<16xi32>
    %lt3A_2431 = arith.cmpi slt, %and3A_2269, %lt3A_2430 : vector<16xi32>
    %add3A_2432 = arith.constant 16 : i32
    %add3A_2433 = vector.broadcast %add3A_2432 : i32 to vector<16xi32>
    %add3A_2434 = arith.addi %and3A_2269, %add3A_2433 : vector<16xi32>
    %select_n3A_2435 = arith.select %lt3A_2431, %add3A_2434, %and3A_2269 : vector<16xi1>, vector<16xi32>
    %broadcast_in_dim3A_2436 = vector.shape_cast %select_n3A_2435 : vector<16xi32> to vector<16x1xi32>
    %gather3A_2437 = vector.shape_cast %broadcast_in_dim3A_2436 : vector<16x1xi32> to vector<16xi32>
    %gather3A_2438 = tpu.dynamic_gather %get3A_64[%gather3A_2437] in [0] : vector<16xf32>, vector<16xi32> -> vector<16xf32>
    %select_n3A_2439 = arith.select %eq3A_2417, %gather3A_2438, %select_n3A_2414 : vector<16xi1>, vector<16xf32>
    %eq3A_2440 = arith.constant 7 : i32
    %eq3A_2441 = vector.broadcast %eq3A_2440 : i32 to vector<16xi32>
    %eq3A_2442 = arith.cmpi eq, %shift_right_logical3A_2266, %eq3A_2441 : vector<16xi32>
    %lt3A_2443 = arith.constant 0 : i32
    %lt3A_2444 = vector.broadcast %lt3A_2443 : i32 to vector<16xi32>
    %lt3A_2445 = arith.cmpi slt, %and3A_2269, %lt3A_2444 : vector<16xi32>
    %add3A_2446 = arith.constant 16 : i32
    %add3A_2447 = vector.broadcast %add3A_2446 : i32 to vector<16xi32>
    %add3A_2448 = arith.addi %and3A_2269, %add3A_2447 : vector<16xi32>
    %select_n3A_2449 = arith.select %lt3A_2445, %add3A_2448, %and3A_2269 : vector<16xi1>, vector<16xi32>
    %broadcast_in_dim3A_2450 = vector.shape_cast %select_n3A_2449 : vector<16xi32> to vector<16x1xi32>
    %gather3A_2451 = vector.shape_cast %broadcast_in_dim3A_2450 : vector<16x1xi32> to vector<16xi32>
    %gather3A_2452 = tpu.dynamic_gather %get3A_31[%gather3A_2451] in [0] : vector<16xf32>, vector<16xi32> -> vector<16xf32>
    %select_n3A_2453 = arith.select %eq3A_2442, %gather3A_2452, %select_n3A_2428 : vector<16xi1>, vector<16xf32>
    %lt3A_2454 = arith.constant 0 : i32
    %lt3A_2455 = vector.broadcast %lt3A_2454 : i32 to vector<16xi32>
    %lt3A_2456 = arith.cmpi slt, %and3A_2269, %lt3A_2455 : vector<16xi32>
    %add3A_2457 = arith.constant 16 : i32
    %add3A_2458 = vector.broadcast %add3A_2457 : i32 to vector<16xi32>
    %add3A_2459 = arith.addi %and3A_2269, %add3A_2458 : vector<16xi32>
    %select_n3A_2460 = arith.select %lt3A_2456, %add3A_2459, %and3A_2269 : vector<16xi1>, vector<16xi32>
    %broadcast_in_dim3A_2461 = vector.shape_cast %select_n3A_2460 : vector<16xi32> to vector<16x1xi32>
    %gather3A_2462 = vector.shape_cast %broadcast_in_dim3A_2461 : vector<16x1xi32> to vector<16xi32>
    %gather3A_2463 = tpu.dynamic_gather %get3A_67[%gather3A_2462] in [0] : vector<16xf32>, vector<16xi32> -> vector<16xf32>
    %select_n3A_2464 = arith.select %eq3A_2442, %gather3A_2463, %select_n3A_2439 : vector<16xi1>, vector<16xf32>
    %eq3A_2465 = arith.constant 8 : i32
    %eq3A_2466 = vector.broadcast %eq3A_2465 : i32 to vector<16xi32>
    %eq3A_2467 = arith.cmpi eq, %shift_right_logical3A_2266, %eq3A_2466 : vector<16xi32>
    %lt3A_2468 = arith.constant 0 : i32
    %lt3A_2469 = vector.broadcast %lt3A_2468 : i32 to vector<16xi32>
    %lt3A_2470 = arith.cmpi slt, %and3A_2269, %lt3A_2469 : vector<16xi32>
    %add3A_2471 = arith.constant 16 : i32
    %add3A_2472 = vector.broadcast %add3A_2471 : i32 to vector<16xi32>
    %add3A_2473 = arith.addi %and3A_2269, %add3A_2472 : vector<16xi32>
    %select_n3A_2474 = arith.select %lt3A_2470, %add3A_2473, %and3A_2269 : vector<16xi1>, vector<16xi32>
    %broadcast_in_dim3A_2475 = vector.shape_cast %select_n3A_2474 : vector<16xi32> to vector<16x1xi32>
    %gather3A_2476 = vector.shape_cast %broadcast_in_dim3A_2475 : vector<16x1xi32> to vector<16xi32>
    %gather3A_2477 = tpu.dynamic_gather %get3A_34[%gather3A_2476] in [0] : vector<16xf32>, vector<16xi32> -> vector<16xf32>
    %select_n3A_2478 = arith.select %eq3A_2467, %gather3A_2477, %select_n3A_2453 : vector<16xi1>, vector<16xf32>
    %lt3A_2479 = arith.constant 0 : i32
    %lt3A_2480 = vector.broadcast %lt3A_2479 : i32 to vector<16xi32>
    %lt3A_2481 = arith.cmpi slt, %and3A_2269, %lt3A_2480 : vector<16xi32>
    %add3A_2482 = arith.constant 16 : i32
    %add3A_2483 = vector.broadcast %add3A_2482 : i32 to vector<16xi32>
    %add3A_2484 = arith.addi %and3A_2269, %add3A_2483 : vector<16xi32>
    %select_n3A_2485 = arith.select %lt3A_2481, %add3A_2484, %and3A_2269 : vector<16xi1>, vector<16xi32>
    %broadcast_in_dim3A_2486 = vector.shape_cast %select_n3A_2485 : vector<16xi32> to vector<16x1xi32>
    %gather3A_2487 = vector.shape_cast %broadcast_in_dim3A_2486 : vector<16x1xi32> to vector<16xi32>
    %gather3A_2488 = tpu.dynamic_gather %get3A_70[%gather3A_2487] in [0] : vector<16xf32>, vector<16xi32> -> vector<16xf32>
    %select_n3A_2489 = arith.select %eq3A_2467, %gather3A_2488, %select_n3A_2464 : vector<16xi1>, vector<16xf32>
    %eq3A_2490 = arith.constant 9 : i32
    %eq3A_2491 = vector.broadcast %eq3A_2490 : i32 to vector<16xi32>
    %eq3A_2492 = arith.cmpi eq, %shift_right_logical3A_2266, %eq3A_2491 : vector<16xi32>
    %lt3A_2493 = arith.constant 0 : i32
    %lt3A_2494 = vector.broadcast %lt3A_2493 : i32 to vector<16xi32>
    %lt3A_2495 = arith.cmpi slt, %and3A_2269, %lt3A_2494 : vector<16xi32>
    %add3A_2496 = arith.constant 16 : i32
    %add3A_2497 = vector.broadcast %add3A_2496 : i32 to vector<16xi32>
    %add3A_2498 = arith.addi %and3A_2269, %add3A_2497 : vector<16xi32>
    %select_n3A_2499 = arith.select %lt3A_2495, %add3A_2498, %and3A_2269 : vector<16xi1>, vector<16xi32>
    %broadcast_in_dim3A_2500 = vector.shape_cast %select_n3A_2499 : vector<16xi32> to vector<16x1xi32>
    %gather3A_2501 = vector.shape_cast %broadcast_in_dim3A_2500 : vector<16x1xi32> to vector<16xi32>
    %gather3A_2502 = tpu.dynamic_gather %get3A_37[%gather3A_2501] in [0] : vector<16xf32>, vector<16xi32> -> vector<16xf32>
    %select_n3A_2503 = arith.select %eq3A_2492, %gather3A_2502, %select_n3A_2478 : vector<16xi1>, vector<16xf32>
    %lt3A_2504 = arith.constant 0 : i32
    %lt3A_2505 = vector.broadcast %lt3A_2504 : i32 to vector<16xi32>
    %lt3A_2506 = arith.cmpi slt, %and3A_2269, %lt3A_2505 : vector<16xi32>
    %add3A_2507 = arith.constant 16 : i32
    %add3A_2508 = vector.broadcast %add3A_2507 : i32 to vector<16xi32>
    %add3A_2509 = arith.addi %and3A_2269, %add3A_2508 : vector<16xi32>
    %select_n3A_2510 = arith.select %lt3A_2506, %add3A_2509, %and3A_2269 : vector<16xi1>, vector<16xi32>
    %broadcast_in_dim3A_2511 = vector.shape_cast %select_n3A_2510 : vector<16xi32> to vector<16x1xi32>
    %gather3A_2512 = vector.shape_cast %broadcast_in_dim3A_2511 : vector<16x1xi32> to vector<16xi32>
    %gather3A_2513 = tpu.dynamic_gather %get3A_73[%gather3A_2512] in [0] : vector<16xf32>, vector<16xi32> -> vector<16xf32>
    %select_n3A_2514 = arith.select %eq3A_2492, %gather3A_2513, %select_n3A_2489 : vector<16xi1>, vector<16xf32>
    %eq3A_2515 = arith.constant 10 : i32
    %eq3A_2516 = vector.broadcast %eq3A_2515 : i32 to vector<16xi32>
    %eq3A_2517 = arith.cmpi eq, %shift_right_logical3A_2266, %eq3A_2516 : vector<16xi32>
    %lt3A_2518 = arith.constant 0 : i32
    %lt3A_2519 = vector.broadcast %lt3A_2518 : i32 to vector<16xi32>
    %lt3A_2520 = arith.cmpi slt, %and3A_2269, %lt3A_2519 : vector<16xi32>
    %add3A_2521 = arith.constant 16 : i32
    %add3A_2522 = vector.broadcast %add3A_2521 : i32 to vector<16xi32>
    %add3A_2523 = arith.addi %and3A_2269, %add3A_2522 : vector<16xi32>
    %select_n3A_2524 = arith.select %lt3A_2520, %add3A_2523, %and3A_2269 : vector<16xi1>, vector<16xi32>
    %broadcast_in_dim3A_2525 = vector.shape_cast %select_n3A_2524 : vector<16xi32> to vector<16x1xi32>
    %gather3A_2526 = vector.shape_cast %broadcast_in_dim3A_2525 : vector<16x1xi32> to vector<16xi32>
    %gather3A_2527 = tpu.dynamic_gather %get3A_40[%gather3A_2526] in [0] : vector<16xf32>, vector<16xi32> -> vector<16xf32>
    %select_n3A_2528 = arith.select %eq3A_2517, %gather3A_2527, %select_n3A_2503 : vector<16xi1>, vector<16xf32>
    %lt3A_2529 = arith.constant 0 : i32
    %lt3A_2530 = vector.broadcast %lt3A_2529 : i32 to vector<16xi32>
    %lt3A_2531 = arith.cmpi slt, %and3A_2269, %lt3A_2530 : vector<16xi32>
    %add3A_2532 = arith.constant 16 : i32
    %add3A_2533 = vector.broadcast %add3A_2532 : i32 to vector<16xi32>
    %add3A_2534 = arith.addi %and3A_2269, %add3A_2533 : vector<16xi32>
    %select_n3A_2535 = arith.select %lt3A_2531, %add3A_2534, %and3A_2269 : vector<16xi1>, vector<16xi32>
    %broadcast_in_dim3A_2536 = vector.shape_cast %select_n3A_2535 : vector<16xi32> to vector<16x1xi32>
    %gather3A_2537 = vector.shape_cast %broadcast_in_dim3A_2536 : vector<16x1xi32> to vector<16xi32>
    %gather3A_2538 = tpu.dynamic_gather %get3A_76[%gather3A_2537] in [0] : vector<16xf32>, vector<16xi32> -> vector<16xf32>
    %select_n3A_2539 = arith.select %eq3A_2517, %gather3A_2538, %select_n3A_2514 : vector<16xi1>, vector<16xf32>
    %eq3A_2540 = arith.constant 11 : i32
    %eq3A_2541 = vector.broadcast %eq3A_2540 : i32 to vector<16xi32>
    %eq3A_2542 = arith.cmpi eq, %shift_right_logical3A_2266, %eq3A_2541 : vector<16xi32>
    %lt3A_2543 = arith.constant 0 : i32
    %lt3A_2544 = vector.broadcast %lt3A_2543 : i32 to vector<16xi32>
    %lt3A_2545 = arith.cmpi slt, %and3A_2269, %lt3A_2544 : vector<16xi32>
    %add3A_2546 = arith.constant 16 : i32
    %add3A_2547 = vector.broadcast %add3A_2546 : i32 to vector<16xi32>
    %add3A_2548 = arith.addi %and3A_2269, %add3A_2547 : vector<16xi32>
    %select_n3A_2549 = arith.select %lt3A_2545, %add3A_2548, %and3A_2269 : vector<16xi1>, vector<16xi32>
    %broadcast_in_dim3A_2550 = vector.shape_cast %select_n3A_2549 : vector<16xi32> to vector<16x1xi32>
    %gather3A_2551 = vector.shape_cast %broadcast_in_dim3A_2550 : vector<16x1xi32> to vector<16xi32>
    %gather3A_2552 = tpu.dynamic_gather %get3A_43[%gather3A_2551] in [0] : vector<16xf32>, vector<16xi32> -> vector<16xf32>
    %select_n3A_2553 = arith.select %eq3A_2542, %gather3A_2552, %select_n3A_2528 : vector<16xi1>, vector<16xf32>
    %lt3A_2554 = arith.constant 0 : i32
    %lt3A_2555 = vector.broadcast %lt3A_2554 : i32 to vector<16xi32>
    %lt3A_2556 = arith.cmpi slt, %and3A_2269, %lt3A_2555 : vector<16xi32>
    %add3A_2557 = arith.constant 16 : i32
    %add3A_2558 = vector.broadcast %add3A_2557 : i32 to vector<16xi32>
    %add3A_2559 = arith.addi %and3A_2269, %add3A_2558 : vector<16xi32>
    %select_n3A_2560 = arith.select %lt3A_2556, %add3A_2559, %and3A_2269 : vector<16xi1>, vector<16xi32>
    %broadcast_in_dim3A_2561 = vector.shape_cast %select_n3A_2560 : vector<16xi32> to vector<16x1xi32>
    %gather3A_2562 = vector.shape_cast %broadcast_in_dim3A_2561 : vector<16x1xi32> to vector<16xi32>
    %gather3A_2563 = tpu.dynamic_gather %get3A_79[%gather3A_2562] in [0] : vector<16xf32>, vector<16xi32> -> vector<16xf32>
    %select_n3A_2564 = arith.select %eq3A_2542, %gather3A_2563, %select_n3A_2539 : vector<16xi1>, vector<16xf32>
    %get3A_2565 = arith.constant 112 : index
    %get3A_2566 = tpu.vector_load %arg8[%get3A_2565] {strides = array<i32>} : memref<256xf32, #tpu.memory_space<vmem>>, vector<16xf32>,
    %get3A_2567 = vector.shape_cast %get3A_2566 : vector<16xf32> to vector<16xf32>
    %sub3A_2568 = arith.subf %get3A_2567, %select_n3A_2553 : vector<16xf32>
    %div3A_2569 = arith.divf %sub3A_2568, %select_n3A_2564 : vector<16xf32>
    %swap3A_2570 = arith.constant 112 : index
    %swap3A_2571 = tpu.vector_load %arg11[%swap3A_2570] {strides = array<i32>} : memref<256xf32, #tpu.memory_space<vmem>>, vector<16xf32>,
    %swap3A_2572 = vector.shape_cast %swap3A_2571 : vector<16xf32> to vector<16xf32>
    %swap3A_2573 = vector.shape_cast %div3A_2569 : vector<16xf32> to vector<16xf32>
    tpu.vector_store %arg11[%swap3A_2570], %swap3A_2573 {strides = array<i32>} : memref<256xf32, #tpu.memory_space<vmem>>, vector<16xf32>,
    %get3A_2574 = arith.constant 128 : index
    %get3A_2575 = tpu.vector_load %arg7[%get3A_2574] {strides = array<i32>} : memref<256xi32, #tpu.memory_space<vmem>>, vector<16xi32>,
    %get3A_2576 = vector.shape_cast %get3A_2575 : vector<16xi32> to vector<16xi32>
    %shift_right_logical3A_2577 = arith.constant 4 : i32
    %shift_right_logical3A_2578 = vector.broadcast %shift_right_logical3A_2577 : i32 to vector<16xi32>
    %shift_right_logical3A_2579 = arith.shrui %get3A_2576, %shift_right_logical3A_2578 : vector<16xi32>
    %and3A_2580 = arith.constant 15 : i32
    %and3A_2581 = vector.broadcast %and3A_2580 : i32 to vector<16xi32>
    %and3A_2582 = arith.andi %get3A_2576, %and3A_2581 : vector<16xi32>
    %lt3A_2583 = arith.constant 0 : i32
    %lt3A_2584 = vector.broadcast %lt3A_2583 : i32 to vector<16xi32>
    %lt3A_2585 = arith.cmpi slt, %and3A_2582, %lt3A_2584 : vector<16xi32>
    %add3A_2586 = arith.constant 16 : i32
    %add3A_2587 = vector.broadcast %add3A_2586 : i32 to vector<16xi32>
    %add3A_2588 = arith.addi %and3A_2582, %add3A_2587 : vector<16xi32>
    %select_n3A_2589 = arith.select %lt3A_2585, %add3A_2588, %and3A_2582 : vector<16xi1>, vector<16xi32>
    %broadcast_in_dim3A_2590 = vector.shape_cast %select_n3A_2589 : vector<16xi32> to vector<16x1xi32>
    %gather3A_2591 = vector.shape_cast %broadcast_in_dim3A_2590 : vector<16x1xi32> to vector<16xi32>
    %gather3A_2592 = tpu.dynamic_gather %get3A_10[%gather3A_2591] in [0] : vector<16xf32>, vector<16xi32> -> vector<16xf32>
    %lt3A_2593 = arith.constant 0 : i32
    %lt3A_2594 = vector.broadcast %lt3A_2593 : i32 to vector<16xi32>
    %lt3A_2595 = arith.cmpi slt, %and3A_2582, %lt3A_2594 : vector<16xi32>
    %add3A_2596 = arith.constant 16 : i32
    %add3A_2597 = vector.broadcast %add3A_2596 : i32 to vector<16xi32>
    %add3A_2598 = arith.addi %and3A_2582, %add3A_2597 : vector<16xi32>
    %select_n3A_2599 = arith.select %lt3A_2595, %add3A_2598, %and3A_2582 : vector<16xi1>, vector<16xi32>
    %broadcast_in_dim3A_2600 = vector.shape_cast %select_n3A_2599 : vector<16xi32> to vector<16x1xi32>
    %gather3A_2601 = vector.shape_cast %broadcast_in_dim3A_2600 : vector<16x1xi32> to vector<16xi32>
    %gather3A_2602 = tpu.dynamic_gather %get3A_46[%gather3A_2601] in [0] : vector<16xf32>, vector<16xi32> -> vector<16xf32>
    %eq3A_2603 = arith.constant 1 : i32
    %eq3A_2604 = vector.broadcast %eq3A_2603 : i32 to vector<16xi32>
    %eq3A_2605 = arith.cmpi eq, %shift_right_logical3A_2579, %eq3A_2604 : vector<16xi32>
    %lt3A_2606 = arith.constant 0 : i32
    %lt3A_2607 = vector.broadcast %lt3A_2606 : i32 to vector<16xi32>
    %lt3A_2608 = arith.cmpi slt, %and3A_2582, %lt3A_2607 : vector<16xi32>
    %add3A_2609 = arith.constant 16 : i32
    %add3A_2610 = vector.broadcast %add3A_2609 : i32 to vector<16xi32>
    %add3A_2611 = arith.addi %and3A_2582, %add3A_2610 : vector<16xi32>
    %select_n3A_2612 = arith.select %lt3A_2608, %add3A_2611, %and3A_2582 : vector<16xi1>, vector<16xi32>
    %broadcast_in_dim3A_2613 = vector.shape_cast %select_n3A_2612 : vector<16xi32> to vector<16x1xi32>
    %gather3A_2614 = vector.shape_cast %broadcast_in_dim3A_2613 : vector<16x1xi32> to vector<16xi32>
    %gather3A_2615 = tpu.dynamic_gather %get3A_13[%gather3A_2614] in [0] : vector<16xf32>, vector<16xi32> -> vector<16xf32>
    %select_n3A_2616 = arith.select %eq3A_2605, %gather3A_2615, %gather3A_2592 : vector<16xi1>, vector<16xf32>
    %lt3A_2617 = arith.constant 0 : i32
    %lt3A_2618 = vector.broadcast %lt3A_2617 : i32 to vector<16xi32>
    %lt3A_2619 = arith.cmpi slt, %and3A_2582, %lt3A_2618 : vector<16xi32>
    %add3A_2620 = arith.constant 16 : i32
    %add3A_2621 = vector.broadcast %add3A_2620 : i32 to vector<16xi32>
    %add3A_2622 = arith.addi %and3A_2582, %add3A_2621 : vector<16xi32>
    %select_n3A_2623 = arith.select %lt3A_2619, %add3A_2622, %and3A_2582 : vector<16xi1>, vector<16xi32>
    %broadcast_in_dim3A_2624 = vector.shape_cast %select_n3A_2623 : vector<16xi32> to vector<16x1xi32>
    %gather3A_2625 = vector.shape_cast %broadcast_in_dim3A_2624 : vector<16x1xi32> to vector<16xi32>
    %gather3A_2626 = tpu.dynamic_gather %get3A_49[%gather3A_2625] in [0] : vector<16xf32>, vector<16xi32> -> vector<16xf32>
    %select_n3A_2627 = arith.select %eq3A_2605, %gather3A_2626, %gather3A_2602 : vector<16xi1>, vector<16xf32>
    %eq3A_2628 = arith.constant 2 : i32
    %eq3A_2629 = vector.broadcast %eq3A_2628 : i32 to vector<16xi32>
    %eq3A_2630 = arith.cmpi eq, %shift_right_logical3A_2579, %eq3A_2629 : vector<16xi32>
    %lt3A_2631 = arith.constant 0 : i32
    %lt3A_2632 = vector.broadcast %lt3A_2631 : i32 to vector<16xi32>
    %lt3A_2633 = arith.cmpi slt, %and3A_2582, %lt3A_2632 : vector<16xi32>
    %add3A_2634 = arith.constant 16 : i32
    %add3A_2635 = vector.broadcast %add3A_2634 : i32 to vector<16xi32>
    %add3A_2636 = arith.addi %and3A_2582, %add3A_2635 : vector<16xi32>
    %select_n3A_2637 = arith.select %lt3A_2633, %add3A_2636, %and3A_2582 : vector<16xi1>, vector<16xi32>
    %broadcast_in_dim3A_2638 = vector.shape_cast %select_n3A_2637 : vector<16xi32> to vector<16x1xi32>
    %gather3A_2639 = vector.shape_cast %broadcast_in_dim3A_2638 : vector<16x1xi32> to vector<16xi32>
    %gather3A_2640 = tpu.dynamic_gather %get3A_16[%gather3A_2639] in [0] : vector<16xf32>, vector<16xi32> -> vector<16xf32>
    %select_n3A_2641 = arith.select %eq3A_2630, %gather3A_2640, %select_n3A_2616 : vector<16xi1>, vector<16xf32>
    %lt3A_2642 = arith.constant 0 : i32
    %lt3A_2643 = vector.broadcast %lt3A_2642 : i32 to vector<16xi32>
    %lt3A_2644 = arith.cmpi slt, %and3A_2582, %lt3A_2643 : vector<16xi32>
    %add3A_2645 = arith.constant 16 : i32
    %add3A_2646 = vector.broadcast %add3A_2645 : i32 to vector<16xi32>
    %add3A_2647 = arith.addi %and3A_2582, %add3A_2646 : vector<16xi32>
    %select_n3A_2648 = arith.select %lt3A_2644, %add3A_2647, %and3A_2582 : vector<16xi1>, vector<16xi32>
    %broadcast_in_dim3A_2649 = vector.shape_cast %select_n3A_2648 : vector<16xi32> to vector<16x1xi32>
    %gather3A_2650 = vector.shape_cast %broadcast_in_dim3A_2649 : vector<16x1xi32> to vector<16xi32>
    %gather3A_2651 = tpu.dynamic_gather %get3A_52[%gather3A_2650] in [0] : vector<16xf32>, vector<16xi32> -> vector<16xf32>
    %select_n3A_2652 = arith.select %eq3A_2630, %gather3A_2651, %select_n3A_2627 : vector<16xi1>, vector<16xf32>
    %eq3A_2653 = arith.constant 3 : i32
    %eq3A_2654 = vector.broadcast %eq3A_2653 : i32 to vector<16xi32>
    %eq3A_2655 = arith.cmpi eq, %shift_right_logical3A_2579, %eq3A_2654 : vector<16xi32>
    %lt3A_2656 = arith.constant 0 : i32
    %lt3A_2657 = vector.broadcast %lt3A_2656 : i32 to vector<16xi32>
    %lt3A_2658 = arith.cmpi slt, %and3A_2582, %lt3A_2657 : vector<16xi32>
    %add3A_2659 = arith.constant 16 : i32
    %add3A_2660 = vector.broadcast %add3A_2659 : i32 to vector<16xi32>
    %add3A_2661 = arith.addi %and3A_2582, %add3A_2660 : vector<16xi32>
    %select_n3A_2662 = arith.select %lt3A_2658, %add3A_2661, %and3A_2582 : vector<16xi1>, vector<16xi32>
    %broadcast_in_dim3A_2663 = vector.shape_cast %select_n3A_2662 : vector<16xi32> to vector<16x1xi32>
    %gather3A_2664 = vector.shape_cast %broadcast_in_dim3A_2663 : vector<16x1xi32> to vector<16xi32>
    %gather3A_2665 = tpu.dynamic_gather %get3A_19[%gather3A_2664] in [0] : vector<16xf32>, vector<16xi32> -> vector<16xf32>
    %select_n3A_2666 = arith.select %eq3A_2655, %gather3A_2665, %select_n3A_2641 : vector<16xi1>, vector<16xf32>
    %lt3A_2667 = arith.constant 0 : i32
    %lt3A_2668 = vector.broadcast %lt3A_2667 : i32 to vector<16xi32>
    %lt3A_2669 = arith.cmpi slt, %and3A_2582, %lt3A_2668 : vector<16xi32>
    %add3A_2670 = arith.constant 16 : i32
    %add3A_2671 = vector.broadcast %add3A_2670 : i32 to vector<16xi32>
    %add3A_2672 = arith.addi %and3A_2582, %add3A_2671 : vector<16xi32>
    %select_n3A_2673 = arith.select %lt3A_2669, %add3A_2672, %and3A_2582 : vector<16xi1>, vector<16xi32>
    %broadcast_in_dim3A_2674 = vector.shape_cast %select_n3A_2673 : vector<16xi32> to vector<16x1xi32>
    %gather3A_2675 = vector.shape_cast %broadcast_in_dim3A_2674 : vector<16x1xi32> to vector<16xi32>
    %gather3A_2676 = tpu.dynamic_gather %get3A_55[%gather3A_2675] in [0] : vector<16xf32>, vector<16xi32> -> vector<16xf32>
    %select_n3A_2677 = arith.select %eq3A_2655, %gather3A_2676, %select_n3A_2652 : vector<16xi1>, vector<16xf32>
    %eq3A_2678 = arith.constant 4 : i32
    %eq3A_2679 = vector.broadcast %eq3A_2678 : i32 to vector<16xi32>
    %eq3A_2680 = arith.cmpi eq, %shift_right_logical3A_2579, %eq3A_2679 : vector<16xi32>
    %lt3A_2681 = arith.constant 0 : i32
    %lt3A_2682 = vector.broadcast %lt3A_2681 : i32 to vector<16xi32>
    %lt3A_2683 = arith.cmpi slt, %and3A_2582, %lt3A_2682 : vector<16xi32>
    %add3A_2684 = arith.constant 16 : i32
    %add3A_2685 = vector.broadcast %add3A_2684 : i32 to vector<16xi32>
    %add3A_2686 = arith.addi %and3A_2582, %add3A_2685 : vector<16xi32>
    %select_n3A_2687 = arith.select %lt3A_2683, %add3A_2686, %and3A_2582 : vector<16xi1>, vector<16xi32>
    %broadcast_in_dim3A_2688 = vector.shape_cast %select_n3A_2687 : vector<16xi32> to vector<16x1xi32>
    %gather3A_2689 = vector.shape_cast %broadcast_in_dim3A_2688 : vector<16x1xi32> to vector<16xi32>
    %gather3A_2690 = tpu.dynamic_gather %get3A_22[%gather3A_2689] in [0] : vector<16xf32>, vector<16xi32> -> vector<16xf32>
    %select_n3A_2691 = arith.select %eq3A_2680, %gather3A_2690, %select_n3A_2666 : vector<16xi1>, vector<16xf32>
    %lt3A_2692 = arith.constant 0 : i32
    %lt3A_2693 = vector.broadcast %lt3A_2692 : i32 to vector<16xi32>
    %lt3A_2694 = arith.cmpi slt, %and3A_2582, %lt3A_2693 : vector<16xi32>
    %add3A_2695 = arith.constant 16 : i32
    %add3A_2696 = vector.broadcast %add3A_2695 : i32 to vector<16xi32>
    %add3A_2697 = arith.addi %and3A_2582, %add3A_2696 : vector<16xi32>
    %select_n3A_2698 = arith.select %lt3A_2694, %add3A_2697, %and3A_2582 : vector<16xi1>, vector<16xi32>
    %broadcast_in_dim3A_2699 = vector.shape_cast %select_n3A_2698 : vector<16xi32> to vector<16x1xi32>
    %gather3A_2700 = vector.shape_cast %broadcast_in_dim3A_2699 : vector<16x1xi32> to vector<16xi32>
    %gather3A_2701 = tpu.dynamic_gather %get3A_58[%gather3A_2700] in [0] : vector<16xf32>, vector<16xi32> -> vector<16xf32>
    %select_n3A_2702 = arith.select %eq3A_2680, %gather3A_2701, %select_n3A_2677 : vector<16xi1>, vector<16xf32>
    %eq3A_2703 = arith.constant 5 : i32
    %eq3A_2704 = vector.broadcast %eq3A_2703 : i32 to vector<16xi32>
    %eq3A_2705 = arith.cmpi eq, %shift_right_logical3A_2579, %eq3A_2704 : vector<16xi32>
    %lt3A_2706 = arith.constant 0 : i32
    %lt3A_2707 = vector.broadcast %lt3A_2706 : i32 to vector<16xi32>
    %lt3A_2708 = arith.cmpi slt, %and3A_2582, %lt3A_2707 : vector<16xi32>
    %add3A_2709 = arith.constant 16 : i32
    %add3A_2710 = vector.broadcast %add3A_2709 : i32 to vector<16xi32>
    %add3A_2711 = arith.addi %and3A_2582, %add3A_2710 : vector<16xi32>
    %select_n3A_2712 = arith.select %lt3A_2708, %add3A_2711, %and3A_2582 : vector<16xi1>, vector<16xi32>
    %broadcast_in_dim3A_2713 = vector.shape_cast %select_n3A_2712 : vector<16xi32> to vector<16x1xi32>
    %gather3A_2714 = vector.shape_cast %broadcast_in_dim3A_2713 : vector<16x1xi32> to vector<16xi32>
    %gather3A_2715 = tpu.dynamic_gather %get3A_25[%gather3A_2714] in [0] : vector<16xf32>, vector<16xi32> -> vector<16xf32>
    %select_n3A_2716 = arith.select %eq3A_2705, %gather3A_2715, %select_n3A_2691 : vector<16xi1>, vector<16xf32>
    %lt3A_2717 = arith.constant 0 : i32
    %lt3A_2718 = vector.broadcast %lt3A_2717 : i32 to vector<16xi32>
    %lt3A_2719 = arith.cmpi slt, %and3A_2582, %lt3A_2718 : vector<16xi32>
    %add3A_2720 = arith.constant 16 : i32
    %add3A_2721 = vector.broadcast %add3A_2720 : i32 to vector<16xi32>
    %add3A_2722 = arith.addi %and3A_2582, %add3A_2721 : vector<16xi32>
    %select_n3A_2723 = arith.select %lt3A_2719, %add3A_2722, %and3A_2582 : vector<16xi1>, vector<16xi32>
    %broadcast_in_dim3A_2724 = vector.shape_cast %select_n3A_2723 : vector<16xi32> to vector<16x1xi32>
    %gather3A_2725 = vector.shape_cast %broadcast_in_dim3A_2724 : vector<16x1xi32> to vector<16xi32>
    %gather3A_2726 = tpu.dynamic_gather %get3A_61[%gather3A_2725] in [0] : vector<16xf32>, vector<16xi32> -> vector<16xf32>
    %select_n3A_2727 = arith.select %eq3A_2705, %gather3A_2726, %select_n3A_2702 : vector<16xi1>, vector<16xf32>
    %eq3A_2728 = arith.constant 6 : i32
    %eq3A_2729 = vector.broadcast %eq3A_2728 : i32 to vector<16xi32>
    %eq3A_2730 = arith.cmpi eq, %shift_right_logical3A_2579, %eq3A_2729 : vector<16xi32>
    %lt3A_2731 = arith.constant 0 : i32
    %lt3A_2732 = vector.broadcast %lt3A_2731 : i32 to vector<16xi32>
    %lt3A_2733 = arith.cmpi slt, %and3A_2582, %lt3A_2732 : vector<16xi32>
    %add3A_2734 = arith.constant 16 : i32
    %add3A_2735 = vector.broadcast %add3A_2734 : i32 to vector<16xi32>
    %add3A_2736 = arith.addi %and3A_2582, %add3A_2735 : vector<16xi32>
    %select_n3A_2737 = arith.select %lt3A_2733, %add3A_2736, %and3A_2582 : vector<16xi1>, vector<16xi32>
    %broadcast_in_dim3A_2738 = vector.shape_cast %select_n3A_2737 : vector<16xi32> to vector<16x1xi32>
    %gather3A_2739 = vector.shape_cast %broadcast_in_dim3A_2738 : vector<16x1xi32> to vector<16xi32>
    %gather3A_2740 = tpu.dynamic_gather %get3A_28[%gather3A_2739] in [0] : vector<16xf32>, vector<16xi32> -> vector<16xf32>
    %select_n3A_2741 = arith.select %eq3A_2730, %gather3A_2740, %select_n3A_2716 : vector<16xi1>, vector<16xf32>
    %lt3A_2742 = arith.constant 0 : i32
    %lt3A_2743 = vector.broadcast %lt3A_2742 : i32 to vector<16xi32>
    %lt3A_2744 = arith.cmpi slt, %and3A_2582, %lt3A_2743 : vector<16xi32>
    %add3A_2745 = arith.constant 16 : i32
    %add3A_2746 = vector.broadcast %add3A_2745 : i32 to vector<16xi32>
    %add3A_2747 = arith.addi %and3A_2582, %add3A_2746 : vector<16xi32>
    %select_n3A_2748 = arith.select %lt3A_2744, %add3A_2747, %and3A_2582 : vector<16xi1>, vector<16xi32>
    %broadcast_in_dim3A_2749 = vector.shape_cast %select_n3A_2748 : vector<16xi32> to vector<16x1xi32>
    %gather3A_2750 = vector.shape_cast %broadcast_in_dim3A_2749 : vector<16x1xi32> to vector<16xi32>
    %gather3A_2751 = tpu.dynamic_gather %get3A_64[%gather3A_2750] in [0] : vector<16xf32>, vector<16xi32> -> vector<16xf32>
    %select_n3A_2752 = arith.select %eq3A_2730, %gather3A_2751, %select_n3A_2727 : vector<16xi1>, vector<16xf32>
    %eq3A_2753 = arith.constant 7 : i32
    %eq3A_2754 = vector.broadcast %eq3A_2753 : i32 to vector<16xi32>
    %eq3A_2755 = arith.cmpi eq, %shift_right_logical3A_2579, %eq3A_2754 : vector<16xi32>
    %lt3A_2756 = arith.constant 0 : i32
    %lt3A_2757 = vector.broadcast %lt3A_2756 : i32 to vector<16xi32>
    %lt3A_2758 = arith.cmpi slt, %and3A_2582, %lt3A_2757 : vector<16xi32>
    %add3A_2759 = arith.constant 16 : i32
    %add3A_2760 = vector.broadcast %add3A_2759 : i32 to vector<16xi32>
    %add3A_2761 = arith.addi %and3A_2582, %add3A_2760 : vector<16xi32>
    %select_n3A_2762 = arith.select %lt3A_2758, %add3A_2761, %and3A_2582 : vector<16xi1>, vector<16xi32>
    %broadcast_in_dim3A_2763 = vector.shape_cast %select_n3A_2762 : vector<16xi32> to vector<16x1xi32>
    %gather3A_2764 = vector.shape_cast %broadcast_in_dim3A_2763 : vector<16x1xi32> to vector<16xi32>
    %gather3A_2765 = tpu.dynamic_gather %get3A_31[%gather3A_2764] in [0] : vector<16xf32>, vector<16xi32> -> vector<16xf32>
    %select_n3A_2766 = arith.select %eq3A_2755, %gather3A_2765, %select_n3A_2741 : vector<16xi1>, vector<16xf32>
    %lt3A_2767 = arith.constant 0 : i32
    %lt3A_2768 = vector.broadcast %lt3A_2767 : i32 to vector<16xi32>
    %lt3A_2769 = arith.cmpi slt, %and3A_2582, %lt3A_2768 : vector<16xi32>
    %add3A_2770 = arith.constant 16 : i32
    %add3A_2771 = vector.broadcast %add3A_2770 : i32 to vector<16xi32>
    %add3A_2772 = arith.addi %and3A_2582, %add3A_2771 : vector<16xi32>
    %select_n3A_2773 = arith.select %lt3A_2769, %add3A_2772, %and3A_2582 : vector<16xi1>, vector<16xi32>
    %broadcast_in_dim3A_2774 = vector.shape_cast %select_n3A_2773 : vector<16xi32> to vector<16x1xi32>
    %gather3A_2775 = vector.shape_cast %broadcast_in_dim3A_2774 : vector<16x1xi32> to vector<16xi32>
    %gather3A_2776 = tpu.dynamic_gather %get3A_67[%gather3A_2775] in [0] : vector<16xf32>, vector<16xi32> -> vector<16xf32>
    %select_n3A_2777 = arith.select %eq3A_2755, %gather3A_2776, %select_n3A_2752 : vector<16xi1>, vector<16xf32>
    %eq3A_2778 = arith.constant 8 : i32
    %eq3A_2779 = vector.broadcast %eq3A_2778 : i32 to vector<16xi32>
    %eq3A_2780 = arith.cmpi eq, %shift_right_logical3A_2579, %eq3A_2779 : vector<16xi32>
    %lt3A_2781 = arith.constant 0 : i32
    %lt3A_2782 = vector.broadcast %lt3A_2781 : i32 to vector<16xi32>
    %lt3A_2783 = arith.cmpi slt, %and3A_2582, %lt3A_2782 : vector<16xi32>
    %add3A_2784 = arith.constant 16 : i32
    %add3A_2785 = vector.broadcast %add3A_2784 : i32 to vector<16xi32>
    %add3A_2786 = arith.addi %and3A_2582, %add3A_2785 : vector<16xi32>
    %select_n3A_2787 = arith.select %lt3A_2783, %add3A_2786, %and3A_2582 : vector<16xi1>, vector<16xi32>
    %broadcast_in_dim3A_2788 = vector.shape_cast %select_n3A_2787 : vector<16xi32> to vector<16x1xi32>
    %gather3A_2789 = vector.shape_cast %broadcast_in_dim3A_2788 : vector<16x1xi32> to vector<16xi32>
    %gather3A_2790 = tpu.dynamic_gather %get3A_34[%gather3A_2789] in [0] : vector<16xf32>, vector<16xi32> -> vector<16xf32>
    %select_n3A_2791 = arith.select %eq3A_2780, %gather3A_2790, %select_n3A_2766 : vector<16xi1>, vector<16xf32>
    %lt3A_2792 = arith.constant 0 : i32
    %lt3A_2793 = vector.broadcast %lt3A_2792 : i32 to vector<16xi32>
    %lt3A_2794 = arith.cmpi slt, %and3A_2582, %lt3A_2793 : vector<16xi32>
    %add3A_2795 = arith.constant 16 : i32
    %add3A_2796 = vector.broadcast %add3A_2795 : i32 to vector<16xi32>
    %add3A_2797 = arith.addi %and3A_2582, %add3A_2796 : vector<16xi32>
    %select_n3A_2798 = arith.select %lt3A_2794, %add3A_2797, %and3A_2582 : vector<16xi1>, vector<16xi32>
    %broadcast_in_dim3A_2799 = vector.shape_cast %select_n3A_2798 : vector<16xi32> to vector<16x1xi32>
    %gather3A_2800 = vector.shape_cast %broadcast_in_dim3A_2799 : vector<16x1xi32> to vector<16xi32>
    %gather3A_2801 = tpu.dynamic_gather %get3A_70[%gather3A_2800] in [0] : vector<16xf32>, vector<16xi32> -> vector<16xf32>
    %select_n3A_2802 = arith.select %eq3A_2780, %gather3A_2801, %select_n3A_2777 : vector<16xi1>, vector<16xf32>
    %eq3A_2803 = arith.constant 9 : i32
    %eq3A_2804 = vector.broadcast %eq3A_2803 : i32 to vector<16xi32>
    %eq3A_2805 = arith.cmpi eq, %shift_right_logical3A_2579, %eq3A_2804 : vector<16xi32>
    %lt3A_2806 = arith.constant 0 : i32
    %lt3A_2807 = vector.broadcast %lt3A_2806 : i32 to vector<16xi32>
    %lt3A_2808 = arith.cmpi slt, %and3A_2582, %lt3A_2807 : vector<16xi32>
    %add3A_2809 = arith.constant 16 : i32
    %add3A_2810 = vector.broadcast %add3A_2809 : i32 to vector<16xi32>
    %add3A_2811 = arith.addi %and3A_2582, %add3A_2810 : vector<16xi32>
    %select_n3A_2812 = arith.select %lt3A_2808, %add3A_2811, %and3A_2582 : vector<16xi1>, vector<16xi32>
    %broadcast_in_dim3A_2813 = vector.shape_cast %select_n3A_2812 : vector<16xi32> to vector<16x1xi32>
    %gather3A_2814 = vector.shape_cast %broadcast_in_dim3A_2813 : vector<16x1xi32> to vector<16xi32>
    %gather3A_2815 = tpu.dynamic_gather %get3A_37[%gather3A_2814] in [0] : vector<16xf32>, vector<16xi32> -> vector<16xf32>
    %select_n3A_2816 = arith.select %eq3A_2805, %gather3A_2815, %select_n3A_2791 : vector<16xi1>, vector<16xf32>
    %lt3A_2817 = arith.constant 0 : i32
    %lt3A_2818 = vector.broadcast %lt3A_2817 : i32 to vector<16xi32>
    %lt3A_2819 = arith.cmpi slt, %and3A_2582, %lt3A_2818 : vector<16xi32>
    %add3A_2820 = arith.constant 16 : i32
    %add3A_2821 = vector.broadcast %add3A_2820 : i32 to vector<16xi32>
    %add3A_2822 = arith.addi %and3A_2582, %add3A_2821 : vector<16xi32>
    %select_n3A_2823 = arith.select %lt3A_2819, %add3A_2822, %and3A_2582 : vector<16xi1>, vector<16xi32>
    %broadcast_in_dim3A_2824 = vector.shape_cast %select_n3A_2823 : vector<16xi32> to vector<16x1xi32>
    %gather3A_2825 = vector.shape_cast %broadcast_in_dim3A_2824 : vector<16x1xi32> to vector<16xi32>
    %gather3A_2826 = tpu.dynamic_gather %get3A_73[%gather3A_2825] in [0] : vector<16xf32>, vector<16xi32> -> vector<16xf32>
    %select_n3A_2827 = arith.select %eq3A_2805, %gather3A_2826, %select_n3A_2802 : vector<16xi1>, vector<16xf32>
    %eq3A_2828 = arith.constant 10 : i32
    %eq3A_2829 = vector.broadcast %eq3A_2828 : i32 to vector<16xi32>
    %eq3A_2830 = arith.cmpi eq, %shift_right_logical3A_2579, %eq3A_2829 : vector<16xi32>
    %lt3A_2831 = arith.constant 0 : i32
    %lt3A_2832 = vector.broadcast %lt3A_2831 : i32 to vector<16xi32>
    %lt3A_2833 = arith.cmpi slt, %and3A_2582, %lt3A_2832 : vector<16xi32>
    %add3A_2834 = arith.constant 16 : i32
    %add3A_2835 = vector.broadcast %add3A_2834 : i32 to vector<16xi32>
    %add3A_2836 = arith.addi %and3A_2582, %add3A_2835 : vector<16xi32>
    %select_n3A_2837 = arith.select %lt3A_2833, %add3A_2836, %and3A_2582 : vector<16xi1>, vector<16xi32>
    %broadcast_in_dim3A_2838 = vector.shape_cast %select_n3A_2837 : vector<16xi32> to vector<16x1xi32>
    %gather3A_2839 = vector.shape_cast %broadcast_in_dim3A_2838 : vector<16x1xi32> to vector<16xi32>
    %gather3A_2840 = tpu.dynamic_gather %get3A_40[%gather3A_2839] in [0] : vector<16xf32>, vector<16xi32> -> vector<16xf32>
    %select_n3A_2841 = arith.select %eq3A_2830, %gather3A_2840, %select_n3A_2816 : vector<16xi1>, vector<16xf32>
    %lt3A_2842 = arith.constant 0 : i32
    %lt3A_2843 = vector.broadcast %lt3A_2842 : i32 to vector<16xi32>
    %lt3A_2844 = arith.cmpi slt, %and3A_2582, %lt3A_2843 : vector<16xi32>
    %add3A_2845 = arith.constant 16 : i32
    %add3A_2846 = vector.broadcast %add3A_2845 : i32 to vector<16xi32>
    %add3A_2847 = arith.addi %and3A_2582, %add3A_2846 : vector<16xi32>
    %select_n3A_2848 = arith.select %lt3A_2844, %add3A_2847, %and3A_2582 : vector<16xi1>, vector<16xi32>
    %broadcast_in_dim3A_2849 = vector.shape_cast %select_n3A_2848 : vector<16xi32> to vector<16x1xi32>
    %gather3A_2850 = vector.shape_cast %broadcast_in_dim3A_2849 : vector<16x1xi32> to vector<16xi32>
    %gather3A_2851 = tpu.dynamic_gather %get3A_76[%gather3A_2850] in [0] : vector<16xf32>, vector<16xi32> -> vector<16xf32>
    %select_n3A_2852 = arith.select %eq3A_2830, %gather3A_2851, %select_n3A_2827 : vector<16xi1>, vector<16xf32>
    %eq3A_2853 = arith.constant 11 : i32
    %eq3A_2854 = vector.broadcast %eq3A_2853 : i32 to vector<16xi32>
    %eq3A_2855 = arith.cmpi eq, %shift_right_logical3A_2579, %eq3A_2854 : vector<16xi32>
    %lt3A_2856 = arith.constant 0 : i32
    %lt3A_2857 = vector.broadcast %lt3A_2856 : i32 to vector<16xi32>
    %lt3A_2858 = arith.cmpi slt, %and3A_2582, %lt3A_2857 : vector<16xi32>
    %add3A_2859 = arith.constant 16 : i32
    %add3A_2860 = vector.broadcast %add3A_2859 : i32 to vector<16xi32>
    %add3A_2861 = arith.addi %and3A_2582, %add3A_2860 : vector<16xi32>
    %select_n3A_2862 = arith.select %lt3A_2858, %add3A_2861, %and3A_2582 : vector<16xi1>, vector<16xi32>
    %broadcast_in_dim3A_2863 = vector.shape_cast %select_n3A_2862 : vector<16xi32> to vector<16x1xi32>
    %gather3A_2864 = vector.shape_cast %broadcast_in_dim3A_2863 : vector<16x1xi32> to vector<16xi32>
    %gather3A_2865 = tpu.dynamic_gather %get3A_43[%gather3A_2864] in [0] : vector<16xf32>, vector<16xi32> -> vector<16xf32>
    %select_n3A_2866 = arith.select %eq3A_2855, %gather3A_2865, %select_n3A_2841 : vector<16xi1>, vector<16xf32>
    %lt3A_2867 = arith.constant 0 : i32
    %lt3A_2868 = vector.broadcast %lt3A_2867 : i32 to vector<16xi32>
    %lt3A_2869 = arith.cmpi slt, %and3A_2582, %lt3A_2868 : vector<16xi32>
    %add3A_2870 = arith.constant 16 : i32
    %add3A_2871 = vector.broadcast %add3A_2870 : i32 to vector<16xi32>
    %add3A_2872 = arith.addi %and3A_2582, %add3A_2871 : vector<16xi32>
    %select_n3A_2873 = arith.select %lt3A_2869, %add3A_2872, %and3A_2582 : vector<16xi1>, vector<16xi32>
    %broadcast_in_dim3A_2874 = vector.shape_cast %select_n3A_2873 : vector<16xi32> to vector<16x1xi32>
    %gather3A_2875 = vector.shape_cast %broadcast_in_dim3A_2874 : vector<16x1xi32> to vector<16xi32>
    %gather3A_2876 = tpu.dynamic_gather %get3A_79[%gather3A_2875] in [0] : vector<16xf32>, vector<16xi32> -> vector<16xf32>
    %select_n3A_2877 = arith.select %eq3A_2855, %gather3A_2876, %select_n3A_2852 : vector<16xi1>, vector<16xf32>
    %get3A_2878 = arith.constant 128 : index
    %get3A_2879 = tpu.vector_load %arg8[%get3A_2878] {strides = array<i32>} : memref<256xf32, #tpu.memory_space<vmem>>, vector<16xf32>,
    %get3A_2880 = vector.shape_cast %get3A_2879 : vector<16xf32> to vector<16xf32>
    %sub3A_2881 = arith.subf %get3A_2880, %select_n3A_2866 : vector<16xf32>
    %div3A_2882 = arith.divf %sub3A_2881, %select_n3A_2877 : vector<16xf32>
    %swap3A_2883 = arith.constant 128 : index
    %swap3A_2884 = tpu.vector_load %arg11[%swap3A_2883] {strides = array<i32>} : memref<256xf32, #tpu.memory_space<vmem>>, vector<16xf32>,
    %swap3A_2885 = vector.shape_cast %swap3A_2884 : vector<16xf32> to vector<16xf32>
    %swap3A_2886 = vector.shape_cast %div3A_2882 : vector<16xf32> to vector<16xf32>
    tpu.vector_store %arg11[%swap3A_2883], %swap3A_2886 {strides = array<i32>} : memref<256xf32, #tpu.memory_space<vmem>>, vector<16xf32>,
    %get3A_2887 = arith.constant 144 : index
    %get3A_2888 = tpu.vector_load %arg7[%get3A_2887] {strides = array<i32>} : memref<256xi32, #tpu.memory_space<vmem>>, vector<16xi32>,
    %get3A_2889 = vector.shape_cast %get3A_2888 : vector<16xi32> to vector<16xi32>
    %shift_right_logical3A_2890 = arith.constant 4 : i32
    %shift_right_logical3A_2891 = vector.broadcast %shift_right_logical3A_2890 : i32 to vector<16xi32>
    %shift_right_logical3A_2892 = arith.shrui %get3A_2889, %shift_right_logical3A_2891 : vector<16xi32>
    %and3A_2893 = arith.constant 15 : i32
    %and3A_2894 = vector.broadcast %and3A_2893 : i32 to vector<16xi32>
    %and3A_2895 = arith.andi %get3A_2889, %and3A_2894 : vector<16xi32>
    %lt3A_2896 = arith.constant 0 : i32
    %lt3A_2897 = vector.broadcast %lt3A_2896 : i32 to vector<16xi32>
    %lt3A_2898 = arith.cmpi slt, %and3A_2895, %lt3A_2897 : vector<16xi32>
    %add3A_2899 = arith.constant 16 : i32
    %add3A_2900 = vector.broadcast %add3A_2899 : i32 to vector<16xi32>
    %add3A_2901 = arith.addi %and3A_2895, %add3A_2900 : vector<16xi32>
    %select_n3A_2902 = arith.select %lt3A_2898, %add3A_2901, %and3A_2895 : vector<16xi1>, vector<16xi32>
    %broadcast_in_dim3A_2903 = vector.shape_cast %select_n3A_2902 : vector<16xi32> to vector<16x1xi32>
    %gather3A_2904 = vector.shape_cast %broadcast_in_dim3A_2903 : vector<16x1xi32> to vector<16xi32>
    %gather3A_2905 = tpu.dynamic_gather %get3A_10[%gather3A_2904] in [0] : vector<16xf32>, vector<16xi32> -> vector<16xf32>
    %lt3A_2906 = arith.constant 0 : i32
    %lt3A_2907 = vector.broadcast %lt3A_2906 : i32 to vector<16xi32>
    %lt3A_2908 = arith.cmpi slt, %and3A_2895, %lt3A_2907 : vector<16xi32>
    %add3A_2909 = arith.constant 16 : i32
    %add3A_2910 = vector.broadcast %add3A_2909 : i32 to vector<16xi32>
    %add3A_2911 = arith.addi %and3A_2895, %add3A_2910 : vector<16xi32>
    %select_n3A_2912 = arith.select %lt3A_2908, %add3A_2911, %and3A_2895 : vector<16xi1>, vector<16xi32>
    %broadcast_in_dim3A_2913 = vector.shape_cast %select_n3A_2912 : vector<16xi32> to vector<16x1xi32>
    %gather3A_2914 = vector.shape_cast %broadcast_in_dim3A_2913 : vector<16x1xi32> to vector<16xi32>
    %gather3A_2915 = tpu.dynamic_gather %get3A_46[%gather3A_2914] in [0] : vector<16xf32>, vector<16xi32> -> vector<16xf32>
    %eq3A_2916 = arith.constant 1 : i32
    %eq3A_2917 = vector.broadcast %eq3A_2916 : i32 to vector<16xi32>
    %eq3A_2918 = arith.cmpi eq, %shift_right_logical3A_2892, %eq3A_2917 : vector<16xi32>
    %lt3A_2919 = arith.constant 0 : i32
    %lt3A_2920 = vector.broadcast %lt3A_2919 : i32 to vector<16xi32>
    %lt3A_2921 = arith.cmpi slt, %and3A_2895, %lt3A_2920 : vector<16xi32>
    %add3A_2922 = arith.constant 16 : i32
    %add3A_2923 = vector.broadcast %add3A_2922 : i32 to vector<16xi32>
    %add3A_2924 = arith.addi %and3A_2895, %add3A_2923 : vector<16xi32>
    %select_n3A_2925 = arith.select %lt3A_2921, %add3A_2924, %and3A_2895 : vector<16xi1>, vector<16xi32>
    %broadcast_in_dim3A_2926 = vector.shape_cast %select_n3A_2925 : vector<16xi32> to vector<16x1xi32>
    %gather3A_2927 = vector.shape_cast %broadcast_in_dim3A_2926 : vector<16x1xi32> to vector<16xi32>
    %gather3A_2928 = tpu.dynamic_gather %get3A_13[%gather3A_2927] in [0] : vector<16xf32>, vector<16xi32> -> vector<16xf32>
    %select_n3A_2929 = arith.select %eq3A_2918, %gather3A_2928, %gather3A_2905 : vector<16xi1>, vector<16xf32>
    %lt3A_2930 = arith.constant 0 : i32
    %lt3A_2931 = vector.broadcast %lt3A_2930 : i32 to vector<16xi32>
    %lt3A_2932 = arith.cmpi slt, %and3A_2895, %lt3A_2931 : vector<16xi32>
    %add3A_2933 = arith.constant 16 : i32
    %add3A_2934 = vector.broadcast %add3A_2933 : i32 to vector<16xi32>
    %add3A_2935 = arith.addi %and3A_2895, %add3A_2934 : vector<16xi32>
    %select_n3A_2936 = arith.select %lt3A_2932, %add3A_2935, %and3A_2895 : vector<16xi1>, vector<16xi32>
    %broadcast_in_dim3A_2937 = vector.shape_cast %select_n3A_2936 : vector<16xi32> to vector<16x1xi32>
    %gather3A_2938 = vector.shape_cast %broadcast_in_dim3A_2937 : vector<16x1xi32> to vector<16xi32>
    %gather3A_2939 = tpu.dynamic_gather %get3A_49[%gather3A_2938] in [0] : vector<16xf32>, vector<16xi32> -> vector<16xf32>
    %select_n3A_2940 = arith.select %eq3A_2918, %gather3A_2939, %gather3A_2915 : vector<16xi1>, vector<16xf32>
    %eq3A_2941 = arith.constant 2 : i32
    %eq3A_2942 = vector.broadcast %eq3A_2941 : i32 to vector<16xi32>
    %eq3A_2943 = arith.cmpi eq, %shift_right_logical3A_2892, %eq3A_2942 : vector<16xi32>
    %lt3A_2944 = arith.constant 0 : i32
    %lt3A_2945 = vector.broadcast %lt3A_2944 : i32 to vector<16xi32>
    %lt3A_2946 = arith.cmpi slt, %and3A_2895, %lt3A_2945 : vector<16xi32>
    %add3A_2947 = arith.constant 16 : i32
    %add3A_2948 = vector.broadcast %add3A_2947 : i32 to vector<16xi32>
    %add3A_2949 = arith.addi %and3A_2895, %add3A_2948 : vector<16xi32>
    %select_n3A_2950 = arith.select %lt3A_2946, %add3A_2949, %and3A_2895 : vector<16xi1>, vector<16xi32>
    %broadcast_in_dim3A_2951 = vector.shape_cast %select_n3A_2950 : vector<16xi32> to vector<16x1xi32>
    %gather3A_2952 = vector.shape_cast %broadcast_in_dim3A_2951 : vector<16x1xi32> to vector<16xi32>
    %gather3A_2953 = tpu.dynamic_gather %get3A_16[%gather3A_2952] in [0] : vector<16xf32>, vector<16xi32> -> vector<16xf32>
    %select_n3A_2954 = arith.select %eq3A_2943, %gather3A_2953, %select_n3A_2929 : vector<16xi1>, vector<16xf32>
    %lt3A_2955 = arith.constant 0 : i32
    %lt3A_2956 = vector.broadcast %lt3A_2955 : i32 to vector<16xi32>
    %lt3A_2957 = arith.cmpi slt, %and3A_2895, %lt3A_2956 : vector<16xi32>
    %add3A_2958 = arith.constant 16 : i32
    %add3A_2959 = vector.broadcast %add3A_2958 : i32 to vector<16xi32>
    %add3A_2960 = arith.addi %and3A_2895, %add3A_2959 : vector<16xi32>
    %select_n3A_2961 = arith.select %lt3A_2957, %add3A_2960, %and3A_2895 : vector<16xi1>, vector<16xi32>
    %broadcast_in_dim3A_2962 = vector.shape_cast %select_n3A_2961 : vector<16xi32> to vector<16x1xi32>
    %gather3A_2963 = vector.shape_cast %broadcast_in_dim3A_2962 : vector<16x1xi32> to vector<16xi32>
    %gather3A_2964 = tpu.dynamic_gather %get3A_52[%gather3A_2963] in [0] : vector<16xf32>, vector<16xi32> -> vector<16xf32>
    %select_n3A_2965 = arith.select %eq3A_2943, %gather3A_2964, %select_n3A_2940 : vector<16xi1>, vector<16xf32>
    %eq3A_2966 = arith.constant 3 : i32
    %eq3A_2967 = vector.broadcast %eq3A_2966 : i32 to vector<16xi32>
    %eq3A_2968 = arith.cmpi eq, %shift_right_logical3A_2892, %eq3A_2967 : vector<16xi32>
    %lt3A_2969 = arith.constant 0 : i32
    %lt3A_2970 = vector.broadcast %lt3A_2969 : i32 to vector<16xi32>
    %lt3A_2971 = arith.cmpi slt, %and3A_2895, %lt3A_2970 : vector<16xi32>
    %add3A_2972 = arith.constant 16 : i32
    %add3A_2973 = vector.broadcast %add3A_2972 : i32 to vector<16xi32>
    %add3A_2974 = arith.addi %and3A_2895, %add3A_2973 : vector<16xi32>
    %select_n3A_2975 = arith.select %lt3A_2971, %add3A_2974, %and3A_2895 : vector<16xi1>, vector<16xi32>
    %broadcast_in_dim3A_2976 = vector.shape_cast %select_n3A_2975 : vector<16xi32> to vector<16x1xi32>
    %gather3A_2977 = vector.shape_cast %broadcast_in_dim3A_2976 : vector<16x1xi32> to vector<16xi32>
    %gather3A_2978 = tpu.dynamic_gather %get3A_19[%gather3A_2977] in [0] : vector<16xf32>, vector<16xi32> -> vector<16xf32>
    %select_n3A_2979 = arith.select %eq3A_2968, %gather3A_2978, %select_n3A_2954 : vector<16xi1>, vector<16xf32>
    %lt3A_2980 = arith.constant 0 : i32
    %lt3A_2981 = vector.broadcast %lt3A_2980 : i32 to vector<16xi32>
    %lt3A_2982 = arith.cmpi slt, %and3A_2895, %lt3A_2981 : vector<16xi32>
    %add3A_2983 = arith.constant 16 : i32
    %add3A_2984 = vector.broadcast %add3A_2983 : i32 to vector<16xi32>
    %add3A_2985 = arith.addi %and3A_2895, %add3A_2984 : vector<16xi32>
    %select_n3A_2986 = arith.select %lt3A_2982, %add3A_2985, %and3A_2895 : vector<16xi1>, vector<16xi32>
    %broadcast_in_dim3A_2987 = vector.shape_cast %select_n3A_2986 : vector<16xi32> to vector<16x1xi32>
    %gather3A_2988 = vector.shape_cast %broadcast_in_dim3A_2987 : vector<16x1xi32> to vector<16xi32>
    %gather3A_2989 = tpu.dynamic_gather %get3A_55[%gather3A_2988] in [0] : vector<16xf32>, vector<16xi32> -> vector<16xf32>
    %select_n3A_2990 = arith.select %eq3A_2968, %gather3A_2989, %select_n3A_2965 : vector<16xi1>, vector<16xf32>
    %eq3A_2991 = arith.constant 4 : i32
    %eq3A_2992 = vector.broadcast %eq3A_2991 : i32 to vector<16xi32>
    %eq3A_2993 = arith.cmpi eq, %shift_right_logical3A_2892, %eq3A_2992 : vector<16xi32>
    %lt3A_2994 = arith.constant 0 : i32
    %lt3A_2995 = vector.broadcast %lt3A_2994 : i32 to vector<16xi32>
    %lt3A_2996 = arith.cmpi slt, %and3A_2895, %lt3A_2995 : vector<16xi32>
    %add3A_2997 = arith.constant 16 : i32
    %add3A_2998 = vector.broadcast %add3A_2997 : i32 to vector<16xi32>
    %add3A_2999 = arith.addi %and3A_2895, %add3A_2998 : vector<16xi32>
    %select_n3A_3000 = arith.select %lt3A_2996, %add3A_2999, %and3A_2895 : vector<16xi1>, vector<16xi32>
    %broadcast_in_dim3A_3001 = vector.shape_cast %select_n3A_3000 : vector<16xi32> to vector<16x1xi32>
    %gather3A_3002 = vector.shape_cast %broadcast_in_dim3A_3001 : vector<16x1xi32> to vector<16xi32>
    %gather3A_3003 = tpu.dynamic_gather %get3A_22[%gather3A_3002] in [0] : vector<16xf32>, vector<16xi32> -> vector<16xf32>
    %select_n3A_3004 = arith.select %eq3A_2993, %gather3A_3003, %select_n3A_2979 : vector<16xi1>, vector<16xf32>
    %lt3A_3005 = arith.constant 0 : i32
    %lt3A_3006 = vector.broadcast %lt3A_3005 : i32 to vector<16xi32>
    %lt3A_3007 = arith.cmpi slt, %and3A_2895, %lt3A_3006 : vector<16xi32>
    %add3A_3008 = arith.constant 16 : i32
    %add3A_3009 = vector.broadcast %add3A_3008 : i32 to vector<16xi32>
    %add3A_3010 = arith.addi %and3A_2895, %add3A_3009 : vector<16xi32>
    %select_n3A_3011 = arith.select %lt3A_3007, %add3A_3010, %and3A_2895 : vector<16xi1>, vector<16xi32>
    %broadcast_in_dim3A_3012 = vector.shape_cast %select_n3A_3011 : vector<16xi32> to vector<16x1xi32>
    %gather3A_3013 = vector.shape_cast %broadcast_in_dim3A_3012 : vector<16x1xi32> to vector<16xi32>
    %gather3A_3014 = tpu.dynamic_gather %get3A_58[%gather3A_3013] in [0] : vector<16xf32>, vector<16xi32> -> vector<16xf32>
    %select_n3A_3015 = arith.select %eq3A_2993, %gather3A_3014, %select_n3A_2990 : vector<16xi1>, vector<16xf32>
    %eq3A_3016 = arith.constant 5 : i32
    %eq3A_3017 = vector.broadcast %eq3A_3016 : i32 to vector<16xi32>
    %eq3A_3018 = arith.cmpi eq, %shift_right_logical3A_2892, %eq3A_3017 : vector<16xi32>
    %lt3A_3019 = arith.constant 0 : i32
    %lt3A_3020 = vector.broadcast %lt3A_3019 : i32 to vector<16xi32>
    %lt3A_3021 = arith.cmpi slt, %and3A_2895, %lt3A_3020 : vector<16xi32>
    %add3A_3022 = arith.constant 16 : i32
    %add3A_3023 = vector.broadcast %add3A_3022 : i32 to vector<16xi32>
    %add3A_3024 = arith.addi %and3A_2895, %add3A_3023 : vector<16xi32>
    %select_n3A_3025 = arith.select %lt3A_3021, %add3A_3024, %and3A_2895 : vector<16xi1>, vector<16xi32>
    %broadcast_in_dim3A_3026 = vector.shape_cast %select_n3A_3025 : vector<16xi32> to vector<16x1xi32>
    %gather3A_3027 = vector.shape_cast %broadcast_in_dim3A_3026 : vector<16x1xi32> to vector<16xi32>
    %gather3A_3028 = tpu.dynamic_gather %get3A_25[%gather3A_3027] in [0] : vector<16xf32>, vector<16xi32> -> vector<16xf32>
    %select_n3A_3029 = arith.select %eq3A_3018, %gather3A_3028, %select_n3A_3004 : vector<16xi1>, vector<16xf32>
    %lt3A_3030 = arith.constant 0 : i32
    %lt3A_3031 = vector.broadcast %lt3A_3030 : i32 to vector<16xi32>
    %lt3A_3032 = arith.cmpi slt, %and3A_2895, %lt3A_3031 : vector<16xi32>
    %add3A_3033 = arith.constant 16 : i32
    %add3A_3034 = vector.broadcast %add3A_3033 : i32 to vector<16xi32>
    %add3A_3035 = arith.addi %and3A_2895, %add3A_3034 : vector<16xi32>
    %select_n3A_3036 = arith.select %lt3A_3032, %add3A_3035, %and3A_2895 : vector<16xi1>, vector<16xi32>
    %broadcast_in_dim3A_3037 = vector.shape_cast %select_n3A_3036 : vector<16xi32> to vector<16x1xi32>
    %gather3A_3038 = vector.shape_cast %broadcast_in_dim3A_3037 : vector<16x1xi32> to vector<16xi32>
    %gather3A_3039 = tpu.dynamic_gather %get3A_61[%gather3A_3038] in [0] : vector<16xf32>, vector<16xi32> -> vector<16xf32>
    %select_n3A_3040 = arith.select %eq3A_3018, %gather3A_3039, %select_n3A_3015 : vector<16xi1>, vector<16xf32>
    %eq3A_3041 = arith.constant 6 : i32
    %eq3A_3042 = vector.broadcast %eq3A_3041 : i32 to vector<16xi32>
    %eq3A_3043 = arith.cmpi eq, %shift_right_logical3A_2892, %eq3A_3042 : vector<16xi32>
    %lt3A_3044 = arith.constant 0 : i32
    %lt3A_3045 = vector.broadcast %lt3A_3044 : i32 to vector<16xi32>
    %lt3A_3046 = arith.cmpi slt, %and3A_2895, %lt3A_3045 : vector<16xi32>
    %add3A_3047 = arith.constant 16 : i32
    %add3A_3048 = vector.broadcast %add3A_3047 : i32 to vector<16xi32>
    %add3A_3049 = arith.addi %and3A_2895, %add3A_3048 : vector<16xi32>
    %select_n3A_3050 = arith.select %lt3A_3046, %add3A_3049, %and3A_2895 : vector<16xi1>, vector<16xi32>
    %broadcast_in_dim3A_3051 = vector.shape_cast %select_n3A_3050 : vector<16xi32> to vector<16x1xi32>
    %gather3A_3052 = vector.shape_cast %broadcast_in_dim3A_3051 : vector<16x1xi32> to vector<16xi32>
    %gather3A_3053 = tpu.dynamic_gather %get3A_28[%gather3A_3052] in [0] : vector<16xf32>, vector<16xi32> -> vector<16xf32>
    %select_n3A_3054 = arith.select %eq3A_3043, %gather3A_3053, %select_n3A_3029 : vector<16xi1>, vector<16xf32>
    %lt3A_3055 = arith.constant 0 : i32
    %lt3A_3056 = vector.broadcast %lt3A_3055 : i32 to vector<16xi32>
    %lt3A_3057 = arith.cmpi slt, %and3A_2895, %lt3A_3056 : vector<16xi32>
    %add3A_3058 = arith.constant 16 : i32
    %add3A_3059 = vector.broadcast %add3A_3058 : i32 to vector<16xi32>
    %add3A_3060 = arith.addi %and3A_2895, %add3A_3059 : vector<16xi32>
    %select_n3A_3061 = arith.select %lt3A_3057, %add3A_3060, %and3A_2895 : vector<16xi1>, vector<16xi32>
    %broadcast_in_dim3A_3062 = vector.shape_cast %select_n3A_3061 : vector<16xi32> to vector<16x1xi32>
    %gather3A_3063 = vector.shape_cast %broadcast_in_dim3A_3062 : vector<16x1xi32> to vector<16xi32>
    %gather3A_3064 = tpu.dynamic_gather %get3A_64[%gather3A_3063] in [0] : vector<16xf32>, vector<16xi32> -> vector<16xf32>
    %select_n3A_3065 = arith.select %eq3A_3043, %gather3A_3064, %select_n3A_3040 : vector<16xi1>, vector<16xf32>
    %eq3A_3066 = arith.constant 7 : i32
    %eq3A_3067 = vector.broadcast %eq3A_3066 : i32 to vector<16xi32>
    %eq3A_3068 = arith.cmpi eq, %shift_right_logical3A_2892, %eq3A_3067 : vector<16xi32>
    %lt3A_3069 = arith.constant 0 : i32
    %lt3A_3070 = vector.broadcast %lt3A_3069 : i32 to vector<16xi32>
    %lt3A_3071 = arith.cmpi slt, %and3A_2895, %lt3A_3070 : vector<16xi32>
    %add3A_3072 = arith.constant 16 : i32
    %add3A_3073 = vector.broadcast %add3A_3072 : i32 to vector<16xi32>
    %add3A_3074 = arith.addi %and3A_2895, %add3A_3073 : vector<16xi32>
    %select_n3A_3075 = arith.select %lt3A_3071, %add3A_3074, %and3A_2895 : vector<16xi1>, vector<16xi32>
    %broadcast_in_dim3A_3076 = vector.shape_cast %select_n3A_3075 : vector<16xi32> to vector<16x1xi32>
    %gather3A_3077 = vector.shape_cast %broadcast_in_dim3A_3076 : vector<16x1xi32> to vector<16xi32>
    %gather3A_3078 = tpu.dynamic_gather %get3A_31[%gather3A_3077] in [0] : vector<16xf32>, vector<16xi32> -> vector<16xf32>
    %select_n3A_3079 = arith.select %eq3A_3068, %gather3A_3078, %select_n3A_3054 : vector<16xi1>, vector<16xf32>
    %lt3A_3080 = arith.constant 0 : i32
    %lt3A_3081 = vector.broadcast %lt3A_3080 : i32 to vector<16xi32>
    %lt3A_3082 = arith.cmpi slt, %and3A_2895, %lt3A_3081 : vector<16xi32>
    %add3A_3083 = arith.constant 16 : i32
    %add3A_3084 = vector.broadcast %add3A_3083 : i32 to vector<16xi32>
    %add3A_3085 = arith.addi %and3A_2895, %add3A_3084 : vector<16xi32>
    %select_n3A_3086 = arith.select %lt3A_3082, %add3A_3085, %and3A_2895 : vector<16xi1>, vector<16xi32>
    %broadcast_in_dim3A_3087 = vector.shape_cast %select_n3A_3086 : vector<16xi32> to vector<16x1xi32>
    %gather3A_3088 = vector.shape_cast %broadcast_in_dim3A_3087 : vector<16x1xi32> to vector<16xi32>
    %gather3A_3089 = tpu.dynamic_gather %get3A_67[%gather3A_3088] in [0] : vector<16xf32>, vector<16xi32> -> vector<16xf32>
    %select_n3A_3090 = arith.select %eq3A_3068, %gather3A_3089, %select_n3A_3065 : vector<16xi1>, vector<16xf32>
    %eq3A_3091 = arith.constant 8 : i32
    %eq3A_3092 = vector.broadcast %eq3A_3091 : i32 to vector<16xi32>
    %eq3A_3093 = arith.cmpi eq, %shift_right_logical3A_2892, %eq3A_3092 : vector<16xi32>
    %lt3A_3094 = arith.constant 0 : i32
    %lt3A_3095 = vector.broadcast %lt3A_3094 : i32 to vector<16xi32>
    %lt3A_3096 = arith.cmpi slt, %and3A_2895, %lt3A_3095 : vector<16xi32>
    %add3A_3097 = arith.constant 16 : i32
    %add3A_3098 = vector.broadcast %add3A_3097 : i32 to vector<16xi32>
    %add3A_3099 = arith.addi %and3A_2895, %add3A_3098 : vector<16xi32>
    %select_n3A_3100 = arith.select %lt3A_3096, %add3A_3099, %and3A_2895 : vector<16xi1>, vector<16xi32>
    %broadcast_in_dim3A_3101 = vector.shape_cast %select_n3A_3100 : vector<16xi32> to vector<16x1xi32>
    %gather3A_3102 = vector.shape_cast %broadcast_in_dim3A_3101 : vector<16x1xi32> to vector<16xi32>
    %gather3A_3103 = tpu.dynamic_gather %get3A_34[%gather3A_3102] in [0] : vector<16xf32>, vector<16xi32> -> vector<16xf32>
    %select_n3A_3104 = arith.select %eq3A_3093, %gather3A_3103, %select_n3A_3079 : vector<16xi1>, vector<16xf32>
    %lt3A_3105 = arith.constant 0 : i32
    %lt3A_3106 = vector.broadcast %lt3A_3105 : i32 to vector<16xi32>
    %lt3A_3107 = arith.cmpi slt, %and3A_2895, %lt3A_3106 : vector<16xi32>
    %add3A_3108 = arith.constant 16 : i32
    %add3A_3109 = vector.broadcast %add3A_3108 : i32 to vector<16xi32>
    %add3A_3110 = arith.addi %and3A_2895, %add3A_3109 : vector<16xi32>
    %select_n3A_3111 = arith.select %lt3A_3107, %add3A_3110, %and3A_2895 : vector<16xi1>, vector<16xi32>
    %broadcast_in_dim3A_3112 = vector.shape_cast %select_n3A_3111 : vector<16xi32> to vector<16x1xi32>
    %gather3A_3113 = vector.shape_cast %broadcast_in_dim3A_3112 : vector<16x1xi32> to vector<16xi32>
    %gather3A_3114 = tpu.dynamic_gather %get3A_70[%gather3A_3113] in [0] : vector<16xf32>, vector<16xi32> -> vector<16xf32>
    %select_n3A_3115 = arith.select %eq3A_3093, %gather3A_3114, %select_n3A_3090 : vector<16xi1>, vector<16xf32>
    %eq3A_3116 = arith.constant 9 : i32
    %eq3A_3117 = vector.broadcast %eq3A_3116 : i32 to vector<16xi32>
    %eq3A_3118 = arith.cmpi eq, %shift_right_logical3A_2892, %eq3A_3117 : vector<16xi32>
    %lt3A_3119 = arith.constant 0 : i32
    %lt3A_3120 = vector.broadcast %lt3A_3119 : i32 to vector<16xi32>
    %lt3A_3121 = arith.cmpi slt, %and3A_2895, %lt3A_3120 : vector<16xi32>
    %add3A_3122 = arith.constant 16 : i32
    %add3A_3123 = vector.broadcast %add3A_3122 : i32 to vector<16xi32>
    %add3A_3124 = arith.addi %and3A_2895, %add3A_3123 : vector<16xi32>
    %select_n3A_3125 = arith.select %lt3A_3121, %add3A_3124, %and3A_2895 : vector<16xi1>, vector<16xi32>
    %broadcast_in_dim3A_3126 = vector.shape_cast %select_n3A_3125 : vector<16xi32> to vector<16x1xi32>
    %gather3A_3127 = vector.shape_cast %broadcast_in_dim3A_3126 : vector<16x1xi32> to vector<16xi32>
    %gather3A_3128 = tpu.dynamic_gather %get3A_37[%gather3A_3127] in [0] : vector<16xf32>, vector<16xi32> -> vector<16xf32>
    %select_n3A_3129 = arith.select %eq3A_3118, %gather3A_3128, %select_n3A_3104 : vector<16xi1>, vector<16xf32>
    %lt3A_3130 = arith.constant 0 : i32
    %lt3A_3131 = vector.broadcast %lt3A_3130 : i32 to vector<16xi32>
    %lt3A_3132 = arith.cmpi slt, %and3A_2895, %lt3A_3131 : vector<16xi32>
    %add3A_3133 = arith.constant 16 : i32
    %add3A_3134 = vector.broadcast %add3A_3133 : i32 to vector<16xi32>
    %add3A_3135 = arith.addi %and3A_2895, %add3A_3134 : vector<16xi32>
    %select_n3A_3136 = arith.select %lt3A_3132, %add3A_3135, %and3A_2895 : vector<16xi1>, vector<16xi32>
    %broadcast_in_dim3A_3137 = vector.shape_cast %select_n3A_3136 : vector<16xi32> to vector<16x1xi32>
    %gather3A_3138 = vector.shape_cast %broadcast_in_dim3A_3137 : vector<16x1xi32> to vector<16xi32>
    %gather3A_3139 = tpu.dynamic_gather %get3A_73[%gather3A_3138] in [0] : vector<16xf32>, vector<16xi32> -> vector<16xf32>
    %select_n3A_3140 = arith.select %eq3A_3118, %gather3A_3139, %select_n3A_3115 : vector<16xi1>, vector<16xf32>
    %eq3A_3141 = arith.constant 10 : i32
    %eq3A_3142 = vector.broadcast %eq3A_3141 : i32 to vector<16xi32>
    %eq3A_3143 = arith.cmpi eq, %shift_right_logical3A_2892, %eq3A_3142 : vector<16xi32>
    %lt3A_3144 = arith.constant 0 : i32
    %lt3A_3145 = vector.broadcast %lt3A_3144 : i32 to vector<16xi32>
    %lt3A_3146 = arith.cmpi slt, %and3A_2895, %lt3A_3145 : vector<16xi32>
    %add3A_3147 = arith.constant 16 : i32
    %add3A_3148 = vector.broadcast %add3A_3147 : i32 to vector<16xi32>
    %add3A_3149 = arith.addi %and3A_2895, %add3A_3148 : vector<16xi32>
    %select_n3A_3150 = arith.select %lt3A_3146, %add3A_3149, %and3A_2895 : vector<16xi1>, vector<16xi32>
    %broadcast_in_dim3A_3151 = vector.shape_cast %select_n3A_3150 : vector<16xi32> to vector<16x1xi32>
    %gather3A_3152 = vector.shape_cast %broadcast_in_dim3A_3151 : vector<16x1xi32> to vector<16xi32>
    %gather3A_3153 = tpu.dynamic_gather %get3A_40[%gather3A_3152] in [0] : vector<16xf32>, vector<16xi32> -> vector<16xf32>
    %select_n3A_3154 = arith.select %eq3A_3143, %gather3A_3153, %select_n3A_3129 : vector<16xi1>, vector<16xf32>
    %lt3A_3155 = arith.constant 0 : i32
    %lt3A_3156 = vector.broadcast %lt3A_3155 : i32 to vector<16xi32>
    %lt3A_3157 = arith.cmpi slt, %and3A_2895, %lt3A_3156 : vector<16xi32>
    %add3A_3158 = arith.constant 16 : i32
    %add3A_3159 = vector.broadcast %add3A_3158 : i32 to vector<16xi32>
    %add3A_3160 = arith.addi %and3A_2895, %add3A_3159 : vector<16xi32>
    %select_n3A_3161 = arith.select %lt3A_3157, %add3A_3160, %and3A_2895 : vector<16xi1>, vector<16xi32>
    %broadcast_in_dim3A_3162 = vector.shape_cast %select_n3A_3161 : vector<16xi32> to vector<16x1xi32>
    %gather3A_3163 = vector.shape_cast %broadcast_in_dim3A_3162 : vector<16x1xi32> to vector<16xi32>
    %gather3A_3164 = tpu.dynamic_gather %get3A_76[%gather3A_3163] in [0] : vector<16xf32>, vector<16xi32> -> vector<16xf32>
    %select_n3A_3165 = arith.select %eq3A_3143, %gather3A_3164, %select_n3A_3140 : vector<16xi1>, vector<16xf32>
    %eq3A_3166 = arith.constant 11 : i32
    %eq3A_3167 = vector.broadcast %eq3A_3166 : i32 to vector<16xi32>
    %eq3A_3168 = arith.cmpi eq, %shift_right_logical3A_2892, %eq3A_3167 : vector<16xi32>
    %lt3A_3169 = arith.constant 0 : i32
    %lt3A_3170 = vector.broadcast %lt3A_3169 : i32 to vector<16xi32>
    %lt3A_3171 = arith.cmpi slt, %and3A_2895, %lt3A_3170 : vector<16xi32>
    %add3A_3172 = arith.constant 16 : i32
    %add3A_3173 = vector.broadcast %add3A_3172 : i32 to vector<16xi32>
    %add3A_3174 = arith.addi %and3A_2895, %add3A_3173 : vector<16xi32>
    %select_n3A_3175 = arith.select %lt3A_3171, %add3A_3174, %and3A_2895 : vector<16xi1>, vector<16xi32>
    %broadcast_in_dim3A_3176 = vector.shape_cast %select_n3A_3175 : vector<16xi32> to vector<16x1xi32>
    %gather3A_3177 = vector.shape_cast %broadcast_in_dim3A_3176 : vector<16x1xi32> to vector<16xi32>
    %gather3A_3178 = tpu.dynamic_gather %get3A_43[%gather3A_3177] in [0] : vector<16xf32>, vector<16xi32> -> vector<16xf32>
    %select_n3A_3179 = arith.select %eq3A_3168, %gather3A_3178, %select_n3A_3154 : vector<16xi1>, vector<16xf32>
    %lt3A_3180 = arith.constant 0 : i32
    %lt3A_3181 = vector.broadcast %lt3A_3180 : i32 to vector<16xi32>
    %lt3A_3182 = arith.cmpi slt, %and3A_2895, %lt3A_3181 : vector<16xi32>
    %add3A_3183 = arith.constant 16 : i32
    %add3A_3184 = vector.broadcast %add3A_3183 : i32 to vector<16xi32>
    %add3A_3185 = arith.addi %and3A_2895, %add3A_3184 : vector<16xi32>
    %select_n3A_3186 = arith.select %lt3A_3182, %add3A_3185, %and3A_2895 : vector<16xi1>, vector<16xi32>
    %broadcast_in_dim3A_3187 = vector.shape_cast %select_n3A_3186 : vector<16xi32> to vector<16x1xi32>
    %gather3A_3188 = vector.shape_cast %broadcast_in_dim3A_3187 : vector<16x1xi32> to vector<16xi32>
    %gather3A_3189 = tpu.dynamic_gather %get3A_79[%gather3A_3188] in [0] : vector<16xf32>, vector<16xi32> -> vector<16xf32>
    %select_n3A_3190 = arith.select %eq3A_3168, %gather3A_3189, %select_n3A_3165 : vector<16xi1>, vector<16xf32>
    %get3A_3191 = arith.constant 144 : index
    %get3A_3192 = tpu.vector_load %arg8[%get3A_3191] {strides = array<i32>} : memref<256xf32, #tpu.memory_space<vmem>>, vector<16xf32>,
    %get3A_3193 = vector.shape_cast %get3A_3192 : vector<16xf32> to vector<16xf32>
    %sub3A_3194 = arith.subf %get3A_3193, %select_n3A_3179 : vector<16xf32>
    %div3A_3195 = arith.divf %sub3A_3194, %select_n3A_3190 : vector<16xf32>
    %swap3A_3196 = arith.constant 144 : index
    %swap3A_3197 = tpu.vector_load %arg11[%swap3A_3196] {strides = array<i32>} : memref<256xf32, #tpu.memory_space<vmem>>, vector<16xf32>,
    %swap3A_3198 = vector.shape_cast %swap3A_3197 : vector<16xf32> to vector<16xf32>
    %swap3A_3199 = vector.shape_cast %div3A_3195 : vector<16xf32> to vector<16xf32>
    tpu.vector_store %arg11[%swap3A_3196], %swap3A_3199 {strides = array<i32>} : memref<256xf32, #tpu.memory_space<vmem>>, vector<16xf32>,
    %get3A_3200 = arith.constant 160 : index
    %get3A_3201 = tpu.vector_load %arg7[%get3A_3200] {strides = array<i32>} : memref<256xi32, #tpu.memory_space<vmem>>, vector<16xi32>,
    %get3A_3202 = vector.shape_cast %get3A_3201 : vector<16xi32> to vector<16xi32>
    %shift_right_logical3A_3203 = arith.constant 4 : i32
    %shift_right_logical3A_3204 = vector.broadcast %shift_right_logical3A_3203 : i32 to vector<16xi32>
    %shift_right_logical3A_3205 = arith.shrui %get3A_3202, %shift_right_logical3A_3204 : vector<16xi32>
    %and3A_3206 = arith.constant 15 : i32
    %and3A_3207 = vector.broadcast %and3A_3206 : i32 to vector<16xi32>
    %and3A_3208 = arith.andi %get3A_3202, %and3A_3207 : vector<16xi32>
    %lt3A_3209 = arith.constant 0 : i32
    %lt3A_3210 = vector.broadcast %lt3A_3209 : i32 to vector<16xi32>
    %lt3A_3211 = arith.cmpi slt, %and3A_3208, %lt3A_3210 : vector<16xi32>
    %add3A_3212 = arith.constant 16 : i32
    %add3A_3213 = vector.broadcast %add3A_3212 : i32 to vector<16xi32>
    %add3A_3214 = arith.addi %and3A_3208, %add3A_3213 : vector<16xi32>
    %select_n3A_3215 = arith.select %lt3A_3211, %add3A_3214, %and3A_3208 : vector<16xi1>, vector<16xi32>
    %broadcast_in_dim3A_3216 = vector.shape_cast %select_n3A_3215 : vector<16xi32> to vector<16x1xi32>
    %gather3A_3217 = vector.shape_cast %broadcast_in_dim3A_3216 : vector<16x1xi32> to vector<16xi32>
    %gather3A_3218 = tpu.dynamic_gather %get3A_10[%gather3A_3217] in [0] : vector<16xf32>, vector<16xi32> -> vector<16xf32>
    %lt3A_3219 = arith.constant 0 : i32
    %lt3A_3220 = vector.broadcast %lt3A_3219 : i32 to vector<16xi32>
    %lt3A_3221 = arith.cmpi slt, %and3A_3208, %lt3A_3220 : vector<16xi32>
    %add3A_3222 = arith.constant 16 : i32
    %add3A_3223 = vector.broadcast %add3A_3222 : i32 to vector<16xi32>
    %add3A_3224 = arith.addi %and3A_3208, %add3A_3223 : vector<16xi32>
    %select_n3A_3225 = arith.select %lt3A_3221, %add3A_3224, %and3A_3208 : vector<16xi1>, vector<16xi32>
    %broadcast_in_dim3A_3226 = vector.shape_cast %select_n3A_3225 : vector<16xi32> to vector<16x1xi32>
    %gather3A_3227 = vector.shape_cast %broadcast_in_dim3A_3226 : vector<16x1xi32> to vector<16xi32>
    %gather3A_3228 = tpu.dynamic_gather %get3A_46[%gather3A_3227] in [0] : vector<16xf32>, vector<16xi32> -> vector<16xf32>
    %eq3A_3229 = arith.constant 1 : i32
    %eq3A_3230 = vector.broadcast %eq3A_3229 : i32 to vector<16xi32>
    %eq3A_3231 = arith.cmpi eq, %shift_right_logical3A_3205, %eq3A_3230 : vector<16xi32>
    %lt3A_3232 = arith.constant 0 : i32
    %lt3A_3233 = vector.broadcast %lt3A_3232 : i32 to vector<16xi32>
    %lt3A_3234 = arith.cmpi slt, %and3A_3208, %lt3A_3233 : vector<16xi32>
    %add3A_3235 = arith.constant 16 : i32
    %add3A_3236 = vector.broadcast %add3A_3235 : i32 to vector<16xi32>
    %add3A_3237 = arith.addi %and3A_3208, %add3A_3236 : vector<16xi32>
    %select_n3A_3238 = arith.select %lt3A_3234, %add3A_3237, %and3A_3208 : vector<16xi1>, vector<16xi32>
    %broadcast_in_dim3A_3239 = vector.shape_cast %select_n3A_3238 : vector<16xi32> to vector<16x1xi32>
    %gather3A_3240 = vector.shape_cast %broadcast_in_dim3A_3239 : vector<16x1xi32> to vector<16xi32>
    %gather3A_3241 = tpu.dynamic_gather %get3A_13[%gather3A_3240] in [0] : vector<16xf32>, vector<16xi32> -> vector<16xf32>
    %select_n3A_3242 = arith.select %eq3A_3231, %gather3A_3241, %gather3A_3218 : vector<16xi1>, vector<16xf32>
    %lt3A_3243 = arith.constant 0 : i32
    %lt3A_3244 = vector.broadcast %lt3A_3243 : i32 to vector<16xi32>
    %lt3A_3245 = arith.cmpi slt, %and3A_3208, %lt3A_3244 : vector<16xi32>
    %add3A_3246 = arith.constant 16 : i32
    %add3A_3247 = vector.broadcast %add3A_3246 : i32 to vector<16xi32>
    %add3A_3248 = arith.addi %and3A_3208, %add3A_3247 : vector<16xi32>
    %select_n3A_3249 = arith.select %lt3A_3245, %add3A_3248, %and3A_3208 : vector<16xi1>, vector<16xi32>
    %broadcast_in_dim3A_3250 = vector.shape_cast %select_n3A_3249 : vector<16xi32> to vector<16x1xi32>
    %gather3A_3251 = vector.shape_cast %broadcast_in_dim3A_3250 : vector<16x1xi32> to vector<16xi32>
    %gather3A_3252 = tpu.dynamic_gather %get3A_49[%gather3A_3251] in [0] : vector<16xf32>, vector<16xi32> -> vector<16xf32>
    %select_n3A_3253 = arith.select %eq3A_3231, %gather3A_3252, %gather3A_3228 : vector<16xi1>, vector<16xf32>
    %eq3A_3254 = arith.constant 2 : i32
    %eq3A_3255 = vector.broadcast %eq3A_3254 : i32 to vector<16xi32>
    %eq3A_3256 = arith.cmpi eq, %shift_right_logical3A_3205, %eq3A_3255 : vector<16xi32>
    %lt3A_3257 = arith.constant 0 : i32
    %lt3A_3258 = vector.broadcast %lt3A_3257 : i32 to vector<16xi32>
    %lt3A_3259 = arith.cmpi slt, %and3A_3208, %lt3A_3258 : vector<16xi32>
    %add3A_3260 = arith.constant 16 : i32
    %add3A_3261 = vector.broadcast %add3A_3260 : i32 to vector<16xi32>
    %add3A_3262 = arith.addi %and3A_3208, %add3A_3261 : vector<16xi32>
    %select_n3A_3263 = arith.select %lt3A_3259, %add3A_3262, %and3A_3208 : vector<16xi1>, vector<16xi32>
    %broadcast_in_dim3A_3264 = vector.shape_cast %select_n3A_3263 : vector<16xi32> to vector<16x1xi32>
    %gather3A_3265 = vector.shape_cast %broadcast_in_dim3A_3264 : vector<16x1xi32> to vector<16xi32>
    %gather3A_3266 = tpu.dynamic_gather %get3A_16[%gather3A_3265] in [0] : vector<16xf32>, vector<16xi32> -> vector<16xf32>
    %select_n3A_3267 = arith.select %eq3A_3256, %gather3A_3266, %select_n3A_3242 : vector<16xi1>, vector<16xf32>
    %lt3A_3268 = arith.constant 0 : i32
    %lt3A_3269 = vector.broadcast %lt3A_3268 : i32 to vector<16xi32>
    %lt3A_3270 = arith.cmpi slt, %and3A_3208, %lt3A_3269 : vector<16xi32>
    %add3A_3271 = arith.constant 16 : i32
    %add3A_3272 = vector.broadcast %add3A_3271 : i32 to vector<16xi32>
    %add3A_3273 = arith.addi %and3A_3208, %add3A_3272 : vector<16xi32>
    %select_n3A_3274 = arith.select %lt3A_3270, %add3A_3273, %and3A_3208 : vector<16xi1>, vector<16xi32>
    %broadcast_in_dim3A_3275 = vector.shape_cast %select_n3A_3274 : vector<16xi32> to vector<16x1xi32>
    %gather3A_3276 = vector.shape_cast %broadcast_in_dim3A_3275 : vector<16x1xi32> to vector<16xi32>
    %gather3A_3277 = tpu.dynamic_gather %get3A_52[%gather3A_3276] in [0] : vector<16xf32>, vector<16xi32> -> vector<16xf32>
    %select_n3A_3278 = arith.select %eq3A_3256, %gather3A_3277, %select_n3A_3253 : vector<16xi1>, vector<16xf32>
    %eq3A_3279 = arith.constant 3 : i32
    %eq3A_3280 = vector.broadcast %eq3A_3279 : i32 to vector<16xi32>
    %eq3A_3281 = arith.cmpi eq, %shift_right_logical3A_3205, %eq3A_3280 : vector<16xi32>
    %lt3A_3282 = arith.constant 0 : i32
    %lt3A_3283 = vector.broadcast %lt3A_3282 : i32 to vector<16xi32>
    %lt3A_3284 = arith.cmpi slt, %and3A_3208, %lt3A_3283 : vector<16xi32>
    %add3A_3285 = arith.constant 16 : i32
    %add3A_3286 = vector.broadcast %add3A_3285 : i32 to vector<16xi32>
    %add3A_3287 = arith.addi %and3A_3208, %add3A_3286 : vector<16xi32>
    %select_n3A_3288 = arith.select %lt3A_3284, %add3A_3287, %and3A_3208 : vector<16xi1>, vector<16xi32>
    %broadcast_in_dim3A_3289 = vector.shape_cast %select_n3A_3288 : vector<16xi32> to vector<16x1xi32>
    %gather3A_3290 = vector.shape_cast %broadcast_in_dim3A_3289 : vector<16x1xi32> to vector<16xi32>
    %gather3A_3291 = tpu.dynamic_gather %get3A_19[%gather3A_3290] in [0] : vector<16xf32>, vector<16xi32> -> vector<16xf32>
    %select_n3A_3292 = arith.select %eq3A_3281, %gather3A_3291, %select_n3A_3267 : vector<16xi1>, vector<16xf32>
    %lt3A_3293 = arith.constant 0 : i32
    %lt3A_3294 = vector.broadcast %lt3A_3293 : i32 to vector<16xi32>
    %lt3A_3295 = arith.cmpi slt, %and3A_3208, %lt3A_3294 : vector<16xi32>
    %add3A_3296 = arith.constant 16 : i32
    %add3A_3297 = vector.broadcast %add3A_3296 : i32 to vector<16xi32>
    %add3A_3298 = arith.addi %and3A_3208, %add3A_3297 : vector<16xi32>
    %select_n3A_3299 = arith.select %lt3A_3295, %add3A_3298, %and3A_3208 : vector<16xi1>, vector<16xi32>
    %broadcast_in_dim3A_3300 = vector.shape_cast %select_n3A_3299 : vector<16xi32> to vector<16x1xi32>
    %gather3A_3301 = vector.shape_cast %broadcast_in_dim3A_3300 : vector<16x1xi32> to vector<16xi32>
    %gather3A_3302 = tpu.dynamic_gather %get3A_55[%gather3A_3301] in [0] : vector<16xf32>, vector<16xi32> -> vector<16xf32>
    %select_n3A_3303 = arith.select %eq3A_3281, %gather3A_3302, %select_n3A_3278 : vector<16xi1>, vector<16xf32>
    %eq3A_3304 = arith.constant 4 : i32
    %eq3A_3305 = vector.broadcast %eq3A_3304 : i32 to vector<16xi32>
    %eq3A_3306 = arith.cmpi eq, %shift_right_logical3A_3205, %eq3A_3305 : vector<16xi32>
    %lt3A_3307 = arith.constant 0 : i32
    %lt3A_3308 = vector.broadcast %lt3A_3307 : i32 to vector<16xi32>
    %lt3A_3309 = arith.cmpi slt, %and3A_3208, %lt3A_3308 : vector<16xi32>
    %add3A_3310 = arith.constant 16 : i32
    %add3A_3311 = vector.broadcast %add3A_3310 : i32 to vector<16xi32>
    %add3A_3312 = arith.addi %and3A_3208, %add3A_3311 : vector<16xi32>
    %select_n3A_3313 = arith.select %lt3A_3309, %add3A_3312, %and3A_3208 : vector<16xi1>, vector<16xi32>
    %broadcast_in_dim3A_3314 = vector.shape_cast %select_n3A_3313 : vector<16xi32> to vector<16x1xi32>
    %gather3A_3315 = vector.shape_cast %broadcast_in_dim3A_3314 : vector<16x1xi32> to vector<16xi32>
    %gather3A_3316 = tpu.dynamic_gather %get3A_22[%gather3A_3315] in [0] : vector<16xf32>, vector<16xi32> -> vector<16xf32>
    %select_n3A_3317 = arith.select %eq3A_3306, %gather3A_3316, %select_n3A_3292 : vector<16xi1>, vector<16xf32>
    %lt3A_3318 = arith.constant 0 : i32
    %lt3A_3319 = vector.broadcast %lt3A_3318 : i32 to vector<16xi32>
    %lt3A_3320 = arith.cmpi slt, %and3A_3208, %lt3A_3319 : vector<16xi32>
    %add3A_3321 = arith.constant 16 : i32
    %add3A_3322 = vector.broadcast %add3A_3321 : i32 to vector<16xi32>
    %add3A_3323 = arith.addi %and3A_3208, %add3A_3322 : vector<16xi32>
    %select_n3A_3324 = arith.select %lt3A_3320, %add3A_3323, %and3A_3208 : vector<16xi1>, vector<16xi32>
    %broadcast_in_dim3A_3325 = vector.shape_cast %select_n3A_3324 : vector<16xi32> to vector<16x1xi32>
    %gather3A_3326 = vector.shape_cast %broadcast_in_dim3A_3325 : vector<16x1xi32> to vector<16xi32>
    %gather3A_3327 = tpu.dynamic_gather %get3A_58[%gather3A_3326] in [0] : vector<16xf32>, vector<16xi32> -> vector<16xf32>
    %select_n3A_3328 = arith.select %eq3A_3306, %gather3A_3327, %select_n3A_3303 : vector<16xi1>, vector<16xf32>
    %eq3A_3329 = arith.constant 5 : i32
    %eq3A_3330 = vector.broadcast %eq3A_3329 : i32 to vector<16xi32>
    %eq3A_3331 = arith.cmpi eq, %shift_right_logical3A_3205, %eq3A_3330 : vector<16xi32>
    %lt3A_3332 = arith.constant 0 : i32
    %lt3A_3333 = vector.broadcast %lt3A_3332 : i32 to vector<16xi32>
    %lt3A_3334 = arith.cmpi slt, %and3A_3208, %lt3A_3333 : vector<16xi32>
    %add3A_3335 = arith.constant 16 : i32
    %add3A_3336 = vector.broadcast %add3A_3335 : i32 to vector<16xi32>
    %add3A_3337 = arith.addi %and3A_3208, %add3A_3336 : vector<16xi32>
    %select_n3A_3338 = arith.select %lt3A_3334, %add3A_3337, %and3A_3208 : vector<16xi1>, vector<16xi32>
    %broadcast_in_dim3A_3339 = vector.shape_cast %select_n3A_3338 : vector<16xi32> to vector<16x1xi32>
    %gather3A_3340 = vector.shape_cast %broadcast_in_dim3A_3339 : vector<16x1xi32> to vector<16xi32>
    %gather3A_3341 = tpu.dynamic_gather %get3A_25[%gather3A_3340] in [0] : vector<16xf32>, vector<16xi32> -> vector<16xf32>
    %select_n3A_3342 = arith.select %eq3A_3331, %gather3A_3341, %select_n3A_3317 : vector<16xi1>, vector<16xf32>
    %lt3A_3343 = arith.constant 0 : i32
    %lt3A_3344 = vector.broadcast %lt3A_3343 : i32 to vector<16xi32>
    %lt3A_3345 = arith.cmpi slt, %and3A_3208, %lt3A_3344 : vector<16xi32>
    %add3A_3346 = arith.constant 16 : i32
    %add3A_3347 = vector.broadcast %add3A_3346 : i32 to vector<16xi32>
    %add3A_3348 = arith.addi %and3A_3208, %add3A_3347 : vector<16xi32>
    %select_n3A_3349 = arith.select %lt3A_3345, %add3A_3348, %and3A_3208 : vector<16xi1>, vector<16xi32>
    %broadcast_in_dim3A_3350 = vector.shape_cast %select_n3A_3349 : vector<16xi32> to vector<16x1xi32>
    %gather3A_3351 = vector.shape_cast %broadcast_in_dim3A_3350 : vector<16x1xi32> to vector<16xi32>
    %gather3A_3352 = tpu.dynamic_gather %get3A_61[%gather3A_3351] in [0] : vector<16xf32>, vector<16xi32> -> vector<16xf32>
    %select_n3A_3353 = arith.select %eq3A_3331, %gather3A_3352, %select_n3A_3328 : vector<16xi1>, vector<16xf32>
    %eq3A_3354 = arith.constant 6 : i32
    %eq3A_3355 = vector.broadcast %eq3A_3354 : i32 to vector<16xi32>
    %eq3A_3356 = arith.cmpi eq, %shift_right_logical3A_3205, %eq3A_3355 : vector<16xi32>
    %lt3A_3357 = arith.constant 0 : i32
    %lt3A_3358 = vector.broadcast %lt3A_3357 : i32 to vector<16xi32>
    %lt3A_3359 = arith.cmpi slt, %and3A_3208, %lt3A_3358 : vector<16xi32>
    %add3A_3360 = arith.constant 16 : i32
    %add3A_3361 = vector.broadcast %add3A_3360 : i32 to vector<16xi32>
    %add3A_3362 = arith.addi %and3A_3208, %add3A_3361 : vector<16xi32>
    %select_n3A_3363 = arith.select %lt3A_3359, %add3A_3362, %and3A_3208 : vector<16xi1>, vector<16xi32>
    %broadcast_in_dim3A_3364 = vector.shape_cast %select_n3A_3363 : vector<16xi32> to vector<16x1xi32>
    %gather3A_3365 = vector.shape_cast %broadcast_in_dim3A_3364 : vector<16x1xi32> to vector<16xi32>
    %gather3A_3366 = tpu.dynamic_gather %get3A_28[%gather3A_3365] in [0] : vector<16xf32>, vector<16xi32> -> vector<16xf32>
    %select_n3A_3367 = arith.select %eq3A_3356, %gather3A_3366, %select_n3A_3342 : vector<16xi1>, vector<16xf32>
    %lt3A_3368 = arith.constant 0 : i32
    %lt3A_3369 = vector.broadcast %lt3A_3368 : i32 to vector<16xi32>
    %lt3A_3370 = arith.cmpi slt, %and3A_3208, %lt3A_3369 : vector<16xi32>
    %add3A_3371 = arith.constant 16 : i32
    %add3A_3372 = vector.broadcast %add3A_3371 : i32 to vector<16xi32>
    %add3A_3373 = arith.addi %and3A_3208, %add3A_3372 : vector<16xi32>
    %select_n3A_3374 = arith.select %lt3A_3370, %add3A_3373, %and3A_3208 : vector<16xi1>, vector<16xi32>
    %broadcast_in_dim3A_3375 = vector.shape_cast %select_n3A_3374 : vector<16xi32> to vector<16x1xi32>
    %gather3A_3376 = vector.shape_cast %broadcast_in_dim3A_3375 : vector<16x1xi32> to vector<16xi32>
    %gather3A_3377 = tpu.dynamic_gather %get3A_64[%gather3A_3376] in [0] : vector<16xf32>, vector<16xi32> -> vector<16xf32>
    %select_n3A_3378 = arith.select %eq3A_3356, %gather3A_3377, %select_n3A_3353 : vector<16xi1>, vector<16xf32>
    %eq3A_3379 = arith.constant 7 : i32
    %eq3A_3380 = vector.broadcast %eq3A_3379 : i32 to vector<16xi32>
    %eq3A_3381 = arith.cmpi eq, %shift_right_logical3A_3205, %eq3A_3380 : vector<16xi32>
    %lt3A_3382 = arith.constant 0 : i32
    %lt3A_3383 = vector.broadcast %lt3A_3382 : i32 to vector<16xi32>
    %lt3A_3384 = arith.cmpi slt, %and3A_3208, %lt3A_3383 : vector<16xi32>
    %add3A_3385 = arith.constant 16 : i32
    %add3A_3386 = vector.broadcast %add3A_3385 : i32 to vector<16xi32>
    %add3A_3387 = arith.addi %and3A_3208, %add3A_3386 : vector<16xi32>
    %select_n3A_3388 = arith.select %lt3A_3384, %add3A_3387, %and3A_3208 : vector<16xi1>, vector<16xi32>
    %broadcast_in_dim3A_3389 = vector.shape_cast %select_n3A_3388 : vector<16xi32> to vector<16x1xi32>
    %gather3A_3390 = vector.shape_cast %broadcast_in_dim3A_3389 : vector<16x1xi32> to vector<16xi32>
    %gather3A_3391 = tpu.dynamic_gather %get3A_31[%gather3A_3390] in [0] : vector<16xf32>, vector<16xi32> -> vector<16xf32>
    %select_n3A_3392 = arith.select %eq3A_3381, %gather3A_3391, %select_n3A_3367 : vector<16xi1>, vector<16xf32>
    %lt3A_3393 = arith.constant 0 : i32
    %lt3A_3394 = vector.broadcast %lt3A_3393 : i32 to vector<16xi32>
    %lt3A_3395 = arith.cmpi slt, %and3A_3208, %lt3A_3394 : vector<16xi32>
    %add3A_3396 = arith.constant 16 : i32
    %add3A_3397 = vector.broadcast %add3A_3396 : i32 to vector<16xi32>
    %add3A_3398 = arith.addi %and3A_3208, %add3A_3397 : vector<16xi32>
    %select_n3A_3399 = arith.select %lt3A_3395, %add3A_3398, %and3A_3208 : vector<16xi1>, vector<16xi32>
    %broadcast_in_dim3A_3400 = vector.shape_cast %select_n3A_3399 : vector<16xi32> to vector<16x1xi32>
    %gather3A_3401 = vector.shape_cast %broadcast_in_dim3A_3400 : vector<16x1xi32> to vector<16xi32>
    %gather3A_3402 = tpu.dynamic_gather %get3A_67[%gather3A_3401] in [0] : vector<16xf32>, vector<16xi32> -> vector<16xf32>
    %select_n3A_3403 = arith.select %eq3A_3381, %gather3A_3402, %select_n3A_3378 : vector<16xi1>, vector<16xf32>
    %eq3A_3404 = arith.constant 8 : i32
    %eq3A_3405 = vector.broadcast %eq3A_3404 : i32 to vector<16xi32>
    %eq3A_3406 = arith.cmpi eq, %shift_right_logical3A_3205, %eq3A_3405 : vector<16xi32>
    %lt3A_3407 = arith.constant 0 : i32
    %lt3A_3408 = vector.broadcast %lt3A_3407 : i32 to vector<16xi32>
    %lt3A_3409 = arith.cmpi slt, %and3A_3208, %lt3A_3408 : vector<16xi32>
    %add3A_3410 = arith.constant 16 : i32
    %add3A_3411 = vector.broadcast %add3A_3410 : i32 to vector<16xi32>
    %add3A_3412 = arith.addi %and3A_3208, %add3A_3411 : vector<16xi32>
    %select_n3A_3413 = arith.select %lt3A_3409, %add3A_3412, %and3A_3208 : vector<16xi1>, vector<16xi32>
    %broadcast_in_dim3A_3414 = vector.shape_cast %select_n3A_3413 : vector<16xi32> to vector<16x1xi32>
    %gather3A_3415 = vector.shape_cast %broadcast_in_dim3A_3414 : vector<16x1xi32> to vector<16xi32>
    %gather3A_3416 = tpu.dynamic_gather %get3A_34[%gather3A_3415] in [0] : vector<16xf32>, vector<16xi32> -> vector<16xf32>
    %select_n3A_3417 = arith.select %eq3A_3406, %gather3A_3416, %select_n3A_3392 : vector<16xi1>, vector<16xf32>
    %lt3A_3418 = arith.constant 0 : i32
    %lt3A_3419 = vector.broadcast %lt3A_3418 : i32 to vector<16xi32>
    %lt3A_3420 = arith.cmpi slt, %and3A_3208, %lt3A_3419 : vector<16xi32>
    %add3A_3421 = arith.constant 16 : i32
    %add3A_3422 = vector.broadcast %add3A_3421 : i32 to vector<16xi32>
    %add3A_3423 = arith.addi %and3A_3208, %add3A_3422 : vector<16xi32>
    %select_n3A_3424 = arith.select %lt3A_3420, %add3A_3423, %and3A_3208 : vector<16xi1>, vector<16xi32>
    %broadcast_in_dim3A_3425 = vector.shape_cast %select_n3A_3424 : vector<16xi32> to vector<16x1xi32>
    %gather3A_3426 = vector.shape_cast %broadcast_in_dim3A_3425 : vector<16x1xi32> to vector<16xi32>
    %gather3A_3427 = tpu.dynamic_gather %get3A_70[%gather3A_3426] in [0] : vector<16xf32>, vector<16xi32> -> vector<16xf32>
    %select_n3A_3428 = arith.select %eq3A_3406, %gather3A_3427, %select_n3A_3403 : vector<16xi1>, vector<16xf32>
    %eq3A_3429 = arith.constant 9 : i32
    %eq3A_3430 = vector.broadcast %eq3A_3429 : i32 to vector<16xi32>
    %eq3A_3431 = arith.cmpi eq, %shift_right_logical3A_3205, %eq3A_3430 : vector<16xi32>
    %lt3A_3432 = arith.constant 0 : i32
    %lt3A_3433 = vector.broadcast %lt3A_3432 : i32 to vector<16xi32>
    %lt3A_3434 = arith.cmpi slt, %and3A_3208, %lt3A_3433 : vector<16xi32>
    %add3A_3435 = arith.constant 16 : i32
    %add3A_3436 = vector.broadcast %add3A_3435 : i32 to vector<16xi32>
    %add3A_3437 = arith.addi %and3A_3208, %add3A_3436 : vector<16xi32>
    %select_n3A_3438 = arith.select %lt3A_3434, %add3A_3437, %and3A_3208 : vector<16xi1>, vector<16xi32>
    %broadcast_in_dim3A_3439 = vector.shape_cast %select_n3A_3438 : vector<16xi32> to vector<16x1xi32>
    %gather3A_3440 = vector.shape_cast %broadcast_in_dim3A_3439 : vector<16x1xi32> to vector<16xi32>
    %gather3A_3441 = tpu.dynamic_gather %get3A_37[%gather3A_3440] in [0] : vector<16xf32>, vector<16xi32> -> vector<16xf32>
    %select_n3A_3442 = arith.select %eq3A_3431, %gather3A_3441, %select_n3A_3417 : vector<16xi1>, vector<16xf32>
    %lt3A_3443 = arith.constant 0 : i32
    %lt3A_3444 = vector.broadcast %lt3A_3443 : i32 to vector<16xi32>
    %lt3A_3445 = arith.cmpi slt, %and3A_3208, %lt3A_3444 : vector<16xi32>
    %add3A_3446 = arith.constant 16 : i32
    %add3A_3447 = vector.broadcast %add3A_3446 : i32 to vector<16xi32>
    %add3A_3448 = arith.addi %and3A_3208, %add3A_3447 : vector<16xi32>
    %select_n3A_3449 = arith.select %lt3A_3445, %add3A_3448, %and3A_3208 : vector<16xi1>, vector<16xi32>
    %broadcast_in_dim3A_3450 = vector.shape_cast %select_n3A_3449 : vector<16xi32> to vector<16x1xi32>
    %gather3A_3451 = vector.shape_cast %broadcast_in_dim3A_3450 : vector<16x1xi32> to vector<16xi32>
    %gather3A_3452 = tpu.dynamic_gather %get3A_73[%gather3A_3451] in [0] : vector<16xf32>, vector<16xi32> -> vector<16xf32>
    %select_n3A_3453 = arith.select %eq3A_3431, %gather3A_3452, %select_n3A_3428 : vector<16xi1>, vector<16xf32>
    %eq3A_3454 = arith.constant 10 : i32
    %eq3A_3455 = vector.broadcast %eq3A_3454 : i32 to vector<16xi32>
    %eq3A_3456 = arith.cmpi eq, %shift_right_logical3A_3205, %eq3A_3455 : vector<16xi32>
    %lt3A_3457 = arith.constant 0 : i32
    %lt3A_3458 = vector.broadcast %lt3A_3457 : i32 to vector<16xi32>
    %lt3A_3459 = arith.cmpi slt, %and3A_3208, %lt3A_3458 : vector<16xi32>
    %add3A_3460 = arith.constant 16 : i32
    %add3A_3461 = vector.broadcast %add3A_3460 : i32 to vector<16xi32>
    %add3A_3462 = arith.addi %and3A_3208, %add3A_3461 : vector<16xi32>
    %select_n3A_3463 = arith.select %lt3A_3459, %add3A_3462, %and3A_3208 : vector<16xi1>, vector<16xi32>
    %broadcast_in_dim3A_3464 = vector.shape_cast %select_n3A_3463 : vector<16xi32> to vector<16x1xi32>
    %gather3A_3465 = vector.shape_cast %broadcast_in_dim3A_3464 : vector<16x1xi32> to vector<16xi32>
    %gather3A_3466 = tpu.dynamic_gather %get3A_40[%gather3A_3465] in [0] : vector<16xf32>, vector<16xi32> -> vector<16xf32>
    %select_n3A_3467 = arith.select %eq3A_3456, %gather3A_3466, %select_n3A_3442 : vector<16xi1>, vector<16xf32>
    %lt3A_3468 = arith.constant 0 : i32
    %lt3A_3469 = vector.broadcast %lt3A_3468 : i32 to vector<16xi32>
    %lt3A_3470 = arith.cmpi slt, %and3A_3208, %lt3A_3469 : vector<16xi32>
    %add3A_3471 = arith.constant 16 : i32
    %add3A_3472 = vector.broadcast %add3A_3471 : i32 to vector<16xi32>
    %add3A_3473 = arith.addi %and3A_3208, %add3A_3472 : vector<16xi32>
    %select_n3A_3474 = arith.select %lt3A_3470, %add3A_3473, %and3A_3208 : vector<16xi1>, vector<16xi32>
    %broadcast_in_dim3A_3475 = vector.shape_cast %select_n3A_3474 : vector<16xi32> to vector<16x1xi32>
    %gather3A_3476 = vector.shape_cast %broadcast_in_dim3A_3475 : vector<16x1xi32> to vector<16xi32>
    %gather3A_3477 = tpu.dynamic_gather %get3A_76[%gather3A_3476] in [0] : vector<16xf32>, vector<16xi32> -> vector<16xf32>
    %select_n3A_3478 = arith.select %eq3A_3456, %gather3A_3477, %select_n3A_3453 : vector<16xi1>, vector<16xf32>
    %eq3A_3479 = arith.constant 11 : i32
    %eq3A_3480 = vector.broadcast %eq3A_3479 : i32 to vector<16xi32>
    %eq3A_3481 = arith.cmpi eq, %shift_right_logical3A_3205, %eq3A_3480 : vector<16xi32>
    %lt3A_3482 = arith.constant 0 : i32
    %lt3A_3483 = vector.broadcast %lt3A_3482 : i32 to vector<16xi32>
    %lt3A_3484 = arith.cmpi slt, %and3A_3208, %lt3A_3483 : vector<16xi32>
    %add3A_3485 = arith.constant 16 : i32
    %add3A_3486 = vector.broadcast %add3A_3485 : i32 to vector<16xi32>
    %add3A_3487 = arith.addi %and3A_3208, %add3A_3486 : vector<16xi32>
    %select_n3A_3488 = arith.select %lt3A_3484, %add3A_3487, %and3A_3208 : vector<16xi1>, vector<16xi32>
    %broadcast_in_dim3A_3489 = vector.shape_cast %select_n3A_3488 : vector<16xi32> to vector<16x1xi32>
    %gather3A_3490 = vector.shape_cast %broadcast_in_dim3A_3489 : vector<16x1xi32> to vector<16xi32>
    %gather3A_3491 = tpu.dynamic_gather %get3A_43[%gather3A_3490] in [0] : vector<16xf32>, vector<16xi32> -> vector<16xf32>
    %select_n3A_3492 = arith.select %eq3A_3481, %gather3A_3491, %select_n3A_3467 : vector<16xi1>, vector<16xf32>
    %lt3A_3493 = arith.constant 0 : i32
    %lt3A_3494 = vector.broadcast %lt3A_3493 : i32 to vector<16xi32>
    %lt3A_3495 = arith.cmpi slt, %and3A_3208, %lt3A_3494 : vector<16xi32>
    %add3A_3496 = arith.constant 16 : i32
    %add3A_3497 = vector.broadcast %add3A_3496 : i32 to vector<16xi32>
    %add3A_3498 = arith.addi %and3A_3208, %add3A_3497 : vector<16xi32>
    %select_n3A_3499 = arith.select %lt3A_3495, %add3A_3498, %and3A_3208 : vector<16xi1>, vector<16xi32>
    %broadcast_in_dim3A_3500 = vector.shape_cast %select_n3A_3499 : vector<16xi32> to vector<16x1xi32>
    %gather3A_3501 = vector.shape_cast %broadcast_in_dim3A_3500 : vector<16x1xi32> to vector<16xi32>
    %gather3A_3502 = tpu.dynamic_gather %get3A_79[%gather3A_3501] in [0] : vector<16xf32>, vector<16xi32> -> vector<16xf32>
    %select_n3A_3503 = arith.select %eq3A_3481, %gather3A_3502, %select_n3A_3478 : vector<16xi1>, vector<16xf32>
    %get3A_3504 = arith.constant 160 : index
    %get3A_3505 = tpu.vector_load %arg8[%get3A_3504] {strides = array<i32>} : memref<256xf32, #tpu.memory_space<vmem>>, vector<16xf32>,
    %get3A_3506 = vector.shape_cast %get3A_3505 : vector<16xf32> to vector<16xf32>
    %sub3A_3507 = arith.subf %get3A_3506, %select_n3A_3492 : vector<16xf32>
    %div3A_3508 = arith.divf %sub3A_3507, %select_n3A_3503 : vector<16xf32>
    %swap3A_3509 = arith.constant 160 : index
    %swap3A_3510 = tpu.vector_load %arg11[%swap3A_3509] {strides = array<i32>} : memref<256xf32, #tpu.memory_space<vmem>>, vector<16xf32>,
    %swap3A_3511 = vector.shape_cast %swap3A_3510 : vector<16xf32> to vector<16xf32>
    %swap3A_3512 = vector.shape_cast %div3A_3508 : vector<16xf32> to vector<16xf32>
    tpu.vector_store %arg11[%swap3A_3509], %swap3A_3512 {strides = array<i32>} : memref<256xf32, #tpu.memory_space<vmem>>, vector<16xf32>,
    %get3A_3513 = arith.constant 176 : index
    %get3A_3514 = tpu.vector_load %arg7[%get3A_3513] {strides = array<i32>} : memref<256xi32, #tpu.memory_space<vmem>>, vector<16xi32>,
    %get3A_3515 = vector.shape_cast %get3A_3514 : vector<16xi32> to vector<16xi32>
    %shift_right_logical3A_3516 = arith.constant 4 : i32
    %shift_right_logical3A_3517 = vector.broadcast %shift_right_logical3A_3516 : i32 to vector<16xi32>
    %shift_right_logical3A_3518 = arith.shrui %get3A_3515, %shift_right_logical3A_3517 : vector<16xi32>
    %and3A_3519 = arith.constant 15 : i32
    %and3A_3520 = vector.broadcast %and3A_3519 : i32 to vector<16xi32>
    %and3A_3521 = arith.andi %get3A_3515, %and3A_3520 : vector<16xi32>
    %lt3A_3522 = arith.constant 0 : i32
    %lt3A_3523 = vector.broadcast %lt3A_3522 : i32 to vector<16xi32>
    %lt3A_3524 = arith.cmpi slt, %and3A_3521, %lt3A_3523 : vector<16xi32>
    %add3A_3525 = arith.constant 16 : i32
    %add3A_3526 = vector.broadcast %add3A_3525 : i32 to vector<16xi32>
    %add3A_3527 = arith.addi %and3A_3521, %add3A_3526 : vector<16xi32>
    %select_n3A_3528 = arith.select %lt3A_3524, %add3A_3527, %and3A_3521 : vector<16xi1>, vector<16xi32>
    %broadcast_in_dim3A_3529 = vector.shape_cast %select_n3A_3528 : vector<16xi32> to vector<16x1xi32>
    %gather3A_3530 = vector.shape_cast %broadcast_in_dim3A_3529 : vector<16x1xi32> to vector<16xi32>
    %gather3A_3531 = tpu.dynamic_gather %get3A_10[%gather3A_3530] in [0] : vector<16xf32>, vector<16xi32> -> vector<16xf32>
    %lt3A_3532 = arith.constant 0 : i32
    %lt3A_3533 = vector.broadcast %lt3A_3532 : i32 to vector<16xi32>
    %lt3A_3534 = arith.cmpi slt, %and3A_3521, %lt3A_3533 : vector<16xi32>
    %add3A_3535 = arith.constant 16 : i32
    %add3A_3536 = vector.broadcast %add3A_3535 : i32 to vector<16xi32>
    %add3A_3537 = arith.addi %and3A_3521, %add3A_3536 : vector<16xi32>
    %select_n3A_3538 = arith.select %lt3A_3534, %add3A_3537, %and3A_3521 : vector<16xi1>, vector<16xi32>
    %broadcast_in_dim3A_3539 = vector.shape_cast %select_n3A_3538 : vector<16xi32> to vector<16x1xi32>
    %gather3A_3540 = vector.shape_cast %broadcast_in_dim3A_3539 : vector<16x1xi32> to vector<16xi32>
    %gather3A_3541 = tpu.dynamic_gather %get3A_46[%gather3A_3540] in [0] : vector<16xf32>, vector<16xi32> -> vector<16xf32>
    %eq3A_3542 = arith.constant 1 : i32
    %eq3A_3543 = vector.broadcast %eq3A_3542 : i32 to vector<16xi32>
    %eq3A_3544 = arith.cmpi eq, %shift_right_logical3A_3518, %eq3A_3543 : vector<16xi32>
    %lt3A_3545 = arith.constant 0 : i32
    %lt3A_3546 = vector.broadcast %lt3A_3545 : i32 to vector<16xi32>
    %lt3A_3547 = arith.cmpi slt, %and3A_3521, %lt3A_3546 : vector<16xi32>
    %add3A_3548 = arith.constant 16 : i32
    %add3A_3549 = vector.broadcast %add3A_3548 : i32 to vector<16xi32>
    %add3A_3550 = arith.addi %and3A_3521, %add3A_3549 : vector<16xi32>
    %select_n3A_3551 = arith.select %lt3A_3547, %add3A_3550, %and3A_3521 : vector<16xi1>, vector<16xi32>
    %broadcast_in_dim3A_3552 = vector.shape_cast %select_n3A_3551 : vector<16xi32> to vector<16x1xi32>
    %gather3A_3553 = vector.shape_cast %broadcast_in_dim3A_3552 : vector<16x1xi32> to vector<16xi32>
    %gather3A_3554 = tpu.dynamic_gather %get3A_13[%gather3A_3553] in [0] : vector<16xf32>, vector<16xi32> -> vector<16xf32>
    %select_n3A_3555 = arith.select %eq3A_3544, %gather3A_3554, %gather3A_3531 : vector<16xi1>, vector<16xf32>
    %lt3A_3556 = arith.constant 0 : i32
    %lt3A_3557 = vector.broadcast %lt3A_3556 : i32 to vector<16xi32>
    %lt3A_3558 = arith.cmpi slt, %and3A_3521, %lt3A_3557 : vector<16xi32>
    %add3A_3559 = arith.constant 16 : i32
    %add3A_3560 = vector.broadcast %add3A_3559 : i32 to vector<16xi32>
    %add3A_3561 = arith.addi %and3A_3521, %add3A_3560 : vector<16xi32>
    %select_n3A_3562 = arith.select %lt3A_3558, %add3A_3561, %and3A_3521 : vector<16xi1>, vector<16xi32>
    %broadcast_in_dim3A_3563 = vector.shape_cast %select_n3A_3562 : vector<16xi32> to vector<16x1xi32>
    %gather3A_3564 = vector.shape_cast %broadcast_in_dim3A_3563 : vector<16x1xi32> to vector<16xi32>
    %gather3A_3565 = tpu.dynamic_gather %get3A_49[%gather3A_3564] in [0] : vector<16xf32>, vector<16xi32> -> vector<16xf32>
    %select_n3A_3566 = arith.select %eq3A_3544, %gather3A_3565, %gather3A_3541 : vector<16xi1>, vector<16xf32>
    %eq3A_3567 = arith.constant 2 : i32
    %eq3A_3568 = vector.broadcast %eq3A_3567 : i32 to vector<16xi32>
    %eq3A_3569 = arith.cmpi eq, %shift_right_logical3A_3518, %eq3A_3568 : vector<16xi32>
    %lt3A_3570 = arith.constant 0 : i32
    %lt3A_3571 = vector.broadcast %lt3A_3570 : i32 to vector<16xi32>
    %lt3A_3572 = arith.cmpi slt, %and3A_3521, %lt3A_3571 : vector<16xi32>
    %add3A_3573 = arith.constant 16 : i32
    %add3A_3574 = vector.broadcast %add3A_3573 : i32 to vector<16xi32>
    %add3A_3575 = arith.addi %and3A_3521, %add3A_3574 : vector<16xi32>
    %select_n3A_3576 = arith.select %lt3A_3572, %add3A_3575, %and3A_3521 : vector<16xi1>, vector<16xi32>
    %broadcast_in_dim3A_3577 = vector.shape_cast %select_n3A_3576 : vector<16xi32> to vector<16x1xi32>
    %gather3A_3578 = vector.shape_cast %broadcast_in_dim3A_3577 : vector<16x1xi32> to vector<16xi32>
    %gather3A_3579 = tpu.dynamic_gather %get3A_16[%gather3A_3578] in [0] : vector<16xf32>, vector<16xi32> -> vector<16xf32>
    %select_n3A_3580 = arith.select %eq3A_3569, %gather3A_3579, %select_n3A_3555 : vector<16xi1>, vector<16xf32>
    %lt3A_3581 = arith.constant 0 : i32
    %lt3A_3582 = vector.broadcast %lt3A_3581 : i32 to vector<16xi32>
    %lt3A_3583 = arith.cmpi slt, %and3A_3521, %lt3A_3582 : vector<16xi32>
    %add3A_3584 = arith.constant 16 : i32
    %add3A_3585 = vector.broadcast %add3A_3584 : i32 to vector<16xi32>
    %add3A_3586 = arith.addi %and3A_3521, %add3A_3585 : vector<16xi32>
    %select_n3A_3587 = arith.select %lt3A_3583, %add3A_3586, %and3A_3521 : vector<16xi1>, vector<16xi32>
    %broadcast_in_dim3A_3588 = vector.shape_cast %select_n3A_3587 : vector<16xi32> to vector<16x1xi32>
    %gather3A_3589 = vector.shape_cast %broadcast_in_dim3A_3588 : vector<16x1xi32> to vector<16xi32>
    %gather3A_3590 = tpu.dynamic_gather %get3A_52[%gather3A_3589] in [0] : vector<16xf32>, vector<16xi32> -> vector<16xf32>
    %select_n3A_3591 = arith.select %eq3A_3569, %gather3A_3590, %select_n3A_3566 : vector<16xi1>, vector<16xf32>
    %eq3A_3592 = arith.constant 3 : i32
    %eq3A_3593 = vector.broadcast %eq3A_3592 : i32 to vector<16xi32>
    %eq3A_3594 = arith.cmpi eq, %shift_right_logical3A_3518, %eq3A_3593 : vector<16xi32>
    %lt3A_3595 = arith.constant 0 : i32
    %lt3A_3596 = vector.broadcast %lt3A_3595 : i32 to vector<16xi32>
    %lt3A_3597 = arith.cmpi slt, %and3A_3521, %lt3A_3596 : vector<16xi32>
    %add3A_3598 = arith.constant 16 : i32
    %add3A_3599 = vector.broadcast %add3A_3598 : i32 to vector<16xi32>
    %add3A_3600 = arith.addi %and3A_3521, %add3A_3599 : vector<16xi32>
    %select_n3A_3601 = arith.select %lt3A_3597, %add3A_3600, %and3A_3521 : vector<16xi1>, vector<16xi32>
    %broadcast_in_dim3A_3602 = vector.shape_cast %select_n3A_3601 : vector<16xi32> to vector<16x1xi32>
    %gather3A_3603 = vector.shape_cast %broadcast_in_dim3A_3602 : vector<16x1xi32> to vector<16xi32>
    %gather3A_3604 = tpu.dynamic_gather %get3A_19[%gather3A_3603] in [0] : vector<16xf32>, vector<16xi32> -> vector<16xf32>
    %select_n3A_3605 = arith.select %eq3A_3594, %gather3A_3604, %select_n3A_3580 : vector<16xi1>, vector<16xf32>
    %lt3A_3606 = arith.constant 0 : i32
    %lt3A_3607 = vector.broadcast %lt3A_3606 : i32 to vector<16xi32>
    %lt3A_3608 = arith.cmpi slt, %and3A_3521, %lt3A_3607 : vector<16xi32>
    %add3A_3609 = arith.constant 16 : i32
    %add3A_3610 = vector.broadcast %add3A_3609 : i32 to vector<16xi32>
    %add3A_3611 = arith.addi %and3A_3521, %add3A_3610 : vector<16xi32>
    %select_n3A_3612 = arith.select %lt3A_3608, %add3A_3611, %and3A_3521 : vector<16xi1>, vector<16xi32>
    %broadcast_in_dim3A_3613 = vector.shape_cast %select_n3A_3612 : vector<16xi32> to vector<16x1xi32>
    %gather3A_3614 = vector.shape_cast %broadcast_in_dim3A_3613 : vector<16x1xi32> to vector<16xi32>
    %gather3A_3615 = tpu.dynamic_gather %get3A_55[%gather3A_3614] in [0] : vector<16xf32>, vector<16xi32> -> vector<16xf32>
    %select_n3A_3616 = arith.select %eq3A_3594, %gather3A_3615, %select_n3A_3591 : vector<16xi1>, vector<16xf32>
    %eq3A_3617 = arith.constant 4 : i32
    %eq3A_3618 = vector.broadcast %eq3A_3617 : i32 to vector<16xi32>
    %eq3A_3619 = arith.cmpi eq, %shift_right_logical3A_3518, %eq3A_3618 : vector<16xi32>
    %lt3A_3620 = arith.constant 0 : i32
    %lt3A_3621 = vector.broadcast %lt3A_3620 : i32 to vector<16xi32>
    %lt3A_3622 = arith.cmpi slt, %and3A_3521, %lt3A_3621 : vector<16xi32>
    %add3A_3623 = arith.constant 16 : i32
    %add3A_3624 = vector.broadcast %add3A_3623 : i32 to vector<16xi32>
    %add3A_3625 = arith.addi %and3A_3521, %add3A_3624 : vector<16xi32>
    %select_n3A_3626 = arith.select %lt3A_3622, %add3A_3625, %and3A_3521 : vector<16xi1>, vector<16xi32>
    %broadcast_in_dim3A_3627 = vector.shape_cast %select_n3A_3626 : vector<16xi32> to vector<16x1xi32>
    %gather3A_3628 = vector.shape_cast %broadcast_in_dim3A_3627 : vector<16x1xi32> to vector<16xi32>
    %gather3A_3629 = tpu.dynamic_gather %get3A_22[%gather3A_3628] in [0] : vector<16xf32>, vector<16xi32> -> vector<16xf32>
    %select_n3A_3630 = arith.select %eq3A_3619, %gather3A_3629, %select_n3A_3605 : vector<16xi1>, vector<16xf32>
    %lt3A_3631 = arith.constant 0 : i32
    %lt3A_3632 = vector.broadcast %lt3A_3631 : i32 to vector<16xi32>
    %lt3A_3633 = arith.cmpi slt, %and3A_3521, %lt3A_3632 : vector<16xi32>
    %add3A_3634 = arith.constant 16 : i32
    %add3A_3635 = vector.broadcast %add3A_3634 : i32 to vector<16xi32>
    %add3A_3636 = arith.addi %and3A_3521, %add3A_3635 : vector<16xi32>
    %select_n3A_3637 = arith.select %lt3A_3633, %add3A_3636, %and3A_3521 : vector<16xi1>, vector<16xi32>
    %broadcast_in_dim3A_3638 = vector.shape_cast %select_n3A_3637 : vector<16xi32> to vector<16x1xi32>
    %gather3A_3639 = vector.shape_cast %broadcast_in_dim3A_3638 : vector<16x1xi32> to vector<16xi32>
    %gather3A_3640 = tpu.dynamic_gather %get3A_58[%gather3A_3639] in [0] : vector<16xf32>, vector<16xi32> -> vector<16xf32>
    %select_n3A_3641 = arith.select %eq3A_3619, %gather3A_3640, %select_n3A_3616 : vector<16xi1>, vector<16xf32>
    %eq3A_3642 = arith.constant 5 : i32
    %eq3A_3643 = vector.broadcast %eq3A_3642 : i32 to vector<16xi32>
    %eq3A_3644 = arith.cmpi eq, %shift_right_logical3A_3518, %eq3A_3643 : vector<16xi32>
    %lt3A_3645 = arith.constant 0 : i32
    %lt3A_3646 = vector.broadcast %lt3A_3645 : i32 to vector<16xi32>
    %lt3A_3647 = arith.cmpi slt, %and3A_3521, %lt3A_3646 : vector<16xi32>
    %add3A_3648 = arith.constant 16 : i32
    %add3A_3649 = vector.broadcast %add3A_3648 : i32 to vector<16xi32>
    %add3A_3650 = arith.addi %and3A_3521, %add3A_3649 : vector<16xi32>
    %select_n3A_3651 = arith.select %lt3A_3647, %add3A_3650, %and3A_3521 : vector<16xi1>, vector<16xi32>
    %broadcast_in_dim3A_3652 = vector.shape_cast %select_n3A_3651 : vector<16xi32> to vector<16x1xi32>
    %gather3A_3653 = vector.shape_cast %broadcast_in_dim3A_3652 : vector<16x1xi32> to vector<16xi32>
    %gather3A_3654 = tpu.dynamic_gather %get3A_25[%gather3A_3653] in [0] : vector<16xf32>, vector<16xi32> -> vector<16xf32>
    %select_n3A_3655 = arith.select %eq3A_3644, %gather3A_3654, %select_n3A_3630 : vector<16xi1>, vector<16xf32>
    %lt3A_3656 = arith.constant 0 : i32
    %lt3A_3657 = vector.broadcast %lt3A_3656 : i32 to vector<16xi32>
    %lt3A_3658 = arith.cmpi slt, %and3A_3521, %lt3A_3657 : vector<16xi32>
    %add3A_3659 = arith.constant 16 : i32
    %add3A_3660 = vector.broadcast %add3A_3659 : i32 to vector<16xi32>
    %add3A_3661 = arith.addi %and3A_3521, %add3A_3660 : vector<16xi32>
    %select_n3A_3662 = arith.select %lt3A_3658, %add3A_3661, %and3A_3521 : vector<16xi1>, vector<16xi32>
    %broadcast_in_dim3A_3663 = vector.shape_cast %select_n3A_3662 : vector<16xi32> to vector<16x1xi32>
    %gather3A_3664 = vector.shape_cast %broadcast_in_dim3A_3663 : vector<16x1xi32> to vector<16xi32>
    %gather3A_3665 = tpu.dynamic_gather %get3A_61[%gather3A_3664] in [0] : vector<16xf32>, vector<16xi32> -> vector<16xf32>
    %select_n3A_3666 = arith.select %eq3A_3644, %gather3A_3665, %select_n3A_3641 : vector<16xi1>, vector<16xf32>
    %eq3A_3667 = arith.constant 6 : i32
    %eq3A_3668 = vector.broadcast %eq3A_3667 : i32 to vector<16xi32>
    %eq3A_3669 = arith.cmpi eq, %shift_right_logical3A_3518, %eq3A_3668 : vector<16xi32>
    %lt3A_3670 = arith.constant 0 : i32
    %lt3A_3671 = vector.broadcast %lt3A_3670 : i32 to vector<16xi32>
    %lt3A_3672 = arith.cmpi slt, %and3A_3521, %lt3A_3671 : vector<16xi32>
    %add3A_3673 = arith.constant 16 : i32
    %add3A_3674 = vector.broadcast %add3A_3673 : i32 to vector<16xi32>
    %add3A_3675 = arith.addi %and3A_3521, %add3A_3674 : vector<16xi32>
    %select_n3A_3676 = arith.select %lt3A_3672, %add3A_3675, %and3A_3521 : vector<16xi1>, vector<16xi32>
    %broadcast_in_dim3A_3677 = vector.shape_cast %select_n3A_3676 : vector<16xi32> to vector<16x1xi32>
    %gather3A_3678 = vector.shape_cast %broadcast_in_dim3A_3677 : vector<16x1xi32> to vector<16xi32>
    %gather3A_3679 = tpu.dynamic_gather %get3A_28[%gather3A_3678] in [0] : vector<16xf32>, vector<16xi32> -> vector<16xf32>
    %select_n3A_3680 = arith.select %eq3A_3669, %gather3A_3679, %select_n3A_3655 : vector<16xi1>, vector<16xf32>
    %lt3A_3681 = arith.constant 0 : i32
    %lt3A_3682 = vector.broadcast %lt3A_3681 : i32 to vector<16xi32>
    %lt3A_3683 = arith.cmpi slt, %and3A_3521, %lt3A_3682 : vector<16xi32>
    %add3A_3684 = arith.constant 16 : i32
    %add3A_3685 = vector.broadcast %add3A_3684 : i32 to vector<16xi32>
    %add3A_3686 = arith.addi %and3A_3521, %add3A_3685 : vector<16xi32>
    %select_n3A_3687 = arith.select %lt3A_3683, %add3A_3686, %and3A_3521 : vector<16xi1>, vector<16xi32>
    %broadcast_in_dim3A_3688 = vector.shape_cast %select_n3A_3687 : vector<16xi32> to vector<16x1xi32>
    %gather3A_3689 = vector.shape_cast %broadcast_in_dim3A_3688 : vector<16x1xi32> to vector<16xi32>
    %gather3A_3690 = tpu.dynamic_gather %get3A_64[%gather3A_3689] in [0] : vector<16xf32>, vector<16xi32> -> vector<16xf32>
    %select_n3A_3691 = arith.select %eq3A_3669, %gather3A_3690, %select_n3A_3666 : vector<16xi1>, vector<16xf32>
    %eq3A_3692 = arith.constant 7 : i32
    %eq3A_3693 = vector.broadcast %eq3A_3692 : i32 to vector<16xi32>
    %eq3A_3694 = arith.cmpi eq, %shift_right_logical3A_3518, %eq3A_3693 : vector<16xi32>
    %lt3A_3695 = arith.constant 0 : i32
    %lt3A_3696 = vector.broadcast %lt3A_3695 : i32 to vector<16xi32>
    %lt3A_3697 = arith.cmpi slt, %and3A_3521, %lt3A_3696 : vector<16xi32>
    %add3A_3698 = arith.constant 16 : i32
    %add3A_3699 = vector.broadcast %add3A_3698 : i32 to vector<16xi32>
    %add3A_3700 = arith.addi %and3A_3521, %add3A_3699 : vector<16xi32>
    %select_n3A_3701 = arith.select %lt3A_3697, %add3A_3700, %and3A_3521 : vector<16xi1>, vector<16xi32>
    %broadcast_in_dim3A_3702 = vector.shape_cast %select_n3A_3701 : vector<16xi32> to vector<16x1xi32>
    %gather3A_3703 = vector.shape_cast %broadcast_in_dim3A_3702 : vector<16x1xi32> to vector<16xi32>
    %gather3A_3704 = tpu.dynamic_gather %get3A_31[%gather3A_3703] in [0] : vector<16xf32>, vector<16xi32> -> vector<16xf32>
    %select_n3A_3705 = arith.select %eq3A_3694, %gather3A_3704, %select_n3A_3680 : vector<16xi1>, vector<16xf32>
    %lt3A_3706 = arith.constant 0 : i32
    %lt3A_3707 = vector.broadcast %lt3A_3706 : i32 to vector<16xi32>
    %lt3A_3708 = arith.cmpi slt, %and3A_3521, %lt3A_3707 : vector<16xi32>
    %add3A_3709 = arith.constant 16 : i32
    %add3A_3710 = vector.broadcast %add3A_3709 : i32 to vector<16xi32>
    %add3A_3711 = arith.addi %and3A_3521, %add3A_3710 : vector<16xi32>
    %select_n3A_3712 = arith.select %lt3A_3708, %add3A_3711, %and3A_3521 : vector<16xi1>, vector<16xi32>
    %broadcast_in_dim3A_3713 = vector.shape_cast %select_n3A_3712 : vector<16xi32> to vector<16x1xi32>
    %gather3A_3714 = vector.shape_cast %broadcast_in_dim3A_3713 : vector<16x1xi32> to vector<16xi32>
    %gather3A_3715 = tpu.dynamic_gather %get3A_67[%gather3A_3714] in [0] : vector<16xf32>, vector<16xi32> -> vector<16xf32>
    %select_n3A_3716 = arith.select %eq3A_3694, %gather3A_3715, %select_n3A_3691 : vector<16xi1>, vector<16xf32>
    %eq3A_3717 = arith.constant 8 : i32
    %eq3A_3718 = vector.broadcast %eq3A_3717 : i32 to vector<16xi32>
    %eq3A_3719 = arith.cmpi eq, %shift_right_logical3A_3518, %eq3A_3718 : vector<16xi32>
    %lt3A_3720 = arith.constant 0 : i32
    %lt3A_3721 = vector.broadcast %lt3A_3720 : i32 to vector<16xi32>
    %lt3A_3722 = arith.cmpi slt, %and3A_3521, %lt3A_3721 : vector<16xi32>
    %add3A_3723 = arith.constant 16 : i32
    %add3A_3724 = vector.broadcast %add3A_3723 : i32 to vector<16xi32>
    %add3A_3725 = arith.addi %and3A_3521, %add3A_3724 : vector<16xi32>
    %select_n3A_3726 = arith.select %lt3A_3722, %add3A_3725, %and3A_3521 : vector<16xi1>, vector<16xi32>
    %broadcast_in_dim3A_3727 = vector.shape_cast %select_n3A_3726 : vector<16xi32> to vector<16x1xi32>
    %gather3A_3728 = vector.shape_cast %broadcast_in_dim3A_3727 : vector<16x1xi32> to vector<16xi32>
    %gather3A_3729 = tpu.dynamic_gather %get3A_34[%gather3A_3728] in [0] : vector<16xf32>, vector<16xi32> -> vector<16xf32>
    %select_n3A_3730 = arith.select %eq3A_3719, %gather3A_3729, %select_n3A_3705 : vector<16xi1>, vector<16xf32>
    %lt3A_3731 = arith.constant 0 : i32
    %lt3A_3732 = vector.broadcast %lt3A_3731 : i32 to vector<16xi32>
    %lt3A_3733 = arith.cmpi slt, %and3A_3521, %lt3A_3732 : vector<16xi32>
    %add3A_3734 = arith.constant 16 : i32
    %add3A_3735 = vector.broadcast %add3A_3734 : i32 to vector<16xi32>
    %add3A_3736 = arith.addi %and3A_3521, %add3A_3735 : vector<16xi32>
    %select_n3A_3737 = arith.select %lt3A_3733, %add3A_3736, %and3A_3521 : vector<16xi1>, vector<16xi32>
    %broadcast_in_dim3A_3738 = vector.shape_cast %select_n3A_3737 : vector<16xi32> to vector<16x1xi32>
    %gather3A_3739 = vector.shape_cast %broadcast_in_dim3A_3738 : vector<16x1xi32> to vector<16xi32>
    %gather3A_3740 = tpu.dynamic_gather %get3A_70[%gather3A_3739] in [0] : vector<16xf32>, vector<16xi32> -> vector<16xf32>
    %select_n3A_3741 = arith.select %eq3A_3719, %gather3A_3740, %select_n3A_3716 : vector<16xi1>, vector<16xf32>
    %eq3A_3742 = arith.constant 9 : i32
    %eq3A_3743 = vector.broadcast %eq3A_3742 : i32 to vector<16xi32>
    %eq3A_3744 = arith.cmpi eq, %shift_right_logical3A_3518, %eq3A_3743 : vector<16xi32>
    %lt3A_3745 = arith.constant 0 : i32
    %lt3A_3746 = vector.broadcast %lt3A_3745 : i32 to vector<16xi32>
    %lt3A_3747 = arith.cmpi slt, %and3A_3521, %lt3A_3746 : vector<16xi32>
    %add3A_3748 = arith.constant 16 : i32
    %add3A_3749 = vector.broadcast %add3A_3748 : i32 to vector<16xi32>
    %add3A_3750 = arith.addi %and3A_3521, %add3A_3749 : vector<16xi32>
    %select_n3A_3751 = arith.select %lt3A_3747, %add3A_3750, %and3A_3521 : vector<16xi1>, vector<16xi32>
    %broadcast_in_dim3A_3752 = vector.shape_cast %select_n3A_3751 : vector<16xi32> to vector<16x1xi32>
    %gather3A_3753 = vector.shape_cast %broadcast_in_dim3A_3752 : vector<16x1xi32> to vector<16xi32>
    %gather3A_3754 = tpu.dynamic_gather %get3A_37[%gather3A_3753] in [0] : vector<16xf32>, vector<16xi32> -> vector<16xf32>
    %select_n3A_3755 = arith.select %eq3A_3744, %gather3A_3754, %select_n3A_3730 : vector<16xi1>, vector<16xf32>
    %lt3A_3756 = arith.constant 0 : i32
    %lt3A_3757 = vector.broadcast %lt3A_3756 : i32 to vector<16xi32>
    %lt3A_3758 = arith.cmpi slt, %and3A_3521, %lt3A_3757 : vector<16xi32>
    %add3A_3759 = arith.constant 16 : i32
    %add3A_3760 = vector.broadcast %add3A_3759 : i32 to vector<16xi32>
    %add3A_3761 = arith.addi %and3A_3521, %add3A_3760 : vector<16xi32>
    %select_n3A_3762 = arith.select %lt3A_3758, %add3A_3761, %and3A_3521 : vector<16xi1>, vector<16xi32>
    %broadcast_in_dim3A_3763 = vector.shape_cast %select_n3A_3762 : vector<16xi32> to vector<16x1xi32>
    %gather3A_3764 = vector.shape_cast %broadcast_in_dim3A_3763 : vector<16x1xi32> to vector<16xi32>
    %gather3A_3765 = tpu.dynamic_gather %get3A_73[%gather3A_3764] in [0] : vector<16xf32>, vector<16xi32> -> vector<16xf32>
    %select_n3A_3766 = arith.select %eq3A_3744, %gather3A_3765, %select_n3A_3741 : vector<16xi1>, vector<16xf32>
    %eq3A_3767 = arith.constant 10 : i32
    %eq3A_3768 = vector.broadcast %eq3A_3767 : i32 to vector<16xi32>
    %eq3A_3769 = arith.cmpi eq, %shift_right_logical3A_3518, %eq3A_3768 : vector<16xi32>
    %lt3A_3770 = arith.constant 0 : i32
    %lt3A_3771 = vector.broadcast %lt3A_3770 : i32 to vector<16xi32>
    %lt3A_3772 = arith.cmpi slt, %and3A_3521, %lt3A_3771 : vector<16xi32>
    %add3A_3773 = arith.constant 16 : i32
    %add3A_3774 = vector.broadcast %add3A_3773 : i32 to vector<16xi32>
    %add3A_3775 = arith.addi %and3A_3521, %add3A_3774 : vector<16xi32>
    %select_n3A_3776 = arith.select %lt3A_3772, %add3A_3775, %and3A_3521 : vector<16xi1>, vector<16xi32>
    %broadcast_in_dim3A_3777 = vector.shape_cast %select_n3A_3776 : vector<16xi32> to vector<16x1xi32>
    %gather3A_3778 = vector.shape_cast %broadcast_in_dim3A_3777 : vector<16x1xi32> to vector<16xi32>
    %gather3A_3779 = tpu.dynamic_gather %get3A_40[%gather3A_3778] in [0] : vector<16xf32>, vector<16xi32> -> vector<16xf32>
    %select_n3A_3780 = arith.select %eq3A_3769, %gather3A_3779, %select_n3A_3755 : vector<16xi1>, vector<16xf32>
    %lt3A_3781 = arith.constant 0 : i32
    %lt3A_3782 = vector.broadcast %lt3A_3781 : i32 to vector<16xi32>
    %lt3A_3783 = arith.cmpi slt, %and3A_3521, %lt3A_3782 : vector<16xi32>
    %add3A_3784 = arith.constant 16 : i32
    %add3A_3785 = vector.broadcast %add3A_3784 : i32 to vector<16xi32>
    %add3A_3786 = arith.addi %and3A_3521, %add3A_3785 : vector<16xi32>
    %select_n3A_3787 = arith.select %lt3A_3783, %add3A_3786, %and3A_3521 : vector<16xi1>, vector<16xi32>
    %broadcast_in_dim3A_3788 = vector.shape_cast %select_n3A_3787 : vector<16xi32> to vector<16x1xi32>
    %gather3A_3789 = vector.shape_cast %broadcast_in_dim3A_3788 : vector<16x1xi32> to vector<16xi32>
    %gather3A_3790 = tpu.dynamic_gather %get3A_76[%gather3A_3789] in [0] : vector<16xf32>, vector<16xi32> -> vector<16xf32>
    %select_n3A_3791 = arith.select %eq3A_3769, %gather3A_3790, %select_n3A_3766 : vector<16xi1>, vector<16xf32>
    %eq3A_3792 = arith.constant 11 : i32
    %eq3A_3793 = vector.broadcast %eq3A_3792 : i32 to vector<16xi32>
    %eq3A_3794 = arith.cmpi eq, %shift_right_logical3A_3518, %eq3A_3793 : vector<16xi32>
    %lt3A_3795 = arith.constant 0 : i32
    %lt3A_3796 = vector.broadcast %lt3A_3795 : i32 to vector<16xi32>
    %lt3A_3797 = arith.cmpi slt, %and3A_3521, %lt3A_3796 : vector<16xi32>
    %add3A_3798 = arith.constant 16 : i32
    %add3A_3799 = vector.broadcast %add3A_3798 : i32 to vector<16xi32>
    %add3A_3800 = arith.addi %and3A_3521, %add3A_3799 : vector<16xi32>
    %select_n3A_3801 = arith.select %lt3A_3797, %add3A_3800, %and3A_3521 : vector<16xi1>, vector<16xi32>
    %broadcast_in_dim3A_3802 = vector.shape_cast %select_n3A_3801 : vector<16xi32> to vector<16x1xi32>
    %gather3A_3803 = vector.shape_cast %broadcast_in_dim3A_3802 : vector<16x1xi32> to vector<16xi32>
    %gather3A_3804 = tpu.dynamic_gather %get3A_43[%gather3A_3803] in [0] : vector<16xf32>, vector<16xi32> -> vector<16xf32>
    %select_n3A_3805 = arith.select %eq3A_3794, %gather3A_3804, %select_n3A_3780 : vector<16xi1>, vector<16xf32>
    %lt3A_3806 = arith.constant 0 : i32
    %lt3A_3807 = vector.broadcast %lt3A_3806 : i32 to vector<16xi32>
    %lt3A_3808 = arith.cmpi slt, %and3A_3521, %lt3A_3807 : vector<16xi32>
    %add3A_3809 = arith.constant 16 : i32
    %add3A_3810 = vector.broadcast %add3A_3809 : i32 to vector<16xi32>
    %add3A_3811 = arith.addi %and3A_3521, %add3A_3810 : vector<16xi32>
    %select_n3A_3812 = arith.select %lt3A_3808, %add3A_3811, %and3A_3521 : vector<16xi1>, vector<16xi32>
    %broadcast_in_dim3A_3813 = vector.shape_cast %select_n3A_3812 : vector<16xi32> to vector<16x1xi32>
    %gather3A_3814 = vector.shape_cast %broadcast_in_dim3A_3813 : vector<16x1xi32> to vector<16xi32>
    %gather3A_3815 = tpu.dynamic_gather %get3A_79[%gather3A_3814] in [0] : vector<16xf32>, vector<16xi32> -> vector<16xf32>
    %select_n3A_3816 = arith.select %eq3A_3794, %gather3A_3815, %select_n3A_3791 : vector<16xi1>, vector<16xf32>
    %get3A_3817 = arith.constant 176 : index
    %get3A_3818 = tpu.vector_load %arg8[%get3A_3817] {strides = array<i32>} : memref<256xf32, #tpu.memory_space<vmem>>, vector<16xf32>,
    %get3A_3819 = vector.shape_cast %get3A_3818 : vector<16xf32> to vector<16xf32>
    %sub3A_3820 = arith.subf %get3A_3819, %select_n3A_3805 : vector<16xf32>
    %div3A_3821 = arith.divf %sub3A_3820, %select_n3A_3816 : vector<16xf32>
    %swap3A_3822 = arith.constant 176 : index
    %swap3A_3823 = tpu.vector_load %arg11[%swap3A_3822] {strides = array<i32>} : memref<256xf32, #tpu.memory_space<vmem>>, vector<16xf32>,
    %swap3A_3824 = vector.shape_cast %swap3A_3823 : vector<16xf32> to vector<16xf32>
    %swap3A_3825 = vector.shape_cast %div3A_3821 : vector<16xf32> to vector<16xf32>
    tpu.vector_store %arg11[%swap3A_3822], %swap3A_3825 {strides = array<i32>} : memref<256xf32, #tpu.memory_space<vmem>>, vector<16xf32>,
    %get3A_3826 = arith.constant 192 : index
    %get3A_3827 = tpu.vector_load %arg7[%get3A_3826] {strides = array<i32>} : memref<256xi32, #tpu.memory_space<vmem>>, vector<16xi32>,
    %get3A_3828 = vector.shape_cast %get3A_3827 : vector<16xi32> to vector<16xi32>
    %shift_right_logical3A_3829 = arith.constant 4 : i32
    %shift_right_logical3A_3830 = vector.broadcast %shift_right_logical3A_3829 : i32 to vector<16xi32>
    %shift_right_logical3A_3831 = arith.shrui %get3A_3828, %shift_right_logical3A_3830 : vector<16xi32>
    %and3A_3832 = arith.constant 15 : i32
    %and3A_3833 = vector.broadcast %and3A_3832 : i32 to vector<16xi32>
    %and3A_3834 = arith.andi %get3A_3828, %and3A_3833 : vector<16xi32>
    %lt3A_3835 = arith.constant 0 : i32
    %lt3A_3836 = vector.broadcast %lt3A_3835 : i32 to vector<16xi32>
    %lt3A_3837 = arith.cmpi slt, %and3A_3834, %lt3A_3836 : vector<16xi32>
    %add3A_3838 = arith.constant 16 : i32
    %add3A_3839 = vector.broadcast %add3A_3838 : i32 to vector<16xi32>
    %add3A_3840 = arith.addi %and3A_3834, %add3A_3839 : vector<16xi32>
    %select_n3A_3841 = arith.select %lt3A_3837, %add3A_3840, %and3A_3834 : vector<16xi1>, vector<16xi32>
    %broadcast_in_dim3A_3842 = vector.shape_cast %select_n3A_3841 : vector<16xi32> to vector<16x1xi32>
    %gather3A_3843 = vector.shape_cast %broadcast_in_dim3A_3842 : vector<16x1xi32> to vector<16xi32>
    %gather3A_3844 = tpu.dynamic_gather %get3A_10[%gather3A_3843] in [0] : vector<16xf32>, vector<16xi32> -> vector<16xf32>
    %lt3A_3845 = arith.constant 0 : i32
    %lt3A_3846 = vector.broadcast %lt3A_3845 : i32 to vector<16xi32>
    %lt3A_3847 = arith.cmpi slt, %and3A_3834, %lt3A_3846 : vector<16xi32>
    %add3A_3848 = arith.constant 16 : i32
    %add3A_3849 = vector.broadcast %add3A_3848 : i32 to vector<16xi32>
    %add3A_3850 = arith.addi %and3A_3834, %add3A_3849 : vector<16xi32>
    %select_n3A_3851 = arith.select %lt3A_3847, %add3A_3850, %and3A_3834 : vector<16xi1>, vector<16xi32>
    %broadcast_in_dim3A_3852 = vector.shape_cast %select_n3A_3851 : vector<16xi32> to vector<16x1xi32>
    %gather3A_3853 = vector.shape_cast %broadcast_in_dim3A_3852 : vector<16x1xi32> to vector<16xi32>
    %gather3A_3854 = tpu.dynamic_gather %get3A_46[%gather3A_3853] in [0] : vector<16xf32>, vector<16xi32> -> vector<16xf32>
    %eq3A_3855 = arith.constant 1 : i32
    %eq3A_3856 = vector.broadcast %eq3A_3855 : i32 to vector<16xi32>
    %eq3A_3857 = arith.cmpi eq, %shift_right_logical3A_3831, %eq3A_3856 : vector<16xi32>
    %lt3A_3858 = arith.constant 0 : i32
    %lt3A_3859 = vector.broadcast %lt3A_3858 : i32 to vector<16xi32>
    %lt3A_3860 = arith.cmpi slt, %and3A_3834, %lt3A_3859 : vector<16xi32>
    %add3A_3861 = arith.constant 16 : i32
    %add3A_3862 = vector.broadcast %add3A_3861 : i32 to vector<16xi32>
    %add3A_3863 = arith.addi %and3A_3834, %add3A_3862 : vector<16xi32>
    %select_n3A_3864 = arith.select %lt3A_3860, %add3A_3863, %and3A_3834 : vector<16xi1>, vector<16xi32>
    %broadcast_in_dim3A_3865 = vector.shape_cast %select_n3A_3864 : vector<16xi32> to vector<16x1xi32>
    %gather3A_3866 = vector.shape_cast %broadcast_in_dim3A_3865 : vector<16x1xi32> to vector<16xi32>
    %gather3A_3867 = tpu.dynamic_gather %get3A_13[%gather3A_3866] in [0] : vector<16xf32>, vector<16xi32> -> vector<16xf32>
    %select_n3A_3868 = arith.select %eq3A_3857, %gather3A_3867, %gather3A_3844 : vector<16xi1>, vector<16xf32>
    %lt3A_3869 = arith.constant 0 : i32
    %lt3A_3870 = vector.broadcast %lt3A_3869 : i32 to vector<16xi32>
    %lt3A_3871 = arith.cmpi slt, %and3A_3834, %lt3A_3870 : vector<16xi32>
    %add3A_3872 = arith.constant 16 : i32
    %add3A_3873 = vector.broadcast %add3A_3872 : i32 to vector<16xi32>
    %add3A_3874 = arith.addi %and3A_3834, %add3A_3873 : vector<16xi32>
    %select_n3A_3875 = arith.select %lt3A_3871, %add3A_3874, %and3A_3834 : vector<16xi1>, vector<16xi32>
    %broadcast_in_dim3A_3876 = vector.shape_cast %select_n3A_3875 : vector<16xi32> to vector<16x1xi32>
    %gather3A_3877 = vector.shape_cast %broadcast_in_dim3A_3876 : vector<16x1xi32> to vector<16xi32>
    %gather3A_3878 = tpu.dynamic_gather %get3A_49[%gather3A_3877] in [0] : vector<16xf32>, vector<16xi32> -> vector<16xf32>
    %select_n3A_3879 = arith.select %eq3A_3857, %gather3A_3878, %gather3A_3854 : vector<16xi1>, vector<16xf32>
    %eq3A_3880 = arith.constant 2 : i32
    %eq3A_3881 = vector.broadcast %eq3A_3880 : i32 to vector<16xi32>
    %eq3A_3882 = arith.cmpi eq, %shift_right_logical3A_3831, %eq3A_3881 : vector<16xi32>
    %lt3A_3883 = arith.constant 0 : i32
    %lt3A_3884 = vector.broadcast %lt3A_3883 : i32 to vector<16xi32>
    %lt3A_3885 = arith.cmpi slt, %and3A_3834, %lt3A_3884 : vector<16xi32>
    %add3A_3886 = arith.constant 16 : i32
    %add3A_3887 = vector.broadcast %add3A_3886 : i32 to vector<16xi32>
    %add3A_3888 = arith.addi %and3A_3834, %add3A_3887 : vector<16xi32>
    %select_n3A_3889 = arith.select %lt3A_3885, %add3A_3888, %and3A_3834 : vector<16xi1>, vector<16xi32>
    %broadcast_in_dim3A_3890 = vector.shape_cast %select_n3A_3889 : vector<16xi32> to vector<16x1xi32>
    %gather3A_3891 = vector.shape_cast %broadcast_in_dim3A_3890 : vector<16x1xi32> to vector<16xi32>
    %gather3A_3892 = tpu.dynamic_gather %get3A_16[%gather3A_3891] in [0] : vector<16xf32>, vector<16xi32> -> vector<16xf32>
    %select_n3A_3893 = arith.select %eq3A_3882, %gather3A_3892, %select_n3A_3868 : vector<16xi1>, vector<16xf32>
    %lt3A_3894 = arith.constant 0 : i32
    %lt3A_3895 = vector.broadcast %lt3A_3894 : i32 to vector<16xi32>
    %lt3A_3896 = arith.cmpi slt, %and3A_3834, %lt3A_3895 : vector<16xi32>
    %add3A_3897 = arith.constant 16 : i32
    %add3A_3898 = vector.broadcast %add3A_3897 : i32 to vector<16xi32>
    %add3A_3899 = arith.addi %and3A_3834, %add3A_3898 : vector<16xi32>
    %select_n3A_3900 = arith.select %lt3A_3896, %add3A_3899, %and3A_3834 : vector<16xi1>, vector<16xi32>
    %broadcast_in_dim3A_3901 = vector.shape_cast %select_n3A_3900 : vector<16xi32> to vector<16x1xi32>
    %gather3A_3902 = vector.shape_cast %broadcast_in_dim3A_3901 : vector<16x1xi32> to vector<16xi32>
    %gather3A_3903 = tpu.dynamic_gather %get3A_52[%gather3A_3902] in [0] : vector<16xf32>, vector<16xi32> -> vector<16xf32>
    %select_n3A_3904 = arith.select %eq3A_3882, %gather3A_3903, %select_n3A_3879 : vector<16xi1>, vector<16xf32>
    %eq3A_3905 = arith.constant 3 : i32
    %eq3A_3906 = vector.broadcast %eq3A_3905 : i32 to vector<16xi32>
    %eq3A_3907 = arith.cmpi eq, %shift_right_logical3A_3831, %eq3A_3906 : vector<16xi32>
    %lt3A_3908 = arith.constant 0 : i32
    %lt3A_3909 = vector.broadcast %lt3A_3908 : i32 to vector<16xi32>
    %lt3A_3910 = arith.cmpi slt, %and3A_3834, %lt3A_3909 : vector<16xi32>
    %add3A_3911 = arith.constant 16 : i32
    %add3A_3912 = vector.broadcast %add3A_3911 : i32 to vector<16xi32>
    %add3A_3913 = arith.addi %and3A_3834, %add3A_3912 : vector<16xi32>
    %select_n3A_3914 = arith.select %lt3A_3910, %add3A_3913, %and3A_3834 : vector<16xi1>, vector<16xi32>
    %broadcast_in_dim3A_3915 = vector.shape_cast %select_n3A_3914 : vector<16xi32> to vector<16x1xi32>
    %gather3A_3916 = vector.shape_cast %broadcast_in_dim3A_3915 : vector<16x1xi32> to vector<16xi32>
    %gather3A_3917 = tpu.dynamic_gather %get3A_19[%gather3A_3916] in [0] : vector<16xf32>, vector<16xi32> -> vector<16xf32>
    %select_n3A_3918 = arith.select %eq3A_3907, %gather3A_3917, %select_n3A_3893 : vector<16xi1>, vector<16xf32>
    %lt3A_3919 = arith.constant 0 : i32
    %lt3A_3920 = vector.broadcast %lt3A_3919 : i32 to vector<16xi32>
    %lt3A_3921 = arith.cmpi slt, %and3A_3834, %lt3A_3920 : vector<16xi32>
    %add3A_3922 = arith.constant 16 : i32
    %add3A_3923 = vector.broadcast %add3A_3922 : i32 to vector<16xi32>
    %add3A_3924 = arith.addi %and3A_3834, %add3A_3923 : vector<16xi32>
    %select_n3A_3925 = arith.select %lt3A_3921, %add3A_3924, %and3A_3834 : vector<16xi1>, vector<16xi32>
    %broadcast_in_dim3A_3926 = vector.shape_cast %select_n3A_3925 : vector<16xi32> to vector<16x1xi32>
    %gather3A_3927 = vector.shape_cast %broadcast_in_dim3A_3926 : vector<16x1xi32> to vector<16xi32>
    %gather3A_3928 = tpu.dynamic_gather %get3A_55[%gather3A_3927] in [0] : vector<16xf32>, vector<16xi32> -> vector<16xf32>
    %select_n3A_3929 = arith.select %eq3A_3907, %gather3A_3928, %select_n3A_3904 : vector<16xi1>, vector<16xf32>
    %eq3A_3930 = arith.constant 4 : i32
    %eq3A_3931 = vector.broadcast %eq3A_3930 : i32 to vector<16xi32>
    %eq3A_3932 = arith.cmpi eq, %shift_right_logical3A_3831, %eq3A_3931 : vector<16xi32>
    %lt3A_3933 = arith.constant 0 : i32
    %lt3A_3934 = vector.broadcast %lt3A_3933 : i32 to vector<16xi32>
    %lt3A_3935 = arith.cmpi slt, %and3A_3834, %lt3A_3934 : vector<16xi32>
    %add3A_3936 = arith.constant 16 : i32
    %add3A_3937 = vector.broadcast %add3A_3936 : i32 to vector<16xi32>
    %add3A_3938 = arith.addi %and3A_3834, %add3A_3937 : vector<16xi32>
    %select_n3A_3939 = arith.select %lt3A_3935, %add3A_3938, %and3A_3834 : vector<16xi1>, vector<16xi32>
    %broadcast_in_dim3A_3940 = vector.shape_cast %select_n3A_3939 : vector<16xi32> to vector<16x1xi32>
    %gather3A_3941 = vector.shape_cast %broadcast_in_dim3A_3940 : vector<16x1xi32> to vector<16xi32>
    %gather3A_3942 = tpu.dynamic_gather %get3A_22[%gather3A_3941] in [0] : vector<16xf32>, vector<16xi32> -> vector<16xf32>
    %select_n3A_3943 = arith.select %eq3A_3932, %gather3A_3942, %select_n3A_3918 : vector<16xi1>, vector<16xf32>
    %lt3A_3944 = arith.constant 0 : i32
    %lt3A_3945 = vector.broadcast %lt3A_3944 : i32 to vector<16xi32>
    %lt3A_3946 = arith.cmpi slt, %and3A_3834, %lt3A_3945 : vector<16xi32>
    %add3A_3947 = arith.constant 16 : i32
    %add3A_3948 = vector.broadcast %add3A_3947 : i32 to vector<16xi32>
    %add3A_3949 = arith.addi %and3A_3834, %add3A_3948 : vector<16xi32>
    %select_n3A_3950 = arith.select %lt3A_3946, %add3A_3949, %and3A_3834 : vector<16xi1>, vector<16xi32>
    %broadcast_in_dim3A_3951 = vector.shape_cast %select_n3A_3950 : vector<16xi32> to vector<16x1xi32>
    %gather3A_3952 = vector.shape_cast %broadcast_in_dim3A_3951 : vector<16x1xi32> to vector<16xi32>
    %gather3A_3953 = tpu.dynamic_gather %get3A_58[%gather3A_3952] in [0] : vector<16xf32>, vector<16xi32> -> vector<16xf32>
    %select_n3A_3954 = arith.select %eq3A_3932, %gather3A_3953, %select_n3A_3929 : vector<16xi1>, vector<16xf32>
    %eq3A_3955 = arith.constant 5 : i32
    %eq3A_3956 = vector.broadcast %eq3A_3955 : i32 to vector<16xi32>
    %eq3A_3957 = arith.cmpi eq, %shift_right_logical3A_3831, %eq3A_3956 : vector<16xi32>
    %lt3A_3958 = arith.constant 0 : i32
    %lt3A_3959 = vector.broadcast %lt3A_3958 : i32 to vector<16xi32>
    %lt3A_3960 = arith.cmpi slt, %and3A_3834, %lt3A_3959 : vector<16xi32>
    %add3A_3961 = arith.constant 16 : i32
    %add3A_3962 = vector.broadcast %add3A_3961 : i32 to vector<16xi32>
    %add3A_3963 = arith.addi %and3A_3834, %add3A_3962 : vector<16xi32>
    %select_n3A_3964 = arith.select %lt3A_3960, %add3A_3963, %and3A_3834 : vector<16xi1>, vector<16xi32>
    %broadcast_in_dim3A_3965 = vector.shape_cast %select_n3A_3964 : vector<16xi32> to vector<16x1xi32>
    %gather3A_3966 = vector.shape_cast %broadcast_in_dim3A_3965 : vector<16x1xi32> to vector<16xi32>
    %gather3A_3967 = tpu.dynamic_gather %get3A_25[%gather3A_3966] in [0] : vector<16xf32>, vector<16xi32> -> vector<16xf32>
    %select_n3A_3968 = arith.select %eq3A_3957, %gather3A_3967, %select_n3A_3943 : vector<16xi1>, vector<16xf32>
    %lt3A_3969 = arith.constant 0 : i32
    %lt3A_3970 = vector.broadcast %lt3A_3969 : i32 to vector<16xi32>
    %lt3A_3971 = arith.cmpi slt, %and3A_3834, %lt3A_3970 : vector<16xi32>
    %add3A_3972 = arith.constant 16 : i32
    %add3A_3973 = vector.broadcast %add3A_3972 : i32 to vector<16xi32>
    %add3A_3974 = arith.addi %and3A_3834, %add3A_3973 : vector<16xi32>
    %select_n3A_3975 = arith.select %lt3A_3971, %add3A_3974, %and3A_3834 : vector<16xi1>, vector<16xi32>
    %broadcast_in_dim3A_3976 = vector.shape_cast %select_n3A_3975 : vector<16xi32> to vector<16x1xi32>
    %gather3A_3977 = vector.shape_cast %broadcast_in_dim3A_3976 : vector<16x1xi32> to vector<16xi32>
    %gather3A_3978 = tpu.dynamic_gather %get3A_61[%gather3A_3977] in [0] : vector<16xf32>, vector<16xi32> -> vector<16xf32>
    %select_n3A_3979 = arith.select %eq3A_3957, %gather3A_3978, %select_n3A_3954 : vector<16xi1>, vector<16xf32>
    %eq3A_3980 = arith.constant 6 : i32
    %eq3A_3981 = vector.broadcast %eq3A_3980 : i32 to vector<16xi32>
    %eq3A_3982 = arith.cmpi eq, %shift_right_logical3A_3831, %eq3A_3981 : vector<16xi32>
    %lt3A_3983 = arith.constant 0 : i32
    %lt3A_3984 = vector.broadcast %lt3A_3983 : i32 to vector<16xi32>
    %lt3A_3985 = arith.cmpi slt, %and3A_3834, %lt3A_3984 : vector<16xi32>
    %add3A_3986 = arith.constant 16 : i32
    %add3A_3987 = vector.broadcast %add3A_3986 : i32 to vector<16xi32>
    %add3A_3988 = arith.addi %and3A_3834, %add3A_3987 : vector<16xi32>
    %select_n3A_3989 = arith.select %lt3A_3985, %add3A_3988, %and3A_3834 : vector<16xi1>, vector<16xi32>
    %broadcast_in_dim3A_3990 = vector.shape_cast %select_n3A_3989 : vector<16xi32> to vector<16x1xi32>
    %gather3A_3991 = vector.shape_cast %broadcast_in_dim3A_3990 : vector<16x1xi32> to vector<16xi32>
    %gather3A_3992 = tpu.dynamic_gather %get3A_28[%gather3A_3991] in [0] : vector<16xf32>, vector<16xi32> -> vector<16xf32>
    %select_n3A_3993 = arith.select %eq3A_3982, %gather3A_3992, %select_n3A_3968 : vector<16xi1>, vector<16xf32>
    %lt3A_3994 = arith.constant 0 : i32
    %lt3A_3995 = vector.broadcast %lt3A_3994 : i32 to vector<16xi32>
    %lt3A_3996 = arith.cmpi slt, %and3A_3834, %lt3A_3995 : vector<16xi32>
    %add3A_3997 = arith.constant 16 : i32
    %add3A_3998 = vector.broadcast %add3A_3997 : i32 to vector<16xi32>
    %add3A_3999 = arith.addi %and3A_3834, %add3A_3998 : vector<16xi32>
    %select_n3A_4000 = arith.select %lt3A_3996, %add3A_3999, %and3A_3834 : vector<16xi1>, vector<16xi32>
    %broadcast_in_dim3A_4001 = vector.shape_cast %select_n3A_4000 : vector<16xi32> to vector<16x1xi32>
    %gather3A_4002 = vector.shape_cast %broadcast_in_dim3A_4001 : vector<16x1xi32> to vector<16xi32>
    %gather3A_4003 = tpu.dynamic_gather %get3A_64[%gather3A_4002] in [0] : vector<16xf32>, vector<16xi32> -> vector<16xf32>
    %select_n3A_4004 = arith.select %eq3A_3982, %gather3A_4003, %select_n3A_3979 : vector<16xi1>, vector<16xf32>
    %eq3A_4005 = arith.constant 7 : i32
    %eq3A_4006 = vector.broadcast %eq3A_4005 : i32 to vector<16xi32>
    %eq3A_4007 = arith.cmpi eq, %shift_right_logical3A_3831, %eq3A_4006 : vector<16xi32>
    %lt3A_4008 = arith.constant 0 : i32
    %lt3A_4009 = vector.broadcast %lt3A_4008 : i32 to vector<16xi32>
    %lt3A_4010 = arith.cmpi slt, %and3A_3834, %lt3A_4009 : vector<16xi32>
    %add3A_4011 = arith.constant 16 : i32
    %add3A_4012 = vector.broadcast %add3A_4011 : i32 to vector<16xi32>
    %add3A_4013 = arith.addi %and3A_3834, %add3A_4012 : vector<16xi32>
    %select_n3A_4014 = arith.select %lt3A_4010, %add3A_4013, %and3A_3834 : vector<16xi1>, vector<16xi32>
    %broadcast_in_dim3A_4015 = vector.shape_cast %select_n3A_4014 : vector<16xi32> to vector<16x1xi32>
    %gather3A_4016 = vector.shape_cast %broadcast_in_dim3A_4015 : vector<16x1xi32> to vector<16xi32>
    %gather3A_4017 = tpu.dynamic_gather %get3A_31[%gather3A_4016] in [0] : vector<16xf32>, vector<16xi32> -> vector<16xf32>
    %select_n3A_4018 = arith.select %eq3A_4007, %gather3A_4017, %select_n3A_3993 : vector<16xi1>, vector<16xf32>
    %lt3A_4019 = arith.constant 0 : i32
    %lt3A_4020 = vector.broadcast %lt3A_4019 : i32 to vector<16xi32>
    %lt3A_4021 = arith.cmpi slt, %and3A_3834, %lt3A_4020 : vector<16xi32>
    %add3A_4022 = arith.constant 16 : i32
    %add3A_4023 = vector.broadcast %add3A_4022 : i32 to vector<16xi32>
    %add3A_4024 = arith.addi %and3A_3834, %add3A_4023 : vector<16xi32>
    %select_n3A_4025 = arith.select %lt3A_4021, %add3A_4024, %and3A_3834 : vector<16xi1>, vector<16xi32>
    %broadcast_in_dim3A_4026 = vector.shape_cast %select_n3A_4025 : vector<16xi32> to vector<16x1xi32>
    %gather3A_4027 = vector.shape_cast %broadcast_in_dim3A_4026 : vector<16x1xi32> to vector<16xi32>
    %gather3A_4028 = tpu.dynamic_gather %get3A_67[%gather3A_4027] in [0] : vector<16xf32>, vector<16xi32> -> vector<16xf32>
    %select_n3A_4029 = arith.select %eq3A_4007, %gather3A_4028, %select_n3A_4004 : vector<16xi1>, vector<16xf32>
    %eq3A_4030 = arith.constant 8 : i32
    %eq3A_4031 = vector.broadcast %eq3A_4030 : i32 to vector<16xi32>
    %eq3A_4032 = arith.cmpi eq, %shift_right_logical3A_3831, %eq3A_4031 : vector<16xi32>
    %lt3A_4033 = arith.constant 0 : i32
    %lt3A_4034 = vector.broadcast %lt3A_4033 : i32 to vector<16xi32>
    %lt3A_4035 = arith.cmpi slt, %and3A_3834, %lt3A_4034 : vector<16xi32>
    %add3A_4036 = arith.constant 16 : i32
    %add3A_4037 = vector.broadcast %add3A_4036 : i32 to vector<16xi32>
    %add3A_4038 = arith.addi %and3A_3834, %add3A_4037 : vector<16xi32>
    %select_n3A_4039 = arith.select %lt3A_4035, %add3A_4038, %and3A_3834 : vector<16xi1>, vector<16xi32>
    %broadcast_in_dim3A_4040 = vector.shape_cast %select_n3A_4039 : vector<16xi32> to vector<16x1xi32>
    %gather3A_4041 = vector.shape_cast %broadcast_in_dim3A_4040 : vector<16x1xi32> to vector<16xi32>
    %gather3A_4042 = tpu.dynamic_gather %get3A_34[%gather3A_4041] in [0] : vector<16xf32>, vector<16xi32> -> vector<16xf32>
    %select_n3A_4043 = arith.select %eq3A_4032, %gather3A_4042, %select_n3A_4018 : vector<16xi1>, vector<16xf32>
    %lt3A_4044 = arith.constant 0 : i32
    %lt3A_4045 = vector.broadcast %lt3A_4044 : i32 to vector<16xi32>
    %lt3A_4046 = arith.cmpi slt, %and3A_3834, %lt3A_4045 : vector<16xi32>
    %add3A_4047 = arith.constant 16 : i32
    %add3A_4048 = vector.broadcast %add3A_4047 : i32 to vector<16xi32>
    %add3A_4049 = arith.addi %and3A_3834, %add3A_4048 : vector<16xi32>
    %select_n3A_4050 = arith.select %lt3A_4046, %add3A_4049, %and3A_3834 : vector<16xi1>, vector<16xi32>
    %broadcast_in_dim3A_4051 = vector.shape_cast %select_n3A_4050 : vector<16xi32> to vector<16x1xi32>
    %gather3A_4052 = vector.shape_cast %broadcast_in_dim3A_4051 : vector<16x1xi32> to vector<16xi32>
    %gather3A_4053 = tpu.dynamic_gather %get3A_70[%gather3A_4052] in [0] : vector<16xf32>, vector<16xi32> -> vector<16xf32>
    %select_n3A_4054 = arith.select %eq3A_4032, %gather3A_4053, %select_n3A_4029 : vector<16xi1>, vector<16xf32>
    %eq3A_4055 = arith.constant 9 : i32
    %eq3A_4056 = vector.broadcast %eq3A_4055 : i32 to vector<16xi32>
    %eq3A_4057 = arith.cmpi eq, %shift_right_logical3A_3831, %eq3A_4056 : vector<16xi32>
    %lt3A_4058 = arith.constant 0 : i32
    %lt3A_4059 = vector.broadcast %lt3A_4058 : i32 to vector<16xi32>
    %lt3A_4060 = arith.cmpi slt, %and3A_3834, %lt3A_4059 : vector<16xi32>
    %add3A_4061 = arith.constant 16 : i32
    %add3A_4062 = vector.broadcast %add3A_4061 : i32 to vector<16xi32>
    %add3A_4063 = arith.addi %and3A_3834, %add3A_4062 : vector<16xi32>
    %select_n3A_4064 = arith.select %lt3A_4060, %add3A_4063, %and3A_3834 : vector<16xi1>, vector<16xi32>
    %broadcast_in_dim3A_4065 = vector.shape_cast %select_n3A_4064 : vector<16xi32> to vector<16x1xi32>
    %gather3A_4066 = vector.shape_cast %broadcast_in_dim3A_4065 : vector<16x1xi32> to vector<16xi32>
    %gather3A_4067 = tpu.dynamic_gather %get3A_37[%gather3A_4066] in [0] : vector<16xf32>, vector<16xi32> -> vector<16xf32>
    %select_n3A_4068 = arith.select %eq3A_4057, %gather3A_4067, %select_n3A_4043 : vector<16xi1>, vector<16xf32>
    %lt3A_4069 = arith.constant 0 : i32
    %lt3A_4070 = vector.broadcast %lt3A_4069 : i32 to vector<16xi32>
    %lt3A_4071 = arith.cmpi slt, %and3A_3834, %lt3A_4070 : vector<16xi32>
    %add3A_4072 = arith.constant 16 : i32
    %add3A_4073 = vector.broadcast %add3A_4072 : i32 to vector<16xi32>
    %add3A_4074 = arith.addi %and3A_3834, %add3A_4073 : vector<16xi32>
    %select_n3A_4075 = arith.select %lt3A_4071, %add3A_4074, %and3A_3834 : vector<16xi1>, vector<16xi32>
    %broadcast_in_dim3A_4076 = vector.shape_cast %select_n3A_4075 : vector<16xi32> to vector<16x1xi32>
    %gather3A_4077 = vector.shape_cast %broadcast_in_dim3A_4076 : vector<16x1xi32> to vector<16xi32>
    %gather3A_4078 = tpu.dynamic_gather %get3A_73[%gather3A_4077] in [0] : vector<16xf32>, vector<16xi32> -> vector<16xf32>
    %select_n3A_4079 = arith.select %eq3A_4057, %gather3A_4078, %select_n3A_4054 : vector<16xi1>, vector<16xf32>
    %eq3A_4080 = arith.constant 10 : i32
    %eq3A_4081 = vector.broadcast %eq3A_4080 : i32 to vector<16xi32>
    %eq3A_4082 = arith.cmpi eq, %shift_right_logical3A_3831, %eq3A_4081 : vector<16xi32>
    %lt3A_4083 = arith.constant 0 : i32
    %lt3A_4084 = vector.broadcast %lt3A_4083 : i32 to vector<16xi32>
    %lt3A_4085 = arith.cmpi slt, %and3A_3834, %lt3A_4084 : vector<16xi32>
    %add3A_4086 = arith.constant 16 : i32
    %add3A_4087 = vector.broadcast %add3A_4086 : i32 to vector<16xi32>
    %add3A_4088 = arith.addi %and3A_3834, %add3A_4087 : vector<16xi32>
    %select_n3A_4089 = arith.select %lt3A_4085, %add3A_4088, %and3A_3834 : vector<16xi1>, vector<16xi32>
    %broadcast_in_dim3A_4090 = vector.shape_cast %select_n3A_4089 : vector<16xi32> to vector<16x1xi32>
    %gather3A_4091 = vector.shape_cast %broadcast_in_dim3A_4090 : vector<16x1xi32> to vector<16xi32>
    %gather3A_4092 = tpu.dynamic_gather %get3A_40[%gather3A_4091] in [0] : vector<16xf32>, vector<16xi32> -> vector<16xf32>
    %select_n3A_4093 = arith.select %eq3A_4082, %gather3A_4092, %select_n3A_4068 : vector<16xi1>, vector<16xf32>
    %lt3A_4094 = arith.constant 0 : i32
    %lt3A_4095 = vector.broadcast %lt3A_4094 : i32 to vector<16xi32>
    %lt3A_4096 = arith.cmpi slt, %and3A_3834, %lt3A_4095 : vector<16xi32>
    %add3A_4097 = arith.constant 16 : i32
    %add3A_4098 = vector.broadcast %add3A_4097 : i32 to vector<16xi32>
    %add3A_4099 = arith.addi %and3A_3834, %add3A_4098 : vector<16xi32>
    %select_n3A_4100 = arith.select %lt3A_4096, %add3A_4099, %and3A_3834 : vector<16xi1>, vector<16xi32>
    %broadcast_in_dim3A_4101 = vector.shape_cast %select_n3A_4100 : vector<16xi32> to vector<16x1xi32>
    %gather3A_4102 = vector.shape_cast %broadcast_in_dim3A_4101 : vector<16x1xi32> to vector<16xi32>
    %gather3A_4103 = tpu.dynamic_gather %get3A_76[%gather3A_4102] in [0] : vector<16xf32>, vector<16xi32> -> vector<16xf32>
    %select_n3A_4104 = arith.select %eq3A_4082, %gather3A_4103, %select_n3A_4079 : vector<16xi1>, vector<16xf32>
    %eq3A_4105 = arith.constant 11 : i32
    %eq3A_4106 = vector.broadcast %eq3A_4105 : i32 to vector<16xi32>
    %eq3A_4107 = arith.cmpi eq, %shift_right_logical3A_3831, %eq3A_4106 : vector<16xi32>
    %lt3A_4108 = arith.constant 0 : i32
    %lt3A_4109 = vector.broadcast %lt3A_4108 : i32 to vector<16xi32>
    %lt3A_4110 = arith.cmpi slt, %and3A_3834, %lt3A_4109 : vector<16xi32>
    %add3A_4111 = arith.constant 16 : i32
    %add3A_4112 = vector.broadcast %add3A_4111 : i32 to vector<16xi32>
    %add3A_4113 = arith.addi %and3A_3834, %add3A_4112 : vector<16xi32>
    %select_n3A_4114 = arith.select %lt3A_4110, %add3A_4113, %and3A_3834 : vector<16xi1>, vector<16xi32>
    %broadcast_in_dim3A_4115 = vector.shape_cast %select_n3A_4114 : vector<16xi32> to vector<16x1xi32>
    %gather3A_4116 = vector.shape_cast %broadcast_in_dim3A_4115 : vector<16x1xi32> to vector<16xi32>
    %gather3A_4117 = tpu.dynamic_gather %get3A_43[%gather3A_4116] in [0] : vector<16xf32>, vector<16xi32> -> vector<16xf32>
    %select_n3A_4118 = arith.select %eq3A_4107, %gather3A_4117, %select_n3A_4093 : vector<16xi1>, vector<16xf32>
    %lt3A_4119 = arith.constant 0 : i32
    %lt3A_4120 = vector.broadcast %lt3A_4119 : i32 to vector<16xi32>
    %lt3A_4121 = arith.cmpi slt, %and3A_3834, %lt3A_4120 : vector<16xi32>
    %add3A_4122 = arith.constant 16 : i32
    %add3A_4123 = vector.broadcast %add3A_4122 : i32 to vector<16xi32>
    %add3A_4124 = arith.addi %and3A_3834, %add3A_4123 : vector<16xi32>
    %select_n3A_4125 = arith.select %lt3A_4121, %add3A_4124, %and3A_3834 : vector<16xi1>, vector<16xi32>
    %broadcast_in_dim3A_4126 = vector.shape_cast %select_n3A_4125 : vector<16xi32> to vector<16x1xi32>
    %gather3A_4127 = vector.shape_cast %broadcast_in_dim3A_4126 : vector<16x1xi32> to vector<16xi32>
    %gather3A_4128 = tpu.dynamic_gather %get3A_79[%gather3A_4127] in [0] : vector<16xf32>, vector<16xi32> -> vector<16xf32>
    %select_n3A_4129 = arith.select %eq3A_4107, %gather3A_4128, %select_n3A_4104 : vector<16xi1>, vector<16xf32>
    %get3A_4130 = arith.constant 192 : index
    %get3A_4131 = tpu.vector_load %arg8[%get3A_4130] {strides = array<i32>} : memref<256xf32, #tpu.memory_space<vmem>>, vector<16xf32>,
    %get3A_4132 = vector.shape_cast %get3A_4131 : vector<16xf32> to vector<16xf32>
    %sub3A_4133 = arith.subf %get3A_4132, %select_n3A_4118 : vector<16xf32>
    %div3A_4134 = arith.divf %sub3A_4133, %select_n3A_4129 : vector<16xf32>
    %swap3A_4135 = arith.constant 192 : index
    %swap3A_4136 = tpu.vector_load %arg11[%swap3A_4135] {strides = array<i32>} : memref<256xf32, #tpu.memory_space<vmem>>, vector<16xf32>,
    %swap3A_4137 = vector.shape_cast %swap3A_4136 : vector<16xf32> to vector<16xf32>
    %swap3A_4138 = vector.shape_cast %div3A_4134 : vector<16xf32> to vector<16xf32>
    tpu.vector_store %arg11[%swap3A_4135], %swap3A_4138 {strides = array<i32>} : memref<256xf32, #tpu.memory_space<vmem>>, vector<16xf32>,
    %get3A_4139 = arith.constant 208 : index
    %get3A_4140 = tpu.vector_load %arg7[%get3A_4139] {strides = array<i32>} : memref<256xi32, #tpu.memory_space<vmem>>, vector<16xi32>,
    %get3A_4141 = vector.shape_cast %get3A_4140 : vector<16xi32> to vector<16xi32>
    %shift_right_logical3A_4142 = arith.constant 4 : i32
    %shift_right_logical3A_4143 = vector.broadcast %shift_right_logical3A_4142 : i32 to vector<16xi32>
    %shift_right_logical3A_4144 = arith.shrui %get3A_4141, %shift_right_logical3A_4143 : vector<16xi32>
    %and3A_4145 = arith.constant 15 : i32
    %and3A_4146 = vector.broadcast %and3A_4145 : i32 to vector<16xi32>
    %and3A_4147 = arith.andi %get3A_4141, %and3A_4146 : vector<16xi32>
    %lt3A_4148 = arith.constant 0 : i32
    %lt3A_4149 = vector.broadcast %lt3A_4148 : i32 to vector<16xi32>
    %lt3A_4150 = arith.cmpi slt, %and3A_4147, %lt3A_4149 : vector<16xi32>
    %add3A_4151 = arith.constant 16 : i32
    %add3A_4152 = vector.broadcast %add3A_4151 : i32 to vector<16xi32>
    %add3A_4153 = arith.addi %and3A_4147, %add3A_4152 : vector<16xi32>
    %select_n3A_4154 = arith.select %lt3A_4150, %add3A_4153, %and3A_4147 : vector<16xi1>, vector<16xi32>
    %broadcast_in_dim3A_4155 = vector.shape_cast %select_n3A_4154 : vector<16xi32> to vector<16x1xi32>
    %gather3A_4156 = vector.shape_cast %broadcast_in_dim3A_4155 : vector<16x1xi32> to vector<16xi32>
    %gather3A_4157 = tpu.dynamic_gather %get3A_10[%gather3A_4156] in [0] : vector<16xf32>, vector<16xi32> -> vector<16xf32>
    %lt3A_4158 = arith.constant 0 : i32
    %lt3A_4159 = vector.broadcast %lt3A_4158 : i32 to vector<16xi32>
    %lt3A_4160 = arith.cmpi slt, %and3A_4147, %lt3A_4159 : vector<16xi32>
    %add3A_4161 = arith.constant 16 : i32
    %add3A_4162 = vector.broadcast %add3A_4161 : i32 to vector<16xi32>
    %add3A_4163 = arith.addi %and3A_4147, %add3A_4162 : vector<16xi32>
    %select_n3A_4164 = arith.select %lt3A_4160, %add3A_4163, %and3A_4147 : vector<16xi1>, vector<16xi32>
    %broadcast_in_dim3A_4165 = vector.shape_cast %select_n3A_4164 : vector<16xi32> to vector<16x1xi32>
    %gather3A_4166 = vector.shape_cast %broadcast_in_dim3A_4165 : vector<16x1xi32> to vector<16xi32>
    %gather3A_4167 = tpu.dynamic_gather %get3A_46[%gather3A_4166] in [0] : vector<16xf32>, vector<16xi32> -> vector<16xf32>
    %eq3A_4168 = arith.constant 1 : i32
    %eq3A_4169 = vector.broadcast %eq3A_4168 : i32 to vector<16xi32>
    %eq3A_4170 = arith.cmpi eq, %shift_right_logical3A_4144, %eq3A_4169 : vector<16xi32>
    %lt3A_4171 = arith.constant 0 : i32
    %lt3A_4172 = vector.broadcast %lt3A_4171 : i32 to vector<16xi32>
    %lt3A_4173 = arith.cmpi slt, %and3A_4147, %lt3A_4172 : vector<16xi32>
    %add3A_4174 = arith.constant 16 : i32
    %add3A_4175 = vector.broadcast %add3A_4174 : i32 to vector<16xi32>
    %add3A_4176 = arith.addi %and3A_4147, %add3A_4175 : vector<16xi32>
    %select_n3A_4177 = arith.select %lt3A_4173, %add3A_4176, %and3A_4147 : vector<16xi1>, vector<16xi32>
    %broadcast_in_dim3A_4178 = vector.shape_cast %select_n3A_4177 : vector<16xi32> to vector<16x1xi32>
    %gather3A_4179 = vector.shape_cast %broadcast_in_dim3A_4178 : vector<16x1xi32> to vector<16xi32>
    %gather3A_4180 = tpu.dynamic_gather %get3A_13[%gather3A_4179] in [0] : vector<16xf32>, vector<16xi32> -> vector<16xf32>
    %select_n3A_4181 = arith.select %eq3A_4170, %gather3A_4180, %gather3A_4157 : vector<16xi1>, vector<16xf32>
    %lt3A_4182 = arith.constant 0 : i32
    %lt3A_4183 = vector.broadcast %lt3A_4182 : i32 to vector<16xi32>
    %lt3A_4184 = arith.cmpi slt, %and3A_4147, %lt3A_4183 : vector<16xi32>
    %add3A_4185 = arith.constant 16 : i32
    %add3A_4186 = vector.broadcast %add3A_4185 : i32 to vector<16xi32>
    %add3A_4187 = arith.addi %and3A_4147, %add3A_4186 : vector<16xi32>
    %select_n3A_4188 = arith.select %lt3A_4184, %add3A_4187, %and3A_4147 : vector<16xi1>, vector<16xi32>
    %broadcast_in_dim3A_4189 = vector.shape_cast %select_n3A_4188 : vector<16xi32> to vector<16x1xi32>
    %gather3A_4190 = vector.shape_cast %broadcast_in_dim3A_4189 : vector<16x1xi32> to vector<16xi32>
    %gather3A_4191 = tpu.dynamic_gather %get3A_49[%gather3A_4190] in [0] : vector<16xf32>, vector<16xi32> -> vector<16xf32>
    %select_n3A_4192 = arith.select %eq3A_4170, %gather3A_4191, %gather3A_4167 : vector<16xi1>, vector<16xf32>
    %eq3A_4193 = arith.constant 2 : i32
    %eq3A_4194 = vector.broadcast %eq3A_4193 : i32 to vector<16xi32>
    %eq3A_4195 = arith.cmpi eq, %shift_right_logical3A_4144, %eq3A_4194 : vector<16xi32>
    %lt3A_4196 = arith.constant 0 : i32
    %lt3A_4197 = vector.broadcast %lt3A_4196 : i32 to vector<16xi32>
    %lt3A_4198 = arith.cmpi slt, %and3A_4147, %lt3A_4197 : vector<16xi32>
    %add3A_4199 = arith.constant 16 : i32
    %add3A_4200 = vector.broadcast %add3A_4199 : i32 to vector<16xi32>
    %add3A_4201 = arith.addi %and3A_4147, %add3A_4200 : vector<16xi32>
    %select_n3A_4202 = arith.select %lt3A_4198, %add3A_4201, %and3A_4147 : vector<16xi1>, vector<16xi32>
    %broadcast_in_dim3A_4203 = vector.shape_cast %select_n3A_4202 : vector<16xi32> to vector<16x1xi32>
    %gather3A_4204 = vector.shape_cast %broadcast_in_dim3A_4203 : vector<16x1xi32> to vector<16xi32>
    %gather3A_4205 = tpu.dynamic_gather %get3A_16[%gather3A_4204] in [0] : vector<16xf32>, vector<16xi32> -> vector<16xf32>
    %select_n3A_4206 = arith.select %eq3A_4195, %gather3A_4205, %select_n3A_4181 : vector<16xi1>, vector<16xf32>
    %lt3A_4207 = arith.constant 0 : i32
    %lt3A_4208 = vector.broadcast %lt3A_4207 : i32 to vector<16xi32>
    %lt3A_4209 = arith.cmpi slt, %and3A_4147, %lt3A_4208 : vector<16xi32>
    %add3A_4210 = arith.constant 16 : i32
    %add3A_4211 = vector.broadcast %add3A_4210 : i32 to vector<16xi32>
    %add3A_4212 = arith.addi %and3A_4147, %add3A_4211 : vector<16xi32>
    %select_n3A_4213 = arith.select %lt3A_4209, %add3A_4212, %and3A_4147 : vector<16xi1>, vector<16xi32>
    %broadcast_in_dim3A_4214 = vector.shape_cast %select_n3A_4213 : vector<16xi32> to vector<16x1xi32>
    %gather3A_4215 = vector.shape_cast %broadcast_in_dim3A_4214 : vector<16x1xi32> to vector<16xi32>
    %gather3A_4216 = tpu.dynamic_gather %get3A_52[%gather3A_4215] in [0] : vector<16xf32>, vector<16xi32> -> vector<16xf32>
    %select_n3A_4217 = arith.select %eq3A_4195, %gather3A_4216, %select_n3A_4192 : vector<16xi1>, vector<16xf32>
    %eq3A_4218 = arith.constant 3 : i32
    %eq3A_4219 = vector.broadcast %eq3A_4218 : i32 to vector<16xi32>
    %eq3A_4220 = arith.cmpi eq, %shift_right_logical3A_4144, %eq3A_4219 : vector<16xi32>
    %lt3A_4221 = arith.constant 0 : i32
    %lt3A_4222 = vector.broadcast %lt3A_4221 : i32 to vector<16xi32>
    %lt3A_4223 = arith.cmpi slt, %and3A_4147, %lt3A_4222 : vector<16xi32>
    %add3A_4224 = arith.constant 16 : i32
    %add3A_4225 = vector.broadcast %add3A_4224 : i32 to vector<16xi32>
    %add3A_4226 = arith.addi %and3A_4147, %add3A_4225 : vector<16xi32>
    %select_n3A_4227 = arith.select %lt3A_4223, %add3A_4226, %and3A_4147 : vector<16xi1>, vector<16xi32>
    %broadcast_in_dim3A_4228 = vector.shape_cast %select_n3A_4227 : vector<16xi32> to vector<16x1xi32>
    %gather3A_4229 = vector.shape_cast %broadcast_in_dim3A_4228 : vector<16x1xi32> to vector<16xi32>
    %gather3A_4230 = tpu.dynamic_gather %get3A_19[%gather3A_4229] in [0] : vector<16xf32>, vector<16xi32> -> vector<16xf32>
    %select_n3A_4231 = arith.select %eq3A_4220, %gather3A_4230, %select_n3A_4206 : vector<16xi1>, vector<16xf32>
    %lt3A_4232 = arith.constant 0 : i32
    %lt3A_4233 = vector.broadcast %lt3A_4232 : i32 to vector<16xi32>
    %lt3A_4234 = arith.cmpi slt, %and3A_4147, %lt3A_4233 : vector<16xi32>
    %add3A_4235 = arith.constant 16 : i32
    %add3A_4236 = vector.broadcast %add3A_4235 : i32 to vector<16xi32>
    %add3A_4237 = arith.addi %and3A_4147, %add3A_4236 : vector<16xi32>
    %select_n3A_4238 = arith.select %lt3A_4234, %add3A_4237, %and3A_4147 : vector<16xi1>, vector<16xi32>
    %broadcast_in_dim3A_4239 = vector.shape_cast %select_n3A_4238 : vector<16xi32> to vector<16x1xi32>
    %gather3A_4240 = vector.shape_cast %broadcast_in_dim3A_4239 : vector<16x1xi32> to vector<16xi32>
    %gather3A_4241 = tpu.dynamic_gather %get3A_55[%gather3A_4240] in [0] : vector<16xf32>, vector<16xi32> -> vector<16xf32>
    %select_n3A_4242 = arith.select %eq3A_4220, %gather3A_4241, %select_n3A_4217 : vector<16xi1>, vector<16xf32>
    %eq3A_4243 = arith.constant 4 : i32
    %eq3A_4244 = vector.broadcast %eq3A_4243 : i32 to vector<16xi32>
    %eq3A_4245 = arith.cmpi eq, %shift_right_logical3A_4144, %eq3A_4244 : vector<16xi32>
    %lt3A_4246 = arith.constant 0 : i32
    %lt3A_4247 = vector.broadcast %lt3A_4246 : i32 to vector<16xi32>
    %lt3A_4248 = arith.cmpi slt, %and3A_4147, %lt3A_4247 : vector<16xi32>
    %add3A_4249 = arith.constant 16 : i32
    %add3A_4250 = vector.broadcast %add3A_4249 : i32 to vector<16xi32>
    %add3A_4251 = arith.addi %and3A_4147, %add3A_4250 : vector<16xi32>
    %select_n3A_4252 = arith.select %lt3A_4248, %add3A_4251, %and3A_4147 : vector<16xi1>, vector<16xi32>
    %broadcast_in_dim3A_4253 = vector.shape_cast %select_n3A_4252 : vector<16xi32> to vector<16x1xi32>
    %gather3A_4254 = vector.shape_cast %broadcast_in_dim3A_4253 : vector<16x1xi32> to vector<16xi32>
    %gather3A_4255 = tpu.dynamic_gather %get3A_22[%gather3A_4254] in [0] : vector<16xf32>, vector<16xi32> -> vector<16xf32>
    %select_n3A_4256 = arith.select %eq3A_4245, %gather3A_4255, %select_n3A_4231 : vector<16xi1>, vector<16xf32>
    %lt3A_4257 = arith.constant 0 : i32
    %lt3A_4258 = vector.broadcast %lt3A_4257 : i32 to vector<16xi32>
    %lt3A_4259 = arith.cmpi slt, %and3A_4147, %lt3A_4258 : vector<16xi32>
    %add3A_4260 = arith.constant 16 : i32
    %add3A_4261 = vector.broadcast %add3A_4260 : i32 to vector<16xi32>
    %add3A_4262 = arith.addi %and3A_4147, %add3A_4261 : vector<16xi32>
    %select_n3A_4263 = arith.select %lt3A_4259, %add3A_4262, %and3A_4147 : vector<16xi1>, vector<16xi32>
    %broadcast_in_dim3A_4264 = vector.shape_cast %select_n3A_4263 : vector<16xi32> to vector<16x1xi32>
    %gather3A_4265 = vector.shape_cast %broadcast_in_dim3A_4264 : vector<16x1xi32> to vector<16xi32>
    %gather3A_4266 = tpu.dynamic_gather %get3A_58[%gather3A_4265] in [0] : vector<16xf32>, vector<16xi32> -> vector<16xf32>
    %select_n3A_4267 = arith.select %eq3A_4245, %gather3A_4266, %select_n3A_4242 : vector<16xi1>, vector<16xf32>
    %eq3A_4268 = arith.constant 5 : i32
    %eq3A_4269 = vector.broadcast %eq3A_4268 : i32 to vector<16xi32>
    %eq3A_4270 = arith.cmpi eq, %shift_right_logical3A_4144, %eq3A_4269 : vector<16xi32>
    %lt3A_4271 = arith.constant 0 : i32
    %lt3A_4272 = vector.broadcast %lt3A_4271 : i32 to vector<16xi32>
    %lt3A_4273 = arith.cmpi slt, %and3A_4147, %lt3A_4272 : vector<16xi32>
    %add3A_4274 = arith.constant 16 : i32
    %add3A_4275 = vector.broadcast %add3A_4274 : i32 to vector<16xi32>
    %add3A_4276 = arith.addi %and3A_4147, %add3A_4275 : vector<16xi32>
    %select_n3A_4277 = arith.select %lt3A_4273, %add3A_4276, %and3A_4147 : vector<16xi1>, vector<16xi32>
    %broadcast_in_dim3A_4278 = vector.shape_cast %select_n3A_4277 : vector<16xi32> to vector<16x1xi32>
    %gather3A_4279 = vector.shape_cast %broadcast_in_dim3A_4278 : vector<16x1xi32> to vector<16xi32>
    %gather3A_4280 = tpu.dynamic_gather %get3A_25[%gather3A_4279] in [0] : vector<16xf32>, vector<16xi32> -> vector<16xf32>
    %select_n3A_4281 = arith.select %eq3A_4270, %gather3A_4280, %select_n3A_4256 : vector<16xi1>, vector<16xf32>
    %lt3A_4282 = arith.constant 0 : i32
    %lt3A_4283 = vector.broadcast %lt3A_4282 : i32 to vector<16xi32>
    %lt3A_4284 = arith.cmpi slt, %and3A_4147, %lt3A_4283 : vector<16xi32>
    %add3A_4285 = arith.constant 16 : i32
    %add3A_4286 = vector.broadcast %add3A_4285 : i32 to vector<16xi32>
    %add3A_4287 = arith.addi %and3A_4147, %add3A_4286 : vector<16xi32>
    %select_n3A_4288 = arith.select %lt3A_4284, %add3A_4287, %and3A_4147 : vector<16xi1>, vector<16xi32>
    %broadcast_in_dim3A_4289 = vector.shape_cast %select_n3A_4288 : vector<16xi32> to vector<16x1xi32>
    %gather3A_4290 = vector.shape_cast %broadcast_in_dim3A_4289 : vector<16x1xi32> to vector<16xi32>
    %gather3A_4291 = tpu.dynamic_gather %get3A_61[%gather3A_4290] in [0] : vector<16xf32>, vector<16xi32> -> vector<16xf32>
    %select_n3A_4292 = arith.select %eq3A_4270, %gather3A_4291, %select_n3A_4267 : vector<16xi1>, vector<16xf32>
    %eq3A_4293 = arith.constant 6 : i32
    %eq3A_4294 = vector.broadcast %eq3A_4293 : i32 to vector<16xi32>
    %eq3A_4295 = arith.cmpi eq, %shift_right_logical3A_4144, %eq3A_4294 : vector<16xi32>
    %lt3A_4296 = arith.constant 0 : i32
    %lt3A_4297 = vector.broadcast %lt3A_4296 : i32 to vector<16xi32>
    %lt3A_4298 = arith.cmpi slt, %and3A_4147, %lt3A_4297 : vector<16xi32>
    %add3A_4299 = arith.constant 16 : i32
    %add3A_4300 = vector.broadcast %add3A_4299 : i32 to vector<16xi32>
    %add3A_4301 = arith.addi %and3A_4147, %add3A_4300 : vector<16xi32>
    %select_n3A_4302 = arith.select %lt3A_4298, %add3A_4301, %and3A_4147 : vector<16xi1>, vector<16xi32>
    %broadcast_in_dim3A_4303 = vector.shape_cast %select_n3A_4302 : vector<16xi32> to vector<16x1xi32>
    %gather3A_4304 = vector.shape_cast %broadcast_in_dim3A_4303 : vector<16x1xi32> to vector<16xi32>
    %gather3A_4305 = tpu.dynamic_gather %get3A_28[%gather3A_4304] in [0] : vector<16xf32>, vector<16xi32> -> vector<16xf32>
    %select_n3A_4306 = arith.select %eq3A_4295, %gather3A_4305, %select_n3A_4281 : vector<16xi1>, vector<16xf32>
    %lt3A_4307 = arith.constant 0 : i32
    %lt3A_4308 = vector.broadcast %lt3A_4307 : i32 to vector<16xi32>
    %lt3A_4309 = arith.cmpi slt, %and3A_4147, %lt3A_4308 : vector<16xi32>
    %add3A_4310 = arith.constant 16 : i32
    %add3A_4311 = vector.broadcast %add3A_4310 : i32 to vector<16xi32>
    %add3A_4312 = arith.addi %and3A_4147, %add3A_4311 : vector<16xi32>
    %select_n3A_4313 = arith.select %lt3A_4309, %add3A_4312, %and3A_4147 : vector<16xi1>, vector<16xi32>
    %broadcast_in_dim3A_4314 = vector.shape_cast %select_n3A_4313 : vector<16xi32> to vector<16x1xi32>
    %gather3A_4315 = vector.shape_cast %broadcast_in_dim3A_4314 : vector<16x1xi32> to vector<16xi32>
    %gather3A_4316 = tpu.dynamic_gather %get3A_64[%gather3A_4315] in [0] : vector<16xf32>, vector<16xi32> -> vector<16xf32>
    %select_n3A_4317 = arith.select %eq3A_4295, %gather3A_4316, %select_n3A_4292 : vector<16xi1>, vector<16xf32>
    %eq3A_4318 = arith.constant 7 : i32
    %eq3A_4319 = vector.broadcast %eq3A_4318 : i32 to vector<16xi32>
    %eq3A_4320 = arith.cmpi eq, %shift_right_logical3A_4144, %eq3A_4319 : vector<16xi32>
    %lt3A_4321 = arith.constant 0 : i32
    %lt3A_4322 = vector.broadcast %lt3A_4321 : i32 to vector<16xi32>
    %lt3A_4323 = arith.cmpi slt, %and3A_4147, %lt3A_4322 : vector<16xi32>
    %add3A_4324 = arith.constant 16 : i32
    %add3A_4325 = vector.broadcast %add3A_4324 : i32 to vector<16xi32>
    %add3A_4326 = arith.addi %and3A_4147, %add3A_4325 : vector<16xi32>
    %select_n3A_4327 = arith.select %lt3A_4323, %add3A_4326, %and3A_4147 : vector<16xi1>, vector<16xi32>
    %broadcast_in_dim3A_4328 = vector.shape_cast %select_n3A_4327 : vector<16xi32> to vector<16x1xi32>
    %gather3A_4329 = vector.shape_cast %broadcast_in_dim3A_4328 : vector<16x1xi32> to vector<16xi32>
    %gather3A_4330 = tpu.dynamic_gather %get3A_31[%gather3A_4329] in [0] : vector<16xf32>, vector<16xi32> -> vector<16xf32>
    %select_n3A_4331 = arith.select %eq3A_4320, %gather3A_4330, %select_n3A_4306 : vector<16xi1>, vector<16xf32>
    %lt3A_4332 = arith.constant 0 : i32
    %lt3A_4333 = vector.broadcast %lt3A_4332 : i32 to vector<16xi32>
    %lt3A_4334 = arith.cmpi slt, %and3A_4147, %lt3A_4333 : vector<16xi32>
    %add3A_4335 = arith.constant 16 : i32
    %add3A_4336 = vector.broadcast %add3A_4335 : i32 to vector<16xi32>
    %add3A_4337 = arith.addi %and3A_4147, %add3A_4336 : vector<16xi32>
    %select_n3A_4338 = arith.select %lt3A_4334, %add3A_4337, %and3A_4147 : vector<16xi1>, vector<16xi32>
    %broadcast_in_dim3A_4339 = vector.shape_cast %select_n3A_4338 : vector<16xi32> to vector<16x1xi32>
    %gather3A_4340 = vector.shape_cast %broadcast_in_dim3A_4339 : vector<16x1xi32> to vector<16xi32>
    %gather3A_4341 = tpu.dynamic_gather %get3A_67[%gather3A_4340] in [0] : vector<16xf32>, vector<16xi32> -> vector<16xf32>
    %select_n3A_4342 = arith.select %eq3A_4320, %gather3A_4341, %select_n3A_4317 : vector<16xi1>, vector<16xf32>
    %eq3A_4343 = arith.constant 8 : i32
    %eq3A_4344 = vector.broadcast %eq3A_4343 : i32 to vector<16xi32>
    %eq3A_4345 = arith.cmpi eq, %shift_right_logical3A_4144, %eq3A_4344 : vector<16xi32>
    %lt3A_4346 = arith.constant 0 : i32
    %lt3A_4347 = vector.broadcast %lt3A_4346 : i32 to vector<16xi32>
    %lt3A_4348 = arith.cmpi slt, %and3A_4147, %lt3A_4347 : vector<16xi32>
    %add3A_4349 = arith.constant 16 : i32
    %add3A_4350 = vector.broadcast %add3A_4349 : i32 to vector<16xi32>
    %add3A_4351 = arith.addi %and3A_4147, %add3A_4350 : vector<16xi32>
    %select_n3A_4352 = arith.select %lt3A_4348, %add3A_4351, %and3A_4147 : vector<16xi1>, vector<16xi32>
    %broadcast_in_dim3A_4353 = vector.shape_cast %select_n3A_4352 : vector<16xi32> to vector<16x1xi32>
    %gather3A_4354 = vector.shape_cast %broadcast_in_dim3A_4353 : vector<16x1xi32> to vector<16xi32>
    %gather3A_4355 = tpu.dynamic_gather %get3A_34[%gather3A_4354] in [0] : vector<16xf32>, vector<16xi32> -> vector<16xf32>
    %select_n3A_4356 = arith.select %eq3A_4345, %gather3A_4355, %select_n3A_4331 : vector<16xi1>, vector<16xf32>
    %lt3A_4357 = arith.constant 0 : i32
    %lt3A_4358 = vector.broadcast %lt3A_4357 : i32 to vector<16xi32>
    %lt3A_4359 = arith.cmpi slt, %and3A_4147, %lt3A_4358 : vector<16xi32>
    %add3A_4360 = arith.constant 16 : i32
    %add3A_4361 = vector.broadcast %add3A_4360 : i32 to vector<16xi32>
    %add3A_4362 = arith.addi %and3A_4147, %add3A_4361 : vector<16xi32>
    %select_n3A_4363 = arith.select %lt3A_4359, %add3A_4362, %and3A_4147 : vector<16xi1>, vector<16xi32>
    %broadcast_in_dim3A_4364 = vector.shape_cast %select_n3A_4363 : vector<16xi32> to vector<16x1xi32>
    %gather3A_4365 = vector.shape_cast %broadcast_in_dim3A_4364 : vector<16x1xi32> to vector<16xi32>
    %gather3A_4366 = tpu.dynamic_gather %get3A_70[%gather3A_4365] in [0] : vector<16xf32>, vector<16xi32> -> vector<16xf32>
    %select_n3A_4367 = arith.select %eq3A_4345, %gather3A_4366, %select_n3A_4342 : vector<16xi1>, vector<16xf32>
    %eq3A_4368 = arith.constant 9 : i32
    %eq3A_4369 = vector.broadcast %eq3A_4368 : i32 to vector<16xi32>
    %eq3A_4370 = arith.cmpi eq, %shift_right_logical3A_4144, %eq3A_4369 : vector<16xi32>
    %lt3A_4371 = arith.constant 0 : i32
    %lt3A_4372 = vector.broadcast %lt3A_4371 : i32 to vector<16xi32>
    %lt3A_4373 = arith.cmpi slt, %and3A_4147, %lt3A_4372 : vector<16xi32>
    %add3A_4374 = arith.constant 16 : i32
    %add3A_4375 = vector.broadcast %add3A_4374 : i32 to vector<16xi32>
    %add3A_4376 = arith.addi %and3A_4147, %add3A_4375 : vector<16xi32>
    %select_n3A_4377 = arith.select %lt3A_4373, %add3A_4376, %and3A_4147 : vector<16xi1>, vector<16xi32>
    %broadcast_in_dim3A_4378 = vector.shape_cast %select_n3A_4377 : vector<16xi32> to vector<16x1xi32>
    %gather3A_4379 = vector.shape_cast %broadcast_in_dim3A_4378 : vector<16x1xi32> to vector<16xi32>
    %gather3A_4380 = tpu.dynamic_gather %get3A_37[%gather3A_4379] in [0] : vector<16xf32>, vector<16xi32> -> vector<16xf32>
    %select_n3A_4381 = arith.select %eq3A_4370, %gather3A_4380, %select_n3A_4356 : vector<16xi1>, vector<16xf32>
    %lt3A_4382 = arith.constant 0 : i32
    %lt3A_4383 = vector.broadcast %lt3A_4382 : i32 to vector<16xi32>
    %lt3A_4384 = arith.cmpi slt, %and3A_4147, %lt3A_4383 : vector<16xi32>
    %add3A_4385 = arith.constant 16 : i32
    %add3A_4386 = vector.broadcast %add3A_4385 : i32 to vector<16xi32>
    %add3A_4387 = arith.addi %and3A_4147, %add3A_4386 : vector<16xi32>
    %select_n3A_4388 = arith.select %lt3A_4384, %add3A_4387, %and3A_4147 : vector<16xi1>, vector<16xi32>
    %broadcast_in_dim3A_4389 = vector.shape_cast %select_n3A_4388 : vector<16xi32> to vector<16x1xi32>
    %gather3A_4390 = vector.shape_cast %broadcast_in_dim3A_4389 : vector<16x1xi32> to vector<16xi32>
    %gather3A_4391 = tpu.dynamic_gather %get3A_73[%gather3A_4390] in [0] : vector<16xf32>, vector<16xi32> -> vector<16xf32>
    %select_n3A_4392 = arith.select %eq3A_4370, %gather3A_4391, %select_n3A_4367 : vector<16xi1>, vector<16xf32>
    %eq3A_4393 = arith.constant 10 : i32
    %eq3A_4394 = vector.broadcast %eq3A_4393 : i32 to vector<16xi32>
    %eq3A_4395 = arith.cmpi eq, %shift_right_logical3A_4144, %eq3A_4394 : vector<16xi32>
    %lt3A_4396 = arith.constant 0 : i32
    %lt3A_4397 = vector.broadcast %lt3A_4396 : i32 to vector<16xi32>
    %lt3A_4398 = arith.cmpi slt, %and3A_4147, %lt3A_4397 : vector<16xi32>
    %add3A_4399 = arith.constant 16 : i32
    %add3A_4400 = vector.broadcast %add3A_4399 : i32 to vector<16xi32>
    %add3A_4401 = arith.addi %and3A_4147, %add3A_4400 : vector<16xi32>
    %select_n3A_4402 = arith.select %lt3A_4398, %add3A_4401, %and3A_4147 : vector<16xi1>, vector<16xi32>
    %broadcast_in_dim3A_4403 = vector.shape_cast %select_n3A_4402 : vector<16xi32> to vector<16x1xi32>
    %gather3A_4404 = vector.shape_cast %broadcast_in_dim3A_4403 : vector<16x1xi32> to vector<16xi32>
    %gather3A_4405 = tpu.dynamic_gather %get3A_40[%gather3A_4404] in [0] : vector<16xf32>, vector<16xi32> -> vector<16xf32>
    %select_n3A_4406 = arith.select %eq3A_4395, %gather3A_4405, %select_n3A_4381 : vector<16xi1>, vector<16xf32>
    %lt3A_4407 = arith.constant 0 : i32
    %lt3A_4408 = vector.broadcast %lt3A_4407 : i32 to vector<16xi32>
    %lt3A_4409 = arith.cmpi slt, %and3A_4147, %lt3A_4408 : vector<16xi32>
    %add3A_4410 = arith.constant 16 : i32
    %add3A_4411 = vector.broadcast %add3A_4410 : i32 to vector<16xi32>
    %add3A_4412 = arith.addi %and3A_4147, %add3A_4411 : vector<16xi32>
    %select_n3A_4413 = arith.select %lt3A_4409, %add3A_4412, %and3A_4147 : vector<16xi1>, vector<16xi32>
    %broadcast_in_dim3A_4414 = vector.shape_cast %select_n3A_4413 : vector<16xi32> to vector<16x1xi32>
    %gather3A_4415 = vector.shape_cast %broadcast_in_dim3A_4414 : vector<16x1xi32> to vector<16xi32>
    %gather3A_4416 = tpu.dynamic_gather %get3A_76[%gather3A_4415] in [0] : vector<16xf32>, vector<16xi32> -> vector<16xf32>
    %select_n3A_4417 = arith.select %eq3A_4395, %gather3A_4416, %select_n3A_4392 : vector<16xi1>, vector<16xf32>
    %eq3A_4418 = arith.constant 11 : i32
    %eq3A_4419 = vector.broadcast %eq3A_4418 : i32 to vector<16xi32>
    %eq3A_4420 = arith.cmpi eq, %shift_right_logical3A_4144, %eq3A_4419 : vector<16xi32>
    %lt3A_4421 = arith.constant 0 : i32
    %lt3A_4422 = vector.broadcast %lt3A_4421 : i32 to vector<16xi32>
    %lt3A_4423 = arith.cmpi slt, %and3A_4147, %lt3A_4422 : vector<16xi32>
    %add3A_4424 = arith.constant 16 : i32
    %add3A_4425 = vector.broadcast %add3A_4424 : i32 to vector<16xi32>
    %add3A_4426 = arith.addi %and3A_4147, %add3A_4425 : vector<16xi32>
    %select_n3A_4427 = arith.select %lt3A_4423, %add3A_4426, %and3A_4147 : vector<16xi1>, vector<16xi32>
    %broadcast_in_dim3A_4428 = vector.shape_cast %select_n3A_4427 : vector<16xi32> to vector<16x1xi32>
    %gather3A_4429 = vector.shape_cast %broadcast_in_dim3A_4428 : vector<16x1xi32> to vector<16xi32>
    %gather3A_4430 = tpu.dynamic_gather %get3A_43[%gather3A_4429] in [0] : vector<16xf32>, vector<16xi32> -> vector<16xf32>
    %select_n3A_4431 = arith.select %eq3A_4420, %gather3A_4430, %select_n3A_4406 : vector<16xi1>, vector<16xf32>
    %lt3A_4432 = arith.constant 0 : i32
    %lt3A_4433 = vector.broadcast %lt3A_4432 : i32 to vector<16xi32>
    %lt3A_4434 = arith.cmpi slt, %and3A_4147, %lt3A_4433 : vector<16xi32>
    %add3A_4435 = arith.constant 16 : i32
    %add3A_4436 = vector.broadcast %add3A_4435 : i32 to vector<16xi32>
    %add3A_4437 = arith.addi %and3A_4147, %add3A_4436 : vector<16xi32>
    %select_n3A_4438 = arith.select %lt3A_4434, %add3A_4437, %and3A_4147 : vector<16xi1>, vector<16xi32>
    %broadcast_in_dim3A_4439 = vector.shape_cast %select_n3A_4438 : vector<16xi32> to vector<16x1xi32>
    %gather3A_4440 = vector.shape_cast %broadcast_in_dim3A_4439 : vector<16x1xi32> to vector<16xi32>
    %gather3A_4441 = tpu.dynamic_gather %get3A_79[%gather3A_4440] in [0] : vector<16xf32>, vector<16xi32> -> vector<16xf32>
    %select_n3A_4442 = arith.select %eq3A_4420, %gather3A_4441, %select_n3A_4417 : vector<16xi1>, vector<16xf32>
    %get3A_4443 = arith.constant 208 : index
    %get3A_4444 = tpu.vector_load %arg8[%get3A_4443] {strides = array<i32>} : memref<256xf32, #tpu.memory_space<vmem>>, vector<16xf32>,
    %get3A_4445 = vector.shape_cast %get3A_4444 : vector<16xf32> to vector<16xf32>
    %sub3A_4446 = arith.subf %get3A_4445, %select_n3A_4431 : vector<16xf32>
    %div3A_4447 = arith.divf %sub3A_4446, %select_n3A_4442 : vector<16xf32>
    %swap3A_4448 = arith.constant 208 : index
    %swap3A_4449 = tpu.vector_load %arg11[%swap3A_4448] {strides = array<i32>} : memref<256xf32, #tpu.memory_space<vmem>>, vector<16xf32>,
    %swap3A_4450 = vector.shape_cast %swap3A_4449 : vector<16xf32> to vector<16xf32>
    %swap3A_4451 = vector.shape_cast %div3A_4447 : vector<16xf32> to vector<16xf32>
    tpu.vector_store %arg11[%swap3A_4448], %swap3A_4451 {strides = array<i32>} : memref<256xf32, #tpu.memory_space<vmem>>, vector<16xf32>,
    %get3A_4452 = arith.constant 224 : index
    %get3A_4453 = tpu.vector_load %arg7[%get3A_4452] {strides = array<i32>} : memref<256xi32, #tpu.memory_space<vmem>>, vector<16xi32>,
    %get3A_4454 = vector.shape_cast %get3A_4453 : vector<16xi32> to vector<16xi32>
    %shift_right_logical3A_4455 = arith.constant 4 : i32
    %shift_right_logical3A_4456 = vector.broadcast %shift_right_logical3A_4455 : i32 to vector<16xi32>
    %shift_right_logical3A_4457 = arith.shrui %get3A_4454, %shift_right_logical3A_4456 : vector<16xi32>
    %and3A_4458 = arith.constant 15 : i32
    %and3A_4459 = vector.broadcast %and3A_4458 : i32 to vector<16xi32>
    %and3A_4460 = arith.andi %get3A_4454, %and3A_4459 : vector<16xi32>
    %lt3A_4461 = arith.constant 0 : i32
    %lt3A_4462 = vector.broadcast %lt3A_4461 : i32 to vector<16xi32>
    %lt3A_4463 = arith.cmpi slt, %and3A_4460, %lt3A_4462 : vector<16xi32>
    %add3A_4464 = arith.constant 16 : i32
    %add3A_4465 = vector.broadcast %add3A_4464 : i32 to vector<16xi32>
    %add3A_4466 = arith.addi %and3A_4460, %add3A_4465 : vector<16xi32>
    %select_n3A_4467 = arith.select %lt3A_4463, %add3A_4466, %and3A_4460 : vector<16xi1>, vector<16xi32>
    %broadcast_in_dim3A_4468 = vector.shape_cast %select_n3A_4467 : vector<16xi32> to vector<16x1xi32>
    %gather3A_4469 = vector.shape_cast %broadcast_in_dim3A_4468 : vector<16x1xi32> to vector<16xi32>
    %gather3A_4470 = tpu.dynamic_gather %get3A_10[%gather3A_4469] in [0] : vector<16xf32>, vector<16xi32> -> vector<16xf32>
    %lt3A_4471 = arith.constant 0 : i32
    %lt3A_4472 = vector.broadcast %lt3A_4471 : i32 to vector<16xi32>
    %lt3A_4473 = arith.cmpi slt, %and3A_4460, %lt3A_4472 : vector<16xi32>
    %add3A_4474 = arith.constant 16 : i32
    %add3A_4475 = vector.broadcast %add3A_4474 : i32 to vector<16xi32>
    %add3A_4476 = arith.addi %and3A_4460, %add3A_4475 : vector<16xi32>
    %select_n3A_4477 = arith.select %lt3A_4473, %add3A_4476, %and3A_4460 : vector<16xi1>, vector<16xi32>
    %broadcast_in_dim3A_4478 = vector.shape_cast %select_n3A_4477 : vector<16xi32> to vector<16x1xi32>
    %gather3A_4479 = vector.shape_cast %broadcast_in_dim3A_4478 : vector<16x1xi32> to vector<16xi32>
    %gather3A_4480 = tpu.dynamic_gather %get3A_46[%gather3A_4479] in [0] : vector<16xf32>, vector<16xi32> -> vector<16xf32>
    %eq3A_4481 = arith.constant 1 : i32
    %eq3A_4482 = vector.broadcast %eq3A_4481 : i32 to vector<16xi32>
    %eq3A_4483 = arith.cmpi eq, %shift_right_logical3A_4457, %eq3A_4482 : vector<16xi32>
    %lt3A_4484 = arith.constant 0 : i32
    %lt3A_4485 = vector.broadcast %lt3A_4484 : i32 to vector<16xi32>
    %lt3A_4486 = arith.cmpi slt, %and3A_4460, %lt3A_4485 : vector<16xi32>
    %add3A_4487 = arith.constant 16 : i32
    %add3A_4488 = vector.broadcast %add3A_4487 : i32 to vector<16xi32>
    %add3A_4489 = arith.addi %and3A_4460, %add3A_4488 : vector<16xi32>
    %select_n3A_4490 = arith.select %lt3A_4486, %add3A_4489, %and3A_4460 : vector<16xi1>, vector<16xi32>
    %broadcast_in_dim3A_4491 = vector.shape_cast %select_n3A_4490 : vector<16xi32> to vector<16x1xi32>
    %gather3A_4492 = vector.shape_cast %broadcast_in_dim3A_4491 : vector<16x1xi32> to vector<16xi32>
    %gather3A_4493 = tpu.dynamic_gather %get3A_13[%gather3A_4492] in [0] : vector<16xf32>, vector<16xi32> -> vector<16xf32>
    %select_n3A_4494 = arith.select %eq3A_4483, %gather3A_4493, %gather3A_4470 : vector<16xi1>, vector<16xf32>
    %lt3A_4495 = arith.constant 0 : i32
    %lt3A_4496 = vector.broadcast %lt3A_4495 : i32 to vector<16xi32>
    %lt3A_4497 = arith.cmpi slt, %and3A_4460, %lt3A_4496 : vector<16xi32>
    %add3A_4498 = arith.constant 16 : i32
    %add3A_4499 = vector.broadcast %add3A_4498 : i32 to vector<16xi32>
    %add3A_4500 = arith.addi %and3A_4460, %add3A_4499 : vector<16xi32>
    %select_n3A_4501 = arith.select %lt3A_4497, %add3A_4500, %and3A_4460 : vector<16xi1>, vector<16xi32>
    %broadcast_in_dim3A_4502 = vector.shape_cast %select_n3A_4501 : vector<16xi32> to vector<16x1xi32>
    %gather3A_4503 = vector.shape_cast %broadcast_in_dim3A_4502 : vector<16x1xi32> to vector<16xi32>
    %gather3A_4504 = tpu.dynamic_gather %get3A_49[%gather3A_4503] in [0] : vector<16xf32>, vector<16xi32> -> vector<16xf32>
    %select_n3A_4505 = arith.select %eq3A_4483, %gather3A_4504, %gather3A_4480 : vector<16xi1>, vector<16xf32>
    %eq3A_4506 = arith.constant 2 : i32
    %eq3A_4507 = vector.broadcast %eq3A_4506 : i32 to vector<16xi32>
    %eq3A_4508 = arith.cmpi eq, %shift_right_logical3A_4457, %eq3A_4507 : vector<16xi32>
    %lt3A_4509 = arith.constant 0 : i32
    %lt3A_4510 = vector.broadcast %lt3A_4509 : i32 to vector<16xi32>
    %lt3A_4511 = arith.cmpi slt, %and3A_4460, %lt3A_4510 : vector<16xi32>
    %add3A_4512 = arith.constant 16 : i32
    %add3A_4513 = vector.broadcast %add3A_4512 : i32 to vector<16xi32>
    %add3A_4514 = arith.addi %and3A_4460, %add3A_4513 : vector<16xi32>
    %select_n3A_4515 = arith.select %lt3A_4511, %add3A_4514, %and3A_4460 : vector<16xi1>, vector<16xi32>
    %broadcast_in_dim3A_4516 = vector.shape_cast %select_n3A_4515 : vector<16xi32> to vector<16x1xi32>
    %gather3A_4517 = vector.shape_cast %broadcast_in_dim3A_4516 : vector<16x1xi32> to vector<16xi32>
    %gather3A_4518 = tpu.dynamic_gather %get3A_16[%gather3A_4517] in [0] : vector<16xf32>, vector<16xi32> -> vector<16xf32>
    %select_n3A_4519 = arith.select %eq3A_4508, %gather3A_4518, %select_n3A_4494 : vector<16xi1>, vector<16xf32>
    %lt3A_4520 = arith.constant 0 : i32
    %lt3A_4521 = vector.broadcast %lt3A_4520 : i32 to vector<16xi32>
    %lt3A_4522 = arith.cmpi slt, %and3A_4460, %lt3A_4521 : vector<16xi32>
    %add3A_4523 = arith.constant 16 : i32
    %add3A_4524 = vector.broadcast %add3A_4523 : i32 to vector<16xi32>
    %add3A_4525 = arith.addi %and3A_4460, %add3A_4524 : vector<16xi32>
    %select_n3A_4526 = arith.select %lt3A_4522, %add3A_4525, %and3A_4460 : vector<16xi1>, vector<16xi32>
    %broadcast_in_dim3A_4527 = vector.shape_cast %select_n3A_4526 : vector<16xi32> to vector<16x1xi32>
    %gather3A_4528 = vector.shape_cast %broadcast_in_dim3A_4527 : vector<16x1xi32> to vector<16xi32>
    %gather3A_4529 = tpu.dynamic_gather %get3A_52[%gather3A_4528] in [0] : vector<16xf32>, vector<16xi32> -> vector<16xf32>
    %select_n3A_4530 = arith.select %eq3A_4508, %gather3A_4529, %select_n3A_4505 : vector<16xi1>, vector<16xf32>
    %eq3A_4531 = arith.constant 3 : i32
    %eq3A_4532 = vector.broadcast %eq3A_4531 : i32 to vector<16xi32>
    %eq3A_4533 = arith.cmpi eq, %shift_right_logical3A_4457, %eq3A_4532 : vector<16xi32>
    %lt3A_4534 = arith.constant 0 : i32
    %lt3A_4535 = vector.broadcast %lt3A_4534 : i32 to vector<16xi32>
    %lt3A_4536 = arith.cmpi slt, %and3A_4460, %lt3A_4535 : vector<16xi32>
    %add3A_4537 = arith.constant 16 : i32
    %add3A_4538 = vector.broadcast %add3A_4537 : i32 to vector<16xi32>
    %add3A_4539 = arith.addi %and3A_4460, %add3A_4538 : vector<16xi32>
    %select_n3A_4540 = arith.select %lt3A_4536, %add3A_4539, %and3A_4460 : vector<16xi1>, vector<16xi32>
    %broadcast_in_dim3A_4541 = vector.shape_cast %select_n3A_4540 : vector<16xi32> to vector<16x1xi32>
    %gather3A_4542 = vector.shape_cast %broadcast_in_dim3A_4541 : vector<16x1xi32> to vector<16xi32>
    %gather3A_4543 = tpu.dynamic_gather %get3A_19[%gather3A_4542] in [0] : vector<16xf32>, vector<16xi32> -> vector<16xf32>
    %select_n3A_4544 = arith.select %eq3A_4533, %gather3A_4543, %select_n3A_4519 : vector<16xi1>, vector<16xf32>
    %lt3A_4545 = arith.constant 0 : i32
    %lt3A_4546 = vector.broadcast %lt3A_4545 : i32 to vector<16xi32>
    %lt3A_4547 = arith.cmpi slt, %and3A_4460, %lt3A_4546 : vector<16xi32>
    %add3A_4548 = arith.constant 16 : i32
    %add3A_4549 = vector.broadcast %add3A_4548 : i32 to vector<16xi32>
    %add3A_4550 = arith.addi %and3A_4460, %add3A_4549 : vector<16xi32>
    %select_n3A_4551 = arith.select %lt3A_4547, %add3A_4550, %and3A_4460 : vector<16xi1>, vector<16xi32>
    %broadcast_in_dim3A_4552 = vector.shape_cast %select_n3A_4551 : vector<16xi32> to vector<16x1xi32>
    %gather3A_4553 = vector.shape_cast %broadcast_in_dim3A_4552 : vector<16x1xi32> to vector<16xi32>
    %gather3A_4554 = tpu.dynamic_gather %get3A_55[%gather3A_4553] in [0] : vector<16xf32>, vector<16xi32> -> vector<16xf32>
    %select_n3A_4555 = arith.select %eq3A_4533, %gather3A_4554, %select_n3A_4530 : vector<16xi1>, vector<16xf32>
    %eq3A_4556 = arith.constant 4 : i32
    %eq3A_4557 = vector.broadcast %eq3A_4556 : i32 to vector<16xi32>
    %eq3A_4558 = arith.cmpi eq, %shift_right_logical3A_4457, %eq3A_4557 : vector<16xi32>
    %lt3A_4559 = arith.constant 0 : i32
    %lt3A_4560 = vector.broadcast %lt3A_4559 : i32 to vector<16xi32>
    %lt3A_4561 = arith.cmpi slt, %and3A_4460, %lt3A_4560 : vector<16xi32>
    %add3A_4562 = arith.constant 16 : i32
    %add3A_4563 = vector.broadcast %add3A_4562 : i32 to vector<16xi32>
    %add3A_4564 = arith.addi %and3A_4460, %add3A_4563 : vector<16xi32>
    %select_n3A_4565 = arith.select %lt3A_4561, %add3A_4564, %and3A_4460 : vector<16xi1>, vector<16xi32>
    %broadcast_in_dim3A_4566 = vector.shape_cast %select_n3A_4565 : vector<16xi32> to vector<16x1xi32>
    %gather3A_4567 = vector.shape_cast %broadcast_in_dim3A_4566 : vector<16x1xi32> to vector<16xi32>
    %gather3A_4568 = tpu.dynamic_gather %get3A_22[%gather3A_4567] in [0] : vector<16xf32>, vector<16xi32> -> vector<16xf32>
    %select_n3A_4569 = arith.select %eq3A_4558, %gather3A_4568, %select_n3A_4544 : vector<16xi1>, vector<16xf32>
    %lt3A_4570 = arith.constant 0 : i32
    %lt3A_4571 = vector.broadcast %lt3A_4570 : i32 to vector<16xi32>
    %lt3A_4572 = arith.cmpi slt, %and3A_4460, %lt3A_4571 : vector<16xi32>
    %add3A_4573 = arith.constant 16 : i32
    %add3A_4574 = vector.broadcast %add3A_4573 : i32 to vector<16xi32>
    %add3A_4575 = arith.addi %and3A_4460, %add3A_4574 : vector<16xi32>
    %select_n3A_4576 = arith.select %lt3A_4572, %add3A_4575, %and3A_4460 : vector<16xi1>, vector<16xi32>
    %broadcast_in_dim3A_4577 = vector.shape_cast %select_n3A_4576 : vector<16xi32> to vector<16x1xi32>
    %gather3A_4578 = vector.shape_cast %broadcast_in_dim3A_4577 : vector<16x1xi32> to vector<16xi32>
    %gather3A_4579 = tpu.dynamic_gather %get3A_58[%gather3A_4578] in [0] : vector<16xf32>, vector<16xi32> -> vector<16xf32>
    %select_n3A_4580 = arith.select %eq3A_4558, %gather3A_4579, %select_n3A_4555 : vector<16xi1>, vector<16xf32>
    %eq3A_4581 = arith.constant 5 : i32
    %eq3A_4582 = vector.broadcast %eq3A_4581 : i32 to vector<16xi32>
    %eq3A_4583 = arith.cmpi eq, %shift_right_logical3A_4457, %eq3A_4582 : vector<16xi32>
    %lt3A_4584 = arith.constant 0 : i32
    %lt3A_4585 = vector.broadcast %lt3A_4584 : i32 to vector<16xi32>
    %lt3A_4586 = arith.cmpi slt, %and3A_4460, %lt3A_4585 : vector<16xi32>
    %add3A_4587 = arith.constant 16 : i32
    %add3A_4588 = vector.broadcast %add3A_4587 : i32 to vector<16xi32>
    %add3A_4589 = arith.addi %and3A_4460, %add3A_4588 : vector<16xi32>
    %select_n3A_4590 = arith.select %lt3A_4586, %add3A_4589, %and3A_4460 : vector<16xi1>, vector<16xi32>
    %broadcast_in_dim3A_4591 = vector.shape_cast %select_n3A_4590 : vector<16xi32> to vector<16x1xi32>
    %gather3A_4592 = vector.shape_cast %broadcast_in_dim3A_4591 : vector<16x1xi32> to vector<16xi32>
    %gather3A_4593 = tpu.dynamic_gather %get3A_25[%gather3A_4592] in [0] : vector<16xf32>, vector<16xi32> -> vector<16xf32>
    %select_n3A_4594 = arith.select %eq3A_4583, %gather3A_4593, %select_n3A_4569 : vector<16xi1>, vector<16xf32>
    %lt3A_4595 = arith.constant 0 : i32
    %lt3A_4596 = vector.broadcast %lt3A_4595 : i32 to vector<16xi32>
    %lt3A_4597 = arith.cmpi slt, %and3A_4460, %lt3A_4596 : vector<16xi32>
    %add3A_4598 = arith.constant 16 : i32
    %add3A_4599 = vector.broadcast %add3A_4598 : i32 to vector<16xi32>
    %add3A_4600 = arith.addi %and3A_4460, %add3A_4599 : vector<16xi32>
    %select_n3A_4601 = arith.select %lt3A_4597, %add3A_4600, %and3A_4460 : vector<16xi1>, vector<16xi32>
    %broadcast_in_dim3A_4602 = vector.shape_cast %select_n3A_4601 : vector<16xi32> to vector<16x1xi32>
    %gather3A_4603 = vector.shape_cast %broadcast_in_dim3A_4602 : vector<16x1xi32> to vector<16xi32>
    %gather3A_4604 = tpu.dynamic_gather %get3A_61[%gather3A_4603] in [0] : vector<16xf32>, vector<16xi32> -> vector<16xf32>
    %select_n3A_4605 = arith.select %eq3A_4583, %gather3A_4604, %select_n3A_4580 : vector<16xi1>, vector<16xf32>
    %eq3A_4606 = arith.constant 6 : i32
    %eq3A_4607 = vector.broadcast %eq3A_4606 : i32 to vector<16xi32>
    %eq3A_4608 = arith.cmpi eq, %shift_right_logical3A_4457, %eq3A_4607 : vector<16xi32>
    %lt3A_4609 = arith.constant 0 : i32
    %lt3A_4610 = vector.broadcast %lt3A_4609 : i32 to vector<16xi32>
    %lt3A_4611 = arith.cmpi slt, %and3A_4460, %lt3A_4610 : vector<16xi32>
    %add3A_4612 = arith.constant 16 : i32
    %add3A_4613 = vector.broadcast %add3A_4612 : i32 to vector<16xi32>
    %add3A_4614 = arith.addi %and3A_4460, %add3A_4613 : vector<16xi32>
    %select_n3A_4615 = arith.select %lt3A_4611, %add3A_4614, %and3A_4460 : vector<16xi1>, vector<16xi32>
    %broadcast_in_dim3A_4616 = vector.shape_cast %select_n3A_4615 : vector<16xi32> to vector<16x1xi32>
    %gather3A_4617 = vector.shape_cast %broadcast_in_dim3A_4616 : vector<16x1xi32> to vector<16xi32>
    %gather3A_4618 = tpu.dynamic_gather %get3A_28[%gather3A_4617] in [0] : vector<16xf32>, vector<16xi32> -> vector<16xf32>
    %select_n3A_4619 = arith.select %eq3A_4608, %gather3A_4618, %select_n3A_4594 : vector<16xi1>, vector<16xf32>
    %lt3A_4620 = arith.constant 0 : i32
    %lt3A_4621 = vector.broadcast %lt3A_4620 : i32 to vector<16xi32>
    %lt3A_4622 = arith.cmpi slt, %and3A_4460, %lt3A_4621 : vector<16xi32>
    %add3A_4623 = arith.constant 16 : i32
    %add3A_4624 = vector.broadcast %add3A_4623 : i32 to vector<16xi32>
    %add3A_4625 = arith.addi %and3A_4460, %add3A_4624 : vector<16xi32>
    %select_n3A_4626 = arith.select %lt3A_4622, %add3A_4625, %and3A_4460 : vector<16xi1>, vector<16xi32>
    %broadcast_in_dim3A_4627 = vector.shape_cast %select_n3A_4626 : vector<16xi32> to vector<16x1xi32>
    %gather3A_4628 = vector.shape_cast %broadcast_in_dim3A_4627 : vector<16x1xi32> to vector<16xi32>
    %gather3A_4629 = tpu.dynamic_gather %get3A_64[%gather3A_4628] in [0] : vector<16xf32>, vector<16xi32> -> vector<16xf32>
    %select_n3A_4630 = arith.select %eq3A_4608, %gather3A_4629, %select_n3A_4605 : vector<16xi1>, vector<16xf32>
    %eq3A_4631 = arith.constant 7 : i32
    %eq3A_4632 = vector.broadcast %eq3A_4631 : i32 to vector<16xi32>
    %eq3A_4633 = arith.cmpi eq, %shift_right_logical3A_4457, %eq3A_4632 : vector<16xi32>
    %lt3A_4634 = arith.constant 0 : i32
    %lt3A_4635 = vector.broadcast %lt3A_4634 : i32 to vector<16xi32>
    %lt3A_4636 = arith.cmpi slt, %and3A_4460, %lt3A_4635 : vector<16xi32>
    %add3A_4637 = arith.constant 16 : i32
    %add3A_4638 = vector.broadcast %add3A_4637 : i32 to vector<16xi32>
    %add3A_4639 = arith.addi %and3A_4460, %add3A_4638 : vector<16xi32>
    %select_n3A_4640 = arith.select %lt3A_4636, %add3A_4639, %and3A_4460 : vector<16xi1>, vector<16xi32>
    %broadcast_in_dim3A_4641 = vector.shape_cast %select_n3A_4640 : vector<16xi32> to vector<16x1xi32>
    %gather3A_4642 = vector.shape_cast %broadcast_in_dim3A_4641 : vector<16x1xi32> to vector<16xi32>
    %gather3A_4643 = tpu.dynamic_gather %get3A_31[%gather3A_4642] in [0] : vector<16xf32>, vector<16xi32> -> vector<16xf32>
    %select_n3A_4644 = arith.select %eq3A_4633, %gather3A_4643, %select_n3A_4619 : vector<16xi1>, vector<16xf32>
    %lt3A_4645 = arith.constant 0 : i32
    %lt3A_4646 = vector.broadcast %lt3A_4645 : i32 to vector<16xi32>
    %lt3A_4647 = arith.cmpi slt, %and3A_4460, %lt3A_4646 : vector<16xi32>
    %add3A_4648 = arith.constant 16 : i32
    %add3A_4649 = vector.broadcast %add3A_4648 : i32 to vector<16xi32>
    %add3A_4650 = arith.addi %and3A_4460, %add3A_4649 : vector<16xi32>
    %select_n3A_4651 = arith.select %lt3A_4647, %add3A_4650, %and3A_4460 : vector<16xi1>, vector<16xi32>
    %broadcast_in_dim3A_4652 = vector.shape_cast %select_n3A_4651 : vector<16xi32> to vector<16x1xi32>
    %gather3A_4653 = vector.shape_cast %broadcast_in_dim3A_4652 : vector<16x1xi32> to vector<16xi32>
    %gather3A_4654 = tpu.dynamic_gather %get3A_67[%gather3A_4653] in [0] : vector<16xf32>, vector<16xi32> -> vector<16xf32>
    %select_n3A_4655 = arith.select %eq3A_4633, %gather3A_4654, %select_n3A_4630 : vector<16xi1>, vector<16xf32>
    %eq3A_4656 = arith.constant 8 : i32
    %eq3A_4657 = vector.broadcast %eq3A_4656 : i32 to vector<16xi32>
    %eq3A_4658 = arith.cmpi eq, %shift_right_logical3A_4457, %eq3A_4657 : vector<16xi32>
    %lt3A_4659 = arith.constant 0 : i32
    %lt3A_4660 = vector.broadcast %lt3A_4659 : i32 to vector<16xi32>
    %lt3A_4661 = arith.cmpi slt, %and3A_4460, %lt3A_4660 : vector<16xi32>
    %add3A_4662 = arith.constant 16 : i32
    %add3A_4663 = vector.broadcast %add3A_4662 : i32 to vector<16xi32>
    %add3A_4664 = arith.addi %and3A_4460, %add3A_4663 : vector<16xi32>
    %select_n3A_4665 = arith.select %lt3A_4661, %add3A_4664, %and3A_4460 : vector<16xi1>, vector<16xi32>
    %broadcast_in_dim3A_4666 = vector.shape_cast %select_n3A_4665 : vector<16xi32> to vector<16x1xi32>
    %gather3A_4667 = vector.shape_cast %broadcast_in_dim3A_4666 : vector<16x1xi32> to vector<16xi32>
    %gather3A_4668 = tpu.dynamic_gather %get3A_34[%gather3A_4667] in [0] : vector<16xf32>, vector<16xi32> -> vector<16xf32>
    %select_n3A_4669 = arith.select %eq3A_4658, %gather3A_4668, %select_n3A_4644 : vector<16xi1>, vector<16xf32>
    %lt3A_4670 = arith.constant 0 : i32
    %lt3A_4671 = vector.broadcast %lt3A_4670 : i32 to vector<16xi32>
    %lt3A_4672 = arith.cmpi slt, %and3A_4460, %lt3A_4671 : vector<16xi32>
    %add3A_4673 = arith.constant 16 : i32
    %add3A_4674 = vector.broadcast %add3A_4673 : i32 to vector<16xi32>
    %add3A_4675 = arith.addi %and3A_4460, %add3A_4674 : vector<16xi32>
    %select_n3A_4676 = arith.select %lt3A_4672, %add3A_4675, %and3A_4460 : vector<16xi1>, vector<16xi32>
    %broadcast_in_dim3A_4677 = vector.shape_cast %select_n3A_4676 : vector<16xi32> to vector<16x1xi32>
    %gather3A_4678 = vector.shape_cast %broadcast_in_dim3A_4677 : vector<16x1xi32> to vector<16xi32>
    %gather3A_4679 = tpu.dynamic_gather %get3A_70[%gather3A_4678] in [0] : vector<16xf32>, vector<16xi32> -> vector<16xf32>
    %select_n3A_4680 = arith.select %eq3A_4658, %gather3A_4679, %select_n3A_4655 : vector<16xi1>, vector<16xf32>
    %eq3A_4681 = arith.constant 9 : i32
    %eq3A_4682 = vector.broadcast %eq3A_4681 : i32 to vector<16xi32>
    %eq3A_4683 = arith.cmpi eq, %shift_right_logical3A_4457, %eq3A_4682 : vector<16xi32>
    %lt3A_4684 = arith.constant 0 : i32
    %lt3A_4685 = vector.broadcast %lt3A_4684 : i32 to vector<16xi32>
    %lt3A_4686 = arith.cmpi slt, %and3A_4460, %lt3A_4685 : vector<16xi32>
    %add3A_4687 = arith.constant 16 : i32
    %add3A_4688 = vector.broadcast %add3A_4687 : i32 to vector<16xi32>
    %add3A_4689 = arith.addi %and3A_4460, %add3A_4688 : vector<16xi32>
    %select_n3A_4690 = arith.select %lt3A_4686, %add3A_4689, %and3A_4460 : vector<16xi1>, vector<16xi32>
    %broadcast_in_dim3A_4691 = vector.shape_cast %select_n3A_4690 : vector<16xi32> to vector<16x1xi32>
    %gather3A_4692 = vector.shape_cast %broadcast_in_dim3A_4691 : vector<16x1xi32> to vector<16xi32>
    %gather3A_4693 = tpu.dynamic_gather %get3A_37[%gather3A_4692] in [0] : vector<16xf32>, vector<16xi32> -> vector<16xf32>
    %select_n3A_4694 = arith.select %eq3A_4683, %gather3A_4693, %select_n3A_4669 : vector<16xi1>, vector<16xf32>
    %lt3A_4695 = arith.constant 0 : i32
    %lt3A_4696 = vector.broadcast %lt3A_4695 : i32 to vector<16xi32>
    %lt3A_4697 = arith.cmpi slt, %and3A_4460, %lt3A_4696 : vector<16xi32>
    %add3A_4698 = arith.constant 16 : i32
    %add3A_4699 = vector.broadcast %add3A_4698 : i32 to vector<16xi32>
    %add3A_4700 = arith.addi %and3A_4460, %add3A_4699 : vector<16xi32>
    %select_n3A_4701 = arith.select %lt3A_4697, %add3A_4700, %and3A_4460 : vector<16xi1>, vector<16xi32>
    %broadcast_in_dim3A_4702 = vector.shape_cast %select_n3A_4701 : vector<16xi32> to vector<16x1xi32>
    %gather3A_4703 = vector.shape_cast %broadcast_in_dim3A_4702 : vector<16x1xi32> to vector<16xi32>
    %gather3A_4704 = tpu.dynamic_gather %get3A_73[%gather3A_4703] in [0] : vector<16xf32>, vector<16xi32> -> vector<16xf32>
    %select_n3A_4705 = arith.select %eq3A_4683, %gather3A_4704, %select_n3A_4680 : vector<16xi1>, vector<16xf32>
    %eq3A_4706 = arith.constant 10 : i32
    %eq3A_4707 = vector.broadcast %eq3A_4706 : i32 to vector<16xi32>
    %eq3A_4708 = arith.cmpi eq, %shift_right_logical3A_4457, %eq3A_4707 : vector<16xi32>
    %lt3A_4709 = arith.constant 0 : i32
    %lt3A_4710 = vector.broadcast %lt3A_4709 : i32 to vector<16xi32>
    %lt3A_4711 = arith.cmpi slt, %and3A_4460, %lt3A_4710 : vector<16xi32>
    %add3A_4712 = arith.constant 16 : i32
    %add3A_4713 = vector.broadcast %add3A_4712 : i32 to vector<16xi32>
    %add3A_4714 = arith.addi %and3A_4460, %add3A_4713 : vector<16xi32>
    %select_n3A_4715 = arith.select %lt3A_4711, %add3A_4714, %and3A_4460 : vector<16xi1>, vector<16xi32>
    %broadcast_in_dim3A_4716 = vector.shape_cast %select_n3A_4715 : vector<16xi32> to vector<16x1xi32>
    %gather3A_4717 = vector.shape_cast %broadcast_in_dim3A_4716 : vector<16x1xi32> to vector<16xi32>
    %gather3A_4718 = tpu.dynamic_gather %get3A_40[%gather3A_4717] in [0] : vector<16xf32>, vector<16xi32> -> vector<16xf32>
    %select_n3A_4719 = arith.select %eq3A_4708, %gather3A_4718, %select_n3A_4694 : vector<16xi1>, vector<16xf32>
    %lt3A_4720 = arith.constant 0 : i32
    %lt3A_4721 = vector.broadcast %lt3A_4720 : i32 to vector<16xi32>
    %lt3A_4722 = arith.cmpi slt, %and3A_4460, %lt3A_4721 : vector<16xi32>
    %add3A_4723 = arith.constant 16 : i32
    %add3A_4724 = vector.broadcast %add3A_4723 : i32 to vector<16xi32>
    %add3A_4725 = arith.addi %and3A_4460, %add3A_4724 : vector<16xi32>
    %select_n3A_4726 = arith.select %lt3A_4722, %add3A_4725, %and3A_4460 : vector<16xi1>, vector<16xi32>
    %broadcast_in_dim3A_4727 = vector.shape_cast %select_n3A_4726 : vector<16xi32> to vector<16x1xi32>
    %gather3A_4728 = vector.shape_cast %broadcast_in_dim3A_4727 : vector<16x1xi32> to vector<16xi32>
    %gather3A_4729 = tpu.dynamic_gather %get3A_76[%gather3A_4728] in [0] : vector<16xf32>, vector<16xi32> -> vector<16xf32>
    %select_n3A_4730 = arith.select %eq3A_4708, %gather3A_4729, %select_n3A_4705 : vector<16xi1>, vector<16xf32>
    %eq3A_4731 = arith.constant 11 : i32
    %eq3A_4732 = vector.broadcast %eq3A_4731 : i32 to vector<16xi32>
    %eq3A_4733 = arith.cmpi eq, %shift_right_logical3A_4457, %eq3A_4732 : vector<16xi32>
    %lt3A_4734 = arith.constant 0 : i32
    %lt3A_4735 = vector.broadcast %lt3A_4734 : i32 to vector<16xi32>
    %lt3A_4736 = arith.cmpi slt, %and3A_4460, %lt3A_4735 : vector<16xi32>
    %add3A_4737 = arith.constant 16 : i32
    %add3A_4738 = vector.broadcast %add3A_4737 : i32 to vector<16xi32>
    %add3A_4739 = arith.addi %and3A_4460, %add3A_4738 : vector<16xi32>
    %select_n3A_4740 = arith.select %lt3A_4736, %add3A_4739, %and3A_4460 : vector<16xi1>, vector<16xi32>
    %broadcast_in_dim3A_4741 = vector.shape_cast %select_n3A_4740 : vector<16xi32> to vector<16x1xi32>
    %gather3A_4742 = vector.shape_cast %broadcast_in_dim3A_4741 : vector<16x1xi32> to vector<16xi32>
    %gather3A_4743 = tpu.dynamic_gather %get3A_43[%gather3A_4742] in [0] : vector<16xf32>, vector<16xi32> -> vector<16xf32>
    %select_n3A_4744 = arith.select %eq3A_4733, %gather3A_4743, %select_n3A_4719 : vector<16xi1>, vector<16xf32>
    %lt3A_4745 = arith.constant 0 : i32
    %lt3A_4746 = vector.broadcast %lt3A_4745 : i32 to vector<16xi32>
    %lt3A_4747 = arith.cmpi slt, %and3A_4460, %lt3A_4746 : vector<16xi32>
    %add3A_4748 = arith.constant 16 : i32
    %add3A_4749 = vector.broadcast %add3A_4748 : i32 to vector<16xi32>
    %add3A_4750 = arith.addi %and3A_4460, %add3A_4749 : vector<16xi32>
    %select_n3A_4751 = arith.select %lt3A_4747, %add3A_4750, %and3A_4460 : vector<16xi1>, vector<16xi32>
    %broadcast_in_dim3A_4752 = vector.shape_cast %select_n3A_4751 : vector<16xi32> to vector<16x1xi32>
    %gather3A_4753 = vector.shape_cast %broadcast_in_dim3A_4752 : vector<16x1xi32> to vector<16xi32>
    %gather3A_4754 = tpu.dynamic_gather %get3A_79[%gather3A_4753] in [0] : vector<16xf32>, vector<16xi32> -> vector<16xf32>
    %select_n3A_4755 = arith.select %eq3A_4733, %gather3A_4754, %select_n3A_4730 : vector<16xi1>, vector<16xf32>
    %get3A_4756 = arith.constant 224 : index
    %get3A_4757 = tpu.vector_load %arg8[%get3A_4756] {strides = array<i32>} : memref<256xf32, #tpu.memory_space<vmem>>, vector<16xf32>,
    %get3A_4758 = vector.shape_cast %get3A_4757 : vector<16xf32> to vector<16xf32>
    %sub3A_4759 = arith.subf %get3A_4758, %select_n3A_4744 : vector<16xf32>
    %div3A_4760 = arith.divf %sub3A_4759, %select_n3A_4755 : vector<16xf32>
    %swap3A_4761 = arith.constant 224 : index
    %swap3A_4762 = tpu.vector_load %arg11[%swap3A_4761] {strides = array<i32>} : memref<256xf32, #tpu.memory_space<vmem>>, vector<16xf32>,
    %swap3A_4763 = vector.shape_cast %swap3A_4762 : vector<16xf32> to vector<16xf32>
    %swap3A_4764 = vector.shape_cast %div3A_4760 : vector<16xf32> to vector<16xf32>
    tpu.vector_store %arg11[%swap3A_4761], %swap3A_4764 {strides = array<i32>} : memref<256xf32, #tpu.memory_space<vmem>>, vector<16xf32>,
    %get3A_4765 = arith.constant 240 : index
    %get3A_4766 = tpu.vector_load %arg7[%get3A_4765] {strides = array<i32>} : memref<256xi32, #tpu.memory_space<vmem>>, vector<16xi32>,
    %get3A_4767 = vector.shape_cast %get3A_4766 : vector<16xi32> to vector<16xi32>
    %shift_right_logical3A_4768 = arith.constant 4 : i32
    %shift_right_logical3A_4769 = vector.broadcast %shift_right_logical3A_4768 : i32 to vector<16xi32>
    %shift_right_logical3A_4770 = arith.shrui %get3A_4767, %shift_right_logical3A_4769 : vector<16xi32>
    %and3A_4771 = arith.constant 15 : i32
    %and3A_4772 = vector.broadcast %and3A_4771 : i32 to vector<16xi32>
    %and3A_4773 = arith.andi %get3A_4767, %and3A_4772 : vector<16xi32>
    %lt3A_4774 = arith.constant 0 : i32
    %lt3A_4775 = vector.broadcast %lt3A_4774 : i32 to vector<16xi32>
    %lt3A_4776 = arith.cmpi slt, %and3A_4773, %lt3A_4775 : vector<16xi32>
    %add3A_4777 = arith.constant 16 : i32
    %add3A_4778 = vector.broadcast %add3A_4777 : i32 to vector<16xi32>
    %add3A_4779 = arith.addi %and3A_4773, %add3A_4778 : vector<16xi32>
    %select_n3A_4780 = arith.select %lt3A_4776, %add3A_4779, %and3A_4773 : vector<16xi1>, vector<16xi32>
    %broadcast_in_dim3A_4781 = vector.shape_cast %select_n3A_4780 : vector<16xi32> to vector<16x1xi32>
    %gather3A_4782 = vector.shape_cast %broadcast_in_dim3A_4781 : vector<16x1xi32> to vector<16xi32>
    %gather3A_4783 = tpu.dynamic_gather %get3A_10[%gather3A_4782] in [0] : vector<16xf32>, vector<16xi32> -> vector<16xf32>
    %lt3A_4784 = arith.constant 0 : i32
    %lt3A_4785 = vector.broadcast %lt3A_4784 : i32 to vector<16xi32>
    %lt3A_4786 = arith.cmpi slt, %and3A_4773, %lt3A_4785 : vector<16xi32>
    %add3A_4787 = arith.constant 16 : i32
    %add3A_4788 = vector.broadcast %add3A_4787 : i32 to vector<16xi32>
    %add3A_4789 = arith.addi %and3A_4773, %add3A_4788 : vector<16xi32>
    %select_n3A_4790 = arith.select %lt3A_4786, %add3A_4789, %and3A_4773 : vector<16xi1>, vector<16xi32>
    %broadcast_in_dim3A_4791 = vector.shape_cast %select_n3A_4790 : vector<16xi32> to vector<16x1xi32>
    %gather3A_4792 = vector.shape_cast %broadcast_in_dim3A_4791 : vector<16x1xi32> to vector<16xi32>
    %gather3A_4793 = tpu.dynamic_gather %get3A_46[%gather3A_4792] in [0] : vector<16xf32>, vector<16xi32> -> vector<16xf32>
    %eq3A_4794 = arith.constant 1 : i32
    %eq3A_4795 = vector.broadcast %eq3A_4794 : i32 to vector<16xi32>
    %eq3A_4796 = arith.cmpi eq, %shift_right_logical3A_4770, %eq3A_4795 : vector<16xi32>
    %lt3A_4797 = arith.constant 0 : i32
    %lt3A_4798 = vector.broadcast %lt3A_4797 : i32 to vector<16xi32>
    %lt3A_4799 = arith.cmpi slt, %and3A_4773, %lt3A_4798 : vector<16xi32>
    %add3A_4800 = arith.constant 16 : i32
    %add3A_4801 = vector.broadcast %add3A_4800 : i32 to vector<16xi32>
    %add3A_4802 = arith.addi %and3A_4773, %add3A_4801 : vector<16xi32>
    %select_n3A_4803 = arith.select %lt3A_4799, %add3A_4802, %and3A_4773 : vector<16xi1>, vector<16xi32>
    %broadcast_in_dim3A_4804 = vector.shape_cast %select_n3A_4803 : vector<16xi32> to vector<16x1xi32>
    %gather3A_4805 = vector.shape_cast %broadcast_in_dim3A_4804 : vector<16x1xi32> to vector<16xi32>
    %gather3A_4806 = tpu.dynamic_gather %get3A_13[%gather3A_4805] in [0] : vector<16xf32>, vector<16xi32> -> vector<16xf32>
    %select_n3A_4807 = arith.select %eq3A_4796, %gather3A_4806, %gather3A_4783 : vector<16xi1>, vector<16xf32>
    %lt3A_4808 = arith.constant 0 : i32
    %lt3A_4809 = vector.broadcast %lt3A_4808 : i32 to vector<16xi32>
    %lt3A_4810 = arith.cmpi slt, %and3A_4773, %lt3A_4809 : vector<16xi32>
    %add3A_4811 = arith.constant 16 : i32
    %add3A_4812 = vector.broadcast %add3A_4811 : i32 to vector<16xi32>
    %add3A_4813 = arith.addi %and3A_4773, %add3A_4812 : vector<16xi32>
    %select_n3A_4814 = arith.select %lt3A_4810, %add3A_4813, %and3A_4773 : vector<16xi1>, vector<16xi32>
    %broadcast_in_dim3A_4815 = vector.shape_cast %select_n3A_4814 : vector<16xi32> to vector<16x1xi32>
    %gather3A_4816 = vector.shape_cast %broadcast_in_dim3A_4815 : vector<16x1xi32> to vector<16xi32>
    %gather3A_4817 = tpu.dynamic_gather %get3A_49[%gather3A_4816] in [0] : vector<16xf32>, vector<16xi32> -> vector<16xf32>
    %select_n3A_4818 = arith.select %eq3A_4796, %gather3A_4817, %gather3A_4793 : vector<16xi1>, vector<16xf32>
    %eq3A_4819 = arith.constant 2 : i32
    %eq3A_4820 = vector.broadcast %eq3A_4819 : i32 to vector<16xi32>
    %eq3A_4821 = arith.cmpi eq, %shift_right_logical3A_4770, %eq3A_4820 : vector<16xi32>
    %lt3A_4822 = arith.constant 0 : i32
    %lt3A_4823 = vector.broadcast %lt3A_4822 : i32 to vector<16xi32>
    %lt3A_4824 = arith.cmpi slt, %and3A_4773, %lt3A_4823 : vector<16xi32>
    %add3A_4825 = arith.constant 16 : i32
    %add3A_4826 = vector.broadcast %add3A_4825 : i32 to vector<16xi32>
    %add3A_4827 = arith.addi %and3A_4773, %add3A_4826 : vector<16xi32>
    %select_n3A_4828 = arith.select %lt3A_4824, %add3A_4827, %and3A_4773 : vector<16xi1>, vector<16xi32>
    %broadcast_in_dim3A_4829 = vector.shape_cast %select_n3A_4828 : vector<16xi32> to vector<16x1xi32>
    %gather3A_4830 = vector.shape_cast %broadcast_in_dim3A_4829 : vector<16x1xi32> to vector<16xi32>
    %gather3A_4831 = tpu.dynamic_gather %get3A_16[%gather3A_4830] in [0] : vector<16xf32>, vector<16xi32> -> vector<16xf32>
    %select_n3A_4832 = arith.select %eq3A_4821, %gather3A_4831, %select_n3A_4807 : vector<16xi1>, vector<16xf32>
    %lt3A_4833 = arith.constant 0 : i32
    %lt3A_4834 = vector.broadcast %lt3A_4833 : i32 to vector<16xi32>
    %lt3A_4835 = arith.cmpi slt, %and3A_4773, %lt3A_4834 : vector<16xi32>
    %add3A_4836 = arith.constant 16 : i32
    %add3A_4837 = vector.broadcast %add3A_4836 : i32 to vector<16xi32>
    %add3A_4838 = arith.addi %and3A_4773, %add3A_4837 : vector<16xi32>
    %select_n3A_4839 = arith.select %lt3A_4835, %add3A_4838, %and3A_4773 : vector<16xi1>, vector<16xi32>
    %broadcast_in_dim3A_4840 = vector.shape_cast %select_n3A_4839 : vector<16xi32> to vector<16x1xi32>
    %gather3A_4841 = vector.shape_cast %broadcast_in_dim3A_4840 : vector<16x1xi32> to vector<16xi32>
    %gather3A_4842 = tpu.dynamic_gather %get3A_52[%gather3A_4841] in [0] : vector<16xf32>, vector<16xi32> -> vector<16xf32>
    %select_n3A_4843 = arith.select %eq3A_4821, %gather3A_4842, %select_n3A_4818 : vector<16xi1>, vector<16xf32>
    %eq3A_4844 = arith.constant 3 : i32
    %eq3A_4845 = vector.broadcast %eq3A_4844 : i32 to vector<16xi32>
    %eq3A_4846 = arith.cmpi eq, %shift_right_logical3A_4770, %eq3A_4845 : vector<16xi32>
    %lt3A_4847 = arith.constant 0 : i32
    %lt3A_4848 = vector.broadcast %lt3A_4847 : i32 to vector<16xi32>
    %lt3A_4849 = arith.cmpi slt, %and3A_4773, %lt3A_4848 : vector<16xi32>
    %add3A_4850 = arith.constant 16 : i32
    %add3A_4851 = vector.broadcast %add3A_4850 : i32 to vector<16xi32>
    %add3A_4852 = arith.addi %and3A_4773, %add3A_4851 : vector<16xi32>
    %select_n3A_4853 = arith.select %lt3A_4849, %add3A_4852, %and3A_4773 : vector<16xi1>, vector<16xi32>
    %broadcast_in_dim3A_4854 = vector.shape_cast %select_n3A_4853 : vector<16xi32> to vector<16x1xi32>
    %gather3A_4855 = vector.shape_cast %broadcast_in_dim3A_4854 : vector<16x1xi32> to vector<16xi32>
    %gather3A_4856 = tpu.dynamic_gather %get3A_19[%gather3A_4855] in [0] : vector<16xf32>, vector<16xi32> -> vector<16xf32>
    %select_n3A_4857 = arith.select %eq3A_4846, %gather3A_4856, %select_n3A_4832 : vector<16xi1>, vector<16xf32>
    %lt3A_4858 = arith.constant 0 : i32
    %lt3A_4859 = vector.broadcast %lt3A_4858 : i32 to vector<16xi32>
    %lt3A_4860 = arith.cmpi slt, %and3A_4773, %lt3A_4859 : vector<16xi32>
    %add3A_4861 = arith.constant 16 : i32
    %add3A_4862 = vector.broadcast %add3A_4861 : i32 to vector<16xi32>
    %add3A_4863 = arith.addi %and3A_4773, %add3A_4862 : vector<16xi32>
    %select_n3A_4864 = arith.select %lt3A_4860, %add3A_4863, %and3A_4773 : vector<16xi1>, vector<16xi32>
    %broadcast_in_dim3A_4865 = vector.shape_cast %select_n3A_4864 : vector<16xi32> to vector<16x1xi32>
    %gather3A_4866 = vector.shape_cast %broadcast_in_dim3A_4865 : vector<16x1xi32> to vector<16xi32>
    %gather3A_4867 = tpu.dynamic_gather %get3A_55[%gather3A_4866] in [0] : vector<16xf32>, vector<16xi32> -> vector<16xf32>
    %select_n3A_4868 = arith.select %eq3A_4846, %gather3A_4867, %select_n3A_4843 : vector<16xi1>, vector<16xf32>
    %eq3A_4869 = arith.constant 4 : i32
    %eq3A_4870 = vector.broadcast %eq3A_4869 : i32 to vector<16xi32>
    %eq3A_4871 = arith.cmpi eq, %shift_right_logical3A_4770, %eq3A_4870 : vector<16xi32>
    %lt3A_4872 = arith.constant 0 : i32
    %lt3A_4873 = vector.broadcast %lt3A_4872 : i32 to vector<16xi32>
    %lt3A_4874 = arith.cmpi slt, %and3A_4773, %lt3A_4873 : vector<16xi32>
    %add3A_4875 = arith.constant 16 : i32
    %add3A_4876 = vector.broadcast %add3A_4875 : i32 to vector<16xi32>
    %add3A_4877 = arith.addi %and3A_4773, %add3A_4876 : vector<16xi32>
    %select_n3A_4878 = arith.select %lt3A_4874, %add3A_4877, %and3A_4773 : vector<16xi1>, vector<16xi32>
    %broadcast_in_dim3A_4879 = vector.shape_cast %select_n3A_4878 : vector<16xi32> to vector<16x1xi32>
    %gather3A_4880 = vector.shape_cast %broadcast_in_dim3A_4879 : vector<16x1xi32> to vector<16xi32>
    %gather3A_4881 = tpu.dynamic_gather %get3A_22[%gather3A_4880] in [0] : vector<16xf32>, vector<16xi32> -> vector<16xf32>
    %select_n3A_4882 = arith.select %eq3A_4871, %gather3A_4881, %select_n3A_4857 : vector<16xi1>, vector<16xf32>
    %lt3A_4883 = arith.constant 0 : i32
    %lt3A_4884 = vector.broadcast %lt3A_4883 : i32 to vector<16xi32>
    %lt3A_4885 = arith.cmpi slt, %and3A_4773, %lt3A_4884 : vector<16xi32>
    %add3A_4886 = arith.constant 16 : i32
    %add3A_4887 = vector.broadcast %add3A_4886 : i32 to vector<16xi32>
    %add3A_4888 = arith.addi %and3A_4773, %add3A_4887 : vector<16xi32>
    %select_n3A_4889 = arith.select %lt3A_4885, %add3A_4888, %and3A_4773 : vector<16xi1>, vector<16xi32>
    %broadcast_in_dim3A_4890 = vector.shape_cast %select_n3A_4889 : vector<16xi32> to vector<16x1xi32>
    %gather3A_4891 = vector.shape_cast %broadcast_in_dim3A_4890 : vector<16x1xi32> to vector<16xi32>
    %gather3A_4892 = tpu.dynamic_gather %get3A_58[%gather3A_4891] in [0] : vector<16xf32>, vector<16xi32> -> vector<16xf32>
    %select_n3A_4893 = arith.select %eq3A_4871, %gather3A_4892, %select_n3A_4868 : vector<16xi1>, vector<16xf32>
    %eq3A_4894 = arith.constant 5 : i32
    %eq3A_4895 = vector.broadcast %eq3A_4894 : i32 to vector<16xi32>
    %eq3A_4896 = arith.cmpi eq, %shift_right_logical3A_4770, %eq3A_4895 : vector<16xi32>
    %lt3A_4897 = arith.constant 0 : i32
    %lt3A_4898 = vector.broadcast %lt3A_4897 : i32 to vector<16xi32>
    %lt3A_4899 = arith.cmpi slt, %and3A_4773, %lt3A_4898 : vector<16xi32>
    %add3A_4900 = arith.constant 16 : i32
    %add3A_4901 = vector.broadcast %add3A_4900 : i32 to vector<16xi32>
    %add3A_4902 = arith.addi %and3A_4773, %add3A_4901 : vector<16xi32>
    %select_n3A_4903 = arith.select %lt3A_4899, %add3A_4902, %and3A_4773 : vector<16xi1>, vector<16xi32>
    %broadcast_in_dim3A_4904 = vector.shape_cast %select_n3A_4903 : vector<16xi32> to vector<16x1xi32>
    %gather3A_4905 = vector.shape_cast %broadcast_in_dim3A_4904 : vector<16x1xi32> to vector<16xi32>
    %gather3A_4906 = tpu.dynamic_gather %get3A_25[%gather3A_4905] in [0] : vector<16xf32>, vector<16xi32> -> vector<16xf32>
    %select_n3A_4907 = arith.select %eq3A_4896, %gather3A_4906, %select_n3A_4882 : vector<16xi1>, vector<16xf32>
    %lt3A_4908 = arith.constant 0 : i32
    %lt3A_4909 = vector.broadcast %lt3A_4908 : i32 to vector<16xi32>
    %lt3A_4910 = arith.cmpi slt, %and3A_4773, %lt3A_4909 : vector<16xi32>
    %add3A_4911 = arith.constant 16 : i32
    %add3A_4912 = vector.broadcast %add3A_4911 : i32 to vector<16xi32>
    %add3A_4913 = arith.addi %and3A_4773, %add3A_4912 : vector<16xi32>
    %select_n3A_4914 = arith.select %lt3A_4910, %add3A_4913, %and3A_4773 : vector<16xi1>, vector<16xi32>
    %broadcast_in_dim3A_4915 = vector.shape_cast %select_n3A_4914 : vector<16xi32> to vector<16x1xi32>
    %gather3A_4916 = vector.shape_cast %broadcast_in_dim3A_4915 : vector<16x1xi32> to vector<16xi32>
    %gather3A_4917 = tpu.dynamic_gather %get3A_61[%gather3A_4916] in [0] : vector<16xf32>, vector<16xi32> -> vector<16xf32>
    %select_n3A_4918 = arith.select %eq3A_4896, %gather3A_4917, %select_n3A_4893 : vector<16xi1>, vector<16xf32>
    %eq3A_4919 = arith.constant 6 : i32
    %eq3A_4920 = vector.broadcast %eq3A_4919 : i32 to vector<16xi32>
    %eq3A_4921 = arith.cmpi eq, %shift_right_logical3A_4770, %eq3A_4920 : vector<16xi32>
    %lt3A_4922 = arith.constant 0 : i32
    %lt3A_4923 = vector.broadcast %lt3A_4922 : i32 to vector<16xi32>
    %lt3A_4924 = arith.cmpi slt, %and3A_4773, %lt3A_4923 : vector<16xi32>
    %add3A_4925 = arith.constant 16 : i32
    %add3A_4926 = vector.broadcast %add3A_4925 : i32 to vector<16xi32>
    %add3A_4927 = arith.addi %and3A_4773, %add3A_4926 : vector<16xi32>
    %select_n3A_4928 = arith.select %lt3A_4924, %add3A_4927, %and3A_4773 : vector<16xi1>, vector<16xi32>
    %broadcast_in_dim3A_4929 = vector.shape_cast %select_n3A_4928 : vector<16xi32> to vector<16x1xi32>
    %gather3A_4930 = vector.shape_cast %broadcast_in_dim3A_4929 : vector<16x1xi32> to vector<16xi32>
    %gather3A_4931 = tpu.dynamic_gather %get3A_28[%gather3A_4930] in [0] : vector<16xf32>, vector<16xi32> -> vector<16xf32>
    %select_n3A_4932 = arith.select %eq3A_4921, %gather3A_4931, %select_n3A_4907 : vector<16xi1>, vector<16xf32>
    %lt3A_4933 = arith.constant 0 : i32
    %lt3A_4934 = vector.broadcast %lt3A_4933 : i32 to vector<16xi32>
    %lt3A_4935 = arith.cmpi slt, %and3A_4773, %lt3A_4934 : vector<16xi32>
    %add3A_4936 = arith.constant 16 : i32
    %add3A_4937 = vector.broadcast %add3A_4936 : i32 to vector<16xi32>
    %add3A_4938 = arith.addi %and3A_4773, %add3A_4937 : vector<16xi32>
    %select_n3A_4939 = arith.select %lt3A_4935, %add3A_4938, %and3A_4773 : vector<16xi1>, vector<16xi32>
    %broadcast_in_dim3A_4940 = vector.shape_cast %select_n3A_4939 : vector<16xi32> to vector<16x1xi32>
    %gather3A_4941 = vector.shape_cast %broadcast_in_dim3A_4940 : vector<16x1xi32> to vector<16xi32>
    %gather3A_4942 = tpu.dynamic_gather %get3A_64[%gather3A_4941] in [0] : vector<16xf32>, vector<16xi32> -> vector<16xf32>
    %select_n3A_4943 = arith.select %eq3A_4921, %gather3A_4942, %select_n3A_4918 : vector<16xi1>, vector<16xf32>
    %eq3A_4944 = arith.constant 7 : i32
    %eq3A_4945 = vector.broadcast %eq3A_4944 : i32 to vector<16xi32>
    %eq3A_4946 = arith.cmpi eq, %shift_right_logical3A_4770, %eq3A_4945 : vector<16xi32>
    %lt3A_4947 = arith.constant 0 : i32
    %lt3A_4948 = vector.broadcast %lt3A_4947 : i32 to vector<16xi32>
    %lt3A_4949 = arith.cmpi slt, %and3A_4773, %lt3A_4948 : vector<16xi32>
    %add3A_4950 = arith.constant 16 : i32
    %add3A_4951 = vector.broadcast %add3A_4950 : i32 to vector<16xi32>
    %add3A_4952 = arith.addi %and3A_4773, %add3A_4951 : vector<16xi32>
    %select_n3A_4953 = arith.select %lt3A_4949, %add3A_4952, %and3A_4773 : vector<16xi1>, vector<16xi32>
    %broadcast_in_dim3A_4954 = vector.shape_cast %select_n3A_4953 : vector<16xi32> to vector<16x1xi32>
    %gather3A_4955 = vector.shape_cast %broadcast_in_dim3A_4954 : vector<16x1xi32> to vector<16xi32>
    %gather3A_4956 = tpu.dynamic_gather %get3A_31[%gather3A_4955] in [0] : vector<16xf32>, vector<16xi32> -> vector<16xf32>
    %select_n3A_4957 = arith.select %eq3A_4946, %gather3A_4956, %select_n3A_4932 : vector<16xi1>, vector<16xf32>
    %lt3A_4958 = arith.constant 0 : i32
    %lt3A_4959 = vector.broadcast %lt3A_4958 : i32 to vector<16xi32>
    %lt3A_4960 = arith.cmpi slt, %and3A_4773, %lt3A_4959 : vector<16xi32>
    %add3A_4961 = arith.constant 16 : i32
    %add3A_4962 = vector.broadcast %add3A_4961 : i32 to vector<16xi32>
    %add3A_4963 = arith.addi %and3A_4773, %add3A_4962 : vector<16xi32>
    %select_n3A_4964 = arith.select %lt3A_4960, %add3A_4963, %and3A_4773 : vector<16xi1>, vector<16xi32>
    %broadcast_in_dim3A_4965 = vector.shape_cast %select_n3A_4964 : vector<16xi32> to vector<16x1xi32>
    %gather3A_4966 = vector.shape_cast %broadcast_in_dim3A_4965 : vector<16x1xi32> to vector<16xi32>
    %gather3A_4967 = tpu.dynamic_gather %get3A_67[%gather3A_4966] in [0] : vector<16xf32>, vector<16xi32> -> vector<16xf32>
    %select_n3A_4968 = arith.select %eq3A_4946, %gather3A_4967, %select_n3A_4943 : vector<16xi1>, vector<16xf32>
    %eq3A_4969 = arith.constant 8 : i32
    %eq3A_4970 = vector.broadcast %eq3A_4969 : i32 to vector<16xi32>
    %eq3A_4971 = arith.cmpi eq, %shift_right_logical3A_4770, %eq3A_4970 : vector<16xi32>
    %lt3A_4972 = arith.constant 0 : i32
    %lt3A_4973 = vector.broadcast %lt3A_4972 : i32 to vector<16xi32>
    %lt3A_4974 = arith.cmpi slt, %and3A_4773, %lt3A_4973 : vector<16xi32>
    %add3A_4975 = arith.constant 16 : i32
    %add3A_4976 = vector.broadcast %add3A_4975 : i32 to vector<16xi32>
    %add3A_4977 = arith.addi %and3A_4773, %add3A_4976 : vector<16xi32>
    %select_n3A_4978 = arith.select %lt3A_4974, %add3A_4977, %and3A_4773 : vector<16xi1>, vector<16xi32>
    %broadcast_in_dim3A_4979 = vector.shape_cast %select_n3A_4978 : vector<16xi32> to vector<16x1xi32>
    %gather3A_4980 = vector.shape_cast %broadcast_in_dim3A_4979 : vector<16x1xi32> to vector<16xi32>
    %gather3A_4981 = tpu.dynamic_gather %get3A_34[%gather3A_4980] in [0] : vector<16xf32>, vector<16xi32> -> vector<16xf32>
    %select_n3A_4982 = arith.select %eq3A_4971, %gather3A_4981, %select_n3A_4957 : vector<16xi1>, vector<16xf32>
    %lt3A_4983 = arith.constant 0 : i32
    %lt3A_4984 = vector.broadcast %lt3A_4983 : i32 to vector<16xi32>
    %lt3A_4985 = arith.cmpi slt, %and3A_4773, %lt3A_4984 : vector<16xi32>
    %add3A_4986 = arith.constant 16 : i32
    %add3A_4987 = vector.broadcast %add3A_4986 : i32 to vector<16xi32>
    %add3A_4988 = arith.addi %and3A_4773, %add3A_4987 : vector<16xi32>
    %select_n3A_4989 = arith.select %lt3A_4985, %add3A_4988, %and3A_4773 : vector<16xi1>, vector<16xi32>
    %broadcast_in_dim3A_4990 = vector.shape_cast %select_n3A_4989 : vector<16xi32> to vector<16x1xi32>
    %gather3A_4991 = vector.shape_cast %broadcast_in_dim3A_4990 : vector<16x1xi32> to vector<16xi32>
    %gather3A_4992 = tpu.dynamic_gather %get3A_70[%gather3A_4991] in [0] : vector<16xf32>, vector<16xi32> -> vector<16xf32>
    %select_n3A_4993 = arith.select %eq3A_4971, %gather3A_4992, %select_n3A_4968 : vector<16xi1>, vector<16xf32>
    %eq3A_4994 = arith.constant 9 : i32
    %eq3A_4995 = vector.broadcast %eq3A_4994 : i32 to vector<16xi32>
    %eq3A_4996 = arith.cmpi eq, %shift_right_logical3A_4770, %eq3A_4995 : vector<16xi32>
    %lt3A_4997 = arith.constant 0 : i32
    %lt3A_4998 = vector.broadcast %lt3A_4997 : i32 to vector<16xi32>
    %lt3A_4999 = arith.cmpi slt, %and3A_4773, %lt3A_4998 : vector<16xi32>
    %add3A_5000 = arith.constant 16 : i32
    %add3A_5001 = vector.broadcast %add3A_5000 : i32 to vector<16xi32>
    %add3A_5002 = arith.addi %and3A_4773, %add3A_5001 : vector<16xi32>
    %select_n3A_5003 = arith.select %lt3A_4999, %add3A_5002, %and3A_4773 : vector<16xi1>, vector<16xi32>
    %broadcast_in_dim3A_5004 = vector.shape_cast %select_n3A_5003 : vector<16xi32> to vector<16x1xi32>
    %gather3A_5005 = vector.shape_cast %broadcast_in_dim3A_5004 : vector<16x1xi32> to vector<16xi32>
    %gather3A_5006 = tpu.dynamic_gather %get3A_37[%gather3A_5005] in [0] : vector<16xf32>, vector<16xi32> -> vector<16xf32>
    %select_n3A_5007 = arith.select %eq3A_4996, %gather3A_5006, %select_n3A_4982 : vector<16xi1>, vector<16xf32>
    %lt3A_5008 = arith.constant 0 : i32
    %lt3A_5009 = vector.broadcast %lt3A_5008 : i32 to vector<16xi32>
    %lt3A_5010 = arith.cmpi slt, %and3A_4773, %lt3A_5009 : vector<16xi32>
    %add3A_5011 = arith.constant 16 : i32
    %add3A_5012 = vector.broadcast %add3A_5011 : i32 to vector<16xi32>
    %add3A_5013 = arith.addi %and3A_4773, %add3A_5012 : vector<16xi32>
    %select_n3A_5014 = arith.select %lt3A_5010, %add3A_5013, %and3A_4773 : vector<16xi1>, vector<16xi32>
    %broadcast_in_dim3A_5015 = vector.shape_cast %select_n3A_5014 : vector<16xi32> to vector<16x1xi32>
    %gather3A_5016 = vector.shape_cast %broadcast_in_dim3A_5015 : vector<16x1xi32> to vector<16xi32>
    %gather3A_5017 = tpu.dynamic_gather %get3A_73[%gather3A_5016] in [0] : vector<16xf32>, vector<16xi32> -> vector<16xf32>
    %select_n3A_5018 = arith.select %eq3A_4996, %gather3A_5017, %select_n3A_4993 : vector<16xi1>, vector<16xf32>
    %eq3A_5019 = arith.constant 10 : i32
    %eq3A_5020 = vector.broadcast %eq3A_5019 : i32 to vector<16xi32>
    %eq3A_5021 = arith.cmpi eq, %shift_right_logical3A_4770, %eq3A_5020 : vector<16xi32>
    %lt3A_5022 = arith.constant 0 : i32
    %lt3A_5023 = vector.broadcast %lt3A_5022 : i32 to vector<16xi32>
    %lt3A_5024 = arith.cmpi slt, %and3A_4773, %lt3A_5023 : vector<16xi32>
    %add3A_5025 = arith.constant 16 : i32
    %add3A_5026 = vector.broadcast %add3A_5025 : i32 to vector<16xi32>
    %add3A_5027 = arith.addi %and3A_4773, %add3A_5026 : vector<16xi32>
    %select_n3A_5028 = arith.select %lt3A_5024, %add3A_5027, %and3A_4773 : vector<16xi1>, vector<16xi32>
    %broadcast_in_dim3A_5029 = vector.shape_cast %select_n3A_5028 : vector<16xi32> to vector<16x1xi32>
    %gather3A_5030 = vector.shape_cast %broadcast_in_dim3A_5029 : vector<16x1xi32> to vector<16xi32>
    %gather3A_5031 = tpu.dynamic_gather %get3A_40[%gather3A_5030] in [0] : vector<16xf32>, vector<16xi32> -> vector<16xf32>
    %select_n3A_5032 = arith.select %eq3A_5021, %gather3A_5031, %select_n3A_5007 : vector<16xi1>, vector<16xf32>
    %lt3A_5033 = arith.constant 0 : i32
    %lt3A_5034 = vector.broadcast %lt3A_5033 : i32 to vector<16xi32>
    %lt3A_5035 = arith.cmpi slt, %and3A_4773, %lt3A_5034 : vector<16xi32>
    %add3A_5036 = arith.constant 16 : i32
    %add3A_5037 = vector.broadcast %add3A_5036 : i32 to vector<16xi32>
    %add3A_5038 = arith.addi %and3A_4773, %add3A_5037 : vector<16xi32>
    %select_n3A_5039 = arith.select %lt3A_5035, %add3A_5038, %and3A_4773 : vector<16xi1>, vector<16xi32>
    %broadcast_in_dim3A_5040 = vector.shape_cast %select_n3A_5039 : vector<16xi32> to vector<16x1xi32>
    %gather3A_5041 = vector.shape_cast %broadcast_in_dim3A_5040 : vector<16x1xi32> to vector<16xi32>
    %gather3A_5042 = tpu.dynamic_gather %get3A_76[%gather3A_5041] in [0] : vector<16xf32>, vector<16xi32> -> vector<16xf32>
    %select_n3A_5043 = arith.select %eq3A_5021, %gather3A_5042, %select_n3A_5018 : vector<16xi1>, vector<16xf32>
    %eq3A_5044 = arith.constant 11 : i32
    %eq3A_5045 = vector.broadcast %eq3A_5044 : i32 to vector<16xi32>
    %eq3A_5046 = arith.cmpi eq, %shift_right_logical3A_4770, %eq3A_5045 : vector<16xi32>
    %lt3A_5047 = arith.constant 0 : i32
    %lt3A_5048 = vector.broadcast %lt3A_5047 : i32 to vector<16xi32>
    %lt3A_5049 = arith.cmpi slt, %and3A_4773, %lt3A_5048 : vector<16xi32>
    %add3A_5050 = arith.constant 16 : i32
    %add3A_5051 = vector.broadcast %add3A_5050 : i32 to vector<16xi32>
    %add3A_5052 = arith.addi %and3A_4773, %add3A_5051 : vector<16xi32>
    %select_n3A_5053 = arith.select %lt3A_5049, %add3A_5052, %and3A_4773 : vector<16xi1>, vector<16xi32>
    %broadcast_in_dim3A_5054 = vector.shape_cast %select_n3A_5053 : vector<16xi32> to vector<16x1xi32>
    %gather3A_5055 = vector.shape_cast %broadcast_in_dim3A_5054 : vector<16x1xi32> to vector<16xi32>
    %gather3A_5056 = tpu.dynamic_gather %get3A_43[%gather3A_5055] in [0] : vector<16xf32>, vector<16xi32> -> vector<16xf32>
    %select_n3A_5057 = arith.select %eq3A_5046, %gather3A_5056, %select_n3A_5032 : vector<16xi1>, vector<16xf32>
    %lt3A_5058 = arith.constant 0 : i32
    %lt3A_5059 = vector.broadcast %lt3A_5058 : i32 to vector<16xi32>
    %lt3A_5060 = arith.cmpi slt, %and3A_4773, %lt3A_5059 : vector<16xi32>
    %add3A_5061 = arith.constant 16 : i32
    %add3A_5062 = vector.broadcast %add3A_5061 : i32 to vector<16xi32>
    %add3A_5063 = arith.addi %and3A_4773, %add3A_5062 : vector<16xi32>
    %select_n3A_5064 = arith.select %lt3A_5060, %add3A_5063, %and3A_4773 : vector<16xi1>, vector<16xi32>
    %broadcast_in_dim3A_5065 = vector.shape_cast %select_n3A_5064 : vector<16xi32> to vector<16x1xi32>
    %gather3A_5066 = vector.shape_cast %broadcast_in_dim3A_5065 : vector<16x1xi32> to vector<16xi32>
    %gather3A_5067 = tpu.dynamic_gather %get3A_79[%gather3A_5066] in [0] : vector<16xf32>, vector<16xi32> -> vector<16xf32>
    %select_n3A_5068 = arith.select %eq3A_5046, %gather3A_5067, %select_n3A_5043 : vector<16xi1>, vector<16xf32>
    %get3A_5069 = arith.constant 240 : index
    %get3A_5070 = tpu.vector_load %arg8[%get3A_5069] {strides = array<i32>} : memref<256xf32, #tpu.memory_space<vmem>>, vector<16xf32>,
    %get3A_5071 = vector.shape_cast %get3A_5070 : vector<16xf32> to vector<16xf32>
    %sub3A_5072 = arith.subf %get3A_5071, %select_n3A_5057 : vector<16xf32>
    %div3A_5073 = arith.divf %sub3A_5072, %select_n3A_5068 : vector<16xf32>
    %swap3A_5074 = arith.constant 240 : index
    %swap3A_5075 = tpu.vector_load %arg11[%swap3A_5074] {strides = array<i32>} : memref<256xf32, #tpu.memory_space<vmem>>, vector<16xf32>,
    %swap3A_5076 = vector.shape_cast %swap3A_5075 : vector<16xf32> to vector<16xf32>
    %swap3A_5077 = vector.shape_cast %div3A_5073 : vector<16xf32> to vector<16xf32>
    tpu.vector_store %arg11[%swap3A_5074], %swap3A_5077 {strides = array<i32>} : memref<256xf32, #tpu.memory_space<vmem>>, vector<16xf32>,
    "tpu.region"() ({
      %run_scoped3A = tpu.sem_alloc : memref<!tpu.dma_semaphore, #tpu.memory_space<semaphore_mem>>
      %dma_start3A_5078 = tpu.memref_slice %arg6[%mul3A_2] : memref<4096xf32, #tpu.memory_space<hbm>> -> memref<256xf32, #tpu.memory_space<hbm>>
      %dma_start3A_5079 = tpu.memref_slice %arg6[%mul3A_2] : memref<4096xf32, #tpu.memory_space<hbm>> -> memref<256xf32, #tpu.memory_space<hbm>>
      tpu.enqueue_dma source(%arg11 : memref<256xf32, #tpu.memory_space<vmem>>) target(%dma_start3A_5079 : memref<256xf32, #tpu.memory_space<hbm>>) target_semaphore(%run_scoped3A : memref<!tpu.dma_semaphore, #tpu.memory_space<semaphore_mem>>)
      %dma_wait3A_5080 = tpu.memref_slice %arg6[%mul3A_2] : memref<4096xf32, #tpu.memory_space<hbm>> -> memref<256xf32, #tpu.memory_space<hbm>>
      %dma_wait3A_5081 = tpu.memref_slice %arg6[%mul3A_2] : memref<4096xf32, #tpu.memory_space<hbm>> -> memref<256xf32, #tpu.memory_space<hbm>>
      tpu.wait_dma2 semaphore(%run_scoped3A : memref<!tpu.dma_semaphore, #tpu.memory_space<semaphore_mem>>) src(%arg11 : memref<256xf32, #tpu.memory_space<vmem>>) dst(%dma_wait3A_5081 : memref<256xf32, #tpu.memory_space<hbm>>)
      tpu.yield
    }) : () -> ()
    return
  }
}

module attributes {stable_mosaic.version = 14 : i64} {
  func.func @_tc_cone_body(%arg0: i32, %arg1: memref<4608x9xf32, #tpu.memory_space<vmem>>, %arg2: memref<1024x9xf32, #tpu.memory_space<vmem>>, %arg3: memref<1024xi32, #tpu.memory_space<vmem>>) attributes {dimension_semantics = [#tpu.dimension_semantics<arbitrary>], iteration_bounds = array<i64: 4>, scalar_prefetch = 0 : i64, scratch_operands = 0 : i64, tpu.core_type = #tpu.core_type<tc>, window_params = [{pipeline_mode = #tpu.pipeline_mode<synchronous>, transform_indices = @transform_0, window_bounds = array<i64: 4608, 9>}, {transform_indices = @transform_1, window_bounds = array<i64: 1024, 9>}, {transform_indices = @transform_2, window_bounds = array<i64: 1024>}]} {
    %get3A = arith.constant 0 : index
    %get3A_0 = arith.constant 0 : index
    %get3A_1 = vector.load %arg1[%get3A, %get3A_0] : memref<4608x9xf32, #tpu.memory_space<vmem>>, vector<4608x9xf32>
    %get3A_2 = arith.constant 0 : index
    %get3A_3 = arith.constant 0 : index
    %get3A_4 = vector.load %arg2[%get3A_2, %get3A_3] : memref<1024x9xf32, #tpu.memory_space<vmem>>, vector<1024x9xf32>
    %dot_general3A = arith.constant dense<0.000000e+00> : vector<4608x1024xf32>
    %dot_general3A_5 = tpu.matmul %get3A_1, %get3A_4, %dot_general3A {dimension_numbers = #tpu.dot_dimension_numbers<[1], [1], [0], [0], [0, 0, 1, 0], [], []>, transpose_lhs_hint = false} : vector<4608x9xf32>, vector<1024x9xf32>, vector<4608x1024xf32> -> vector<4608x1024xf32>
    %reshape3A = vector.shape_cast %dot_general3A_5 : vector<4608x1024xf32> to vector<192x24x1024xf32>
    %reduce_max3A = arith.constant dense<0xFF800000> : vector<192x1024xf32>
    %reduce_max3A_6 = vector.multi_reduction <maximumf>, %reshape3A, %reduce_max3A [1] : vector<192x24x1024xf32> to vector<192x1024xf32>
    %reduce_max3A_7 = arith.constant dense<0xFF800000> : vector<1024xf32>
    %reduce_max3A_8 = vector.multi_reduction <maximumf>, %reduce_max3A_6, %reduce_max3A_7 [0] : vector<192x1024xf32> to vector<1024xf32>
    %broadcast_in_dim3A = vector.shape_cast %reduce_max3A_8 : vector<1024xf32> to vector<1x1024xf32>
    %iota3A = tpu.iota {dimensions = array<i32: 0>} : vector<192x1024xi32>
    %eq3A = vector.broadcast %broadcast_in_dim3A : vector<1x1024xf32> to vector<192x1024xf32>
    %eq3A_9 = arith.cmpf oeq, %reduce_max3A_6, %eq3A : vector<192x1024xf32>
    %jit3A = arith.constant 192 : i32
    %broadcast_in_dim3A_10 = vector.broadcast %jit3A : i32 to vector<192x1024xi32>
    %select_n3A = arith.select %eq3A_9, %iota3A, %broadcast_in_dim3A_10 : vector<192x1024xi1>, vector<192x1024xi32>
    %reduce_min3A = arith.constant dense<2147483647> : vector<1024xi32>
    %reduce_min3A_11 = vector.multi_reduction <minsi>, %select_n3A, %reduce_min3A [0] : vector<192x1024xi32> to vector<1024xi32>
    %swap3A = arith.constant 0 : index
    %swap3A_12 = vector.load %arg3[%swap3A] : memref<1024xi32, #tpu.memory_space<vmem>>, vector<1024xi32>
    tpu.vector_store %arg3[%swap3A], %reduce_min3A_11 {strides = array<i32>} : memref<1024xi32, #tpu.memory_space<vmem>>, vector<1024xi32>,
    return
  }
  func.func @transform_0(%arg0: i32) -> (i32, i32) {
    %c0_i32 = arith.constant 0 : i32
    %c0_i32_0 = arith.constant 0 : i32
    %c0_i32_1 = arith.constant 0 : i32
    return %c0_i32, %c0_i32_0 : i32, i32
  }
  func.func @transform_1(%arg0: i32) -> (i32, i32) {
    %c0_i32 = arith.constant 0 : i32
    %c0_i32_0 = arith.constant 0 : i32
    return %arg0, %c0_i32 : i32, i32
  }
  func.func @transform_2(%arg0: i32) -> i32 {
    %c0_i32 = arith.constant 0 : i32
    return %arg0 : i32
  }
}

</mosaic_0001>

<sc_bundles>
// kernel: kernel.4.cloned.1.call-start
scs
__scs_entry_jumppad:
0x0: {  	(pc) =	sbr.rel $0x88, $3  }
0x1: {  	(tag) =	ssettag $0x0;
	lr =	simm.s32 $0x1  }
0x2: {  	[smem:$0x3F9C] =	sst lr;
	_ =	strace $0xD0000000  }
0x3: {  	_ = 	snop  }
0x4: {  	_ = 	snop  }
0x5: {  	_ = 	snop  }
0x6: {  	_ = 	snop  }
0x7: {  	_ = 	snop  }
__scs_overlays_trampoline_lowered:
0x8: {  	[smem:$0x3FAB] =	sst s0  }
0x9: {  	[smem:$0x3FAC] =	sst s1  }
0xa: {  	[smem:$0x3FAD] =	sst s2  }
0xb: {  	[smem:$0x3FAE] =	sst s3  }
0xc: {  	[smem:$0x3FAF] =	sst s4  }
0xd: {  	[smem:$0x3FB0] =	sst s5  }
0xe: {  	[smem:$0x3FB1] =	sst s6  }
0xf: {  	[smem:$0x3FB2] =	sst s7  }
0x10: {  	[smem:$0x3FB3] =	sst s8  }
0x11: {  	[smem:$0x3FB4] =	sst s9;
	s0 =	simm.s32 @!p0 $0x0  }
0x12: {  	s1 =	sld [smem:$0x3F9A];
	s0 =	simm.s32 @p0 $0x1  }
0x13: {  	[smem:$0x3FB5] =	sst s0;
	s0 =	simm.s32 @!p1 $0x0  }
0x14: {  	s2 =	sld [smem:$0x3F99];
	s0 =	simm.s32 @p1 $0x1  }
0x15: {  	[smem:$0x3FB6] =	sst s0;
	s0 =	simm.s32 @!p2 $0x0  }
0x16: {  	s3 =	sld [smem:$0x3FDB];
	s0 =	simm.s32 @p2 $0x1  }
0x17: {  	s4 =	simm.s32 $0x1BF5;
	[smem:$0x3FB8] =	sst s0  }
0x18: {  	s0 =	sld [smem:$0x3F9B];
	_ =	swait.ge [sflag:s4], $0x0  }
0x19: {  	s7 =	sld [smem:$0x3F9C]  }
0x1a: {  	s8 =	sadd.s32 $0xFFFFE003, lr  }
0x1b: {  	s9 =	sadd.s32 $0xFFFFFEF7, lr;
	s5 =	simm.s32 $0xFFFFFFFF;
	p2 =	slt.u32 s8, $0xFFFFF086  }
0x1c: {  	p1 =	slt.u32 s9, $0xF7A;
	s5 =	simm.s32 @!p2 $0x0  }
0x1d: {  	s5 =	simm.s32 @p1 $0x1;
	p0 =	seq.s32 s7, s2  }
0x1e: {  	s7 =	smul.u32 @!p0 $0xF7A, s2;
	p2 =	seq.s32 @!p0 s5, $0x0  }
0x1f: {  	s9 =	smul.u32 $0xF7A, s1;
	s8 =	simm.s32 @!p0 $0x1BF5;
	p2 =	por !p2, p0  }
0x20: {  	[sflag:s8] =	ssyncset.s32 @!p0 $0xFFFFF086;
	s6 =	sadd.s32 @!p0 s3, s7;
	s7 =	simm.s32 @!p0 $0x108  }
0x21: {  	s3 =	sadd.s32 s3, s9;
	s6 =	sadd.s32 @!p0 $0x88, s6;
	s7 =	simm.s32 @p2 $0x1082  }
0x22: {  	[simem:s7], [sflag:s8] =	dma.local @!p0 [hbm:s6], $0xF7A  }
0x23: {  	s9 =	sor.u32 $0xD0000000, s2;
	s6 =	simm.s32 $0x108;
	_ =	swait.ge @!p0 [sflag:s8], $0x0  }
0x24: {  	s3 =	sadd.s32 $0x88, s3;
	s6 =	simm.s32 @!p1 $0x1082;
	[sflag:s4] =	ssyncset.s32 $0xFFFFF086  }
0x25: {  	[simem:s6], [sflag:s4] =	dma.local [hbm:s3], $0xF7A  }
0x26: {  	[smem:$0x3F9C] =	sst s1;
	(tag) =	ssettag s2;
	_ =	strace s9  }
0x27: {  	s1 =	sld [smem:$0x3FAC]  }
0x28: {  	s2 =	sld [smem:$0x3FAD]  }
0x29: {  	s4 =	sld [smem:$0x3FAF]  }
0x2a: {  	p0 =	seq.s32 s5, $0x0;
	s5 =	sld [smem:$0x3FB0]  }
0x2b: {  	s6 =	sld [smem:$0x3FB1]  }
0x2c: {  	s7 =	sld [smem:$0x3FB2]  }
0x2d: {  	s3 =	simm.s32 $0x108;
	s8 =	sld [smem:$0x3FB3]  }
0x2e: {  	s3 =	simm.s32 @!p0 $0x1082;
	s9 =	sld [smem:$0x3FB4]  }
0x2f: {  	lr =	sadd.s32 s0, s3;
	s0 =	sld [smem:$0x3FAB]  }
0x30: {  	s3 =	sld [smem:$0x3FAE]  }
0x31: {  	[smem:$0x3FB7] =	sst s10  }
0x32: {  	s10 =	sld [smem:$0x3FB5];
	_ =	sdelay $0x3  }
0x33: {  	p0 =	seq.s32 s10, $0x1;
	s10 =	sld [smem:$0x3FB7];
	_ =	sdelay $0x3  }
0x34: {  	[smem:$0x3FB7] =	sst s10  }
0x35: {  	s10 =	sld [smem:$0x3FB6];
	_ =	sdelay $0x3  }
0x36: {  	p1 =	seq.s32 s10, $0x1;
	s10 =	sld [smem:$0x3FB7];
	_ =	sdelay $0x3  }
0x37: {  	[smem:$0x3FB7] =	sst s10  }
0x38: {  	s10 =	sld [smem:$0x3FB8]  }
0x39: {  	_ = 	snop;
	(pc) =	sbr.ind lr, $3  }
0x3a: {  	_ = 	snop  }
0x3b: {  	_ = 	snop  }
0x3c: {  	p2 =	seq.s32 s10, $0x1;
	s10 =	sld [smem:$0x3FB7]  }
0x3d: {  	_ =	shalt  }
0x3e: {  	_ =	shalt  }
0x3f: {  	_ =	shalt  }
0x40: {  	_ =	shalt  }
0x41: {  	_ =	shalt  }
0x42: {  	_ =	shalt  }
0x43: {  	_ =	shalt  }
0x44: {  	_ =	shalt  }
0x45: {  	_ =	shalt  }
0x46: {  	_ =	shalt  }
0x47: {  	_ =	shalt  }
0x48: {  	_ =	shalt  }
0x49: {  	_ =	shalt  }
0x4a: {  	_ =	shalt  }
0x4b: {  	_ =	shalt  }
0x4c: {  	_ =	shalt  }
0x4d: {  	_ =	shalt  }
0x4e: {  	_ =	shalt  }
0x4f: {  	_ =	shalt  }
0x50: {  	_ =	shalt  }
0x51: {  	_ =	shalt  }
0x52: {  	_ =	shalt  }
0x53: {  	_ =	shalt  }
0x54: {  	_ =	shalt  }
0x55: {  	_ =	shalt  }
0x56: {  	_ =	shalt  }
0x57: {  	_ =	shalt  }
0x58: {  	_ =	shalt  }
0x59: {  	_ =	shalt  }
0x5a: {  	_ =	shalt  }
0x5b: {  	_ =	shalt  }
0x5c: {  	_ =	shalt  }
0x5d: {  	_ =	shalt  }
0x5e: {  	_ =	shalt  }
0x5f: {  	_ =	shalt  }
0x60: {  	_ =	shalt  }
0x61: {  	_ =	shalt  }
0x62: {  	_ =	shalt  }
0x63: {  	_ =	shalt  }
0x64: {  	_ =	shalt  }
0x65: {  	_ =	shalt  }
0x66: {  	_ =	shalt  }
0x67: {  	_ =	shalt  }
0x68: {  	_ =	shalt  }
0x69: {  	_ =	shalt  }
0x6a: {  	_ =	shalt  }
0x6b: {  	_ =	shalt  }
0x6c: {  	_ =	shalt  }
0x6d: {  	_ =	shalt  }
0x6e: {  	_ =	shalt  }
0x6f: {  	_ =	shalt  }
0x70: {  	_ =	shalt  }
0x71: {  	_ =	shalt  }
0x72: {  	_ =	shalt  }
0x73: {  	_ =	shalt  }
0x74: {  	_ =	shalt  }
0x75: {  	_ =	shalt  }
0x76: {  	_ =	shalt  }
0x77: {  	_ =	shalt  }
0x78: {  	_ =	shalt  }
0x79: {  	_ =	shalt  }
0x7a: {  	_ =	shalt  }
0x7b: {  	_ =	shalt  }
0x7c: {  	_ =	shalt  }
0x7d: {  	_ =	shalt  }
0x7e: {  	_ =	shalt  }
0x7f: {  	_ =	shalt  }
0x80: {  	_ =	shalt  }
0x81: {  	_ =	shalt  }
0x82: {  	_ =	shalt  }
0x83: {  	_ =	shalt  }
0x84: {  	_ =	shalt  }
0x85: {  	_ =	shalt  }
0x86: {  	_ =	shalt  }
0x87: {  	_ =	shalt  }
.Lfunc_end0:
.L_simem_size_0:
called_computation_lowered:
.L_overlay_start_0:
0x88: {  	s0 =	sld [smem:$0x3FD9]  }
0x89: {  	s1 =	sld [smem:$0x3FFE];
	_ =	sdelay $0x3  }
0x8a: {  	s0 =	sadd.s32 s1, s0  }
0x8b: {  	[smem:$0x3FC3] =	sst s0  }
0x8c: {  	_ = 	snop  }
0x8d: {  	s0 =	sld [smem:$0x3FC8]  }
0x8e: {  	s16 =	sld [smem:$0x3FC6]  }
0x8f: {  	s2 =	sld [smem:$0x3FC5]  }
0x90: {  	s3 =	sld [smem:$0x3FD0];
	(tm) =	ssettm $0x1  }
0x91: {  	s4 =	sld [smem:$0x3FFB];
	_ =	sdelay $0x3  }
0x92: {  	_ =	strace s4  }
0x93: {  	s4 =	sld [smem:$0x3FFC];
	_ =	sdelay $0x3  }
0x94: {  	_ =	strace s4  }
0x95: {  	s4 =	sld [smem:$0x3FFD];
	_ =	sdelay $0x3  }
0x96: {  	_ =	strace s4  }
0x97: {  	_ =	strace $0x8FFFFFFF  }
0x98: {  	s17 =	sld [smem:$0x3FDB];
	_ =	sdelay $0x1  }
0x99: {  	s5 =	simm.s32 $_scs_section_size  }
0x9a: {  	s6 =	simm.s32 $_size__tile_overlayer_lowered;
	s7 =	simm.s32 $_tile_overlayer_lowered  }
0x9b: {  	s20 =	simm.s32 $0x1BFF;
	s19 =	sshll.u32 s7, $0x1;
	s4 =	sadd.s32 s5, s17  }
0x9c: {  	s8 =	simm.s32 $0x0;
	s18 =	sshll.u32 s6, $0x1;
	s6 =	sadd.s32 s19, s4  }
0x9d: {  	[timem:s8], [sflag:s20] =	dma.local [hbm:s6], s18  }
0x9e: {  	_ =	swait.ge [sflag:s20], s18  }
0x9f: {  	s5 =	ssub.s32 $0x0, s18;
	[sflag:s20] =	ssyncset.done $0x0  }
0xa0: {  	[sflag:s20] =	ssyncadd.s32 s5;
	_ =	sdelay $0x1  }
0xa1: {  	s21 =	simm.s32 $0x1B8B  }
0xa2: {  	_ =	swait.ge [sflag:s21], $0x1  }
0xa3: {  	[sflag:s21] =	ssyncset.done $0x0  }
0xa4: {  	s23 =	simm.s32 $0x1B8E;
	s22 =	sld [smem:$0x3FFE];
	[sflag:s21] =	ssyncadd.s32 $0xFFFFFFFF  }
0xa5: {  	s24 =	simm.s32 $execute0_lowered;
	[smem:$0x3FD2] =	sst s23  }
0xa6: {  	s6 =	sshll.u32 s24, $0x1;
	_ =	strace $0x80000046;
	[dreg:$0x1] =	wrdreg $0xFFFFFFFF  }
0xa7: {  	s25 =	simm.s32 $_size_execute0_lowered;
	s4 =	sadd.s32 s4, s6;
	[dreg:$0x0] =	wrdreg $0x0  }
0xa8: {  	s6 =	sshll.u32 s25, $0x1;
	[dreg:$0x2] =	wrdreg s4  }
0xa9: {  	[dreg:$0x3] =	wrdreg s6  }
0xaa: {  	[dreg:$0x4] =	wrdreg $0xC0  }
0xab: {  	_ =	task [dreg:s8], $0x5FFFF  }
0xac: {  	[dreg:$0x1] =	wrdreg $0xFFFFFFFF  }
0xad: {  	[dreg:$0x0] =	wrdreg $0x60  }
0xae: {  	[dreg:$0x2] =	wrdreg s22  }
0xaf: {  	[dreg:$0x3] =	wrdreg s0  }
0xb0: {  	[dreg:$0x4] =	wrdreg s16  }
0xb1: {  	[dreg:$0x5] =	wrdreg s2  }
0xb2: {  	[dreg:$0x6] =	wrdreg s3  }
0xb3: {  	[dreg:$0x7] =	wrdreg $0x9  }
0xb4: {  	_ =	task.clear_ibuf [dreg:s8], $0x8FFFF;
	_ =	strace $0x90000046  }
0xb5: {  	s26 =	simm.s32 $0x9;
	_ =	strace $0x80000048  }
0xb6: {  	_ =	swait.ge [sflag:s26], $0x1  }
0xb7: {  	[sflag:s26] =	ssyncadd.s32 $0xFFFFFFFF  }
0xb8: {  	_ =	strace $0x90000048  }
0xb9: {  	_ =	sfence  }
0xba: {  	s28 =	sld [smem:$0x0];
	_ =	sdelay $0x1  }
0xbb: {  	s29 =	srdreg.scid  }
0xbc: {  	s30 =	sshll.u32 s29, $0xD;
	s31 =	sshrl.u32 s29, $0x2  }
0xbd: {  	s1 =	sand.u32 $0x1, s29;
	s2 =	sand.u32 $0x4000, s30;
	s0 =	sadd.s32 s31, s28  }
0xbe: {  	s1 =	sor.u32 s2, s1;
	s0 =	sshll.u32 s0, $0x11  }
0xbf: {  	s0 =	sor.u32 s0, s1  }
0xc0: {  	s0 =	sadd.s32 $0x8F2B, s0  }
0xc1: {  	[sflag:s0] =	ssyncadd.remote.s32 $0x1  }
0xc2: {  	_ =	sfence.sel $0xFFFF  }
0xc3: {  	[dreg:$0x0] =	wrdreg $0xFFFFFFFF;
	(pc) =	sbr.abs _section_cstart, $3  }
0xc4: {  	[dreg:$0x1] =	wrdreg $0xFFFFFFFF  }
0xc5: {  	_ =	task.clear_ibuf [dreg:s8], $0x2FFFF;
	_ =	strace $0x9FFFFFFF  }
0xc6: {  	(tm) =	ssettm $0x7FFFFFFF  }
0xc7: {  	_ =	shalt  }
tec
execute0_lowered:
.L_overlay_start_1:
0x0: {  	(tag) =	ssettag $0x1  }
0x1: {  	s5 =	rddreg [dreg:$0x0]  }
0x2: {  	s6 =	rddreg [dreg:$0x1]  }
0x3: {  	s7 =	rddreg [dreg:$0x2]  }
0x4: {  	s8 =	rddreg [dreg:$0x3];
	s1 =	stileid.u32  }
0x5: {  	s2 =	rddreg [dreg:$0x4];
	s3 =	simm.s32 $0x0;
	s4 =	sshll.u32 s1, $0x5  }
0x6: {  	[smem:$0x7FF] =	sst s3;
	s5 =	sadd.s32 s4, s5  }
0x7: {  	s0 =	rddreg [dreg:$0x5];
	_ =	strace $0x80000047;
	s5 =	sadd.s32 $0x800, s5  }
0x8: {  	[tilespmem:s3], [sflag:$0x1] =	stream.linear.gather [hbm4b:s5+s3], $0x100, $0x38;
	[tilespmem:$0x500] =	vst v63  }
0x9: {  	s22 =	simm.s32 $0x100;
	s21 =	sadd.s32 s6, s4  }
0xa: {  	[tilespmem:s22], [sflag:$0x2] =	stream.linear.gather [hbm4b:s21+s3], $0x100, $0x38;
	[tilespmem:$0x500] =	vst v63  }
0xb: {  	s23 =	simm.s32 $0x200  }
0xc: {  	[tilespmem:s23], [sflag:$0x3] =	stream.linear.gather [hbm4b:s7+s3], $0x100, $0x38;
	[tilespmem:$0x500] =	vst v63  }
0xd: {  	s24 =	simm.s32 $0x300;
	s25 =	simm.s32 $0x1  }
0xe: {  	[tilespmem:s24], [sflag:$0x4] =	stream.linear.gather [hbm4b:s8+s3], $0x100, $0x38;
	[tilespmem:$0x500] =	vst v63  }
0xf: {  	_ =	swait.ge [sflag:s25], $0x100  }
0x10: {  	[sflag:s25] =	ssyncset.done $0x0  }
0x11: {  	s26 =	simm.s32 $0x2;
	[sflag:s25] =	ssyncadd.s32 $0xFFFFFF00  }
0x12: {  	_ =	swait.ge [sflag:s26], $0x100  }
0x13: {  	[sflag:s26] =	ssyncset.done $0x0  }
0x14: {  	s28 =	simm.s32 $0x3;
	[sflag:s26] =	ssyncadd.s32 $0xFFFFFF00  }
0x15: {  	_ =	swait.ge [sflag:s28], $0x100  }
0x16: {  	[sflag:s28] =	ssyncset.done $0x0  }
0x17: {  	s29 =	simm.s32 $0x4;
	[sflag:s28] =	ssyncadd.s32 $0xFFFFFF00  }
0x18: {  	_ =	swait.ge [sflag:s29], $0x100  }
0x19: {  	[sflag:s29] =	ssyncset.done $0x0  }
0x1a: {  	[sflag:s29] =	ssyncadd.s32 $0xFFFFFF00  }
0x1b: {  	v15 =	vld [tilespmem:$0x200]  }
0x1c: {  	v16 =	vld [tilespmem:$0x210]  }
0x1d: {  	v9 =	vld [tilespmem:$0x220]  }
0x1e: {  	v8 =	vld [tilespmem:$0x230]  }
0x1f: {  	v5 =	vld [tilespmem:$0x240]  }
0x20: {  	v0 =	vld [tilespmem:$0x0]  }
0x21: {  	v20 =	vld [tilespmem:$0x300]  }
0x22: {  	v19 =	vld [tilespmem:$0x310]  }
0x23: {  	v12 =	vld [tilespmem:$0x320]  }
0x24: {  	v6 =	vld [tilespmem:$0x250]  }
0x25: {  	v39 =	vld [tilespmem:$0x10]  }
0x26: {  	v4 =	vld [tilespmem:$0x260]  }
0x27: {  	v13 =	vld [tilespmem:$0x330]  }
0x28: {  	v10 =	vld [tilespmem:$0x340];
	v24 =	vand.u32 $0xF, v0  }
0x29: {  	v14 =	vld [tilespmem:$0x350];
	v25 =	vshrl.u32 v0, $0x4;
	v1 =	vperm.xlane v15, v24;
	v2 =	vperm.xlane v20, v24  }
0x2a: {  	v11 =	vld [tilespmem:$0x360];
	v43 =	vand.u32 $0xF, v39;
	v31 =	vperm.xlane v16, v24;
	v3 =	vperm.xlane v19, v24  }
0x2b: {  	v7 =	vld [tilespmem:$0x270];
	vm0 =	veq.s32 v25, $0x1;
	v17 =	vperm.xlane v9, v24;
	v18 =	vperm.xlane v12, v24  }
0x2c: {  	vm12 =	veq.s32 v25, $0x2;
	v33 =	vperm.xlane v8, v24;
	v21 =	vperm.xlane v13, v24  }
0x2d: {  	vm13 =	veq.s32 v25, $0x3;
	v22 =	vperm.xlane v5, v24;
	v23 =	vperm.xlane v10, v24  }
0x2e: {  	vm1 =	veq.s32 v25, $0x4;
	v34 =	vperm.xlane v6, v24;
	v26 =	vperm.xlane v14, v24  }
0x2f: {  	vm14 =	veq.s32 v25, $0x5;
	v27 =	vperm.xlane v4, v24;
	v28 =	vperm.xlane v11, v24  }
0x30: {  	vm15 =	veq.s32 v25, $0x6;
	v37 =	vperm.xlane v7, v24;
	vm4 =	veq.s32 v25, $0x7  }
0x31: {  	vm5 =	veq.s32 v25, $0x8;
	vm6 =	veq.s32 v25, $0x9;
	v44 =	vperm.xlane v15, v43  }
0x32: {  	vm7 =	veq.s32 v25, $0xA;
	v45 =	vperm.xlane v20, v43;
	v47 =	vperm.xlane v16, v43  }
0x33: {  	vm8 =	veq.s32 v25, $0xB;
	v50 =	vperm.xlane v9, v43;
	v51 =	vperm.xlane v12, v43  }
0x34: {  	v52 =	vperm.xlane v8, v43;
	v53 =	vperm.xlane v13, v43;
	v32 =	vsel vm0, v3, v2;
	v3 =	vld [tilespmem:$0x280]  }
0x35: {  	v54 =	vperm.xlane v5, v43;
	v55 =	vperm.xlane v10, v43;
	v0 =	vsel vm0, v31, v1;
	v1 =	vld [tilespmem:$0x290]  }
0x36: {  	v56 =	vperm.xlane v6, v43;
	v57 =	vperm.xlane v14, v43;
	v2 =	vsel vm12, v18, v32;
	v18 =	vld [tilespmem:$0x370]  }
0x37: {  	v58 =	vperm.xlane v4, v43;
	v59 =	vperm.xlane v11, v43;
	v0 =	vsel vm12, v17, v0;
	v17 =	vld [tilespmem:$0x380]  }
0x38: {  	v60 =	vperm.xlane v7, v43;
	v0 =	vsel vm13, v33, v0;
	v2 =	vsel vm13, v21, v2  }
0x39: {  	v21 =	vld [tilespmem:$0x390];
	v33 =	vperm.xlane v19, v43;
	v22 =	vsel vm1, v22, v0;
	v2 =	vsel vm1, v23, v2  }
0x3a: {  	v0 =	vld [tilespmem:$0x2A0];
	v23 =	vsel vm14, v34, v22;
	v2 =	vsel vm14, v26, v2;
	v30 =	vperm.xlane v3, v24  }
0x3b: {  	v22 =	vld [tilespmem:$0x3A0];
	v35 =	vsel vm15, v27, v23;
	v40 =	vperm.xlane v1, v24;
	v63 =	vperm.xlane v3, v43  }
0x3c: {  	v36 =	vsel vm15, v28, v2;
	v29 =	vperm.xlane v18, v24;
	v38 =	vperm.xlane v17, v24  }
0x3d: {  	v26 =	vsel vm4, v37, v35;
	v62 =	vperm.xlane v18, v43;
	v37 =	vperm.xlane v1, v43  }
0x3e: {  	v26 =	vsel vm5, v30, v26;
	v41 =	vperm.xlane v21, v24;
	v27 =	vsel vm4, v29, v36  }
0x3f: {  	v2 =	vld [tilespmem:$0x2B0];
	v31 =	vperm.xlane v0, v24;
	v26 =	vsel vm6, v40, v26;
	v29 =	vshrl.u32 v39, $0x4  }
0x40: {  	v23 =	vld [tilespmem:$0x3B0];
	v36 =	vperm.xlane v17, v43;
	v27 =	vsel vm5, v38, v27;
	v32 =	vperm.xlane v22, v24  }
0x41: {  	vm9 =	veq.s32 v29, $0x1;
	vm10 =	veq.s32 v29, $0x2;
	vm11 =	veq.s32 v29, $0x3  }
0x42: {  	vm12 =	veq.s32 v29, $0x4;
	vm13 =	veq.s32 v29, $0x5;
	vm14 =	veq.s32 v29, $0x6  }
0x43: {  	vm15 =	veq.s32 v29, $0x7;
	vm4 =	veq.s32 v29, $0x8;
	v38 =	vperm.xlane v21, v43  }
0x44: {  	vm5 =	veq.s32 v29, $0x9;
	v40 =	vperm.xlane v22, v43;
	v27 =	vsel vm6, v41, v27  }
0x45: {  	v46 =	vld [tilespmem:$0x100];
	v26 =	vsel vm7, v31, v26;
	v42 =	vperm.xlane v23, v24;
	v24 =	vperm.xlane v2, v24  }
0x46: {  	v39 =	vld [tilespmem:$0x20];
	v48 =	vsel vm9, v47, v44;
	v49 =	vsel vm9, v33, v45;
	vm6 =	veq.s32 v29, $0xA  }
0x47: {  	v41 =	vperm.xlane v0, v43;
	v25 =	vperm.xlane v2, v43;
	v27 =	vsel vm7, v32, v27  }
0x48: {  	vm7 =	veq.s32 v29, $0xB;
	v27 =	vsel vm8, v42, v27;
	v24 =	vsel vm8, v24, v26  }
0x49: {  	v26 =	vsel vm10, v50, v48;
	v42 =	vperm.xlane v23, v43;
	(erf) = vrcp.f32 v27  }
0x4a: {  	v24 =	vsub.f32 v46, v24;
	v27 =	vsel vm10, v51, v49;
	v26 =	vsel vm11, v52, v26  }
0x4b: {  	v44 =	vand.u32 $0xF, v39;
	v46 =	vshrl.u32 v39, $0x4;
	v27 =	vsel vm11, v53, v27  }
0x4c: {  	v26 =	vsel vm12, v54, v26;
	v45 =	vperm.xlane v15, v44;
	v47 =	vperm.xlane v20, v44  }
0x4d: {  	v48 =	vperm.xlane v16, v44;
	vm8 =	veq.s32 v46, $0x1;
	v49 =	vperm.xlane v19, v44  }
0x4e: {  	v50 =	vperm.xlane v9, v44;
	vm9 =	veq.s32 v46, $0x2;
	v51 =	vperm.xlane v12, v44  }
0x4f: {  	v53 =	vperm.xlane v8, v44;
	v54 =	vperm.xlane v13, v44;
	vm10 =	veq.s32 v46, $0x3  }
0x50: {  	vm11 =	veq.s32 v46, $0x4;
	v34 =	vperm.xlane v0, v44;
	vm2 =	veq.s32 v46, $0xB  }
0x51: {  	v27 =	vsel vm12, v55, v27;
	v26 =	vsel vm13, v56, v26;
	v55 =	vperm.xlane v5, v44  }
0x52: {  	v56 =	vperm.xlane v10, v44;
	vm12 =	veq.s32 v46, $0x5;
	v27 =	vsel vm13, v57, v27  }
0x53: {  	v39 =	vld [tilespmem:$0x30];
	v26 =	vsel vm14, v58, v26;
	v52 =	vsel vm8, v49, v47;
	v57 =	vperm.xlane v6, v44  }
0x54: {  	v58 =	vperm.xlane v14, v44;
	vm13 =	veq.s32 v46, $0x6;
	v27 =	vsel vm14, v59, v27  }
0x55: {  	v26 =	vsel vm15, v60, v26;
	v28 =	vsel vm9, v51, v52;
	v59 =	vperm.xlane v4, v44  }
0x56: {  	vm14 =	veq.s32 v46, $0x7;
	v27 =	vsel vm15, v62, v27;
	v26 =	vsel vm4, v63, v26  }
0x57: {  	v28 =	vsel vm10, v54, v28;
	v62 =	vperm.xlane v7, v44;
	v63 =	vperm.xlane v18, v44  }
0x58: {  	vm15 =	veq.s32 v46, $0x8;
	v47 =	vshrl.u32 v39, $0x4;
	v27 =	vsel vm4, v36, v27  }
0x59: {  	v26 =	vsel vm5, v37, v26;
	v28 =	vsel vm11, v56, v28;
	v36 =	vperm.xlane v3, v44  }
0x5a: {  	v43 =	vld [tilespmem:$0x110];
	v37 =	vperm.xlane v17, v44;
	vm4 =	veq.s32 v46, $0x9;
	v27 =	vsel vm5, v38, v27  }
0x5b: {  	v26 =	vsel vm6, v41, v26;
	v28 =	vsel vm12, v58, v28;
	v38 =	vperm.xlane v21, v44  }
0x5c: {  	v41 =	vperm.xlane v22, v44;
	vm5 =	veq.s32 v46, $0xA;
	v27 =	vsel vm6, v40, v27  }
0x5d: {  	v25 =	vsel vm7, v25, v26;
	v26 =	vsel vm8, v48, v45;
	v40 =	vperm.xlane v1, v44  }
0x5e: {  	vm6 =	veq.s32 v47, $0x1;
	vm8 =	veq.s32 v47, $0x3;
	v27 =	vsel vm7, v42, v27  }
0x5f: {  	v61 =	vpop (erf);
	v25 =	vsub.f32 v43, v25;
	v42 =	vperm.xlane v23, v44;
	v43 =	vperm.xlane v2, v44  }
0x60: {  	v24 =	vmul.f32 v61, v24;
	v61 =	vperm.xlane v11, v44;
	v44 =	vand.u32 $0xF, v39  }
0x61: {  	v26 =	vsel vm9, v50, v26;
	(erf) = vrcp.f32 v27;
	v45 =	vperm.xlane v15, v44  }
0x62: {  	vm7 =	veq.s32 v47, $0x2;
	v46 =	vperm.xlane v20, v44;
	v48 =	vperm.xlane v16, v44  }
0x63: {  	vm9 =	veq.s32 v47, $0x4;
	v49 =	vperm.xlane v19, v44;
	v51 =	vperm.xlane v9, v44  }
0x64: {  	v26 =	vsel vm10, v53, v26;
	v35 =	vperm.xlane v12, v44;
	v52 =	vperm.xlane v8, v44  }
0x65: {  	vm10 =	veq.s32 v47, $0x5;
	v53 =	vperm.xlane v13, v44;
	v54 =	vperm.xlane v5, v44  }
0x66: {  	v26 =	vsel vm11, v55, v26;
	v55 =	vperm.xlane v10, v44;
	v56 =	vperm.xlane v6, v44  }
0x67: {  	v58 =	vperm.xlane v4, v44;
	vm11 =	veq.s32 v47, $0x6;
	v39 =	vperm.xlane v21, v44  }
0x68: {  	v26 =	vsel vm12, v57, v26;
	v28 =	vsel vm13, v61, v28;
	v57 =	vperm.xlane v14, v44  }
0x69: {  	vm12 =	veq.s32 v47, $0x7;
	v61 =	vperm.xlane v18, v44;
	v26 =	vsel vm13, v59, v26  }
0x6a: {  	v28 =	vsel vm14, v63, v28;
	v27 =	vsel vm6, v48, v45;
	v29 =	vsel vm6, v49, v46  }
0x6b: {  	v59 =	vperm.xlane v11, v44;
	vm13 =	veq.s32 v47, $0x8;
	v26 =	vsel vm14, v62, v26  }
0x6c: {  	v28 =	vsel vm15, v37, v28;
	v27 =	vsel vm7, v51, v27;
	v29 =	vsel vm7, v35, v29  }
0x6d: {  	v62 =	vperm.xlane v3, v44;
	vm14 =	veq.s32 v47, $0x9;
	v26 =	vsel vm15, v36, v26  }
0x6e: {  	v28 =	vsel vm4, v38, v28;
	v27 =	vsel vm8, v52, v27;
	v29 =	vsel vm8, v53, v29  }
0x6f: {  	v36 =	vperm.xlane v17, v44;
	v38 =	vperm.xlane v1, v44;
	vm15 =	veq.s32 v47, $0xA  }
0x70: {  	v50 =	vld [tilespmem:$0x120];
	v28 =	vsel vm5, v41, v28;
	v26 =	vsel vm4, v40, v26;
	v27 =	vsel vm9, v54, v27  }
0x71: {  	v37 =	vld [tilespmem:$0x40];
	v29 =	vsel vm9, v55, v29;
	v40 =	vperm.xlane v0, v44;
	v41 =	vperm.xlane v22, v44  }
0x72: {  	vm4 =	veq.s32 v47, $0xB;
	v28 =	vsel vm2, v42, v28;
	v26 =	vsel vm5, v34, v26  }
0x73: {  	v27 =	vsel vm10, v56, v27;
	v29 =	vsel vm10, v57, v29;
	v42 =	vperm.xlane v23, v44  }
0x74: {  	(erf) = vrcp.f32 v28;
	v26 =	vsel vm2, v43, v26;
	v27 =	vsel vm11, v58, v27  }
0x75: {  	v29 =	vsel vm11, v59, v29;
	v28 =	vperm.xlane v2, v44;
	v60 =	vpop (erf);
	v26 =	vsub.f32 v50, v26  }
0x76: {  	v29 =	vsel vm12, v61, v29;
	v30 =	vand.u32 $0xF, v37;
	v25 =	vmul.f32 v60, v25  }
0x77: {  	v32 =	vshrl.u32 v37, $0x4;
	v60 =	vperm.xlane v7, v44;
	v43 =	vperm.xlane v15, v30  }
0x78: {  	v29 =	vsel vm13, v36, v29;
	v44 =	vperm.xlane v20, v30;
	v46 =	vperm.xlane v16, v30  }
0x79: {  	v36 =	vperm.xlane v19, v30;
	vm5 =	veq.s32 v32, $0x1;
	v49 =	vperm.xlane v9, v30  }
0x7a: {  	vm6 =	veq.s32 v32, $0x2;
	v50 =	vperm.xlane v12, v30;
	v51 =	vperm.xlane v8, v30  }
0x7b: {  	vm7 =	veq.s32 v32, $0x3;
	v52 =	vperm.xlane v13, v30;
	v53 =	vperm.xlane v5, v30  }
0x7c: {  	v54 =	vperm.xlane v10, v30;
	vm8 =	veq.s32 v32, $0x4;
	v55 =	vperm.xlane v6, v30  }
0x7d: {  	v56 =	vperm.xlane v14, v30;
	vm9 =	veq.s32 v32, $0x5;
	v57 =	vperm.xlane v4, v30  }
0x7e: {  	vm10 =	veq.s32 v32, $0x6;
	v58 =	vperm.xlane v11, v30;
	v59 =	vperm.xlane v7, v30  }
0x7f: {  	vm11 =	veq.s32 v32, $0x7;
	v61 =	vperm.xlane v18, v30;
	v29 =	vsel vm14, v39, v29  }
0x80: {  	v27 =	vsel vm12, v60, v27;
	v29 =	vsel vm15, v41, v29;
	v47 =	vsel vm5, v46, v43  }
0x81: {  	v48 =	vsel vm5, v36, v44;
	vm12 =	veq.s32 v32, $0x8;
	v41 =	vperm.xlane v21, v30  }
0x82: {  	v45 =	vld [tilespmem:$0x130];
	v43 =	vperm.xlane v22, v30;
	v44 =	vperm.xlane v0, v30;
	v27 =	vsel vm13, v62, v27  }
0x83: {  	v29 =	vsel vm4, v42, v29;
	v62 =	vperm.xlane v3, v30;
	vm13 =	veq.s32 v32, $0x9  }
0x84: {  	v42 =	vld [tilespmem:$0x50];
	v27 =	vsel vm14, v38, v27;
	(erf) = vrcp.f32 v29;
	v29 =	vsel vm6, v50, v48  }
0x85: {  	vm14 =	veq.s32 v32, $0xA;
	v27 =	vsel vm15, v40, v27;
	v29 =	vsel vm7, v52, v29  }
0x86: {  	v40 =	vperm.xlane v1, v30;
	vm15 =	veq.s32 v32, $0xB;
	v27 =	vsel vm4, v28, v27  }
0x87: {  	v28 =	vsel vm6, v49, v47;
	v29 =	vsel vm8, v54, v29;
	v63 =	vpop (erf);
	v27 =	vsub.f32 v45, v27  }
0x88: {  	v28 =	vsel vm7, v51, v28;
	v45 =	vperm.xlane v23, v30;
	v26 =	vmul.f32 v63, v26  }
0x89: {  	v63 =	vperm.xlane v17, v30;
	v30 =	vperm.xlane v2, v30;
	v32 =	vand.u32 $0xF, v42  }
0x8a: {  	v29 =	vsel vm9, v56, v29;
	v47 =	vperm.xlane v15, v32;
	v48 =	vperm.xlane v20, v32  }
0x8b: {  	v28 =	vsel vm8, v53, v28;
	v49 =	vperm.xlane v16, v32;
	v50 =	vperm.xlane v19, v32  }
0x8c: {  	v29 =	vsel vm10, v58, v29;
	v51 =	vperm.xlane v9, v32;
	v52 =	vperm.xlane v12, v32  }
0x8d: {  	v28 =	vsel vm9, v55, v28;
	v54 =	vperm.xlane v8, v32;
	v55 =	vperm.xlane v13, v32  }
0x8e: {  	v29 =	vsel vm11, v61, v29;
	v56 =	vperm.xlane v5, v32;
	v58 =	vperm.xlane v6, v32  }
0x8f: {  	v37 =	vperm.xlane v0, v32;
	v28 =	vsel vm10, v57, v28;
	v29 =	vsel vm12, v63, v29  }
0x90: {  	v57 =	vperm.xlane v10, v32;
	v63 =	vperm.xlane v7, v32;
	v28 =	vsel vm11, v59, v28  }
0x91: {  	v29 =	vsel vm13, v41, v29;
	v59 =	vperm.xlane v14, v32;
	v41 =	vperm.xlane v3, v32  }
0x92: {  	v46 =	vld [tilespmem:$0x140];
	v28 =	vsel vm12, v62, v28;
	v29 =	vsel vm14, v43, v29;
	v62 =	vperm.xlane v11, v32  }
0x93: {  	v43 =	vperm.xlane v21, v32;
	v60 =	vpop (erf);
	v28 =	vsel vm13, v40, v28;
	v40 =	vperm.xlane v18, v32  }
0x94: {  	v29 =	vsel vm15, v45, v29;
	v45 =	vperm.xlane v1, v32;
	v27 =	vmul.f32 v60, v27  }
0x95: {  	v28 =	vsel vm14, v44, v28;
	(erf) = vrcp.f32 v29;
	v60 =	vperm.xlane v4, v32  }
0x96: {  	v28 =	vsel vm15, v30, v28;
	v30 =	vshrl.u32 v42, $0x4;
	v42 =	vperm.xlane v17, v32  }
0x97: {  	vm4 =	veq.s32 v30, $0x1;
	vm5 =	veq.s32 v30, $0x2;
	v28 =	vsub.f32 v46, v28  }
0x98: {  	vm6 =	veq.s32 v30, $0x3;
	vm7 =	veq.s32 v30, $0x4;
	vm8 =	veq.s32 v30, $0x5  }
0x99: {  	vm9 =	veq.s32 v30, $0x6;
	vm10 =	veq.s32 v30, $0x7;
	v53 =	vsel vm4, v50, v48  }
0x9a: {  	v44 =	vld [tilespmem:$0x60];
	vm11 =	veq.s32 v30, $0x8;
	vm12 =	veq.s32 v30, $0x9;
	v31 =	vsel vm5, v52, v53  }
0x9b: {  	v46 =	vperm.xlane v22, v32;
	vm13 =	veq.s32 v30, $0xA;
	v31 =	vsel vm6, v55, v31  }
0x9c: {  	vm14 =	veq.s32 v30, $0xB;
	v29 =	vsel vm4, v49, v47;
	v31 =	vsel vm7, v57, v31  }
0x9d: {  	v47 =	vperm.xlane v23, v32;
	v29 =	vsel vm5, v51, v29;
	v31 =	vsel vm8, v59, v31  }
0x9e: {  	v48 =	vperm.xlane v2, v32;
	v29 =	vsel vm6, v54, v29;
	v31 =	vsel vm9, v62, v31  }
0x9f: {  	v51 =	vshrl.u32 v44, $0x4;
	v29 =	vsel vm7, v56, v29;
	v31 =	vsel vm10, v40, v31  }
0xa0: {  	vm15 =	veq.s32 v51, $0x1;
	vm4 =	veq.s32 v51, $0x2;
	v31 =	vsel vm11, v42, v31  }
0xa1: {  	vm5 =	veq.s32 v51, $0x3;
	vm6 =	veq.s32 v51, $0x4;
	v31 =	vsel vm12, v43, v31  }
0xa2: {  	vm7 =	veq.s32 v51, $0x5;
	v29 =	vsel vm8, v58, v29;
	v31 =	vsel vm13, v46, v31  }
0xa3: {  	vm8 =	veq.s32 v51, $0x6;
	v29 =	vsel vm9, v60, v29;
	v61 =	vpop (erf);
	v31 =	vsel vm14, v47, v31  }
0xa4: {  	v28 =	vmul.f32 v61, v28;
	(erf) = vrcp.f32 v31;
	v31 =	vand.u32 $0xF, v44  }
0xa5: {  	vm9 =	veq.s32 v51, $0x7;
	v49 =	vperm.xlane v15, v31;
	v50 =	vperm.xlane v20, v31  }
0xa6: {  	v29 =	vsel vm10, v63, v29;
	v52 =	vperm.xlane v16, v31;
	v53 =	vperm.xlane v19, v31  }
0xa7: {  	vm10 =	veq.s32 v51, $0x8;
	v55 =	vperm.xlane v9, v31;
	v38 =	vperm.xlane v12, v31  }
0xa8: {  	v29 =	vsel vm11, v41, v29;
	v56 =	vperm.xlane v8, v31;
	v57 =	vperm.xlane v13, v31  }
0xa9: {  	vm11 =	veq.s32 v51, $0x9;
	v58 =	vperm.xlane v5, v31;
	v59 =	vperm.xlane v10, v31  }
0xaa: {  	v29 =	vsel vm12, v45, v29;
	v45 =	vld [tilespmem:$0x70];
	v60 =	vperm.xlane v6, v31;
	v61 =	vperm.xlane v14, v31  }
0xab: {  	vm12 =	veq.s32 v51, $0xA;
	v62 =	vperm.xlane v4, v31;
	v63 =	vperm.xlane v11, v31  }
0xac: {  	v54 =	vld [tilespmem:$0x150];
	v29 =	vsel vm13, v37, v29;
	v40 =	vperm.xlane v7, v31;
	v41 =	vperm.xlane v18, v31  }
0xad: {  	vm13 =	veq.s32 v51, $0xB;
	v42 =	vperm.xlane v3, v31;
	v44 =	vperm.xlane v17, v31  }
0xae: {  	v29 =	vsel vm14, v48, v29;
	v46 =	vperm.xlane v1, v31;
	v47 =	vperm.xlane v21, v31  }
0xaf: {  	v48 =	vperm.xlane v0, v31;
	v33 =	vand.u32 $0xF, v45;
	v30 =	vsel vm15, v52, v49  }
0xb0: {  	v32 =	vsel vm15, v53, v50;
	v49 =	vperm.xlane v22, v31;
	v50 =	vperm.xlane v2, v31  }
0xb1: {  	v29 =	vsub.f32 v54, v29;
	v31 =	vperm.xlane v23, v31;
	v51 =	vperm.xlane v15, v33  }
0xb2: {  	v35 =	vshrl.u32 v45, $0x4;
	v52 =	vperm.xlane v20, v33;
	v53 =	vperm.xlane v16, v33  }
0xb3: {  	v54 =	vperm.xlane v19, v33;
	vm14 =	veq.s32 v35, $0x1;
	v39 =	vperm.xlane v9, v33  }
0xb4: {  	vm15 =	veq.s32 v35, $0x2;
	v30 =	vsel vm4, v55, v30;
	v32 =	vsel vm4, v38, v32  }
0xb5: {  	v55 =	vperm.xlane v8, v33;
	vm4 =	veq.s32 v35, $0x3;
	v30 =	vsel vm5, v56, v30  }
0xb6: {  	v32 =	vsel vm5, v57, v32;
	v34 =	vsel vm14, v53, v51;
	v36 =	vsel vm14, v54, v52  }
0xb7: {  	v56 =	vperm.xlane v13, v33;
	v57 =	vperm.xlane v5, v33;
	vm5 =	veq.s32 v35, $0x4  }
0xb8: {  	v52 =	vperm.xlane v2, v33;
	v30 =	vsel vm6, v58, v30;
	v32 =	vsel vm6, v59, v32  }
0xb9: {  	v34 =	vsel vm15, v39, v34;
	v58 =	vperm.xlane v10, v33;
	vm6 =	veq.s32 v35, $0x5  }
0xba: {  	v30 =	vsel vm7, v60, v30;
	v32 =	vsel vm7, v61, v32;
	v34 =	vsel vm4, v55, v34  }
0xbb: {  	v60 =	vperm.xlane v6, v33;
	v61 =	vperm.xlane v14, v33;
	vm7 =	veq.s32 v35, $0x6  }
0xbc: {  	v30 =	vsel vm8, v62, v30;
	v32 =	vsel vm8, v63, v32;
	v34 =	vsel vm5, v57, v34  }
0xbd: {  	v62 =	vperm.xlane v4, v33;
	v63 =	vperm.xlane v11, v33;
	vm8 =	veq.s32 v35, $0x7  }
0xbe: {  	v30 =	vsel vm9, v40, v30;
	v32 =	vsel vm9, v41, v32;
	v40 =	vperm.xlane v12, v33  }
0xbf: {  	v43 =	vpop (erf);
	v34 =	vsel vm6, v60, v34;
	v41 =	vperm.xlane v18, v33;
	vm9 =	veq.s32 v35, $0x8  }
0xc0: {  	v29 =	vmul.f32 v43, v29;
	v30 =	vsel vm10, v42, v30;
	v32 =	vsel vm10, v44, v32  }
0xc1: {  	v34 =	vsel vm7, v62, v34;
	v42 =	vperm.xlane v3, v33;
	v43 =	vperm.xlane v17, v33  }
0xc2: {  	vm10 =	veq.s32 v35, $0x9;
	v30 =	vsel vm11, v46, v30;
	v32 =	vsel vm11, v47, v32  }
0xc3: {  	v36 =	vsel vm15, v40, v36;
	v40 =	vperm.xlane v7, v33;
	v47 =	vperm.xlane v1, v33  }
0xc4: {  	vm11 =	veq.s32 v35, $0xA;
	v30 =	vsel vm12, v48, v30;
	v32 =	vsel vm12, v49, v32  }
0xc5: {  	v46 =	vld [tilespmem:$0x80];
	v59 =	vsel vm4, v56, v36;
	v48 =	vperm.xlane v21, v33;
	v49 =	vperm.xlane v0, v33  }
0xc6: {  	vm12 =	veq.s32 v35, $0xB;
	v31 =	vsel vm13, v31, v32;
	v32 =	vsel vm5, v58, v59  }
0xc7: {  	v30 =	vsel vm13, v50, v30;
	v34 =	vsel vm8, v40, v34;
	v32 =	vsel vm6, v61, v32  }
0xc8: {  	v50 =	vperm.xlane v22, v33;
	v33 =	vperm.xlane v23, v33;
	v32 =	vsel vm7, v63, v32  }
0xc9: {  	(erf) = vrcp.f32 v31;
	v45 =	vsel vm9, v42, v34;
	v44 =	vsel vm8, v41, v32  }
0xca: {  	v32 =	vsel vm10, v47, v45;
	v35 =	vand.u32 $0xF, v46;
	v34 =	vshrl.u32 v46, $0x4  }
0xcb: {  	v31 =	vsel vm9, v43, v44;
	v53 =	vperm.xlane v15, v35;
	v54 =	vperm.xlane v20, v35  }
0xcc: {  	v32 =	vsel vm11, v49, v32;
	v55 =	vperm.xlane v16, v35;
	v56 =	vperm.xlane v19, v35  }
0xcd: {  	vm13 =	veq.s32 v34, $0x1;
	v57 =	vperm.xlane v9, v35;
	v41 =	vperm.xlane v12, v35  }
0xce: {  	vm14 =	veq.s32 v34, $0x2;
	v58 =	vperm.xlane v8, v35;
	v59 =	vperm.xlane v13, v35  }
0xcf: {  	vm15 =	veq.s32 v34, $0x3;
	v60 =	vperm.xlane v5, v35;
	v61 =	vperm.xlane v10, v35  }
0xd0: {  	vm4 =	veq.s32 v34, $0x4;
	v63 =	vperm.xlane v6, v35;
	v44 =	vperm.xlane v14, v35  }
0xd1: {  	vm5 =	veq.s32 v34, $0x5;
	v45 =	vperm.xlane v4, v35;
	v46 =	vperm.xlane v11, v35  }
0xd2: {  	vm6 =	veq.s32 v34, $0x6;
	v47 =	vperm.xlane v7, v35;
	vm7 =	veq.s32 v34, $0x7  }
0xd3: {  	v49 =	vperm.xlane v3, v35;
	vm8 =	veq.s32 v34, $0x8;
	v31 =	vsel vm10, v48, v31  }
0xd4: {  	vm9 =	veq.s32 v34, $0x9;
	v48 =	vperm.xlane v18, v35;
	v51 =	vsel vm11, v50, v31  }
0xd5: {  	v31 =	vsel vm12, v52, v32;
	v32 =	vsel vm13, v55, v53;
	v50 =	vperm.xlane v17, v35  }
0xd6: {  	v37 =	vsel vm13, v56, v54;
	v52 =	vld [tilespmem:$0x90];
	v53 =	vperm.xlane v1, v35;
	v54 =	vperm.xlane v21, v35  }
0xd7: {  	vm10 =	veq.s32 v34, $0xA;
	v55 =	vperm.xlane v0, v35;
	v56 =	vperm.xlane v22, v35  }
0xd8: {  	vm11 =	veq.s32 v34, $0xB;
	v32 =	vsel vm14, v57, v32;
	v37 =	vsel vm14, v41, v37  }
0xd9: {  	v33 =	vsel vm12, v33, v51;
	v57 =	vperm.xlane v2, v35;
	v32 =	vsel vm15, v58, v32  }
0xda: {  	v62 =	vsel vm15, v59, v37;
	(erf) = vrcp.f32 v33;
	v58 =	vperm.xlane v23, v35  }
0xdb: {  	v32 =	vsel vm4, v60, v32;
	v36 =	vsel vm4, v61, v62;
	v35 =	vand.u32 $0xF, v52  }
0xdc: {  	v32 =	vsel vm5, v63, v32;
	v36 =	vsel vm5, v44, v36;
	v59 =	vperm.xlane v15, v35  }
0xdd: {  	v32 =	vsel vm6, v45, v32;
	v60 =	vperm.xlane v20, v35;
	v61 =	vperm.xlane v16, v35  }
0xde: {  	v36 =	vsel vm6, v46, v36;
	v62 =	vperm.xlane v19, v35;
	v63 =	vperm.xlane v9, v35  }
0xdf: {  	v32 =	vsel vm7, v47, v32;
	v42 =	vperm.xlane v12, v35;
	v45 =	vperm.xlane v8, v35  }
0xe0: {  	v51 =	vsel vm7, v48, v36;
	v46 =	vperm.xlane v13, v35;
	v47 =	vperm.xlane v5, v35  }
0xe1: {  	v36 =	vshrl.u32 v52, $0x4;
	v48 =	vperm.xlane v10, v35;
	v52 =	vperm.xlane v4, v35  }
0xe2: {  	v44 =	vperm.xlane v22, v35;
	v32 =	vsel vm8, v49, v32;
	v33 =	vsel vm8, v50, v51  }
0xe3: {  	vm12 =	veq.s32 v36, $0x1;
	vm13 =	veq.s32 v36, $0x2;
	vm14 =	veq.s32 v36, $0x3  }
0xe4: {  	vm15 =	veq.s32 v36, $0x4;
	v50 =	vperm.xlane v6, v35;
	v51 =	vperm.xlane v14, v35  }
0xe5: {  	vm4 =	veq.s32 v36, $0x5;
	vm5 =	veq.s32 v36, $0x6;
	vm6 =	veq.s32 v36, $0x7  }
0xe6: {  	vm7 =	veq.s32 v36, $0x8;
	vm8 =	veq.s32 v36, $0x9;
	v32 =	vsel vm9, v53, v32  }
0xe7: {  	v33 =	vsel vm9, v54, v33;
	v37 =	vsel vm12, v61, v59;
	v53 =	vperm.xlane v11, v35  }
0xe8: {  	v38 =	vsel vm12, v62, v60;
	v54 =	vperm.xlane v7, v35;
	v61 =	vperm.xlane v1, v35  }
0xe9: {  	v62 =	vperm.xlane v21, v35;
	vm9 =	veq.s32 v36, $0xA;
	v32 =	vsel vm10, v55, v32  }
0xea: {  	v60 =	vld [tilespmem:$0xA0];
	v33 =	vsel vm10, v56, v33;
	v37 =	vsel vm13, v63, v37;
	v55 =	vperm.xlane v18, v35  }
0xeb: {  	v38 =	vsel vm13, v42, v38;
	v56 =	vperm.xlane v3, v35;
	v63 =	vperm.xlane v0, v35  }
0xec: {  	vm10 =	veq.s32 v36, $0xB;
	v32 =	vsel vm11, v57, v32;
	v37 =	vsel vm14, v45, v37  }
0xed: {  	v33 =	vsel vm11, v58, v33;
	v49 =	vsel vm14, v46, v38;
	v57 =	vperm.xlane v17, v35  }
0xee: {  	v46 =	vperm.xlane v2, v35;
	v35 =	vperm.xlane v23, v35;
	v37 =	vsel vm15, v47, v37  }
0xef: {  	v34 =	vsel vm15, v48, v49;
	(erf) = vrcp.f32 v33;
	v36 =	vand.u32 $0xF, v60  }
0xf0: {  	v37 =	vsel vm4, v50, v37;
	v34 =	vsel vm4, v51, v34;
	v47 =	vperm.xlane v15, v36  }
0xf1: {  	v37 =	vsel vm5, v52, v37;
	v48 =	vperm.xlane v20, v36;
	v49 =	vperm.xlane v16, v36  }
0xf2: {  	v34 =	vsel vm5, v53, v34;
	v50 =	vperm.xlane v19, v36;
	v51 =	vperm.xlane v9, v36  }
0xf3: {  	v37 =	vsel vm6, v54, v37;
	v43 =	vperm.xlane v12, v36;
	v52 =	vperm.xlane v8, v36  }
0xf4: {  	v58 =	vsel vm6, v55, v34;
	v53 =	vperm.xlane v13, v36;
	v54 =	vperm.xlane v5, v36  }
0xf5: {  	v55 =	vperm.xlane v10, v36;
	v59 =	vsel vm7, v56, v37;
	v33 =	vsel vm7, v57, v58  }
0xf6: {  	v37 =	vshrl.u32 v60, $0x4;
	v57 =	vperm.xlane v6, v36;
	v58 =	vperm.xlane v14, v36  }
0xf7: {  	v60 =	vperm.xlane v11, v36;
	v34 =	vsel vm8, v61, v59;
	v33 =	vsel vm8, v62, v33  }
0xf8: {  	vm11 =	veq.s32 v37, $0x1;
	vm12 =	veq.s32 v37, $0x2;
	vm13 =	veq.s32 v37, $0x3  }
0xf9: {  	vm14 =	veq.s32 v37, $0x4;
	vm15 =	veq.s32 v37, $0x5;
	v59 =	vperm.xlane v4, v36  }
0xfa: {  	vm4 =	veq.s32 v37, $0x6;
	v61 =	vperm.xlane v7, v36;
	vm5 =	veq.s32 v37, $0x7  }
0xfb: {  	v62 =	vperm.xlane v18, v36;
	vm6 =	veq.s32 v37, $0x8;
	vm7 =	veq.s32 v37, $0x9  }
0xfc: {  	vm8 =	veq.s32 v37, $0xA;
	v34 =	vsel vm9, v63, v34;
	v45 =	vsel vm9, v44, v33  }
0xfd: {  	v39 =	vsel vm11, v50, v48;
	v63 =	vperm.xlane v3, v36;
	v44 =	vperm.xlane v17, v36  }
0xfe: {  	v48 =	vperm.xlane v21, v36;
	v50 =	vperm.xlane v22, v36;
	vm9 =	veq.s32 v37, $0xB  }
0xff: {  	v33 =	vsel vm10, v46, v34;
	v34 =	vsel vm11, v49, v47;
	v39 =	vsel vm12, v43, v39  }
0x100: {  	v35 =	vsel vm10, v35, v45;
	v46 =	vld [tilespmem:$0xB0];
	v47 =	vperm.xlane v1, v36;
	v34 =	vsel vm12, v51, v34  }
0x101: {  	v49 =	vperm.xlane v0, v36;
	v56 =	vsel vm13, v53, v39;
	v34 =	vsel vm13, v52, v34  }
0x102: {  	(erf) = vrcp.f32 v35;
	v38 =	vsel vm14, v55, v56;
	v34 =	vsel vm14, v54, v34  }
0x103: {  	v51 =	vperm.xlane v2, v36;
	v38 =	vsel vm15, v58, v38;
	v34 =	vsel vm15, v57, v34  }
0x104: {  	v36 =	vperm.xlane v23, v36;
	v38 =	vsel vm4, v60, v38;
	v34 =	vsel vm4, v59, v34  }
0x105: {  	v45 =	vsel vm5, v62, v38;
	v37 =	vand.u32 $0xF, v46;
	v38 =	vshrl.u32 v46, $0x4  }
0x106: {  	v34 =	vsel vm5, v61, v34;
	v52 =	vperm.xlane v15, v37;
	v53 =	vperm.xlane v20, v37  }
0x107: {  	v35 =	vsel vm6, v44, v45;
	v54 =	vperm.xlane v16, v37;
	v55 =	vperm.xlane v19, v37  }
0x108: {  	vm10 =	veq.s32 v38, $0x1;
	v56 =	vperm.xlane v9, v37;
	v44 =	vperm.xlane v12, v37  }
0x109: {  	vm11 =	veq.s32 v38, $0x2;
	v57 =	vperm.xlane v8, v37;
	vm12 =	veq.s32 v38, $0x3  }
0x10a: {  	v58 =	vperm.xlane v13, v37;
	v59 =	vperm.xlane v5, v37;
	vm13 =	veq.s32 v38, $0x4  }
0x10b: {  	v60 =	vperm.xlane v10, v37;
	v62 =	vperm.xlane v6, v37;
	vm14 =	veq.s32 v38, $0x5  }
0x10c: {  	v45 =	vperm.xlane v4, v37;
	v46 =	vperm.xlane v11, v37;
	vm15 =	veq.s32 v38, $0x6  }
0x10d: {  	vm4 =	veq.s32 v38, $0x7;
	vm5 =	veq.s32 v38, $0x8;
	v34 =	vsel vm6, v63, v34  }
0x10e: {  	v35 =	vsel vm7, v48, v35;
	v63 =	vperm.xlane v14, v37;
	v48 =	vperm.xlane v18, v37  }
0x10f: {  	vm6 =	veq.s32 v38, $0x9;
	v34 =	vsel vm7, v47, v34;
	v35 =	vsel vm8, v50, v35  }
0x110: {  	v39 =	vsel vm10, v54, v52;
	v47 =	vperm.xlane v7, v37;
	v50 =	vperm.xlane v17, v37  }
0x111: {  	v40 =	vsel vm10, v55, v53;
	v54 =	vperm.xlane v1, v37;
	v55 =	vperm.xlane v21, v37  }
0x112: {  	vm7 =	veq.s32 v38, $0xA;
	v34 =	vsel vm8, v49, v34;
	v39 =	vsel vm11, v56, v39  }
0x113: {  	v53 =	vld [tilespmem:$0xC0];
	v40 =	vsel vm11, v44, v40;
	v35 =	vsel vm9, v36, v35;
	v49 =	vperm.xlane v3, v37  }
0x114: {  	v56 =	vperm.xlane v0, v37;
	vm8 =	veq.s32 v38, $0xB;
	v34 =	vsel vm9, v51, v34  }
0x115: {  	v39 =	vsel vm12, v57, v39;
	v61 =	vsel vm12, v58, v40;
	(erf) = vrcp.f32 v35  }
0x116: {  	v57 =	vperm.xlane v22, v37;
	v39 =	vsel vm13, v59, v39;
	v36 =	vsel vm13, v60, v61  }
0x117: {  	v59 =	vperm.xlane v2, v37;
	v37 =	vperm.xlane v23, v37;
	v39 =	vsel vm14, v62, v39  }
0x118: {  	v36 =	vsel vm14, v63, v36;
	v39 =	vsel vm15, v45, v39;
	v38 =	vand.u32 $0xF, v53  }
0x119: {  	v36 =	vsel vm15, v46, v36;
	v60 =	vperm.xlane v15, v38;
	v61 =	vperm.xlane v20, v38  }
0x11a: {  	v39 =	vsel vm4, v47, v39;
	v62 =	vperm.xlane v16, v38;
	v63 =	vperm.xlane v19, v38  }
0x11b: {  	v51 =	vsel vm4, v48, v36;
	v48 =	vperm.xlane v9, v38;
	v45 =	vperm.xlane v12, v38  }
0x11c: {  	v52 =	vsel vm5, v49, v39;
	v35 =	vsel vm5, v50, v51;
	v49 =	vperm.xlane v8, v38  }
0x11d: {  	v39 =	vshrl.u32 v53, $0x4;
	v50 =	vperm.xlane v13, v38;
	v51 =	vperm.xlane v5, v38  }
0x11e: {  	v36 =	vsel vm6, v54, v52;
	v35 =	vsel vm6, v55, v35;
	vm9 =	veq.s32 v39, $0x1  }
0x11f: {  	vm10 =	veq.s32 v39, $0x2;
	vm11 =	veq.s32 v39, $0x3;
	v52 =	vperm.xlane v10, v38  }
0x120: {  	vm12 =	veq.s32 v39, $0x4;
	v54 =	vperm.xlane v6, v38;
	v55 =	vperm.xlane v14, v38  }
0x121: {  	vm13 =	veq.s32 v39, $0x5;
	vm14 =	veq.s32 v39, $0x6;
	vm15 =	veq.s32 v39, $0x7  }
0x122: {  	vm4 =	veq.s32 v39, $0x8;
	vm5 =	veq.s32 v39, $0x9;
	vm6 =	veq.s32 v39, $0xA  }
0x123: {  	v36 =	vsel vm7, v56, v36;
	v58 =	vsel vm7, v57, v35;
	v56 =	vperm.xlane v4, v38  }
0x124: {  	v41 =	vsel vm9, v63, v61;
	v57 =	vperm.xlane v11, v38;
	v61 =	vperm.xlane v17, v38  }
0x125: {  	vm7 =	veq.s32 v39, $0xB;
	v35 =	vsel vm8, v59, v36;
	v36 =	vsel vm9, v62, v60  }
0x126: {  	v41 =	vsel vm10, v45, v41;
	v37 =	vsel vm8, v37, v58;
	v58 =	vperm.xlane v7, v38  }
0x127: {  	v63 =	vld [tilespmem:$0xD0];
	v59 =	vperm.xlane v18, v38;
	v60 =	vperm.xlane v3, v38;
	v36 =	vsel vm10, v48, v36  }
0x128: {  	v53 =	vsel vm11, v50, v41;
	(erf) = vrcp.f32 v37;
	v48 =	vperm.xlane v1, v38  }
0x129: {  	v50 =	vperm.xlane v0, v38;
	v36 =	vsel vm11, v49, v36;
	v40 =	vsel vm12, v52, v53  }
0x12a: {  	v49 =	vperm.xlane v21, v38;
	v52 =	vperm.xlane v2, v38;
	v36 =	vsel vm12, v51, v36  }
0x12b: {  	v40 =	vsel vm13, v55, v40;
	v51 =	vperm.xlane v22, v38;
	v38 =	vperm.xlane v23, v38  }
0x12c: {  	v36 =	vsel vm13, v54, v36;
	v40 =	vsel vm14, v57, v40;
	v39 =	vand.u32 $0xF, v63  }
0x12d: {  	v36 =	vsel vm14, v56, v36;
	v53 =	vperm.xlane v15, v39;
	v54 =	vperm.xlane v20, v39  }
0x12e: {  	v62 =	vsel vm15, v59, v40;
	v55 =	vperm.xlane v16, v39;
	v56 =	vperm.xlane v19, v39  }
0x12f: {  	v40 =	vshrl.u32 v63, $0x4;
	v57 =	vperm.xlane v9, v39;
	v46 =	vperm.xlane v12, v39  }
0x130: {  	v59 =	vperm.xlane v13, v39;
	v63 =	vperm.xlane v6, v39;
	v36 =	vsel vm15, v58, v36  }
0x131: {  	v37 =	vsel vm4, v61, v62;
	vm8 =	veq.s32 v40, $0x1;
	vm9 =	veq.s32 v40, $0x2  }
0x132: {  	v58 =	vperm.xlane v8, v39;
	vm10 =	veq.s32 v40, $0x3;
	vm11 =	veq.s32 v40, $0x4  }
0x133: {  	v61 =	vperm.xlane v10, v39;
	vm12 =	veq.s32 v40, $0x5;
	vm13 =	veq.s32 v40, $0x6  }
0x134: {  	vm14 =	veq.s32 v40, $0x7;
	vm15 =	veq.s32 v40, $0x8;
	v36 =	vsel vm4, v60, v36  }
0x135: {  	v37 =	vsel vm5, v49, v37;
	v41 =	vsel vm8, v55, v53;
	v60 =	vperm.xlane v5, v39  }
0x136: {  	v42 =	vsel vm8, v56, v54;
	v49 =	vperm.xlane v4, v39;
	v53 =	vperm.xlane v3, v39  }
0x137: {  	v54 =	vperm.xlane v17, v39;
	vm4 =	veq.s32 v40, $0x9;
	v36 =	vsel vm5, v48, v36  }
0x138: {  	v37 =	vsel vm6, v51, v37;
	v41 =	vsel vm9, v57, v41;
	v42 =	vsel vm9, v46, v42  }
0x139: {  	v48 =	vperm.xlane v14, v39;
	v51 =	vperm.xlane v7, v39;
	vm5 =	veq.s32 v40, $0xA  }
0x13a: {  	v36 =	vsel vm6, v50, v36;
	v41 =	vsel vm10, v58, v41;
	v37 =	vsel vm7, v38, v37  }
0x13b: {  	v62 =	vsel vm10, v59, v42;
	v50 =	vperm.xlane v11, v39;
	v58 =	vperm.xlane v1, v39  }
0x13c: {  	v57 =	vld [tilespmem:$0xE0];
	v59 =	vperm.xlane v21, v39;
	vm6 =	veq.s32 v40, $0xB;
	v36 =	vsel vm7, v52, v36  }
0x13d: {  	v41 =	vsel vm11, v60, v41;
	v52 =	vperm.xlane v18, v39;
	(erf) = vrcp.f32 v37  }
0x13e: {  	v38 =	vsel vm11, v61, v62;
	v60 =	vperm.xlane v0, v39;
	v61 =	vperm.xlane v22, v39  }
0x13f: {  	v41 =	vsel vm12, v63, v41;
	v38 =	vsel vm12, v48, v38;
	v63 =	vperm.xlane v2, v39  }
0x140: {  	v39 =	vperm.xlane v23, v39;
	v41 =	vsel vm13, v49, v41;
	v38 =	vsel vm13, v50, v38  }
0x141: {  	v41 =	vsel vm14, v51, v41;
	v55 =	vsel vm14, v52, v38;
	v40 =	vand.u32 $0xF, v57  }
0x142: {  	v56 =	vsel vm15, v53, v41;
	v48 =	vperm.xlane v15, v40;
	v49 =	vperm.xlane v16, v40  }
0x143: {  	v37 =	vsel vm15, v54, v55;
	v50 =	vperm.xlane v20, v40;
	v51 =	vperm.xlane v19, v40  }
0x144: {  	v41 =	vshrl.u32 v57, $0x4;
	v54 =	vperm.xlane v9, v40;
	v55 =	vperm.xlane v12, v40  }
0x145: {  	v57 =	vperm.xlane v13, v40;
	v47 =	vperm.xlane v0, v40;
	v38 =	vsel vm4, v58, v56  }
0x146: {  	v37 =	vsel vm4, v59, v37;
	vm7 =	veq.s32 v41, $0x1;
	vm8 =	veq.s32 v41, $0x2  }
0x147: {  	v56 =	vperm.xlane v8, v40;
	vm9 =	veq.s32 v41, $0x3;
	v58 =	vperm.xlane v5, v40  }
0x148: {  	vm10 =	veq.s32 v41, $0x4;
	v59 =	vperm.xlane v10, v40;
	vm11 =	veq.s32 v41, $0x5  }
0x149: {  	vm12 =	veq.s32 v41, $0x6;
	vm13 =	veq.s32 v41, $0x7;
	vm14 =	veq.s32 v41, $0x8  }
0x14a: {  	vm15 =	veq.s32 v41, $0x9;
	vm4 =	veq.s32 v41, $0xA;
	v38 =	vsel vm5, v60, v38  }
0x14b: {  	v62 =	vsel vm5, v61, v37;
	v52 =	vsel vm7, v49, v48;
	v60 =	vperm.xlane v6, v40  }
0x14c: {  	v53 =	vsel vm7, v51, v50;
	v61 =	vperm.xlane v14, v40;
	v48 =	vperm.xlane v7, v40  }
0x14d: {  	v49 =	vperm.xlane v18, v40;
	v50 =	vperm.xlane v3, v40;
	vm5 =	veq.s32 v41, $0xB  }
0x14e: {  	v37 =	vsel vm6, v63, v38;
	v38 =	vsel vm6, v39, v62;
	v62 =	vperm.xlane v4, v40  }
0x14f: {  	v39 =	vsel vm8, v54, v52;
	v63 =	vperm.xlane v11, v40;
	v52 =	vperm.xlane v17, v40  }
0x150: {  	v51 =	vld [tilespmem:$0xF0];
	v42 =	vsel vm8, v55, v53;
	v53 =	vperm.xlane v1, v40;
	v54 =	vperm.xlane v21, v40  }
0x151: {  	v55 =	vperm.xlane v22, v40;
	v39 =	vsel vm9, v56, v39;
	v42 =	vsel vm9, v57, v42  }
0x152: {  	v56 =	vperm.xlane v2, v40;
	v39 =	vsel vm10, v58, v39;
	v42 =	vsel vm10, v59, v42  }
0x153: {  	(erf) = vrcp.f32 v38;
	v39 =	vsel vm11, v60, v39;
	v42 =	vsel vm11, v61, v42  }
0x154: {  	v59 =	vperm.xlane v23, v40;
	v39 =	vsel vm12, v62, v39;
	v42 =	vsel vm12, v63, v42  }
0x155: {  	v57 =	vand.u32 $0xF, v51;
	v44 =	vshrl.u32 v51, $0x4;
	v39 =	vsel vm13, v48, v39  }
0x156: {  	v42 =	vsel vm13, v49, v42;
	v15 =	vperm.xlane v15, v57;
	v16 =	vperm.xlane v16, v57  }
0x157: {  	v20 =	vperm.xlane v20, v57;
	vm6 =	veq.s32 v44, $0x1;
	v19 =	vperm.xlane v19, v57  }
0x158: {  	v9 =	vperm.xlane v9, v57;
	vm7 =	veq.s32 v44, $0x2;
	v12 =	vperm.xlane v12, v57  }
0x159: {  	v8 =	vperm.xlane v8, v57;
	vm8 =	veq.s32 v44, $0x3;
	v13 =	vperm.xlane v13, v57  }
0x15a: {  	v5 =	vperm.xlane v5, v57;
	v10 =	vperm.xlane v10, v57;
	vm9 =	veq.s32 v44, $0x4  }
0x15b: {  	[tilespmem:$0x410] =	vst v25;
	v25 =	vld [tilespmem:$0x1A0];
	v6 =	vperm.xlane v6, v57;
	v62 =	vperm.xlane v14, v57;
	vm10 =	veq.s32 v44, $0x5  }
0x15c: {  	v4 =	vperm.xlane v4, v57;
	vm11 =	veq.s32 v44, $0x6;
	v7 =	vperm.xlane v7, v57  }
0x15d: {  	vm12 =	veq.s32 v44, $0x7;
	v14 =	vperm.xlane v18, v57;
	v17 =	vperm.xlane v17, v57  }
0x15e: {  	[tilespmem:$0x400] =	vst v24;
	vm3 =	veq.s32 v44, $0x8;
	vm13 =	veq.s32 v44, $0x9;
	v24 =	vperm.xlane v23, v57  }
0x15f: {  	v3 =	vperm.xlane v3, v57;
	v1 =	vperm.xlane v1, v57;
	v58 =	vsel vm6, v19, v20  }
0x160: {  	v48 =	vsub.f32 v25, v34;
	v15 =	vsel vm6, v16, v15;
	v12 =	vsel vm7, v12, v58  }
0x161: {  	v39 =	vsel vm14, v50, v39;
	v9 =	vsel vm7, v9, v15;
	v61 =	vsel vm8, v13, v12  }
0x162: {  	v8 =	vsel vm8, v8, v9;
	v13 =	vperm.xlane v11, v57;
	v63 =	vsel vm9, v10, v61  }
0x163: {  	v42 =	vsel vm14, v52, v42;
	v5 =	vsel vm9, v5, v8;
	v12 =	vsel vm10, v62, v63  }
0x164: {  	vm14 =	veq.s32 v44, $0xA;
	v5 =	vsel vm10, v6, v5;
	v6 =	vsel vm11, v13, v12  }
0x165: {  	v19 =	vperm.xlane v21, v57;
	v20 =	vld [tilespmem:$0x180];
	v4 =	vsel vm11, v4, v5;
	v5 =	vsel vm12, v14, v6  }
0x166: {  	v38 =	vpop (erf);
	v42 =	vsel vm15, v54, v42;
	v16 =	vld [tilespmem:$0x160];
	v21 =	vperm.xlane v22, v57;
	v5 =	vsel vm3, v17, v5  }
0x167: {  	v41 =	vpop (erf);
	v39 =	vsel vm15, v53, v39;
	v22 =	vld [tilespmem:$0x190];
	v42 =	vsel vm4, v55, v42;
	v5 =	vsel vm13, v19, v5  }
0x168: {  	v40 =	vld [tilespmem:$0x1C0];
	v43 =	vpop (erf);
	vm15 =	veq.s32 v44, $0xB;
	v60 =	vsel vm5, v59, v42;
	v5 =	vsel vm14, v21, v5  }
0x169: {  	[tilespmem:$0x420] =	vst v26;
	v39 =	vsel vm4, v47, v39;
	v47 =	vpop (erf);
	v42 =	vld [tilespmem:$0x1D0];
	(erf) = vrcp.f32 v60;
	v5 =	vsel vm15, v24, v5  }
0x16a: {  	[tilespmem:$0x430] =	vst v27;
	v18 =	vld [tilespmem:$0x170];
	v0 =	vperm.xlane v0, v57;
	v50 =	vpop (erf);
	v8 =	vsub.f32 v20, v32;
	(erf) = vrcp.f32 v5  }
0x16b: {  	[tilespmem:$0x440] =	vst v28;
	v53 =	vmul.f32 v50, v48;
	v4 =	vsel vm12, v7, v4;
	v7 =	vsub.f32 v16, v30;
	v30 =	vld [tilespmem:$0x1B0]  }
0x16c: {  	[tilespmem:$0x450] =	vst v29;
	v46 =	vld [tilespmem:$0x1E0];
	v44 =	vsub.f32 v22, v33;
	v3 =	vsel vm3, v3, v4;
	v4 =	vmul.f32 v43, v8  }
0x16d: {  	v49 =	vld [tilespmem:$0x1F0];
	v2 =	vperm.xlane v2, v57;
	v54 =	vsub.f32 v40, v36;
	v52 =	vpop (erf);
	[tilespmem:$0x4A0] =	vst v53;
	v7 =	vmul.f32 v38, v7  }
0x16e: {  	v55 =	vpop (erf);
	v57 =	vsub.f32 v42, v37;
	v1 =	vsel vm13, v1, v3;
	v3 =	vmul.f32 v47, v44;
	[tilespmem:$0x480] =	vst v4  }
0x16f: {  	v58 =	vpop (erf);
	v6 =	vsub.f32 v18, v31;
	v0 =	vsel vm14, v0, v1;
	v1 =	vmul.f32 v55, v54;
	[tilespmem:$0x460] =	vst v7  }
0x170: {  	v39 =	vsel vm5, v56, v39;
	v61 =	vmul.f32 v58, v57;
	[tilespmem:$0x490] =	vst v3;
	v51 =	vsub.f32 v30, v35  }
0x171: {  	v59 =	vsub.f32 v46, v39;
	v0 =	vsel vm15, v2, v0;
	v5 =	vmul.f32 v41, v6;
	[tilespmem:$0x4C0] =	vst v1  }
0x172: {  	v0 =	vsub.f32 v49, v0;
	[tilespmem:$0x4D0] =	vst v61;
	v60 =	vpop (erf);
	v56 =	vmul.f32 v52, v51  }
0x173: {  	[tilespmem:$0x470] =	vst v5;
	v62 =	vmul.f32 v60, v59;
	v63 =	vpop (erf)  }
0x174: {  	[tilespmem:$0x4B0] =	vst v56;
	v0 =	vmul.f32 v63, v0  }
0x175: {  	[tilespmem:$0x4E0] =	vst v62  }
0x176: {  	s30 =	simm.s32 $0x400;
	s31 =	simm.s32 $0x5;
	s2 =	sadd.s32 s2, s4;
	[tilespmem:$0x4F0] =	vst v0  }
0x177: {  	[hbm4b:s2+s3] =	stream.linear.scatter [tilespmem:s30], [sflag:$0x5], $0x100, $0x38;
	[tilespmem:$0x500] =	vst v63  }
0x178: {  	_ =	swait.ge [sflag:s31], $0x100  }
0x179: {  	[sflag:s31] =	ssyncset.done $0x0  }
0x17a: {  	[sflag:s31] =	ssyncadd.s32 $0xFFFFFF00  }
0x17b: {  	_ =	sfence.sel $0x180000  }
0x17c: {  	[bflag:$0x0] =	sbarrier.arrive $0xFFFF  }
0x17d: {  	p0 =	sne.s32 s1, $0x0;
	_ =	strace $0x90000047  }
0x17e: {  	s0 =	sadd.s32 @!p0 $0x100000, s0;
	[bflag:$0x2] =	sbarrier.arrive $0xFFFF  }
0x17f: {  	[sflag:s0] =	ssyncadd.tile.s32 @!p0 $0x1;
	_ =	shalt  }
.Lfunc_end2:
_tile_overlayer_lowered:
.L_overlay_start_2:
0x180: {  	(tag) =	ssettag $0x2  }
0x181: {  	s0 =	rddreg [dreg:$0x0];
	s2 =	stileid.u32  }
0x182: {  	s1 =	rddreg [dreg:$0x1];
	p0 =	sne.s32 s2, $0x0  }
0x183: {  	s3 =	rddreg [dreg:$0x2];
	[bflag:$0x3] =	sbarrier.arrive $0xFFFF;
	s2 =	simm.s32 @!p0 $0x1C05  }
0x184: {  	[timem:s3], [sflag:s2] =	dma.local @!p0 [hbm:s0], s1  }
0x185: {  	s0 =	simm.s32 @!p0 $0x5  }
0x186: {  	_ =	swait.ge @!p0 [sflag:s0], s1  }
0x187: {  	s1 =	ssub.s32 @!p0 $0x0, s1;
	[sflag:s0] =	ssyncset.done @!p0 $0x0  }
0x188: {  	[sflag:s0] =	ssyncadd.s32 @!p0 s1  }
0x189: {  	[bflag:$0x3] =	sbarrier.arrive $0xFFFF  }
0x18a: {  	_ =	shalt  }

</sc_bundles>
